<compile_context>
chip_gen: v7x
topology: tpu7x:2x2x1
jax: 0.10.2.dev20260603
libtpu: 0.0.44.dev20260713+nightly
codegen_flags: <defaults>
</compile_context>

<pallas_src>
import functools

import jax
import jax.numpy as jnp
from jax import lax
from jax.experimental import pallas as pl
from jax.experimental.pallas import tpu as pltpu
from jax.experimental.pallas import tpu_sc as plsc

N = 10000
IN = 128
EMB = 16
H1 = 8
SLOPE = 0.2

NC = 2
NS = 16
NW = NC * NS
RPT = 313
NP = NW * RPT

_mesh = plsc.VectorSubcoreMesh(
    core_axis_name="c", subcore_axis_name="s", num_cores=NC, num_subcores=NS)


def _leaky(v):
    return jnp.where(v > 0, v, v * SLOPE)


_GDN = lax.GatherDimensionNumbers(
    offset_dims=(), collapsed_slice_dims=(0,), start_index_map=(0,))


def _permute(vec, idx16):
    return lax.gather(vec, idx16[:, None], _GDN, (1,),
                      mode=lax.GatherScatterMode.PROMISE_IN_BOUNDS)



def _tc1_body(x_ref, w1_ref, as_ref, ad_ref, h1_ref, als_ref, ald_ref):
    h = jnp.dot(x_ref[...], w1_ref[...], preferred_element_type=jnp.float32)
    h1_ref[...] = h
    als_ref[...] = jnp.dot(h, as_ref[...], preferred_element_type=jnp.float32)
    ald_ref[...] = jnp.dot(h, ad_ref[...], preferred_element_type=jnp.float32)


def _tc2_body(accm_ref, accd_ref, h1_ref, als_ref, ald_ref, r_ref, b1_ref,
              w2_ref, as2_ref, ad2_ref, h2_ref, als2_ref, ald2_ref):
    m = accm_ref[0] + accm_ref[1]
    d = accd_ref[0] + accd_ref[1]
    a_self = jnp.exp(_leaky(als_ref[...] + ald_ref[...]))
    den = jnp.dot(d + a_self, r_ref[...], preferred_element_type=jnp.float32)
    a_bc = jnp.dot(a_self, r_ref[...], preferred_element_type=jnp.float32)
    m = m + a_bc * h1_ref[...]
    h = _leaky(m / (den + 1e-16) + b1_ref[...])
    h2 = jnp.dot(h, w2_ref[...], preferred_element_type=jnp.float32)
    h2_ref[...] = h2
    als2_ref[...] = jnp.dot(h2, as2_ref[...], preferred_element_type=jnp.float32)
    ald2_ref[...] = jnp.dot(h2, ad2_ref[...], preferred_element_type=jnp.float32)


def _tc3_body(accm_ref, accd_ref, h2_ref, als2_ref, ald2_ref, c_ref, b2_ref,
              out_ref):
    m = accm_ref[0] + accm_ref[1]
    d = accd_ref[0] + accd_ref[1]
    a_self = jnp.exp(_leaky(als2_ref[...] + ald2_ref[...]))
    den = jnp.dot(d + a_self, c_ref[...], preferred_element_type=jnp.float32)
    a_bc = jnp.dot(a_self, c_ref[...], preferred_element_type=jnp.float32)
    m = m + a_bc * h2_ref[...]
    out_ref[...] = _leaky(m / (den + 1e-16) + b2_ref[...])



def _sc_body_factory(H, nb, kk):
    D = 16 * H
    K = kk
    nbuf = nb

    def body(*refs):
        ht, als, ald, srcp, dstp, zm, zd = refs[:7]
        accm_o, accd_o = refs[7], refs[8]
        sc = list(refs[9:])

        def take(k):
            out = sc[:k]
            del sc[:k]
            return out

        (accm_sp,) = take(1)
        (accd_sp,) = take(1)
        src = take(nbuf)
        dst = take(nbuf)
        dsts = take(nbuf)
        hB = take(nbuf)
        asB = take(nbuf)
        adB = take(nbuf)
        alB = take(nbuf)
        mB = take(nbuf)
        semg = take(nbuf)
        sems = take(nbuf)
        assert not sc

        cid = lax.axis_index("c")
        sid = lax.axis_index("s")
        wid = cid * NS + sid
        cpt = (srcp.shape[0] - nbuf * K) // (NW * K)

        stripe = pl.ds(sid * RPT, RPT)
        pltpu.sync_copy(zm, accm_sp.at[stripe])
        pltpu.sync_copy(zd, accd_sp.at[stripe])
        plsc.subcore_barrier()

        lane = lax.iota(jnp.int32, 16)
        head_mask = lane < H
        base0 = wid * (cpt * K)

        def fetch(b, g):
            base = base0 + g * K
            pltpu.sync_copy(srcp.at[pl.ds(base, K)], src[b])
            pltpu.sync_copy(dstp.at[pl.ds(base, K)], dst[b])
            pltpu.async_copy(ht.at[src[b]], hB[b], semg[b])
            pltpu.async_copy(als.at[src[b]], asB[b], semg[b])
            pltpu.async_copy(ald.at[dst[b]], adB[b], semg[b])

        def wait_scat(b):
            pltpu.make_async_copy(mB[b], accm_sp.at[dsts[b]], sems[b]).wait()
            pltpu.make_async_copy(alB[b], accd_sp.at[dsts[b]], sems[b]).wait()

        def half(g, b, first):
            hb, asb, adb, alb, mb = hB[b], asB[b], adB[b], alB[b], mB[b]
            pltpu.make_async_copy(ht.at[src[b]], hb, semg[b]).wait()
            pltpu.make_async_copy(als.at[src[b]], asb, semg[b]).wait()
            pltpu.make_async_copy(ald.at[dst[b]], adb, semg[b]).wait()
            if not first:
                wait_scat(b)

            def edge(e, c2):
                a = jnp.exp(_leaky(asb[e] + adb[e]))
                a = jnp.where(head_mask, a, 0.0)
                alb[e] = a
                for j in range(H):
                    bc = _permute(a, jnp.full((16,), j, jnp.int32))
                    mb[e, pl.ds(16 * j, 16)] = bc * hb[e, pl.ds(16 * j, 16)]
                return c2

            lax.fori_loop(0, K, edge, 0)
            for i in range(K // 16):
                dsts[b][pl.ds(16 * i, 16)] = dst[b][pl.ds(16 * i, 16)]
            pltpu.async_copy(mb, accm_sp.at[dsts[b]], sems[b], add=True)
            pltpu.async_copy(alb, accd_sp.at[dsts[b]], sems[b], add=True)
            fetch(b, g + nbuf)

        for b in range(nbuf):
            fetch(b, b)
        for b in range(nbuf):
            half(b, b, True)

        def grp(i2, carry):
            g = i2 * nbuf
            for b in range(nbuf):
                half(g + b, b, False)
            return carry

        lax.fori_loop(1, cpt // nbuf, grp, 0)

        for b in range(nbuf):
            wait_scat(b)
            pltpu.make_async_copy(ht.at[src[b]], hB[b], semg[b]).wait()
            pltpu.make_async_copy(als.at[src[b]], asB[b], semg[b]).wait()
            pltpu.make_async_copy(ald.at[dst[b]], adB[b], semg[b]).wait()

        plsc.subcore_barrier()
        pltpu.sync_copy(accm_sp.at[stripe], accm_o.at[cid, stripe])
        pltpu.sync_copy(accd_sp.at[stripe], accd_o.at[cid, stripe])

    return body


_NBUF1, _K1 = 2, 64
_NBUF2, _K2 = 4, 128
_sc1_body = _sc_body_factory(H1, _NBUF1, _K1)
_sc2_body = _sc_body_factory(1, _NBUF2, _K2)


_SC_PARAMS = pltpu.CompilerParams(use_tc_tiling_on_sc=False)


def _sc_scratch(H, nbuf, K):
    D = 16 * H
    f32 = jnp.float32
    return (
        [pltpu.VMEM_SHARED((NP, D), f32)]
        + [pltpu.VMEM_SHARED((NP, 16), f32)]
        + [pltpu.VMEM((K,), jnp.int32) for _ in range(3 * nbuf)]
        + [pltpu.VMEM((K, D), f32) for _ in range(nbuf)]
        + [pltpu.VMEM((K, 16), f32) for _ in range(3 * nbuf)]
        + [pltpu.VMEM((K, D), f32) for _ in range(nbuf)]
        + [pltpu.SemaphoreType.DMA for _ in range(2 * nbuf)]
    )


_sc1 = functools.partial(
    pl.kernel,
    out_type=(jax.ShapeDtypeStruct((NC, NP, IN), jnp.float32),
              jax.ShapeDtypeStruct((NC, NP, 16), jnp.float32)),
    mesh=_mesh,
    compiler_params=_SC_PARAMS,
    scratch_types=_sc_scratch(H1, _NBUF1, _K1),
)(_sc1_body)

_sc2 = functools.partial(
    pl.kernel,
    out_type=(jax.ShapeDtypeStruct((NC, NP, EMB), jnp.float32),
              jax.ShapeDtypeStruct((NC, NP, 16), jnp.float32)),
    mesh=_mesh,
    compiler_params=_SC_PARAMS,
    scratch_types=_sc_scratch(1, _NBUF2, _K2),
)(_sc2_body)


def kernel(x, edge_index, W1, a1_src, a1_dst, b1, W2, a2_src, a2_dst, b2):
    n = x.shape[0]
    e = edge_index.shape[1]

    def pad_edges(kk, nbuf):
        blk = NW * kk * nbuf
        pad = ((e + blk - 1) // blk) * blk - e + nbuf * kk
        srcp = jnp.concatenate(
            [edge_index[0], jnp.zeros((pad,), edge_index.dtype)])
        dstp = jnp.concatenate(
            [edge_index[1], jnp.full((pad,), n, edge_index.dtype)])
        return srcp, dstp

    srcp1, dstp1 = pad_edges(_K1, _NBUF1)
    srcp2, dstp2 = pad_edges(_K2, _NBUF2)

    f32 = jnp.float32
    cc = jnp.arange(IN)
    hh = jnp.arange(16)
    a1s_flat = a1_src.reshape(-1)
    a1d_flat = a1_dst.reshape(-1)
    blockdiag = (cc[:, None] // EMB == hh[None, :]).astype(f32)
    A1s = blockdiag * a1s_flat[:, None]
    A1d = blockdiag * a1d_flat[:, None]
    R = (jnp.arange(IN)[None, :] // EMB == jnp.arange(16)[:, None]).astype(f32)
    A2s = jnp.zeros((EMB, 16), f32).at[:, 0].set(a2_src[0])
    A2d = jnp.zeros((EMB, 16), f32).at[:, 0].set(a2_dst[0])
    C = jnp.zeros((16, EMB), f32).at[0, :].set(1.0)

    xp = jnp.zeros((NP, IN), f32).at[:n].set(x)
    zm = jnp.zeros((RPT, IN), f32)
    zm2 = jnp.zeros((RPT, EMB), f32)
    zd = jnp.zeros((RPT, 16), f32)

    BN = 2504
    G = NP // BN

    h1t, als, ald = pl.pallas_call(
        _tc1_body,
        grid=(G,),
        in_specs=[
            pl.BlockSpec((BN, IN), lambda i: (i, 0)),
            pl.BlockSpec((IN, IN), lambda i: (0, 0)),
            pl.BlockSpec((IN, 16), lambda i: (0, 0)),
            pl.BlockSpec((IN, 16), lambda i: (0, 0)),
        ],
        out_specs=[
            pl.BlockSpec((BN, IN), lambda i: (i, 0)),
            pl.BlockSpec((BN, 16), lambda i: (i, 0)),
            pl.BlockSpec((BN, 16), lambda i: (i, 0)),
        ],
        out_shape=[
            jax.ShapeDtypeStruct((NP, IN), f32),
            jax.ShapeDtypeStruct((NP, 16), f32),
            jax.ShapeDtypeStruct((NP, 16), f32),
        ],
    )(xp, W1, A1s, A1d)

    accm1, accd1 = _sc1(h1t, als, ald, srcp1, dstp1, zm, zd)

    h2t, als2, ald2 = pl.pallas_call(
        _tc2_body,
        grid=(G,),
        in_specs=[
            pl.BlockSpec((NC, BN, IN), lambda i: (0, i, 0)),
            pl.BlockSpec((NC, BN, 16), lambda i: (0, i, 0)),
            pl.BlockSpec((BN, IN), lambda i: (i, 0)),
            pl.BlockSpec((BN, 16), lambda i: (i, 0)),
            pl.BlockSpec((BN, 16), lambda i: (i, 0)),
            pl.BlockSpec((16, IN), lambda i: (0, 0)),
            pl.BlockSpec((1, IN), lambda i: (0, 0)),
            pl.BlockSpec((IN, EMB), lambda i: (0, 0)),
            pl.BlockSpec((EMB, 16), lambda i: (0, 0)),
            pl.BlockSpec((EMB, 16), lambda i: (0, 0)),
        ],
        out_specs=[
            pl.BlockSpec((BN, EMB), lambda i: (i, 0)),
            pl.BlockSpec((BN, 16), lambda i: (i, 0)),
            pl.BlockSpec((BN, 16), lambda i: (i, 0)),
        ],
        out_shape=[
            jax.ShapeDtypeStruct((NP, EMB), f32),
            jax.ShapeDtypeStruct((NP, 16), f32),
            jax.ShapeDtypeStruct((NP, 16), f32),
        ],
    )(accm1, accd1, h1t, als, ald, R, b1.reshape(1, IN), W2, A2s, A2d)

    accm2, accd2 = _sc2(h2t, als2, ald2, srcp2, dstp2, zm2, zd)

    BN3 = 1000
    out = pl.pallas_call(
        _tc3_body,
        grid=(n // BN3,),
        in_specs=[
            pl.BlockSpec((NC, BN3, EMB), lambda i: (0, i, 0)),
            pl.BlockSpec((NC, BN3, 16), lambda i: (0, i, 0)),
            pl.BlockSpec((BN3, EMB), lambda i: (i, 0)),
            pl.BlockSpec((BN3, 16), lambda i: (i, 0)),
            pl.BlockSpec((BN3, 16), lambda i: (i, 0)),
            pl.BlockSpec((16, EMB), lambda i: (0, 0)),
            pl.BlockSpec((1, EMB), lambda i: (0, 0)),
        ],
        out_specs=pl.BlockSpec((BN3, EMB), lambda i: (i, 0)),
        out_shape=jax.ShapeDtypeStruct((n, EMB), f32),
    )(accm2, accd2, h2t, als2, ald2, C, b2.reshape(1, EMB))

    return out

# --- scband reference (transcript-rebuilt; emitter-appended) ---
"""Pipeline reference for scband-net-68092411511409 (READ-ONLY COPY).

The authoritative reference and input builder live on the scoring server;
editing this copy changes nothing except your own understanding.
"""

import jax, jax.numpy as jnp
import numpy as np

N = 10000
E = 320000
IN = 128
EMB = 16
H1 = 8
SLOPE = 0.2


def _gat_conv(x, src, dst, W, a_src, a_dst, bias, H, C, concat):
    n = x.shape[0]
    h = (x @ W).reshape(n, H, C)
    al_src = (h * a_src).sum(-1)
    al_dst = (h * a_dst).sum(-1)
    alpha = al_src[src] + al_dst[dst]
    alpha = jax.nn.leaky_relu(alpha, 0.2)
    amax = jax.lax.stop_gradient(jax.ops.segment_max(alpha, dst, num_segments=n))
    alpha = jnp.exp(alpha - amax[dst])
    denom = jax.ops.segment_sum(alpha, dst, num_segments=n)
    alpha = alpha / (denom[dst] + 1e-16)
    out = jax.ops.segment_sum(h[src] * alpha[:, :, None], dst, num_segments=n)
    if concat:
        out = out.reshape(n, H * C)
    else:
        out = out.mean(axis=1)
    return out + bias


def setup_inputs(seed: int = 0):
    key = jax.random.key(seed)
    ks = jax.random.split(key, 10)
    x = jax.random.normal(ks[0], (N, IN), dtype=jnp.float32)
    edge_index = jax.random.randint(ks[1], (2, E), 0, N, dtype=jnp.int32)
    W1 = jax.random.normal(ks[2], (IN, H1 * EMB), dtype=jnp.float32) * 0.1
    a1_src = jax.random.normal(ks[3], (H1, EMB), dtype=jnp.float32) * 0.1
    a1_dst = jax.random.normal(ks[4], (H1, EMB), dtype=jnp.float32) * 0.1
    b1 = jnp.zeros((H1 * EMB,), dtype=jnp.float32)
    W2 = jax.random.normal(ks[5], (H1 * EMB, EMB), dtype=jnp.float32) * 0.1
    a2_src = jax.random.normal(ks[6], (1, EMB), dtype=jnp.float32) * 0.1
    a2_dst = jax.random.normal(ks[7], (1, EMB), dtype=jnp.float32) * 0.1
    b2 = jnp.zeros((EMB,), dtype=jnp.float32)
    return {"x": x, "edge_index": edge_index, "W1": W1, "a1_src": a1_src, "a1_dst": a1_dst, "b1": b1, "W2": W2, "a2_src": a2_src, "a2_dst": a2_dst, "b2": b2}


def reference(x, edge_index, W1, a1_src, a1_dst, b1, W2, a2_src, a2_dst, b2):
    n = x.shape[0]
    loop = jnp.arange(n, dtype=edge_index.dtype)
    src = jnp.concatenate([edge_index[0], loop])
    dst = jnp.concatenate([edge_index[1], loop])
    h = _gat_conv(x, src, dst, W1, a1_src, a1_dst, b1, H1, EMB, True)
    h = jax.nn.leaky_relu(h, SLOPE)
    h = _gat_conv(h, src, dst, W2, a2_src, a2_dst, b2, 1, EMB, False)
    h = jax.nn.leaky_relu(h, SLOPE)
    return h

if __name__ == "__main__":
    import jax
    _d = setup_inputs()
    print(jax.jit(kernel)(*tuple(_d.values())))

</pallas_src>

<mosaic_0001>
#map = affine_map<(d0, d1) -> (0, 0)>
#map1 = affine_map<(d0, d1) -> (0)>
#map2 = affine_map<(d0, d1) -> (0, 0, 0)>
module attributes {stable_mosaic.version = 14 : i64} {
  func.func @body(%arg0: i32, %arg1: i32, %arg2: memref<10016x128xf32, #tpu.memory_space<hbm>>, %arg3: memref<10016x16xf32, #tpu.memory_space<hbm>>, %arg4: memref<10016x16xf32, #tpu.memory_space<hbm>>, %arg5: memref<323712xi32, #tpu.memory_space<hbm>>, %arg6: memref<323712xi32, #tpu.memory_space<hbm>>, %arg7: memref<313x128xf32, #tpu.memory_space<hbm>>, %arg8: memref<313x16xf32, #tpu.memory_space<hbm>>, %arg9: memref<2x10016x128xf32, #tpu.memory_space<hbm>>, %arg10: memref<2x10016x16xf32, #tpu.memory_space<hbm>>, %arg11: memref<10016x128xf32, #tpu.memory_space<vmem_shared>>, %arg12: memref<10016x16xf32, #tpu.memory_space<vmem_shared>>, %arg13: memref<64xi32, #tpu.memory_space<vmem>>, %arg14: memref<64xi32, #tpu.memory_space<vmem>>, %arg15: memref<64xi32, #tpu.memory_space<vmem>>, %arg16: memref<64xi32, #tpu.memory_space<vmem>>, %arg17: memref<64xi32, #tpu.memory_space<vmem>>, %arg18: memref<64xi32, #tpu.memory_space<vmem>>, %arg19: memref<64x128xf32, #tpu.memory_space<vmem>>, %arg20: memref<64x128xf32, #tpu.memory_space<vmem>>, %arg21: memref<64x16xf32, #tpu.memory_space<vmem>>, %arg22: memref<64x16xf32, #tpu.memory_space<vmem>>, %arg23: memref<64x16xf32, #tpu.memory_space<vmem>>, %arg24: memref<64x16xf32, #tpu.memory_space<vmem>>, %arg25: memref<64x16xf32, #tpu.memory_space<vmem>>, %arg26: memref<64x16xf32, #tpu.memory_space<vmem>>, %arg27: memref<64x128xf32, #tpu.memory_space<vmem>>, %arg28: memref<64x128xf32, #tpu.memory_space<vmem>>, %arg29: memref<!tpu.dma_semaphore, #tpu.memory_space<semaphore_mem>>, %arg30: memref<!tpu.dma_semaphore, #tpu.memory_space<semaphore_mem>>, %arg31: memref<!tpu.dma_semaphore, #tpu.memory_space<semaphore_mem>>, %arg32: memref<!tpu.dma_semaphore, #tpu.memory_space<semaphore_mem>>) attributes {dimension_semantics = [#tpu.dimension_semantics<core_parallel>, #tpu.dimension_semantics<subcore_parallel>], iteration_bounds = array<i64: 2, 16>, scalar_prefetch = 0 : i64, scratch_operands = 22 : i64, tpu.core_type = #tpu.core_type<sc_vector_subcore>, window_params = [{transform_indices = #map}, {transform_indices = #map}, {transform_indices = #map}, {transform_indices = #map1}, {transform_indices = #map1}, {transform_indices = #map}, {transform_indices = #map}, {transform_indices = #map2}, {transform_indices = #map2}]} {
    %mul3A = arith.constant 16 : i32
    %mul3A_0 = arith.muli %arg0, %mul3A : i32
    %add3A = arith.addi %mul3A_0, %arg1 : i32
    %mul3A_1 = arith.constant 313 : i32
    %mul3A_2 = arith.muli %arg1, %mul3A_1 : i32
    "tpu.region"() ({
      %run_scoped3A = tpu.sem_alloc : memref<!tpu.dma_semaphore, #tpu.memory_space<semaphore_mem>>
      %dma_start3A_181 = arith.constant 0 : i32
      %dma_start3A_182 = tpu.memref_slice %arg11[%mul3A_2, %dma_start3A_181] : memref<10016x128xf32, #tpu.memory_space<vmem_shared>> -> memref<313x128xf32, #tpu.memory_space<vmem_shared>>
      tpu.enqueue_dma source(%arg7 : memref<313x128xf32, #tpu.memory_space<hbm>>) target(%dma_start3A_182 : memref<313x128xf32, #tpu.memory_space<vmem_shared>>) target_semaphore(%run_scoped3A : memref<!tpu.dma_semaphore, #tpu.memory_space<semaphore_mem>>)
      %dma_wait3A_183 = arith.constant 0 : i32
      %dma_wait3A_184 = tpu.memref_slice %arg11[%mul3A_2, %dma_wait3A_183] : memref<10016x128xf32, #tpu.memory_space<vmem_shared>> -> memref<313x128xf32, #tpu.memory_space<vmem_shared>>
      tpu.wait_dma2 semaphore(%run_scoped3A : memref<!tpu.dma_semaphore, #tpu.memory_space<semaphore_mem>>) src(%arg7 : memref<313x128xf32, #tpu.memory_space<hbm>>) dst(%dma_wait3A_184 : memref<313x128xf32, #tpu.memory_space<vmem_shared>>)
      tpu.yield
    }) : () -> ()
    "tpu.region"() ({
      %run_scoped3A = tpu.sem_alloc : memref<!tpu.dma_semaphore, #tpu.memory_space<semaphore_mem>>
      %dma_start3A_181 = arith.constant 0 : i32
      %dma_start3A_182 = tpu.memref_slice %arg12[%mul3A_2, %dma_start3A_181] : memref<10016x16xf32, #tpu.memory_space<vmem_shared>> -> memref<313x16xf32, #tpu.memory_space<vmem_shared>>
      tpu.enqueue_dma source(%arg8 : memref<313x16xf32, #tpu.memory_space<hbm>>) target(%dma_start3A_182 : memref<313x16xf32, #tpu.memory_space<vmem_shared>>) target_semaphore(%run_scoped3A : memref<!tpu.dma_semaphore, #tpu.memory_space<semaphore_mem>>)
      %dma_wait3A_183 = arith.constant 0 : i32
      %dma_wait3A_184 = tpu.memref_slice %arg12[%mul3A_2, %dma_wait3A_183] : memref<10016x16xf32, #tpu.memory_space<vmem_shared>> -> memref<313x16xf32, #tpu.memory_space<vmem_shared>>
      tpu.wait_dma2 semaphore(%run_scoped3A : memref<!tpu.dma_semaphore, #tpu.memory_space<semaphore_mem>>) src(%arg8 : memref<313x16xf32, #tpu.memory_space<hbm>>) dst(%dma_wait3A_184 : memref<313x16xf32, #tpu.memory_space<vmem_shared>>)
      tpu.yield
    }) : () -> ()
    %barrier3A = arith.constant 0 : index
    tpu.barrier barrier_id(%barrier3A)
    %iota3A = tpu.iota {dimensions = array<i32: 0>} : vector<16xi32>
    %lt3A = arith.constant 8 : i32
    %lt3A_3 = vector.broadcast %lt3A : i32 to vector<16xi32>
    %lt3A_4 = arith.cmpi slt, %iota3A, %lt3A_3 : vector<16xi32>
    %mul3A_5 = arith.constant 10112 : i32
    %mul3A_6 = arith.muli %add3A, %mul3A_5 : i32
    %add3A_7 = arith.constant 0 : i32
    %add3A_8 = arith.addi %mul3A_6, %add3A_7 : i32
    "tpu.region"() ({
      %run_scoped3A = tpu.sem_alloc : memref<!tpu.dma_semaphore, #tpu.memory_space<semaphore_mem>>
      %dma_start3A_181 = tpu.memref_slice %arg5[%add3A_8] : memref<323712xi32, #tpu.memory_space<hbm>> -> memref<64xi32, #tpu.memory_space<hbm>>
      %dma_start3A_182 = tpu.memref_slice %arg5[%add3A_8] : memref<323712xi32, #tpu.memory_space<hbm>> -> memref<64xi32, #tpu.memory_space<hbm>>
      tpu.enqueue_dma source(%dma_start3A_182 : memref<64xi32, #tpu.memory_space<hbm>>) target(%arg13 : memref<64xi32, #tpu.memory_space<vmem>>) target_semaphore(%run_scoped3A : memref<!tpu.dma_semaphore, #tpu.memory_space<semaphore_mem>>)
      %dma_wait3A_183 = tpu.memref_slice %arg5[%add3A_8] : memref<323712xi32, #tpu.memory_space<hbm>> -> memref<64xi32, #tpu.memory_space<hbm>>
      %dma_wait3A_184 = tpu.memref_slice %arg5[%add3A_8] : memref<323712xi32, #tpu.memory_space<hbm>> -> memref<64xi32, #tpu.memory_space<hbm>>
      tpu.wait_dma2 semaphore(%run_scoped3A : memref<!tpu.dma_semaphore, #tpu.memory_space<semaphore_mem>>) src(%dma_wait3A_184 : memref<64xi32, #tpu.memory_space<hbm>>) dst(%arg13 : memref<64xi32, #tpu.memory_space<vmem>>)
      tpu.yield
    }) : () -> ()
    "tpu.region"() ({
      %run_scoped3A = tpu.sem_alloc : memref<!tpu.dma_semaphore, #tpu.memory_space<semaphore_mem>>
      %dma_start3A_181 = tpu.memref_slice %arg6[%add3A_8] : memref<323712xi32, #tpu.memory_space<hbm>> -> memref<64xi32, #tpu.memory_space<hbm>>
      %dma_start3A_182 = tpu.memref_slice %arg6[%add3A_8] : memref<323712xi32, #tpu.memory_space<hbm>> -> memref<64xi32, #tpu.memory_space<hbm>>
      tpu.enqueue_dma source(%dma_start3A_182 : memref<64xi32, #tpu.memory_space<hbm>>) target(%arg15 : memref<64xi32, #tpu.memory_space<vmem>>) target_semaphore(%run_scoped3A : memref<!tpu.dma_semaphore, #tpu.memory_space<semaphore_mem>>)
      %dma_wait3A_183 = tpu.memref_slice %arg6[%add3A_8] : memref<323712xi32, #tpu.memory_space<hbm>> -> memref<64xi32, #tpu.memory_space<hbm>>
      %dma_wait3A_184 = tpu.memref_slice %arg6[%add3A_8] : memref<323712xi32, #tpu.memory_space<hbm>> -> memref<64xi32, #tpu.memory_space<hbm>>
      tpu.wait_dma2 semaphore(%run_scoped3A : memref<!tpu.dma_semaphore, #tpu.memory_space<semaphore_mem>>) src(%dma_wait3A_184 : memref<64xi32, #tpu.memory_space<hbm>>) dst(%arg15 : memref<64xi32, #tpu.memory_space<vmem>>)
      tpu.yield
    }) : () -> ()
    %dma_start3A = arith.constant 0 : i32
    %dma_start3A_9 = arith.constant 0 : i32
    %dma_start3A_10 = tpu.memref_slice %arg2[%dma_start3A, %dma_start3A_9] : memref<10016x128xf32, #tpu.memory_space<hbm>> -> memref<10016x128xf32, #tpu.memory_space<hbm>>
    tpu.enqueue_indirect_dma source(%dma_start3A_10 : memref<10016x128xf32, #tpu.memory_space<hbm>>) target(%arg19 : memref<64x128xf32, #tpu.memory_space<vmem>>) offsets(%arg13 : memref<64xi32, #tpu.memory_space<vmem>>) semaphore(%arg29 : memref<!tpu.dma_semaphore, #tpu.memory_space<semaphore_mem>>)
    %dma_start3A_11 = arith.constant 0 : i32
    %dma_start3A_12 = arith.constant 0 : i32
    %dma_start3A_13 = tpu.memref_slice %arg3[%dma_start3A_11, %dma_start3A_12] : memref<10016x16xf32, #tpu.memory_space<hbm>> -> memref<10016x16xf32, #tpu.memory_space<hbm>>
    tpu.enqueue_indirect_dma source(%dma_start3A_13 : memref<10016x16xf32, #tpu.memory_space<hbm>>) target(%arg21 : memref<64x16xf32, #tpu.memory_space<vmem>>) offsets(%arg13 : memref<64xi32, #tpu.memory_space<vmem>>) semaphore(%arg29 : memref<!tpu.dma_semaphore, #tpu.memory_space<semaphore_mem>>)
    %dma_start3A_14 = arith.constant 0 : i32
    %dma_start3A_15 = arith.constant 0 : i32
    %dma_start3A_16 = tpu.memref_slice %arg4[%dma_start3A_14, %dma_start3A_15] : memref<10016x16xf32, #tpu.memory_space<hbm>> -> memref<10016x16xf32, #tpu.memory_space<hbm>>
    tpu.enqueue_indirect_dma source(%dma_start3A_16 : memref<10016x16xf32, #tpu.memory_space<hbm>>) target(%arg23 : memref<64x16xf32, #tpu.memory_space<vmem>>) offsets(%arg15 : memref<64xi32, #tpu.memory_space<vmem>>) semaphore(%arg29 : memref<!tpu.dma_semaphore, #tpu.memory_space<semaphore_mem>>)
    %add3A_17 = arith.constant 64 : i32
    %add3A_18 = arith.addi %mul3A_6, %add3A_17 : i32
    "tpu.region"() ({
      %run_scoped3A = tpu.sem_alloc : memref<!tpu.dma_semaphore, #tpu.memory_space<semaphore_mem>>
      %dma_start3A_181 = tpu.memref_slice %arg5[%add3A_18] : memref<323712xi32, #tpu.memory_space<hbm>> -> memref<64xi32, #tpu.memory_space<hbm>>
      %dma_start3A_182 = tpu.memref_slice %arg5[%add3A_18] : memref<323712xi32, #tpu.memory_space<hbm>> -> memref<64xi32, #tpu.memory_space<hbm>>
      tpu.enqueue_dma source(%dma_start3A_182 : memref<64xi32, #tpu.memory_space<hbm>>) target(%arg14 : memref<64xi32, #tpu.memory_space<vmem>>) target_semaphore(%run_scoped3A : memref<!tpu.dma_semaphore, #tpu.memory_space<semaphore_mem>>)
      %dma_wait3A_183 = tpu.memref_slice %arg5[%add3A_18] : memref<323712xi32, #tpu.memory_space<hbm>> -> memref<64xi32, #tpu.memory_space<hbm>>
      %dma_wait3A_184 = tpu.memref_slice %arg5[%add3A_18] : memref<323712xi32, #tpu.memory_space<hbm>> -> memref<64xi32, #tpu.memory_space<hbm>>
      tpu.wait_dma2 semaphore(%run_scoped3A : memref<!tpu.dma_semaphore, #tpu.memory_space<semaphore_mem>>) src(%dma_wait3A_184 : memref<64xi32, #tpu.memory_space<hbm>>) dst(%arg14 : memref<64xi32, #tpu.memory_space<vmem>>)
      tpu.yield
    }) : () -> ()
    "tpu.region"() ({
      %run_scoped3A = tpu.sem_alloc : memref<!tpu.dma_semaphore, #tpu.memory_space<semaphore_mem>>
      %dma_start3A_181 = tpu.memref_slice %arg6[%add3A_18] : memref<323712xi32, #tpu.memory_space<hbm>> -> memref<64xi32, #tpu.memory_space<hbm>>
      %dma_start3A_182 = tpu.memref_slice %arg6[%add3A_18] : memref<323712xi32, #tpu.memory_space<hbm>> -> memref<64xi32, #tpu.memory_space<hbm>>
      tpu.enqueue_dma source(%dma_start3A_182 : memref<64xi32, #tpu.memory_space<hbm>>) target(%arg16 : memref<64xi32, #tpu.memory_space<vmem>>) target_semaphore(%run_scoped3A : memref<!tpu.dma_semaphore, #tpu.memory_space<semaphore_mem>>)
      %dma_wait3A_183 = tpu.memref_slice %arg6[%add3A_18] : memref<323712xi32, #tpu.memory_space<hbm>> -> memref<64xi32, #tpu.memory_space<hbm>>
      %dma_wait3A_184 = tpu.memref_slice %arg6[%add3A_18] : memref<323712xi32, #tpu.memory_space<hbm>> -> memref<64xi32, #tpu.memory_space<hbm>>
      tpu.wait_dma2 semaphore(%run_scoped3A : memref<!tpu.dma_semaphore, #tpu.memory_space<semaphore_mem>>) src(%dma_wait3A_184 : memref<64xi32, #tpu.memory_space<hbm>>) dst(%arg16 : memref<64xi32, #tpu.memory_space<vmem>>)
      tpu.yield
    }) : () -> ()
    %dma_start3A_19 = arith.constant 0 : i32
    %dma_start3A_20 = arith.constant 0 : i32
    %dma_start3A_21 = tpu.memref_slice %arg2[%dma_start3A_19, %dma_start3A_20] : memref<10016x128xf32, #tpu.memory_space<hbm>> -> memref<10016x128xf32, #tpu.memory_space<hbm>>
    tpu.enqueue_indirect_dma source(%dma_start3A_21 : memref<10016x128xf32, #tpu.memory_space<hbm>>) target(%arg20 : memref<64x128xf32, #tpu.memory_space<vmem>>) offsets(%arg14 : memref<64xi32, #tpu.memory_space<vmem>>) semaphore(%arg30 : memref<!tpu.dma_semaphore, #tpu.memory_space<semaphore_mem>>)
    %dma_start3A_22 = arith.constant 0 : i32
    %dma_start3A_23 = arith.constant 0 : i32
    %dma_start3A_24 = tpu.memref_slice %arg3[%dma_start3A_22, %dma_start3A_23] : memref<10016x16xf32, #tpu.memory_space<hbm>> -> memref<10016x16xf32, #tpu.memory_space<hbm>>
    tpu.enqueue_indirect_dma source(%dma_start3A_24 : memref<10016x16xf32, #tpu.memory_space<hbm>>) target(%arg22 : memref<64x16xf32, #tpu.memory_space<vmem>>) offsets(%arg14 : memref<64xi32, #tpu.memory_space<vmem>>) semaphore(%arg30 : memref<!tpu.dma_semaphore, #tpu.memory_space<semaphore_mem>>)
    %dma_start3A_25 = arith.constant 0 : i32
    %dma_start3A_26 = arith.constant 0 : i32
    %dma_start3A_27 = tpu.memref_slice %arg4[%dma_start3A_25, %dma_start3A_26] : memref<10016x16xf32, #tpu.memory_space<hbm>> -> memref<10016x16xf32, #tpu.memory_space<hbm>>
    tpu.enqueue_indirect_dma source(%dma_start3A_27 : memref<10016x16xf32, #tpu.memory_space<hbm>>) target(%arg24 : memref<64x16xf32, #tpu.memory_space<vmem>>) offsets(%arg16 : memref<64xi32, #tpu.memory_space<vmem>>) semaphore(%arg30 : memref<!tpu.dma_semaphore, #tpu.memory_space<semaphore_mem>>)
    %dma_wait3A = arith.constant 0 : i32
    %dma_wait3A_28 = arith.constant 0 : i32
    %dma_wait3A_29 = tpu.memref_slice %arg2[%dma_wait3A, %dma_wait3A_28] : memref<10016x128xf32, #tpu.memory_space<hbm>> -> memref<10016x128xf32, #tpu.memory_space<hbm>>
    tpu.wait_indirect_dma semaphore(%arg29 : memref<!tpu.dma_semaphore, #tpu.memory_space<semaphore_mem>>) src(%dma_wait3A_29 : memref<10016x128xf32, #tpu.memory_space<hbm>>) dst(%arg19 : memref<64x128xf32, #tpu.memory_space<vmem>>)
    %dma_wait3A_30 = arith.constant 0 : i32
    %dma_wait3A_31 = arith.constant 0 : i32
    %dma_wait3A_32 = tpu.memref_slice %arg3[%dma_wait3A_30, %dma_wait3A_31] : memref<10016x16xf32, #tpu.memory_space<hbm>> -> memref<10016x16xf32, #tpu.memory_space<hbm>>
    tpu.wait_indirect_dma semaphore(%arg29 : memref<!tpu.dma_semaphore, #tpu.memory_space<semaphore_mem>>) src(%dma_wait3A_32 : memref<10016x16xf32, #tpu.memory_space<hbm>>) dst(%arg21 : memref<64x16xf32, #tpu.memory_space<vmem>>)
    %dma_wait3A_33 = arith.constant 0 : i32
    %dma_wait3A_34 = arith.constant 0 : i32
    %dma_wait3A_35 = tpu.memref_slice %arg4[%dma_wait3A_33, %dma_wait3A_34] : memref<10016x16xf32, #tpu.memory_space<hbm>> -> memref<10016x16xf32, #tpu.memory_space<hbm>>
    tpu.wait_indirect_dma semaphore(%arg29 : memref<!tpu.dma_semaphore, #tpu.memory_space<semaphore_mem>>) src(%dma_wait3A_35 : memref<10016x16xf32, #tpu.memory_space<hbm>>) dst(%arg23 : memref<64x16xf32, #tpu.memory_space<vmem>>)
    %scan3A = arith.constant 0 : i32
    %scan3A_36 = arith.constant 0 : i32
    %scan3A_37 = arith.constant 64 : i32
    %scan3A_38 = arith.addi %scan3A_36, %scan3A_37 : i32
    %scan3A_39 = arith.constant 1 : i32
    scf.for %scan3A_181 = %scan3A_36 to %scan3A_38 step %scan3A_39  : i32 {
      %get3A_182 = arith.index_cast %scan3A_181 : i32 to index
      %get3A_183 = arith.constant 0 : index
      %get3A_184 = tpu.vector_load %arg21[%get3A_182, %get3A_183] {strides = array<i32>} : memref<64x16xf32, #tpu.memory_space<vmem>>, vector<1x16xf32>,
      %get3A_185 = vector.shape_cast %get3A_184 : vector<1x16xf32> to vector<16xf32>
      %get3A_186 = arith.index_cast %scan3A_181 : i32 to index
      %get3A_187 = arith.constant 0 : index
      %get3A_188 = tpu.vector_load %arg23[%get3A_186, %get3A_187] {strides = array<i32>} : memref<64x16xf32, #tpu.memory_space<vmem>>, vector<1x16xf32>,
      %get3A_189 = vector.shape_cast %get3A_188 : vector<1x16xf32> to vector<16xf32>
      %add3A_190 = arith.addf %get3A_185, %get3A_189 : vector<16xf32>
      %gt3A = arith.constant 0.000000e+00 : f32
      %gt3A_191 = vector.broadcast %gt3A : f32 to vector<16xf32>
      %gt3A_192 = arith.cmpf ogt, %add3A_190, %gt3A_191 : vector<16xf32>
      %mul3A_193 = arith.constant 2.000000e-01 : f32
      %mul3A_194 = vector.broadcast %mul3A_193 : f32 to vector<16xf32>
      %mul3A_195 = arith.mulf %add3A_190, %mul3A_194 : vector<16xf32>
      %select_n3A = arith.select %gt3A_192, %add3A_190, %mul3A_195 : vector<16xi1>, vector<16xf32>
      %exp3A = math.exp %select_n3A : vector<16xf32>
      %jit3A = arith.constant 0.000000e+00 : f32
      %broadcast_in_dim3A = vector.broadcast %jit3A : f32 to vector<16xf32>
      %select_n3A_196 = arith.select %lt3A_4, %exp3A, %broadcast_in_dim3A : vector<16xi1>, vector<16xf32>
      %swap3A_197 = arith.index_cast %scan3A_181 : i32 to index
      %swap3A_198 = arith.constant 0 : index
      %swap3A_199 = tpu.vector_load %arg25[%swap3A_197, %swap3A_198] {strides = array<i32>} : memref<64x16xf32, #tpu.memory_space<vmem>>, vector<1x16xf32>,
      %swap3A_200 = vector.shape_cast %swap3A_199 : vector<1x16xf32> to vector<16xf32>
      %swap3A_201 = vector.shape_cast %select_n3A_196 : vector<16xf32> to vector<1x16xf32>
      tpu.vector_store %arg25[%swap3A_197, %swap3A_198], %swap3A_201 {strides = array<i32>} : memref<64x16xf32, #tpu.memory_space<vmem>>, vector<1x16xf32>,
      %broadcast_in_dim3A_202 = arith.constant 0 : i32
      %broadcast_in_dim3A_203 = vector.broadcast %broadcast_in_dim3A_202 : i32 to vector<16xi32>
      %broadcast_in_dim3A_204 = vector.shape_cast %broadcast_in_dim3A_203 : vector<16xi32> to vector<16x1xi32>
      %gather3A = vector.shape_cast %broadcast_in_dim3A_204 : vector<16x1xi32> to vector<16xi32>
      %gather3A_205 = tpu.dynamic_gather %select_n3A_196[%gather3A] in [0] : vector<16xf32>, vector<16xi32> -> vector<16xf32>
      %get3A_206 = arith.index_cast %scan3A_181 : i32 to index
      %get3A_207 = arith.constant 0 : index
      %get3A_208 = tpu.vector_load %arg19[%get3A_206, %get3A_207] {strides = array<i32>} : memref<64x128xf32, #tpu.memory_space<vmem>>, vector<1x16xf32>,
      %get3A_209 = vector.shape_cast %get3A_208 : vector<1x16xf32> to vector<16xf32>
      %mul3A_210 = arith.mulf %gather3A_205, %get3A_209 : vector<16xf32>
      %swap3A_211 = arith.index_cast %scan3A_181 : i32 to index
      %swap3A_212 = arith.constant 0 : index
      %swap3A_213 = tpu.vector_load %arg27[%swap3A_211, %swap3A_212] {strides = array<i32>} : memref<64x128xf32, #tpu.memory_space<vmem>>, vector<1x16xf32>,
      %swap3A_214 = vector.shape_cast %swap3A_213 : vector<1x16xf32> to vector<16xf32>
      %swap3A_215 = vector.shape_cast %mul3A_210 : vector<16xf32> to vector<1x16xf32>
      tpu.vector_store %arg27[%swap3A_211, %swap3A_212], %swap3A_215 {strides = array<i32>} : memref<64x128xf32, #tpu.memory_space<vmem>>, vector<1x16xf32>,
      %broadcast_in_dim3A_216 = arith.constant 1 : i32
      %broadcast_in_dim3A_217 = vector.broadcast %broadcast_in_dim3A_216 : i32 to vector<16xi32>
      %broadcast_in_dim3A_218 = vector.shape_cast %broadcast_in_dim3A_217 : vector<16xi32> to vector<16x1xi32>
      %gather3A_219 = vector.shape_cast %broadcast_in_dim3A_218 : vector<16x1xi32> to vector<16xi32>
      %gather3A_220 = tpu.dynamic_gather %select_n3A_196[%gather3A_219] in [0] : vector<16xf32>, vector<16xi32> -> vector<16xf32>
      %get3A_221 = arith.index_cast %scan3A_181 : i32 to index
      %get3A_222 = arith.constant 16 : index
      %get3A_223 = tpu.vector_load %arg19[%get3A_221, %get3A_222] {strides = array<i32>} : memref<64x128xf32, #tpu.memory_space<vmem>>, vector<1x16xf32>,
      %get3A_224 = vector.shape_cast %get3A_223 : vector<1x16xf32> to vector<16xf32>
      %mul3A_225 = arith.mulf %gather3A_220, %get3A_224 : vector<16xf32>
      %swap3A_226 = arith.index_cast %scan3A_181 : i32 to index
      %swap3A_227 = arith.constant 16 : index
      %swap3A_228 = tpu.vector_load %arg27[%swap3A_226, %swap3A_227] {strides = array<i32>} : memref<64x128xf32, #tpu.memory_space<vmem>>, vector<1x16xf32>,
      %swap3A_229 = vector.shape_cast %swap3A_228 : vector<1x16xf32> to vector<16xf32>
      %swap3A_230 = vector.shape_cast %mul3A_225 : vector<16xf32> to vector<1x16xf32>
      tpu.vector_store %arg27[%swap3A_226, %swap3A_227], %swap3A_230 {strides = array<i32>} : memref<64x128xf32, #tpu.memory_space<vmem>>, vector<1x16xf32>,
      %broadcast_in_dim3A_231 = arith.constant 2 : i32
      %broadcast_in_dim3A_232 = vector.broadcast %broadcast_in_dim3A_231 : i32 to vector<16xi32>
      %broadcast_in_dim3A_233 = vector.shape_cast %broadcast_in_dim3A_232 : vector<16xi32> to vector<16x1xi32>
      %gather3A_234 = vector.shape_cast %broadcast_in_dim3A_233 : vector<16x1xi32> to vector<16xi32>
      %gather3A_235 = tpu.dynamic_gather %select_n3A_196[%gather3A_234] in [0] : vector<16xf32>, vector<16xi32> -> vector<16xf32>
      %get3A_236 = arith.index_cast %scan3A_181 : i32 to index
      %get3A_237 = arith.constant 32 : index
      %get3A_238 = tpu.vector_load %arg19[%get3A_236, %get3A_237] {strides = array<i32>} : memref<64x128xf32, #tpu.memory_space<vmem>>, vector<1x16xf32>,
      %get3A_239 = vector.shape_cast %get3A_238 : vector<1x16xf32> to vector<16xf32>
      %mul3A_240 = arith.mulf %gather3A_235, %get3A_239 : vector<16xf32>
      %swap3A_241 = arith.index_cast %scan3A_181 : i32 to index
      %swap3A_242 = arith.constant 32 : index
      %swap3A_243 = tpu.vector_load %arg27[%swap3A_241, %swap3A_242] {strides = array<i32>} : memref<64x128xf32, #tpu.memory_space<vmem>>, vector<1x16xf32>,
      %swap3A_244 = vector.shape_cast %swap3A_243 : vector<1x16xf32> to vector<16xf32>
      %swap3A_245 = vector.shape_cast %mul3A_240 : vector<16xf32> to vector<1x16xf32>
      tpu.vector_store %arg27[%swap3A_241, %swap3A_242], %swap3A_245 {strides = array<i32>} : memref<64x128xf32, #tpu.memory_space<vmem>>, vector<1x16xf32>,
      %broadcast_in_dim3A_246 = arith.constant 3 : i32
      %broadcast_in_dim3A_247 = vector.broadcast %broadcast_in_dim3A_246 : i32 to vector<16xi32>
      %broadcast_in_dim3A_248 = vector.shape_cast %broadcast_in_dim3A_247 : vector<16xi32> to vector<16x1xi32>
      %gather3A_249 = vector.shape_cast %broadcast_in_dim3A_248 : vector<16x1xi32> to vector<16xi32>
      %gather3A_250 = tpu.dynamic_gather %select_n3A_196[%gather3A_249] in [0] : vector<16xf32>, vector<16xi32> -> vector<16xf32>
      %get3A_251 = arith.index_cast %scan3A_181 : i32 to index
      %get3A_252 = arith.constant 48 : index
      %get3A_253 = tpu.vector_load %arg19[%get3A_251, %get3A_252] {strides = array<i32>} : memref<64x128xf32, #tpu.memory_space<vmem>>, vector<1x16xf32>,
      %get3A_254 = vector.shape_cast %get3A_253 : vector<1x16xf32> to vector<16xf32>
      %mul3A_255 = arith.mulf %gather3A_250, %get3A_254 : vector<16xf32>
      %swap3A_256 = arith.index_cast %scan3A_181 : i32 to index
      %swap3A_257 = arith.constant 48 : index
      %swap3A_258 = tpu.vector_load %arg27[%swap3A_256, %swap3A_257] {strides = array<i32>} : memref<64x128xf32, #tpu.memory_space<vmem>>, vector<1x16xf32>,
      %swap3A_259 = vector.shape_cast %swap3A_258 : vector<1x16xf32> to vector<16xf32>
      %swap3A_260 = vector.shape_cast %mul3A_255 : vector<16xf32> to vector<1x16xf32>
      tpu.vector_store %arg27[%swap3A_256, %swap3A_257], %swap3A_260 {strides = array<i32>} : memref<64x128xf32, #tpu.memory_space<vmem>>, vector<1x16xf32>,
      %broadcast_in_dim3A_261 = arith.constant 4 : i32
      %broadcast_in_dim3A_262 = vector.broadcast %broadcast_in_dim3A_261 : i32 to vector<16xi32>
      %broadcast_in_dim3A_263 = vector.shape_cast %broadcast_in_dim3A_262 : vector<16xi32> to vector<16x1xi32>
      %gather3A_264 = vector.shape_cast %broadcast_in_dim3A_263 : vector<16x1xi32> to vector<16xi32>
      %gather3A_265 = tpu.dynamic_gather %select_n3A_196[%gather3A_264] in [0] : vector<16xf32>, vector<16xi32> -> vector<16xf32>
      %get3A_266 = arith.index_cast %scan3A_181 : i32 to index
      %get3A_267 = arith.constant 64 : index
      %get3A_268 = tpu.vector_load %arg19[%get3A_266, %get3A_267] {strides = array<i32>} : memref<64x128xf32, #tpu.memory_space<vmem>>, vector<1x16xf32>,
      %get3A_269 = vector.shape_cast %get3A_268 : vector<1x16xf32> to vector<16xf32>
      %mul3A_270 = arith.mulf %gather3A_265, %get3A_269 : vector<16xf32>
      %swap3A_271 = arith.index_cast %scan3A_181 : i32 to index
      %swap3A_272 = arith.constant 64 : index
      %swap3A_273 = tpu.vector_load %arg27[%swap3A_271, %swap3A_272] {strides = array<i32>} : memref<64x128xf32, #tpu.memory_space<vmem>>, vector<1x16xf32>,
      %swap3A_274 = vector.shape_cast %swap3A_273 : vector<1x16xf32> to vector<16xf32>
      %swap3A_275 = vector.shape_cast %mul3A_270 : vector<16xf32> to vector<1x16xf32>
      tpu.vector_store %arg27[%swap3A_271, %swap3A_272], %swap3A_275 {strides = array<i32>} : memref<64x128xf32, #tpu.memory_space<vmem>>, vector<1x16xf32>,
      %broadcast_in_dim3A_276 = arith.constant 5 : i32
      %broadcast_in_dim3A_277 = vector.broadcast %broadcast_in_dim3A_276 : i32 to vector<16xi32>
      %broadcast_in_dim3A_278 = vector.shape_cast %broadcast_in_dim3A_277 : vector<16xi32> to vector<16x1xi32>
      %gather3A_279 = vector.shape_cast %broadcast_in_dim3A_278 : vector<16x1xi32> to vector<16xi32>
      %gather3A_280 = tpu.dynamic_gather %select_n3A_196[%gather3A_279] in [0] : vector<16xf32>, vector<16xi32> -> vector<16xf32>
      %get3A_281 = arith.index_cast %scan3A_181 : i32 to index
      %get3A_282 = arith.constant 80 : index
      %get3A_283 = tpu.vector_load %arg19[%get3A_281, %get3A_282] {strides = array<i32>} : memref<64x128xf32, #tpu.memory_space<vmem>>, vector<1x16xf32>,
      %get3A_284 = vector.shape_cast %get3A_283 : vector<1x16xf32> to vector<16xf32>
      %mul3A_285 = arith.mulf %gather3A_280, %get3A_284 : vector<16xf32>
      %swap3A_286 = arith.index_cast %scan3A_181 : i32 to index
      %swap3A_287 = arith.constant 80 : index
      %swap3A_288 = tpu.vector_load %arg27[%swap3A_286, %swap3A_287] {strides = array<i32>} : memref<64x128xf32, #tpu.memory_space<vmem>>, vector<1x16xf32>,
      %swap3A_289 = vector.shape_cast %swap3A_288 : vector<1x16xf32> to vector<16xf32>
      %swap3A_290 = vector.shape_cast %mul3A_285 : vector<16xf32> to vector<1x16xf32>
      tpu.vector_store %arg27[%swap3A_286, %swap3A_287], %swap3A_290 {strides = array<i32>} : memref<64x128xf32, #tpu.memory_space<vmem>>, vector<1x16xf32>,
      %broadcast_in_dim3A_291 = arith.constant 6 : i32
      %broadcast_in_dim3A_292 = vector.broadcast %broadcast_in_dim3A_291 : i32 to vector<16xi32>
      %broadcast_in_dim3A_293 = vector.shape_cast %broadcast_in_dim3A_292 : vector<16xi32> to vector<16x1xi32>
      %gather3A_294 = vector.shape_cast %broadcast_in_dim3A_293 : vector<16x1xi32> to vector<16xi32>
      %gather3A_295 = tpu.dynamic_gather %select_n3A_196[%gather3A_294] in [0] : vector<16xf32>, vector<16xi32> -> vector<16xf32>
      %get3A_296 = arith.index_cast %scan3A_181 : i32 to index
      %get3A_297 = arith.constant 96 : index
      %get3A_298 = tpu.vector_load %arg19[%get3A_296, %get3A_297] {strides = array<i32>} : memref<64x128xf32, #tpu.memory_space<vmem>>, vector<1x16xf32>,
      %get3A_299 = vector.shape_cast %get3A_298 : vector<1x16xf32> to vector<16xf32>
      %mul3A_300 = arith.mulf %gather3A_295, %get3A_299 : vector<16xf32>
      %swap3A_301 = arith.index_cast %scan3A_181 : i32 to index
      %swap3A_302 = arith.constant 96 : index
      %swap3A_303 = tpu.vector_load %arg27[%swap3A_301, %swap3A_302] {strides = array<i32>} : memref<64x128xf32, #tpu.memory_space<vmem>>, vector<1x16xf32>,
      %swap3A_304 = vector.shape_cast %swap3A_303 : vector<1x16xf32> to vector<16xf32>
      %swap3A_305 = vector.shape_cast %mul3A_300 : vector<16xf32> to vector<1x16xf32>
      tpu.vector_store %arg27[%swap3A_301, %swap3A_302], %swap3A_305 {strides = array<i32>} : memref<64x128xf32, #tpu.memory_space<vmem>>, vector<1x16xf32>,
      %broadcast_in_dim3A_306 = arith.constant 7 : i32
      %broadcast_in_dim3A_307 = vector.broadcast %broadcast_in_dim3A_306 : i32 to vector<16xi32>
      %broadcast_in_dim3A_308 = vector.shape_cast %broadcast_in_dim3A_307 : vector<16xi32> to vector<16x1xi32>
      %gather3A_309 = vector.shape_cast %broadcast_in_dim3A_308 : vector<16x1xi32> to vector<16xi32>
      %gather3A_310 = tpu.dynamic_gather %select_n3A_196[%gather3A_309] in [0] : vector<16xf32>, vector<16xi32> -> vector<16xf32>
      %get3A_311 = arith.index_cast %scan3A_181 : i32 to index
      %get3A_312 = arith.constant 112 : index
      %get3A_313 = tpu.vector_load %arg19[%get3A_311, %get3A_312] {strides = array<i32>} : memref<64x128xf32, #tpu.memory_space<vmem>>, vector<1x16xf32>,
      %get3A_314 = vector.shape_cast %get3A_313 : vector<1x16xf32> to vector<16xf32>
      %mul3A_315 = arith.mulf %gather3A_310, %get3A_314 : vector<16xf32>
      %swap3A_316 = arith.index_cast %scan3A_181 : i32 to index
      %swap3A_317 = arith.constant 112 : index
      %swap3A_318 = tpu.vector_load %arg27[%swap3A_316, %swap3A_317] {strides = array<i32>} : memref<64x128xf32, #tpu.memory_space<vmem>>, vector<1x16xf32>,
      %swap3A_319 = vector.shape_cast %swap3A_318 : vector<1x16xf32> to vector<16xf32>
      %swap3A_320 = vector.shape_cast %mul3A_315 : vector<16xf32> to vector<1x16xf32>
      tpu.vector_store %arg27[%swap3A_316, %swap3A_317], %swap3A_320 {strides = array<i32>} : memref<64x128xf32, #tpu.memory_space<vmem>>, vector<1x16xf32>,
    }
    %scan3A_40 = arith.constant 64 : i32
    %get3A = arith.constant 0 : index
    %get3A_41 = tpu.vector_load %arg15[%get3A] {strides = array<i32>} : memref<64xi32, #tpu.memory_space<vmem>>, vector<16xi32>,
    %get3A_42 = vector.shape_cast %get3A_41 : vector<16xi32> to vector<16xi32>
    %swap3A = arith.constant 0 : index
    %swap3A_43 = tpu.vector_load %arg17[%swap3A] {strides = array<i32>} : memref<64xi32, #tpu.memory_space<vmem>>, vector<16xi32>,
    %swap3A_44 = vector.shape_cast %swap3A_43 : vector<16xi32> to vector<16xi32>
    %swap3A_45 = vector.shape_cast %get3A_42 : vector<16xi32> to vector<16xi32>
    tpu.vector_store %arg17[%swap3A], %swap3A_45 {strides = array<i32>} : memref<64xi32, #tpu.memory_space<vmem>>, vector<16xi32>,
    %get3A_46 = arith.constant 16 : index
    %get3A_47 = tpu.vector_load %arg15[%get3A_46] {strides = array<i32>} : memref<64xi32, #tpu.memory_space<vmem>>, vector<16xi32>,
    %get3A_48 = vector.shape_cast %get3A_47 : vector<16xi32> to vector<16xi32>
    %swap3A_49 = arith.constant 16 : index
    %swap3A_50 = tpu.vector_load %arg17[%swap3A_49] {strides = array<i32>} : memref<64xi32, #tpu.memory_space<vmem>>, vector<16xi32>,
    %swap3A_51 = vector.shape_cast %swap3A_50 : vector<16xi32> to vector<16xi32>
    %swap3A_52 = vector.shape_cast %get3A_48 : vector<16xi32> to vector<16xi32>
    tpu.vector_store %arg17[%swap3A_49], %swap3A_52 {strides = array<i32>} : memref<64xi32, #tpu.memory_space<vmem>>, vector<16xi32>,
    %get3A_53 = arith.constant 32 : index
    %get3A_54 = tpu.vector_load %arg15[%get3A_53] {strides = array<i32>} : memref<64xi32, #tpu.memory_space<vmem>>, vector<16xi32>,
    %get3A_55 = vector.shape_cast %get3A_54 : vector<16xi32> to vector<16xi32>
    %swap3A_56 = arith.constant 32 : index
    %swap3A_57 = tpu.vector_load %arg17[%swap3A_56] {strides = array<i32>} : memref<64xi32, #tpu.memory_space<vmem>>, vector<16xi32>,
    %swap3A_58 = vector.shape_cast %swap3A_57 : vector<16xi32> to vector<16xi32>
    %swap3A_59 = vector.shape_cast %get3A_55 : vector<16xi32> to vector<16xi32>
    tpu.vector_store %arg17[%swap3A_56], %swap3A_59 {strides = array<i32>} : memref<64xi32, #tpu.memory_space<vmem>>, vector<16xi32>,
    %get3A_60 = arith.constant 48 : index
    %get3A_61 = tpu.vector_load %arg15[%get3A_60] {strides = array<i32>} : memref<64xi32, #tpu.memory_space<vmem>>, vector<16xi32>,
    %get3A_62 = vector.shape_cast %get3A_61 : vector<16xi32> to vector<16xi32>
    %swap3A_63 = arith.constant 48 : index
    %swap3A_64 = tpu.vector_load %arg17[%swap3A_63] {strides = array<i32>} : memref<64xi32, #tpu.memory_space<vmem>>, vector<16xi32>,
    %swap3A_65 = vector.shape_cast %swap3A_64 : vector<16xi32> to vector<16xi32>
    %swap3A_66 = vector.shape_cast %get3A_62 : vector<16xi32> to vector<16xi32>
    tpu.vector_store %arg17[%swap3A_63], %swap3A_66 {strides = array<i32>} : memref<64xi32, #tpu.memory_space<vmem>>, vector<16xi32>,
    %dma_start3A_67 = arith.constant 0 : i32
    %dma_start3A_68 = arith.constant 0 : i32
    %dma_start3A_69 = tpu.memref_slice %arg11[%dma_start3A_67, %dma_start3A_68] : memref<10016x128xf32, #tpu.memory_space<vmem_shared>> -> memref<10016x128xf32, #tpu.memory_space<vmem_shared>>
    tpu.enqueue_indirect_dma source(%arg27 : memref<64x128xf32, #tpu.memory_space<vmem>>) target(%dma_start3A_69 : memref<10016x128xf32, #tpu.memory_space<vmem_shared>>) offsets(%arg17 : memref<64xi32, #tpu.memory_space<vmem>>) semaphore(%arg31 : memref<!tpu.dma_semaphore, #tpu.memory_space<semaphore_mem>>) {add = true}
    %dma_start3A_70 = arith.constant 0 : i32
    %dma_start3A_71 = arith.constant 0 : i32
    %dma_start3A_72 = tpu.memref_slice %arg12[%dma_start3A_70, %dma_start3A_71] : memref<10016x16xf32, #tpu.memory_space<vmem_shared>> -> memref<10016x16xf32, #tpu.memory_space<vmem_shared>>
    tpu.enqueue_indirect_dma source(%arg25 : memref<64x16xf32, #tpu.memory_space<vmem>>) target(%dma_start3A_72 : memref<10016x16xf32, #tpu.memory_space<vmem_shared>>) offsets(%arg17 : memref<64xi32, #tpu.memory_space<vmem>>) semaphore(%arg31 : memref<!tpu.dma_semaphore, #tpu.memory_space<semaphore_mem>>) {add = true}
    %add3A_73 = arith.constant 128 : i32
    %add3A_74 = arith.addi %mul3A_6, %add3A_73 : i32
    "tpu.region"() ({
      %run_scoped3A = tpu.sem_alloc : memref<!tpu.dma_semaphore, #tpu.memory_space<semaphore_mem>>
      %dma_start3A_181 = tpu.memref_slice %arg5[%add3A_74] : memref<323712xi32, #tpu.memory_space<hbm>> -> memref<64xi32, #tpu.memory_space<hbm>>
      %dma_start3A_182 = tpu.memref_slice %arg5[%add3A_74] : memref<323712xi32, #tpu.memory_space<hbm>> -> memref<64xi32, #tpu.memory_space<hbm>>
      tpu.enqueue_dma source(%dma_start3A_182 : memref<64xi32, #tpu.memory_space<hbm>>) target(%arg13 : memref<64xi32, #tpu.memory_space<vmem>>) target_semaphore(%run_scoped3A : memref<!tpu.dma_semaphore, #tpu.memory_space<semaphore_mem>>)
      %dma_wait3A_183 = tpu.memref_slice %arg5[%add3A_74] : memref<323712xi32, #tpu.memory_space<hbm>> -> memref<64xi32, #tpu.memory_space<hbm>>
      %dma_wait3A_184 = tpu.memref_slice %arg5[%add3A_74] : memref<323712xi32, #tpu.memory_space<hbm>> -> memref<64xi32, #tpu.memory_space<hbm>>
      tpu.wait_dma2 semaphore(%run_scoped3A : memref<!tpu.dma_semaphore, #tpu.memory_space<semaphore_mem>>) src(%dma_wait3A_184 : memref<64xi32, #tpu.memory_space<hbm>>) dst(%arg13 : memref<64xi32, #tpu.memory_space<vmem>>)
      tpu.yield
    }) : () -> ()
    "tpu.region"() ({
      %run_scoped3A = tpu.sem_alloc : memref<!tpu.dma_semaphore, #tpu.memory_space<semaphore_mem>>
      %dma_start3A_181 = tpu.memref_slice %arg6[%add3A_74] : memref<323712xi32, #tpu.memory_space<hbm>> -> memref<64xi32, #tpu.memory_space<hbm>>
      %dma_start3A_182 = tpu.memref_slice %arg6[%add3A_74] : memref<323712xi32, #tpu.memory_space<hbm>> -> memref<64xi32, #tpu.memory_space<hbm>>
      tpu.enqueue_dma source(%dma_start3A_182 : memref<64xi32, #tpu.memory_space<hbm>>) target(%arg15 : memref<64xi32, #tpu.memory_space<vmem>>) target_semaphore(%run_scoped3A : memref<!tpu.dma_semaphore, #tpu.memory_space<semaphore_mem>>)
      %dma_wait3A_183 = tpu.memref_slice %arg6[%add3A_74] : memref<323712xi32, #tpu.memory_space<hbm>> -> memref<64xi32, #tpu.memory_space<hbm>>
      %dma_wait3A_184 = tpu.memref_slice %arg6[%add3A_74] : memref<323712xi32, #tpu.memory_space<hbm>> -> memref<64xi32, #tpu.memory_space<hbm>>
      tpu.wait_dma2 semaphore(%run_scoped3A : memref<!tpu.dma_semaphore, #tpu.memory_space<semaphore_mem>>) src(%dma_wait3A_184 : memref<64xi32, #tpu.memory_space<hbm>>) dst(%arg15 : memref<64xi32, #tpu.memory_space<vmem>>)
      tpu.yield
    }) : () -> ()
    %dma_start3A_75 = arith.constant 0 : i32
    %dma_start3A_76 = arith.constant 0 : i32
    %dma_start3A_77 = tpu.memref_slice %arg2[%dma_start3A_75, %dma_start3A_76] : memref<10016x128xf32, #tpu.memory_space<hbm>> -> memref<10016x128xf32, #tpu.memory_space<hbm>>
    tpu.enqueue_indirect_dma source(%dma_start3A_77 : memref<10016x128xf32, #tpu.memory_space<hbm>>) target(%arg19 : memref<64x128xf32, #tpu.memory_space<vmem>>) offsets(%arg13 : memref<64xi32, #tpu.memory_space<vmem>>) semaphore(%arg29 : memref<!tpu.dma_semaphore, #tpu.memory_space<semaphore_mem>>)
    %dma_start3A_78 = arith.constant 0 : i32
    %dma_start3A_79 = arith.constant 0 : i32
    %dma_start3A_80 = tpu.memref_slice %arg3[%dma_start3A_78, %dma_start3A_79] : memref<10016x16xf32, #tpu.memory_space<hbm>> -> memref<10016x16xf32, #tpu.memory_space<hbm>>
    tpu.enqueue_indirect_dma source(%dma_start3A_80 : memref<10016x16xf32, #tpu.memory_space<hbm>>) target(%arg21 : memref<64x16xf32, #tpu.memory_space<vmem>>) offsets(%arg13 : memref<64xi32, #tpu.memory_space<vmem>>) semaphore(%arg29 : memref<!tpu.dma_semaphore, #tpu.memory_space<semaphore_mem>>)
    %dma_start3A_81 = arith.constant 0 : i32
    %dma_start3A_82 = arith.constant 0 : i32
    %dma_start3A_83 = tpu.memref_slice %arg4[%dma_start3A_81, %dma_start3A_82] : memref<10016x16xf32, #tpu.memory_space<hbm>> -> memref<10016x16xf32, #tpu.memory_space<hbm>>
    tpu.enqueue_indirect_dma source(%dma_start3A_83 : memref<10016x16xf32, #tpu.memory_space<hbm>>) target(%arg23 : memref<64x16xf32, #tpu.memory_space<vmem>>) offsets(%arg15 : memref<64xi32, #tpu.memory_space<vmem>>) semaphore(%arg29 : memref<!tpu.dma_semaphore, #tpu.memory_space<semaphore_mem>>)
    %dma_wait3A_84 = arith.constant 0 : i32
    %dma_wait3A_85 = arith.constant 0 : i32
    %dma_wait3A_86 = tpu.memref_slice %arg2[%dma_wait3A_84, %dma_wait3A_85] : memref<10016x128xf32, #tpu.memory_space<hbm>> -> memref<10016x128xf32, #tpu.memory_space<hbm>>
    tpu.wait_indirect_dma semaphore(%arg30 : memref<!tpu.dma_semaphore, #tpu.memory_space<semaphore_mem>>) src(%dma_wait3A_86 : memref<10016x128xf32, #tpu.memory_space<hbm>>) dst(%arg20 : memref<64x128xf32, #tpu.memory_space<vmem>>)
    %dma_wait3A_87 = arith.constant 0 : i32
    %dma_wait3A_88 = arith.constant 0 : i32
    %dma_wait3A_89 = tpu.memref_slice %arg3[%dma_wait3A_87, %dma_wait3A_88] : memref<10016x16xf32, #tpu.memory_space<hbm>> -> memref<10016x16xf32, #tpu.memory_space<hbm>>
    tpu.wait_indirect_dma semaphore(%arg30 : memref<!tpu.dma_semaphore, #tpu.memory_space<semaphore_mem>>) src(%dma_wait3A_89 : memref<10016x16xf32, #tpu.memory_space<hbm>>) dst(%arg22 : memref<64x16xf32, #tpu.memory_space<vmem>>)
    %dma_wait3A_90 = arith.constant 0 : i32
    %dma_wait3A_91 = arith.constant 0 : i32
    %dma_wait3A_92 = tpu.memref_slice %arg4[%dma_wait3A_90, %dma_wait3A_91] : memref<10016x16xf32, #tpu.memory_space<hbm>> -> memref<10016x16xf32, #tpu.memory_space<hbm>>
    tpu.wait_indirect_dma semaphore(%arg30 : memref<!tpu.dma_semaphore, #tpu.memory_space<semaphore_mem>>) src(%dma_wait3A_92 : memref<10016x16xf32, #tpu.memory_space<hbm>>) dst(%arg24 : memref<64x16xf32, #tpu.memory_space<vmem>>)
    %scan3A_93 = arith.constant 0 : i32
    %scan3A_94 = arith.constant 0 : i32
    %scan3A_95 = arith.constant 64 : i32
    %scan3A_96 = arith.addi %scan3A_94, %scan3A_95 : i32
    %scan3A_97 = arith.constant 1 : i32
    scf.for %scan3A_181 = %scan3A_94 to %scan3A_96 step %scan3A_97  : i32 {
      %get3A_182 = arith.index_cast %scan3A_181 : i32 to index
      %get3A_183 = arith.constant 0 : index
      %get3A_184 = tpu.vector_load %arg22[%get3A_182, %get3A_183] {strides = array<i32>} : memref<64x16xf32, #tpu.memory_space<vmem>>, vector<1x16xf32>,
      %get3A_185 = vector.shape_cast %get3A_184 : vector<1x16xf32> to vector<16xf32>
      %get3A_186 = arith.index_cast %scan3A_181 : i32 to index
      %get3A_187 = arith.constant 0 : index
      %get3A_188 = tpu.vector_load %arg24[%get3A_186, %get3A_187] {strides = array<i32>} : memref<64x16xf32, #tpu.memory_space<vmem>>, vector<1x16xf32>,
      %get3A_189 = vector.shape_cast %get3A_188 : vector<1x16xf32> to vector<16xf32>
      %add3A_190 = arith.addf %get3A_185, %get3A_189 : vector<16xf32>
      %gt3A = arith.constant 0.000000e+00 : f32
      %gt3A_191 = vector.broadcast %gt3A : f32 to vector<16xf32>
      %gt3A_192 = arith.cmpf ogt, %add3A_190, %gt3A_191 : vector<16xf32>
      %mul3A_193 = arith.constant 2.000000e-01 : f32
      %mul3A_194 = vector.broadcast %mul3A_193 : f32 to vector<16xf32>
      %mul3A_195 = arith.mulf %add3A_190, %mul3A_194 : vector<16xf32>
      %select_n3A = arith.select %gt3A_192, %add3A_190, %mul3A_195 : vector<16xi1>, vector<16xf32>
      %exp3A = math.exp %select_n3A : vector<16xf32>
      %jit3A = arith.constant 0.000000e+00 : f32
      %broadcast_in_dim3A = vector.broadcast %jit3A : f32 to vector<16xf32>
      %select_n3A_196 = arith.select %lt3A_4, %exp3A, %broadcast_in_dim3A : vector<16xi1>, vector<16xf32>
      %swap3A_197 = arith.index_cast %scan3A_181 : i32 to index
      %swap3A_198 = arith.constant 0 : index
      %swap3A_199 = tpu.vector_load %arg26[%swap3A_197, %swap3A_198] {strides = array<i32>} : memref<64x16xf32, #tpu.memory_space<vmem>>, vector<1x16xf32>,
      %swap3A_200 = vector.shape_cast %swap3A_199 : vector<1x16xf32> to vector<16xf32>
      %swap3A_201 = vector.shape_cast %select_n3A_196 : vector<16xf32> to vector<1x16xf32>
      tpu.vector_store %arg26[%swap3A_197, %swap3A_198], %swap3A_201 {strides = array<i32>} : memref<64x16xf32, #tpu.memory_space<vmem>>, vector<1x16xf32>,
      %broadcast_in_dim3A_202 = arith.constant 0 : i32
      %broadcast_in_dim3A_203 = vector.broadcast %broadcast_in_dim3A_202 : i32 to vector<16xi32>
      %broadcast_in_dim3A_204 = vector.shape_cast %broadcast_in_dim3A_203 : vector<16xi32> to vector<16x1xi32>
      %gather3A = vector.shape_cast %broadcast_in_dim3A_204 : vector<16x1xi32> to vector<16xi32>
      %gather3A_205 = tpu.dynamic_gather %select_n3A_196[%gather3A] in [0] : vector<16xf32>, vector<16xi32> -> vector<16xf32>
      %get3A_206 = arith.index_cast %scan3A_181 : i32 to index
      %get3A_207 = arith.constant 0 : index
      %get3A_208 = tpu.vector_load %arg20[%get3A_206, %get3A_207] {strides = array<i32>} : memref<64x128xf32, #tpu.memory_space<vmem>>, vector<1x16xf32>,
      %get3A_209 = vector.shape_cast %get3A_208 : vector<1x16xf32> to vector<16xf32>
      %mul3A_210 = arith.mulf %gather3A_205, %get3A_209 : vector<16xf32>
      %swap3A_211 = arith.index_cast %scan3A_181 : i32 to index
      %swap3A_212 = arith.constant 0 : index
      %swap3A_213 = tpu.vector_load %arg28[%swap3A_211, %swap3A_212] {strides = array<i32>} : memref<64x128xf32, #tpu.memory_space<vmem>>, vector<1x16xf32>,
      %swap3A_214 = vector.shape_cast %swap3A_213 : vector<1x16xf32> to vector<16xf32>
      %swap3A_215 = vector.shape_cast %mul3A_210 : vector<16xf32> to vector<1x16xf32>
      tpu.vector_store %arg28[%swap3A_211, %swap3A_212], %swap3A_215 {strides = array<i32>} : memref<64x128xf32, #tpu.memory_space<vmem>>, vector<1x16xf32>,
      %broadcast_in_dim3A_216 = arith.constant 1 : i32
      %broadcast_in_dim3A_217 = vector.broadcast %broadcast_in_dim3A_216 : i32 to vector<16xi32>
      %broadcast_in_dim3A_218 = vector.shape_cast %broadcast_in_dim3A_217 : vector<16xi32> to vector<16x1xi32>
      %gather3A_219 = vector.shape_cast %broadcast_in_dim3A_218 : vector<16x1xi32> to vector<16xi32>
      %gather3A_220 = tpu.dynamic_gather %select_n3A_196[%gather3A_219] in [0] : vector<16xf32>, vector<16xi32> -> vector<16xf32>
      %get3A_221 = arith.index_cast %scan3A_181 : i32 to index
      %get3A_222 = arith.constant 16 : index
      %get3A_223 = tpu.vector_load %arg20[%get3A_221, %get3A_222] {strides = array<i32>} : memref<64x128xf32, #tpu.memory_space<vmem>>, vector<1x16xf32>,
      %get3A_224 = vector.shape_cast %get3A_223 : vector<1x16xf32> to vector<16xf32>
      %mul3A_225 = arith.mulf %gather3A_220, %get3A_224 : vector<16xf32>
      %swap3A_226 = arith.index_cast %scan3A_181 : i32 to index
      %swap3A_227 = arith.constant 16 : index
      %swap3A_228 = tpu.vector_load %arg28[%swap3A_226, %swap3A_227] {strides = array<i32>} : memref<64x128xf32, #tpu.memory_space<vmem>>, vector<1x16xf32>,
      %swap3A_229 = vector.shape_cast %swap3A_228 : vector<1x16xf32> to vector<16xf32>
      %swap3A_230 = vector.shape_cast %mul3A_225 : vector<16xf32> to vector<1x16xf32>
      tpu.vector_store %arg28[%swap3A_226, %swap3A_227], %swap3A_230 {strides = array<i32>} : memref<64x128xf32, #tpu.memory_space<vmem>>, vector<1x16xf32>,
      %broadcast_in_dim3A_231 = arith.constant 2 : i32
      %broadcast_in_dim3A_232 = vector.broadcast %broadcast_in_dim3A_231 : i32 to vector<16xi32>
      %broadcast_in_dim3A_233 = vector.shape_cast %broadcast_in_dim3A_232 : vector<16xi32> to vector<16x1xi32>
      %gather3A_234 = vector.shape_cast %broadcast_in_dim3A_233 : vector<16x1xi32> to vector<16xi32>
      %gather3A_235 = tpu.dynamic_gather %select_n3A_196[%gather3A_234] in [0] : vector<16xf32>, vector<16xi32> -> vector<16xf32>
      %get3A_236 = arith.index_cast %scan3A_181 : i32 to index
      %get3A_237 = arith.constant 32 : index
      %get3A_238 = tpu.vector_load %arg20[%get3A_236, %get3A_237] {strides = array<i32>} : memref<64x128xf32, #tpu.memory_space<vmem>>, vector<1x16xf32>,
      %get3A_239 = vector.shape_cast %get3A_238 : vector<1x16xf32> to vector<16xf32>
      %mul3A_240 = arith.mulf %gather3A_235, %get3A_239 : vector<16xf32>
      %swap3A_241 = arith.index_cast %scan3A_181 : i32 to index
      %swap3A_242 = arith.constant 32 : index
      %swap3A_243 = tpu.vector_load %arg28[%swap3A_241, %swap3A_242] {strides = array<i32>} : memref<64x128xf32, #tpu.memory_space<vmem>>, vector<1x16xf32>,
      %swap3A_244 = vector.shape_cast %swap3A_243 : vector<1x16xf32> to vector<16xf32>
      %swap3A_245 = vector.shape_cast %mul3A_240 : vector<16xf32> to vector<1x16xf32>
      tpu.vector_store %arg28[%swap3A_241, %swap3A_242], %swap3A_245 {strides = array<i32>} : memref<64x128xf32, #tpu.memory_space<vmem>>, vector<1x16xf32>,
      %broadcast_in_dim3A_246 = arith.constant 3 : i32
      %broadcast_in_dim3A_247 = vector.broadcast %broadcast_in_dim3A_246 : i32 to vector<16xi32>
      %broadcast_in_dim3A_248 = vector.shape_cast %broadcast_in_dim3A_247 : vector<16xi32> to vector<16x1xi32>
      %gather3A_249 = vector.shape_cast %broadcast_in_dim3A_248 : vector<16x1xi32> to vector<16xi32>
      %gather3A_250 = tpu.dynamic_gather %select_n3A_196[%gather3A_249] in [0] : vector<16xf32>, vector<16xi32> -> vector<16xf32>
      %get3A_251 = arith.index_cast %scan3A_181 : i32 to index
      %get3A_252 = arith.constant 48 : index
      %get3A_253 = tpu.vector_load %arg20[%get3A_251, %get3A_252] {strides = array<i32>} : memref<64x128xf32, #tpu.memory_space<vmem>>, vector<1x16xf32>,
      %get3A_254 = vector.shape_cast %get3A_253 : vector<1x16xf32> to vector<16xf32>
      %mul3A_255 = arith.mulf %gather3A_250, %get3A_254 : vector<16xf32>
      %swap3A_256 = arith.index_cast %scan3A_181 : i32 to index
      %swap3A_257 = arith.constant 48 : index
      %swap3A_258 = tpu.vector_load %arg28[%swap3A_256, %swap3A_257] {strides = array<i32>} : memref<64x128xf32, #tpu.memory_space<vmem>>, vector<1x16xf32>,
      %swap3A_259 = vector.shape_cast %swap3A_258 : vector<1x16xf32> to vector<16xf32>
      %swap3A_260 = vector.shape_cast %mul3A_255 : vector<16xf32> to vector<1x16xf32>
      tpu.vector_store %arg28[%swap3A_256, %swap3A_257], %swap3A_260 {strides = array<i32>} : memref<64x128xf32, #tpu.memory_space<vmem>>, vector<1x16xf32>,
      %broadcast_in_dim3A_261 = arith.constant 4 : i32
      %broadcast_in_dim3A_262 = vector.broadcast %broadcast_in_dim3A_261 : i32 to vector<16xi32>
      %broadcast_in_dim3A_263 = vector.shape_cast %broadcast_in_dim3A_262 : vector<16xi32> to vector<16x1xi32>
      %gather3A_264 = vector.shape_cast %broadcast_in_dim3A_263 : vector<16x1xi32> to vector<16xi32>
      %gather3A_265 = tpu.dynamic_gather %select_n3A_196[%gather3A_264] in [0] : vector<16xf32>, vector<16xi32> -> vector<16xf32>
      %get3A_266 = arith.index_cast %scan3A_181 : i32 to index
      %get3A_267 = arith.constant 64 : index
      %get3A_268 = tpu.vector_load %arg20[%get3A_266, %get3A_267] {strides = array<i32>} : memref<64x128xf32, #tpu.memory_space<vmem>>, vector<1x16xf32>,
      %get3A_269 = vector.shape_cast %get3A_268 : vector<1x16xf32> to vector<16xf32>
      %mul3A_270 = arith.mulf %gather3A_265, %get3A_269 : vector<16xf32>
      %swap3A_271 = arith.index_cast %scan3A_181 : i32 to index
      %swap3A_272 = arith.constant 64 : index
      %swap3A_273 = tpu.vector_load %arg28[%swap3A_271, %swap3A_272] {strides = array<i32>} : memref<64x128xf32, #tpu.memory_space<vmem>>, vector<1x16xf32>,
      %swap3A_274 = vector.shape_cast %swap3A_273 : vector<1x16xf32> to vector<16xf32>
      %swap3A_275 = vector.shape_cast %mul3A_270 : vector<16xf32> to vector<1x16xf32>
      tpu.vector_store %arg28[%swap3A_271, %swap3A_272], %swap3A_275 {strides = array<i32>} : memref<64x128xf32, #tpu.memory_space<vmem>>, vector<1x16xf32>,
      %broadcast_in_dim3A_276 = arith.constant 5 : i32
      %broadcast_in_dim3A_277 = vector.broadcast %broadcast_in_dim3A_276 : i32 to vector<16xi32>
      %broadcast_in_dim3A_278 = vector.shape_cast %broadcast_in_dim3A_277 : vector<16xi32> to vector<16x1xi32>
      %gather3A_279 = vector.shape_cast %broadcast_in_dim3A_278 : vector<16x1xi32> to vector<16xi32>
      %gather3A_280 = tpu.dynamic_gather %select_n3A_196[%gather3A_279] in [0] : vector<16xf32>, vector<16xi32> -> vector<16xf32>
      %get3A_281 = arith.index_cast %scan3A_181 : i32 to index
      %get3A_282 = arith.constant 80 : index
      %get3A_283 = tpu.vector_load %arg20[%get3A_281, %get3A_282] {strides = array<i32>} : memref<64x128xf32, #tpu.memory_space<vmem>>, vector<1x16xf32>,
      %get3A_284 = vector.shape_cast %get3A_283 : vector<1x16xf32> to vector<16xf32>
      %mul3A_285 = arith.mulf %gather3A_280, %get3A_284 : vector<16xf32>
      %swap3A_286 = arith.index_cast %scan3A_181 : i32 to index
      %swap3A_287 = arith.constant 80 : index
      %swap3A_288 = tpu.vector_load %arg28[%swap3A_286, %swap3A_287] {strides = array<i32>} : memref<64x128xf32, #tpu.memory_space<vmem>>, vector<1x16xf32>,
      %swap3A_289 = vector.shape_cast %swap3A_288 : vector<1x16xf32> to vector<16xf32>
      %swap3A_290 = vector.shape_cast %mul3A_285 : vector<16xf32> to vector<1x16xf32>
      tpu.vector_store %arg28[%swap3A_286, %swap3A_287], %swap3A_290 {strides = array<i32>} : memref<64x128xf32, #tpu.memory_space<vmem>>, vector<1x16xf32>,
      %broadcast_in_dim3A_291 = arith.constant 6 : i32
      %broadcast_in_dim3A_292 = vector.broadcast %broadcast_in_dim3A_291 : i32 to vector<16xi32>
      %broadcast_in_dim3A_293 = vector.shape_cast %broadcast_in_dim3A_292 : vector<16xi32> to vector<16x1xi32>
      %gather3A_294 = vector.shape_cast %broadcast_in_dim3A_293 : vector<16x1xi32> to vector<16xi32>
      %gather3A_295 = tpu.dynamic_gather %select_n3A_196[%gather3A_294] in [0] : vector<16xf32>, vector<16xi32> -> vector<16xf32>
      %get3A_296 = arith.index_cast %scan3A_181 : i32 to index
      %get3A_297 = arith.constant 96 : index
      %get3A_298 = tpu.vector_load %arg20[%get3A_296, %get3A_297] {strides = array<i32>} : memref<64x128xf32, #tpu.memory_space<vmem>>, vector<1x16xf32>,
      %get3A_299 = vector.shape_cast %get3A_298 : vector<1x16xf32> to vector<16xf32>
      %mul3A_300 = arith.mulf %gather3A_295, %get3A_299 : vector<16xf32>
      %swap3A_301 = arith.index_cast %scan3A_181 : i32 to index
      %swap3A_302 = arith.constant 96 : index
      %swap3A_303 = tpu.vector_load %arg28[%swap3A_301, %swap3A_302] {strides = array<i32>} : memref<64x128xf32, #tpu.memory_space<vmem>>, vector<1x16xf32>,
      %swap3A_304 = vector.shape_cast %swap3A_303 : vector<1x16xf32> to vector<16xf32>
      %swap3A_305 = vector.shape_cast %mul3A_300 : vector<16xf32> to vector<1x16xf32>
      tpu.vector_store %arg28[%swap3A_301, %swap3A_302], %swap3A_305 {strides = array<i32>} : memref<64x128xf32, #tpu.memory_space<vmem>>, vector<1x16xf32>,
      %broadcast_in_dim3A_306 = arith.constant 7 : i32
      %broadcast_in_dim3A_307 = vector.broadcast %broadcast_in_dim3A_306 : i32 to vector<16xi32>
      %broadcast_in_dim3A_308 = vector.shape_cast %broadcast_in_dim3A_307 : vector<16xi32> to vector<16x1xi32>
      %gather3A_309 = vector.shape_cast %broadcast_in_dim3A_308 : vector<16x1xi32> to vector<16xi32>
      %gather3A_310 = tpu.dynamic_gather %select_n3A_196[%gather3A_309] in [0] : vector<16xf32>, vector<16xi32> -> vector<16xf32>
      %get3A_311 = arith.index_cast %scan3A_181 : i32 to index
      %get3A_312 = arith.constant 112 : index
      %get3A_313 = tpu.vector_load %arg20[%get3A_311, %get3A_312] {strides = array<i32>} : memref<64x128xf32, #tpu.memory_space<vmem>>, vector<1x16xf32>,
      %get3A_314 = vector.shape_cast %get3A_313 : vector<1x16xf32> to vector<16xf32>
      %mul3A_315 = arith.mulf %gather3A_310, %get3A_314 : vector<16xf32>
      %swap3A_316 = arith.index_cast %scan3A_181 : i32 to index
      %swap3A_317 = arith.constant 112 : index
      %swap3A_318 = tpu.vector_load %arg28[%swap3A_316, %swap3A_317] {strides = array<i32>} : memref<64x128xf32, #tpu.memory_space<vmem>>, vector<1x16xf32>,
      %swap3A_319 = vector.shape_cast %swap3A_318 : vector<1x16xf32> to vector<16xf32>
      %swap3A_320 = vector.shape_cast %mul3A_315 : vector<16xf32> to vector<1x16xf32>
      tpu.vector_store %arg28[%swap3A_316, %swap3A_317], %swap3A_320 {strides = array<i32>} : memref<64x128xf32, #tpu.memory_space<vmem>>, vector<1x16xf32>,
    }
    %scan3A_98 = arith.constant 64 : i32
    %get3A_99 = arith.constant 0 : index
    %get3A_100 = tpu.vector_load %arg16[%get3A_99] {strides = array<i32>} : memref<64xi32, #tpu.memory_space<vmem>>, vector<16xi32>,
    %get3A_101 = vector.shape_cast %get3A_100 : vector<16xi32> to vector<16xi32>
    %swap3A_102 = arith.constant 0 : index
    %swap3A_103 = tpu.vector_load %arg18[%swap3A_102] {strides = array<i32>} : memref<64xi32, #tpu.memory_space<vmem>>, vector<16xi32>,
    %swap3A_104 = vector.shape_cast %swap3A_103 : vector<16xi32> to vector<16xi32>
    %swap3A_105 = vector.shape_cast %get3A_101 : vector<16xi32> to vector<16xi32>
    tpu.vector_store %arg18[%swap3A_102], %swap3A_105 {strides = array<i32>} : memref<64xi32, #tpu.memory_space<vmem>>, vector<16xi32>,
    %get3A_106 = arith.constant 16 : index
    %get3A_107 = tpu.vector_load %arg16[%get3A_106] {strides = array<i32>} : memref<64xi32, #tpu.memory_space<vmem>>, vector<16xi32>,
    %get3A_108 = vector.shape_cast %get3A_107 : vector<16xi32> to vector<16xi32>
    %swap3A_109 = arith.constant 16 : index
    %swap3A_110 = tpu.vector_load %arg18[%swap3A_109] {strides = array<i32>} : memref<64xi32, #tpu.memory_space<vmem>>, vector<16xi32>,
    %swap3A_111 = vector.shape_cast %swap3A_110 : vector<16xi32> to vector<16xi32>
    %swap3A_112 = vector.shape_cast %get3A_108 : vector<16xi32> to vector<16xi32>
    tpu.vector_store %arg18[%swap3A_109], %swap3A_112 {strides = array<i32>} : memref<64xi32, #tpu.memory_space<vmem>>, vector<16xi32>,
    %get3A_113 = arith.constant 32 : index
    %get3A_114 = tpu.vector_load %arg16[%get3A_113] {strides = array<i32>} : memref<64xi32, #tpu.memory_space<vmem>>, vector<16xi32>,
    %get3A_115 = vector.shape_cast %get3A_114 : vector<16xi32> to vector<16xi32>
    %swap3A_116 = arith.constant 32 : index
    %swap3A_117 = tpu.vector_load %arg18[%swap3A_116] {strides = array<i32>} : memref<64xi32, #tpu.memory_space<vmem>>, vector<16xi32>,
    %swap3A_118 = vector.shape_cast %swap3A_117 : vector<16xi32> to vector<16xi32>
    %swap3A_119 = vector.shape_cast %get3A_115 : vector<16xi32> to vector<16xi32>
    tpu.vector_store %arg18[%swap3A_116], %swap3A_119 {strides = array<i32>} : memref<64xi32, #tpu.memory_space<vmem>>, vector<16xi32>,
    %get3A_120 = arith.constant 48 : index
    %get3A_121 = tpu.vector_load %arg16[%get3A_120] {strides = array<i32>} : memref<64xi32, #tpu.memory_space<vmem>>, vector<16xi32>,
    %get3A_122 = vector.shape_cast %get3A_121 : vector<16xi32> to vector<16xi32>
    %swap3A_123 = arith.constant 48 : index
    %swap3A_124 = tpu.vector_load %arg18[%swap3A_123] {strides = array<i32>} : memref<64xi32, #tpu.memory_space<vmem>>, vector<16xi32>,
    %swap3A_125 = vector.shape_cast %swap3A_124 : vector<16xi32> to vector<16xi32>
    %swap3A_126 = vector.shape_cast %get3A_122 : vector<16xi32> to vector<16xi32>
    tpu.vector_store %arg18[%swap3A_123], %swap3A_126 {strides = array<i32>} : memref<64xi32, #tpu.memory_space<vmem>>, vector<16xi32>,
    %dma_start3A_127 = arith.constant 0 : i32
    %dma_start3A_128 = arith.constant 0 : i32
    %dma_start3A_129 = tpu.memref_slice %arg11[%dma_start3A_127, %dma_start3A_128] : memref<10016x128xf32, #tpu.memory_space<vmem_shared>> -> memref<10016x128xf32, #tpu.memory_space<vmem_shared>>
    tpu.enqueue_indirect_dma source(%arg28 : memref<64x128xf32, #tpu.memory_space<vmem>>) target(%dma_start3A_129 : memref<10016x128xf32, #tpu.memory_space<vmem_shared>>) offsets(%arg18 : memref<64xi32, #tpu.memory_space<vmem>>) semaphore(%arg32 : memref<!tpu.dma_semaphore, #tpu.memory_space<semaphore_mem>>) {add = true}
    %dma_start3A_130 = arith.constant 0 : i32
    %dma_start3A_131 = arith.constant 0 : i32
    %dma_start3A_132 = tpu.memref_slice %arg12[%dma_start3A_130, %dma_start3A_131] : memref<10016x16xf32, #tpu.memory_space<vmem_shared>> -> memref<10016x16xf32, #tpu.memory_space<vmem_shared>>
    tpu.enqueue_indirect_dma source(%arg26 : memref<64x16xf32, #tpu.memory_space<vmem>>) target(%dma_start3A_132 : memref<10016x16xf32, #tpu.memory_space<vmem_shared>>) offsets(%arg18 : memref<64xi32, #tpu.memory_space<vmem>>) semaphore(%arg32 : memref<!tpu.dma_semaphore, #tpu.memory_space<semaphore_mem>>) {add = true}
    %add3A_133 = arith.constant 192 : i32
    %add3A_134 = arith.addi %mul3A_6, %add3A_133 : i32
    "tpu.region"() ({
      %run_scoped3A = tpu.sem_alloc : memref<!tpu.dma_semaphore, #tpu.memory_space<semaphore_mem>>
      %dma_start3A_181 = tpu.memref_slice %arg5[%add3A_134] : memref<323712xi32, #tpu.memory_space<hbm>> -> memref<64xi32, #tpu.memory_space<hbm>>
      %dma_start3A_182 = tpu.memref_slice %arg5[%add3A_134] : memref<323712xi32, #tpu.memory_space<hbm>> -> memref<64xi32, #tpu.memory_space<hbm>>
      tpu.enqueue_dma source(%dma_start3A_182 : memref<64xi32, #tpu.memory_space<hbm>>) target(%arg14 : memref<64xi32, #tpu.memory_space<vmem>>) target_semaphore(%run_scoped3A : memref<!tpu.dma_semaphore, #tpu.memory_space<semaphore_mem>>)
      %dma_wait3A_183 = tpu.memref_slice %arg5[%add3A_134] : memref<323712xi32, #tpu.memory_space<hbm>> -> memref<64xi32, #tpu.memory_space<hbm>>
      %dma_wait3A_184 = tpu.memref_slice %arg5[%add3A_134] : memref<323712xi32, #tpu.memory_space<hbm>> -> memref<64xi32, #tpu.memory_space<hbm>>
      tpu.wait_dma2 semaphore(%run_scoped3A : memref<!tpu.dma_semaphore, #tpu.memory_space<semaphore_mem>>) src(%dma_wait3A_184 : memref<64xi32, #tpu.memory_space<hbm>>) dst(%arg14 : memref<64xi32, #tpu.memory_space<vmem>>)
      tpu.yield
    }) : () -> ()
    "tpu.region"() ({
      %run_scoped3A = tpu.sem_alloc : memref<!tpu.dma_semaphore, #tpu.memory_space<semaphore_mem>>
      %dma_start3A_181 = tpu.memref_slice %arg6[%add3A_134] : memref<323712xi32, #tpu.memory_space<hbm>> -> memref<64xi32, #tpu.memory_space<hbm>>
      %dma_start3A_182 = tpu.memref_slice %arg6[%add3A_134] : memref<323712xi32, #tpu.memory_space<hbm>> -> memref<64xi32, #tpu.memory_space<hbm>>
      tpu.enqueue_dma source(%dma_start3A_182 : memref<64xi32, #tpu.memory_space<hbm>>) target(%arg16 : memref<64xi32, #tpu.memory_space<vmem>>) target_semaphore(%run_scoped3A : memref<!tpu.dma_semaphore, #tpu.memory_space<semaphore_mem>>)
      %dma_wait3A_183 = tpu.memref_slice %arg6[%add3A_134] : memref<323712xi32, #tpu.memory_space<hbm>> -> memref<64xi32, #tpu.memory_space<hbm>>
      %dma_wait3A_184 = tpu.memref_slice %arg6[%add3A_134] : memref<323712xi32, #tpu.memory_space<hbm>> -> memref<64xi32, #tpu.memory_space<hbm>>
      tpu.wait_dma2 semaphore(%run_scoped3A : memref<!tpu.dma_semaphore, #tpu.memory_space<semaphore_mem>>) src(%dma_wait3A_184 : memref<64xi32, #tpu.memory_space<hbm>>) dst(%arg16 : memref<64xi32, #tpu.memory_space<vmem>>)
      tpu.yield
    }) : () -> ()
    %dma_start3A_135 = arith.constant 0 : i32
    %dma_start3A_136 = arith.constant 0 : i32
    %dma_start3A_137 = tpu.memref_slice %arg2[%dma_start3A_135, %dma_start3A_136] : memref<10016x128xf32, #tpu.memory_space<hbm>> -> memref<10016x128xf32, #tpu.memory_space<hbm>>
    tpu.enqueue_indirect_dma source(%dma_start3A_137 : memref<10016x128xf32, #tpu.memory_space<hbm>>) target(%arg20 : memref<64x128xf32, #tpu.memory_space<vmem>>) offsets(%arg14 : memref<64xi32, #tpu.memory_space<vmem>>) semaphore(%arg30 : memref<!tpu.dma_semaphore, #tpu.memory_space<semaphore_mem>>)
    %dma_start3A_138 = arith.constant 0 : i32
    %dma_start3A_139 = arith.constant 0 : i32
    %dma_start3A_140 = tpu.memref_slice %arg3[%dma_start3A_138, %dma_start3A_139] : memref<10016x16xf32, #tpu.memory_space<hbm>> -> memref<10016x16xf32, #tpu.memory_space<hbm>>
    tpu.enqueue_indirect_dma source(%dma_start3A_140 : memref<10016x16xf32, #tpu.memory_space<hbm>>) target(%arg22 : memref<64x16xf32, #tpu.memory_space<vmem>>) offsets(%arg14 : memref<64xi32, #tpu.memory_space<vmem>>) semaphore(%arg30 : memref<!tpu.dma_semaphore, #tpu.memory_space<semaphore_mem>>)
    %dma_start3A_141 = arith.constant 0 : i32
    %dma_start3A_142 = arith.constant 0 : i32
    %dma_start3A_143 = tpu.memref_slice %arg4[%dma_start3A_141, %dma_start3A_142] : memref<10016x16xf32, #tpu.memory_space<hbm>> -> memref<10016x16xf32, #tpu.memory_space<hbm>>
    tpu.enqueue_indirect_dma source(%dma_start3A_143 : memref<10016x16xf32, #tpu.memory_space<hbm>>) target(%arg24 : memref<64x16xf32, #tpu.memory_space<vmem>>) offsets(%arg16 : memref<64xi32, #tpu.memory_space<vmem>>) semaphore(%arg30 : memref<!tpu.dma_semaphore, #tpu.memory_space<semaphore_mem>>)
    %scan3A_144 = arith.constant 0 : i32
    %scan3A_145 = arith.constant 1 : i32
    %scan3A_146 = arith.constant 78 : i32
    %scan3A_147 = arith.addi %scan3A_145, %scan3A_146 : i32
    %scan3A_148 = arith.constant 1 : i32
    scf.for %scan3A_181 = %scan3A_145 to %scan3A_147 step %scan3A_148  : i32 {
      %mul3A_182 = arith.constant 2 : i32
      %mul3A_183 = arith.muli %scan3A_181, %mul3A_182 : i32
      %add3A_184 = arith.constant 0 : i32
      %add3A_185 = arith.addi %mul3A_183, %add3A_184 : i32
      %dma_wait3A_186 = arith.constant 0 : i32
      %dma_wait3A_187 = arith.constant 0 : i32
      %dma_wait3A_188 = tpu.memref_slice %arg2[%dma_wait3A_186, %dma_wait3A_187] : memref<10016x128xf32, #tpu.memory_space<hbm>> -> memref<10016x128xf32, #tpu.memory_space<hbm>>
      tpu.wait_indirect_dma semaphore(%arg29 : memref<!tpu.dma_semaphore, #tpu.memory_space<semaphore_mem>>) src(%dma_wait3A_188 : memref<10016x128xf32, #tpu.memory_space<hbm>>) dst(%arg19 : memref<64x128xf32, #tpu.memory_space<vmem>>)
      %dma_wait3A_189 = arith.constant 0 : i32
      %dma_wait3A_190 = arith.constant 0 : i32
      %dma_wait3A_191 = tpu.memref_slice %arg3[%dma_wait3A_189, %dma_wait3A_190] : memref<10016x16xf32, #tpu.memory_space<hbm>> -> memref<10016x16xf32, #tpu.memory_space<hbm>>
      tpu.wait_indirect_dma semaphore(%arg29 : memref<!tpu.dma_semaphore, #tpu.memory_space<semaphore_mem>>) src(%dma_wait3A_191 : memref<10016x16xf32, #tpu.memory_space<hbm>>) dst(%arg21 : memref<64x16xf32, #tpu.memory_space<vmem>>)
      %dma_wait3A_192 = arith.constant 0 : i32
      %dma_wait3A_193 = arith.constant 0 : i32
      %dma_wait3A_194 = tpu.memref_slice %arg4[%dma_wait3A_192, %dma_wait3A_193] : memref<10016x16xf32, #tpu.memory_space<hbm>> -> memref<10016x16xf32, #tpu.memory_space<hbm>>
      tpu.wait_indirect_dma semaphore(%arg29 : memref<!tpu.dma_semaphore, #tpu.memory_space<semaphore_mem>>) src(%dma_wait3A_194 : memref<10016x16xf32, #tpu.memory_space<hbm>>) dst(%arg23 : memref<64x16xf32, #tpu.memory_space<vmem>>)
      %dma_wait3A_195 = arith.constant 0 : i32
      %dma_wait3A_196 = arith.constant 0 : i32
      %dma_wait3A_197 = tpu.memref_slice %arg11[%dma_wait3A_195, %dma_wait3A_196] : memref<10016x128xf32, #tpu.memory_space<vmem_shared>> -> memref<10016x128xf32, #tpu.memory_space<vmem_shared>>
      tpu.wait_indirect_dma semaphore(%arg31 : memref<!tpu.dma_semaphore, #tpu.memory_space<semaphore_mem>>) src(%arg27 : memref<64x128xf32, #tpu.memory_space<vmem>>) dst(%dma_wait3A_197 : memref<10016x128xf32, #tpu.memory_space<vmem_shared>>)
      %dma_wait3A_198 = arith.constant 0 : i32
      %dma_wait3A_199 = arith.constant 0 : i32
      %dma_wait3A_200 = tpu.memref_slice %arg12[%dma_wait3A_198, %dma_wait3A_199] : memref<10016x16xf32, #tpu.memory_space<vmem_shared>> -> memref<10016x16xf32, #tpu.memory_space<vmem_shared>>
      tpu.wait_indirect_dma semaphore(%arg31 : memref<!tpu.dma_semaphore, #tpu.memory_space<semaphore_mem>>) src(%arg25 : memref<64x16xf32, #tpu.memory_space<vmem>>) dst(%dma_wait3A_200 : memref<10016x16xf32, #tpu.memory_space<vmem_shared>>)
      %scan3A_201 = arith.constant 0 : i32
      %scan3A_202 = arith.constant 0 : i32
      %scan3A_203 = arith.constant 64 : i32
      %scan3A_204 = arith.addi %scan3A_202, %scan3A_203 : i32
      %scan3A_205 = arith.constant 1 : i32
      scf.for %scan3A_326 = %scan3A_202 to %scan3A_204 step %scan3A_205  : i32 {
        %get3A_327 = arith.index_cast %scan3A_326 : i32 to index
        %get3A_328 = arith.constant 0 : index
        %get3A_329 = tpu.vector_load %arg21[%get3A_327, %get3A_328] {strides = array<i32>} : memref<64x16xf32, #tpu.memory_space<vmem>>, vector<1x16xf32>,
        %get3A_330 = vector.shape_cast %get3A_329 : vector<1x16xf32> to vector<16xf32>
        %get3A_331 = arith.index_cast %scan3A_326 : i32 to index
        %get3A_332 = arith.constant 0 : index
        %get3A_333 = tpu.vector_load %arg23[%get3A_331, %get3A_332] {strides = array<i32>} : memref<64x16xf32, #tpu.memory_space<vmem>>, vector<1x16xf32>,
        %get3A_334 = vector.shape_cast %get3A_333 : vector<1x16xf32> to vector<16xf32>
        %add3A_335 = arith.addf %get3A_330, %get3A_334 : vector<16xf32>
        %gt3A = arith.constant 0.000000e+00 : f32
        %gt3A_336 = vector.broadcast %gt3A : f32 to vector<16xf32>
        %gt3A_337 = arith.cmpf ogt, %add3A_335, %gt3A_336 : vector<16xf32>
        %mul3A_338 = arith.constant 2.000000e-01 : f32
        %mul3A_339 = vector.broadcast %mul3A_338 : f32 to vector<16xf32>
        %mul3A_340 = arith.mulf %add3A_335, %mul3A_339 : vector<16xf32>
        %select_n3A = arith.select %gt3A_337, %add3A_335, %mul3A_340 : vector<16xi1>, vector<16xf32>
        %exp3A = math.exp %select_n3A : vector<16xf32>
        %jit3A = arith.constant 0.000000e+00 : f32
        %broadcast_in_dim3A = vector.broadcast %jit3A : f32 to vector<16xf32>
        %select_n3A_341 = arith.select %lt3A_4, %exp3A, %broadcast_in_dim3A : vector<16xi1>, vector<16xf32>
        %swap3A_342 = arith.index_cast %scan3A_326 : i32 to index
        %swap3A_343 = arith.constant 0 : index
        %swap3A_344 = tpu.vector_load %arg25[%swap3A_342, %swap3A_343] {strides = array<i32>} : memref<64x16xf32, #tpu.memory_space<vmem>>, vector<1x16xf32>,
        %swap3A_345 = vector.shape_cast %swap3A_344 : vector<1x16xf32> to vector<16xf32>
        %swap3A_346 = vector.shape_cast %select_n3A_341 : vector<16xf32> to vector<1x16xf32>
        tpu.vector_store %arg25[%swap3A_342, %swap3A_343], %swap3A_346 {strides = array<i32>} : memref<64x16xf32, #tpu.memory_space<vmem>>, vector<1x16xf32>,
        %broadcast_in_dim3A_347 = arith.constant 0 : i32
        %broadcast_in_dim3A_348 = vector.broadcast %broadcast_in_dim3A_347 : i32 to vector<16xi32>
        %broadcast_in_dim3A_349 = vector.shape_cast %broadcast_in_dim3A_348 : vector<16xi32> to vector<16x1xi32>
        %gather3A = vector.shape_cast %broadcast_in_dim3A_349 : vector<16x1xi32> to vector<16xi32>
        %gather3A_350 = tpu.dynamic_gather %select_n3A_341[%gather3A] in [0] : vector<16xf32>, vector<16xi32> -> vector<16xf32>
        %get3A_351 = arith.index_cast %scan3A_326 : i32 to index
        %get3A_352 = arith.constant 0 : index
        %get3A_353 = tpu.vector_load %arg19[%get3A_351, %get3A_352] {strides = array<i32>} : memref<64x128xf32, #tpu.memory_space<vmem>>, vector<1x16xf32>,
        %get3A_354 = vector.shape_cast %get3A_353 : vector<1x16xf32> to vector<16xf32>
        %mul3A_355 = arith.mulf %gather3A_350, %get3A_354 : vector<16xf32>
        %swap3A_356 = arith.index_cast %scan3A_326 : i32 to index
        %swap3A_357 = arith.constant 0 : index
        %swap3A_358 = tpu.vector_load %arg27[%swap3A_356, %swap3A_357] {strides = array<i32>} : memref<64x128xf32, #tpu.memory_space<vmem>>, vector<1x16xf32>,
        %swap3A_359 = vector.shape_cast %swap3A_358 : vector<1x16xf32> to vector<16xf32>
        %swap3A_360 = vector.shape_cast %mul3A_355 : vector<16xf32> to vector<1x16xf32>
        tpu.vector_store %arg27[%swap3A_356, %swap3A_357], %swap3A_360 {strides = array<i32>} : memref<64x128xf32, #tpu.memory_space<vmem>>, vector<1x16xf32>,
        %broadcast_in_dim3A_361 = arith.constant 1 : i32
        %broadcast_in_dim3A_362 = vector.broadcast %broadcast_in_dim3A_361 : i32 to vector<16xi32>
        %broadcast_in_dim3A_363 = vector.shape_cast %broadcast_in_dim3A_362 : vector<16xi32> to vector<16x1xi32>
        %gather3A_364 = vector.shape_cast %broadcast_in_dim3A_363 : vector<16x1xi32> to vector<16xi32>
        %gather3A_365 = tpu.dynamic_gather %select_n3A_341[%gather3A_364] in [0] : vector<16xf32>, vector<16xi32> -> vector<16xf32>
        %get3A_366 = arith.index_cast %scan3A_326 : i32 to index
        %get3A_367 = arith.constant 16 : index
        %get3A_368 = tpu.vector_load %arg19[%get3A_366, %get3A_367] {strides = array<i32>} : memref<64x128xf32, #tpu.memory_space<vmem>>, vector<1x16xf32>,
        %get3A_369 = vector.shape_cast %get3A_368 : vector<1x16xf32> to vector<16xf32>
        %mul3A_370 = arith.mulf %gather3A_365, %get3A_369 : vector<16xf32>
        %swap3A_371 = arith.index_cast %scan3A_326 : i32 to index
        %swap3A_372 = arith.constant 16 : index
        %swap3A_373 = tpu.vector_load %arg27[%swap3A_371, %swap3A_372] {strides = array<i32>} : memref<64x128xf32, #tpu.memory_space<vmem>>, vector<1x16xf32>,
        %swap3A_374 = vector.shape_cast %swap3A_373 : vector<1x16xf32> to vector<16xf32>
        %swap3A_375 = vector.shape_cast %mul3A_370 : vector<16xf32> to vector<1x16xf32>
        tpu.vector_store %arg27[%swap3A_371, %swap3A_372], %swap3A_375 {strides = array<i32>} : memref<64x128xf32, #tpu.memory_space<vmem>>, vector<1x16xf32>,
        %broadcast_in_dim3A_376 = arith.constant 2 : i32
        %broadcast_in_dim3A_377 = vector.broadcast %broadcast_in_dim3A_376 : i32 to vector<16xi32>
        %broadcast_in_dim3A_378 = vector.shape_cast %broadcast_in_dim3A_377 : vector<16xi32> to vector<16x1xi32>
        %gather3A_379 = vector.shape_cast %broadcast_in_dim3A_378 : vector<16x1xi32> to vector<16xi32>
        %gather3A_380 = tpu.dynamic_gather %select_n3A_341[%gather3A_379] in [0] : vector<16xf32>, vector<16xi32> -> vector<16xf32>
        %get3A_381 = arith.index_cast %scan3A_326 : i32 to index
        %get3A_382 = arith.constant 32 : index
        %get3A_383 = tpu.vector_load %arg19[%get3A_381, %get3A_382] {strides = array<i32>} : memref<64x128xf32, #tpu.memory_space<vmem>>, vector<1x16xf32>,
        %get3A_384 = vector.shape_cast %get3A_383 : vector<1x16xf32> to vector<16xf32>
        %mul3A_385 = arith.mulf %gather3A_380, %get3A_384 : vector<16xf32>
        %swap3A_386 = arith.index_cast %scan3A_326 : i32 to index
        %swap3A_387 = arith.constant 32 : index
        %swap3A_388 = tpu.vector_load %arg27[%swap3A_386, %swap3A_387] {strides = array<i32>} : memref<64x128xf32, #tpu.memory_space<vmem>>, vector<1x16xf32>,
        %swap3A_389 = vector.shape_cast %swap3A_388 : vector<1x16xf32> to vector<16xf32>
        %swap3A_390 = vector.shape_cast %mul3A_385 : vector<16xf32> to vector<1x16xf32>
        tpu.vector_store %arg27[%swap3A_386, %swap3A_387], %swap3A_390 {strides = array<i32>} : memref<64x128xf32, #tpu.memory_space<vmem>>, vector<1x16xf32>,
        %broadcast_in_dim3A_391 = arith.constant 3 : i32
        %broadcast_in_dim3A_392 = vector.broadcast %broadcast_in_dim3A_391 : i32 to vector<16xi32>
        %broadcast_in_dim3A_393 = vector.shape_cast %broadcast_in_dim3A_392 : vector<16xi32> to vector<16x1xi32>
        %gather3A_394 = vector.shape_cast %broadcast_in_dim3A_393 : vector<16x1xi32> to vector<16xi32>
        %gather3A_395 = tpu.dynamic_gather %select_n3A_341[%gather3A_394] in [0] : vector<16xf32>, vector<16xi32> -> vector<16xf32>
        %get3A_396 = arith.index_cast %scan3A_326 : i32 to index
        %get3A_397 = arith.constant 48 : index
        %get3A_398 = tpu.vector_load %arg19[%get3A_396, %get3A_397] {strides = array<i32>} : memref<64x128xf32, #tpu.memory_space<vmem>>, vector<1x16xf32>,
        %get3A_399 = vector.shape_cast %get3A_398 : vector<1x16xf32> to vector<16xf32>
        %mul3A_400 = arith.mulf %gather3A_395, %get3A_399 : vector<16xf32>
        %swap3A_401 = arith.index_cast %scan3A_326 : i32 to index
        %swap3A_402 = arith.constant 48 : index
        %swap3A_403 = tpu.vector_load %arg27[%swap3A_401, %swap3A_402] {strides = array<i32>} : memref<64x128xf32, #tpu.memory_space<vmem>>, vector<1x16xf32>,
        %swap3A_404 = vector.shape_cast %swap3A_403 : vector<1x16xf32> to vector<16xf32>
        %swap3A_405 = vector.shape_cast %mul3A_400 : vector<16xf32> to vector<1x16xf32>
        tpu.vector_store %arg27[%swap3A_401, %swap3A_402], %swap3A_405 {strides = array<i32>} : memref<64x128xf32, #tpu.memory_space<vmem>>, vector<1x16xf32>,
        %broadcast_in_dim3A_406 = arith.constant 4 : i32
        %broadcast_in_dim3A_407 = vector.broadcast %broadcast_in_dim3A_406 : i32 to vector<16xi32>
        %broadcast_in_dim3A_408 = vector.shape_cast %broadcast_in_dim3A_407 : vector<16xi32> to vector<16x1xi32>
        %gather3A_409 = vector.shape_cast %broadcast_in_dim3A_408 : vector<16x1xi32> to vector<16xi32>
        %gather3A_410 = tpu.dynamic_gather %select_n3A_341[%gather3A_409] in [0] : vector<16xf32>, vector<16xi32> -> vector<16xf32>
        %get3A_411 = arith.index_cast %scan3A_326 : i32 to index
        %get3A_412 = arith.constant 64 : index
        %get3A_413 = tpu.vector_load %arg19[%get3A_411, %get3A_412] {strides = array<i32>} : memref<64x128xf32, #tpu.memory_space<vmem>>, vector<1x16xf32>,
        %get3A_414 = vector.shape_cast %get3A_413 : vector<1x16xf32> to vector<16xf32>
        %mul3A_415 = arith.mulf %gather3A_410, %get3A_414 : vector<16xf32>
        %swap3A_416 = arith.index_cast %scan3A_326 : i32 to index
        %swap3A_417 = arith.constant 64 : index
        %swap3A_418 = tpu.vector_load %arg27[%swap3A_416, %swap3A_417] {strides = array<i32>} : memref<64x128xf32, #tpu.memory_space<vmem>>, vector<1x16xf32>,
        %swap3A_419 = vector.shape_cast %swap3A_418 : vector<1x16xf32> to vector<16xf32>
        %swap3A_420 = vector.shape_cast %mul3A_415 : vector<16xf32> to vector<1x16xf32>
        tpu.vector_store %arg27[%swap3A_416, %swap3A_417], %swap3A_420 {strides = array<i32>} : memref<64x128xf32, #tpu.memory_space<vmem>>, vector<1x16xf32>,
        %broadcast_in_dim3A_421 = arith.constant 5 : i32
        %broadcast_in_dim3A_422 = vector.broadcast %broadcast_in_dim3A_421 : i32 to vector<16xi32>
        %broadcast_in_dim3A_423 = vector.shape_cast %broadcast_in_dim3A_422 : vector<16xi32> to vector<16x1xi32>
        %gather3A_424 = vector.shape_cast %broadcast_in_dim3A_423 : vector<16x1xi32> to vector<16xi32>
        %gather3A_425 = tpu.dynamic_gather %select_n3A_341[%gather3A_424] in [0] : vector<16xf32>, vector<16xi32> -> vector<16xf32>
        %get3A_426 = arith.index_cast %scan3A_326 : i32 to index
        %get3A_427 = arith.constant 80 : index
        %get3A_428 = tpu.vector_load %arg19[%get3A_426, %get3A_427] {strides = array<i32>} : memref<64x128xf32, #tpu.memory_space<vmem>>, vector<1x16xf32>,
        %get3A_429 = vector.shape_cast %get3A_428 : vector<1x16xf32> to vector<16xf32>
        %mul3A_430 = arith.mulf %gather3A_425, %get3A_429 : vector<16xf32>
        %swap3A_431 = arith.index_cast %scan3A_326 : i32 to index
        %swap3A_432 = arith.constant 80 : index
        %swap3A_433 = tpu.vector_load %arg27[%swap3A_431, %swap3A_432] {strides = array<i32>} : memref<64x128xf32, #tpu.memory_space<vmem>>, vector<1x16xf32>,
        %swap3A_434 = vector.shape_cast %swap3A_433 : vector<1x16xf32> to vector<16xf32>
        %swap3A_435 = vector.shape_cast %mul3A_430 : vector<16xf32> to vector<1x16xf32>
        tpu.vector_store %arg27[%swap3A_431, %swap3A_432], %swap3A_435 {strides = array<i32>} : memref<64x128xf32, #tpu.memory_space<vmem>>, vector<1x16xf32>,
        %broadcast_in_dim3A_436 = arith.constant 6 : i32
        %broadcast_in_dim3A_437 = vector.broadcast %broadcast_in_dim3A_436 : i32 to vector<16xi32>
        %broadcast_in_dim3A_438 = vector.shape_cast %broadcast_in_dim3A_437 : vector<16xi32> to vector<16x1xi32>
        %gather3A_439 = vector.shape_cast %broadcast_in_dim3A_438 : vector<16x1xi32> to vector<16xi32>
        %gather3A_440 = tpu.dynamic_gather %select_n3A_341[%gather3A_439] in [0] : vector<16xf32>, vector<16xi32> -> vector<16xf32>
        %get3A_441 = arith.index_cast %scan3A_326 : i32 to index
        %get3A_442 = arith.constant 96 : index
        %get3A_443 = tpu.vector_load %arg19[%get3A_441, %get3A_442] {strides = array<i32>} : memref<64x128xf32, #tpu.memory_space<vmem>>, vector<1x16xf32>,
        %get3A_444 = vector.shape_cast %get3A_443 : vector<1x16xf32> to vector<16xf32>
        %mul3A_445 = arith.mulf %gather3A_440, %get3A_444 : vector<16xf32>
        %swap3A_446 = arith.index_cast %scan3A_326 : i32 to index
        %swap3A_447 = arith.constant 96 : index
        %swap3A_448 = tpu.vector_load %arg27[%swap3A_446, %swap3A_447] {strides = array<i32>} : memref<64x128xf32, #tpu.memory_space<vmem>>, vector<1x16xf32>,
        %swap3A_449 = vector.shape_cast %swap3A_448 : vector<1x16xf32> to vector<16xf32>
        %swap3A_450 = vector.shape_cast %mul3A_445 : vector<16xf32> to vector<1x16xf32>
        tpu.vector_store %arg27[%swap3A_446, %swap3A_447], %swap3A_450 {strides = array<i32>} : memref<64x128xf32, #tpu.memory_space<vmem>>, vector<1x16xf32>,
        %broadcast_in_dim3A_451 = arith.constant 7 : i32
        %broadcast_in_dim3A_452 = vector.broadcast %broadcast_in_dim3A_451 : i32 to vector<16xi32>
        %broadcast_in_dim3A_453 = vector.shape_cast %broadcast_in_dim3A_452 : vector<16xi32> to vector<16x1xi32>
        %gather3A_454 = vector.shape_cast %broadcast_in_dim3A_453 : vector<16x1xi32> to vector<16xi32>
        %gather3A_455 = tpu.dynamic_gather %select_n3A_341[%gather3A_454] in [0] : vector<16xf32>, vector<16xi32> -> vector<16xf32>
        %get3A_456 = arith.index_cast %scan3A_326 : i32 to index
        %get3A_457 = arith.constant 112 : index
        %get3A_458 = tpu.vector_load %arg19[%get3A_456, %get3A_457] {strides = array<i32>} : memref<64x128xf32, #tpu.memory_space<vmem>>, vector<1x16xf32>,
        %get3A_459 = vector.shape_cast %get3A_458 : vector<1x16xf32> to vector<16xf32>
        %mul3A_460 = arith.mulf %gather3A_455, %get3A_459 : vector<16xf32>
        %swap3A_461 = arith.index_cast %scan3A_326 : i32 to index
        %swap3A_462 = arith.constant 112 : index
        %swap3A_463 = tpu.vector_load %arg27[%swap3A_461, %swap3A_462] {strides = array<i32>} : memref<64x128xf32, #tpu.memory_space<vmem>>, vector<1x16xf32>,
        %swap3A_464 = vector.shape_cast %swap3A_463 : vector<1x16xf32> to vector<16xf32>
        %swap3A_465 = vector.shape_cast %mul3A_460 : vector<16xf32> to vector<1x16xf32>
        tpu.vector_store %arg27[%swap3A_461, %swap3A_462], %swap3A_465 {strides = array<i32>} : memref<64x128xf32, #tpu.memory_space<vmem>>, vector<1x16xf32>,
      }
      %scan3A_206 = arith.constant 64 : i32
      %get3A_207 = arith.constant 0 : index
      %get3A_208 = tpu.vector_load %arg15[%get3A_207] {strides = array<i32>} : memref<64xi32, #tpu.memory_space<vmem>>, vector<16xi32>,
      %get3A_209 = vector.shape_cast %get3A_208 : vector<16xi32> to vector<16xi32>
      %swap3A_210 = arith.constant 0 : index
      %swap3A_211 = tpu.vector_load %arg17[%swap3A_210] {strides = array<i32>} : memref<64xi32, #tpu.memory_space<vmem>>, vector<16xi32>,
      %swap3A_212 = vector.shape_cast %swap3A_211 : vector<16xi32> to vector<16xi32>
      %swap3A_213 = vector.shape_cast %get3A_209 : vector<16xi32> to vector<16xi32>
      tpu.vector_store %arg17[%swap3A_210], %swap3A_213 {strides = array<i32>} : memref<64xi32, #tpu.memory_space<vmem>>, vector<16xi32>,
      %get3A_214 = arith.constant 16 : index
      %get3A_215 = tpu.vector_load %arg15[%get3A_214] {strides = array<i32>} : memref<64xi32, #tpu.memory_space<vmem>>, vector<16xi32>,
      %get3A_216 = vector.shape_cast %get3A_215 : vector<16xi32> to vector<16xi32>
      %swap3A_217 = arith.constant 16 : index
      %swap3A_218 = tpu.vector_load %arg17[%swap3A_217] {strides = array<i32>} : memref<64xi32, #tpu.memory_space<vmem>>, vector<16xi32>,
      %swap3A_219 = vector.shape_cast %swap3A_218 : vector<16xi32> to vector<16xi32>
      %swap3A_220 = vector.shape_cast %get3A_216 : vector<16xi32> to vector<16xi32>
      tpu.vector_store %arg17[%swap3A_217], %swap3A_220 {strides = array<i32>} : memref<64xi32, #tpu.memory_space<vmem>>, vector<16xi32>,
      %get3A_221 = arith.constant 32 : index
      %get3A_222 = tpu.vector_load %arg15[%get3A_221] {strides = array<i32>} : memref<64xi32, #tpu.memory_space<vmem>>, vector<16xi32>,
      %get3A_223 = vector.shape_cast %get3A_222 : vector<16xi32> to vector<16xi32>
      %swap3A_224 = arith.constant 32 : index
      %swap3A_225 = tpu.vector_load %arg17[%swap3A_224] {strides = array<i32>} : memref<64xi32, #tpu.memory_space<vmem>>, vector<16xi32>,
      %swap3A_226 = vector.shape_cast %swap3A_225 : vector<16xi32> to vector<16xi32>
      %swap3A_227 = vector.shape_cast %get3A_223 : vector<16xi32> to vector<16xi32>
      tpu.vector_store %arg17[%swap3A_224], %swap3A_227 {strides = array<i32>} : memref<64xi32, #tpu.memory_space<vmem>>, vector<16xi32>,
      %get3A_228 = arith.constant 48 : index
      %get3A_229 = tpu.vector_load %arg15[%get3A_228] {strides = array<i32>} : memref<64xi32, #tpu.memory_space<vmem>>, vector<16xi32>,
      %get3A_230 = vector.shape_cast %get3A_229 : vector<16xi32> to vector<16xi32>
      %swap3A_231 = arith.constant 48 : index
      %swap3A_232 = tpu.vector_load %arg17[%swap3A_231] {strides = array<i32>} : memref<64xi32, #tpu.memory_space<vmem>>, vector<16xi32>,
      %swap3A_233 = vector.shape_cast %swap3A_232 : vector<16xi32> to vector<16xi32>
      %swap3A_234 = vector.shape_cast %get3A_230 : vector<16xi32> to vector<16xi32>
      tpu.vector_store %arg17[%swap3A_231], %swap3A_234 {strides = array<i32>} : memref<64xi32, #tpu.memory_space<vmem>>, vector<16xi32>,
      %dma_start3A_235 = arith.constant 0 : i32
      %dma_start3A_236 = arith.constant 0 : i32
      %dma_start3A_237 = tpu.memref_slice %arg11[%dma_start3A_235, %dma_start3A_236] : memref<10016x128xf32, #tpu.memory_space<vmem_shared>> -> memref<10016x128xf32, #tpu.memory_space<vmem_shared>>
      tpu.enqueue_indirect_dma source(%arg27 : memref<64x128xf32, #tpu.memory_space<vmem>>) target(%dma_start3A_237 : memref<10016x128xf32, #tpu.memory_space<vmem_shared>>) offsets(%arg17 : memref<64xi32, #tpu.memory_space<vmem>>) semaphore(%arg31 : memref<!tpu.dma_semaphore, #tpu.memory_space<semaphore_mem>>) {add = true}
      %dma_start3A_238 = arith.constant 0 : i32
      %dma_start3A_239 = arith.constant 0 : i32
      %dma_start3A_240 = tpu.memref_slice %arg12[%dma_start3A_238, %dma_start3A_239] : memref<10016x16xf32, #tpu.memory_space<vmem_shared>> -> memref<10016x16xf32, #tpu.memory_space<vmem_shared>>
      tpu.enqueue_indirect_dma source(%arg25 : memref<64x16xf32, #tpu.memory_space<vmem>>) target(%dma_start3A_240 : memref<10016x16xf32, #tpu.memory_space<vmem_shared>>) offsets(%arg17 : memref<64xi32, #tpu.memory_space<vmem>>) semaphore(%arg31 : memref<!tpu.dma_semaphore, #tpu.memory_space<semaphore_mem>>) {add = true}
      %add3A_241 = arith.constant 2 : i32
      %add3A_242 = arith.addi %add3A_185, %add3A_241 : i32
      %mul3A_243 = arith.constant 64 : i32
      %mul3A_244 = arith.muli %add3A_242, %mul3A_243 : i32
      %add3A_245 = arith.addi %mul3A_6, %mul3A_244 : i32
      "tpu.region"() ({
        %run_scoped3A = tpu.sem_alloc : memref<!tpu.dma_semaphore, #tpu.memory_space<semaphore_mem>>
        %dma_start3A_326 = tpu.memref_slice %arg5[%add3A_245] : memref<323712xi32, #tpu.memory_space<hbm>> -> memref<64xi32, #tpu.memory_space<hbm>>
        %dma_start3A_327 = tpu.memref_slice %arg5[%add3A_245] : memref<323712xi32, #tpu.memory_space<hbm>> -> memref<64xi32, #tpu.memory_space<hbm>>
        tpu.enqueue_dma source(%dma_start3A_327 : memref<64xi32, #tpu.memory_space<hbm>>) target(%arg13 : memref<64xi32, #tpu.memory_space<vmem>>) target_semaphore(%run_scoped3A : memref<!tpu.dma_semaphore, #tpu.memory_space<semaphore_mem>>)
        %dma_wait3A_328 = tpu.memref_slice %arg5[%add3A_245] : memref<323712xi32, #tpu.memory_space<hbm>> -> memref<64xi32, #tpu.memory_space<hbm>>
        %dma_wait3A_329 = tpu.memref_slice %arg5[%add3A_245] : memref<323712xi32, #tpu.memory_space<hbm>> -> memref<64xi32, #tpu.memory_space<hbm>>
        tpu.wait_dma2 semaphore(%run_scoped3A : memref<!tpu.dma_semaphore, #tpu.memory_space<semaphore_mem>>) src(%dma_wait3A_329 : memref<64xi32, #tpu.memory_space<hbm>>) dst(%arg13 : memref<64xi32, #tpu.memory_space<vmem>>)
        tpu.yield
      }) : () -> ()
      "tpu.region"() ({
        %run_scoped3A = tpu.sem_alloc : memref<!tpu.dma_semaphore, #tpu.memory_space<semaphore_mem>>
        %dma_start3A_326 = tpu.memref_slice %arg6[%add3A_245] : memref<323712xi32, #tpu.memory_space<hbm>> -> memref<64xi32, #tpu.memory_space<hbm>>
        %dma_start3A_327 = tpu.memref_slice %arg6[%add3A_245] : memref<323712xi32, #tpu.memory_space<hbm>> -> memref<64xi32, #tpu.memory_space<hbm>>
        tpu.enqueue_dma source(%dma_start3A_327 : memref<64xi32, #tpu.memory_space<hbm>>) target(%arg15 : memref<64xi32, #tpu.memory_space<vmem>>) target_semaphore(%run_scoped3A : memref<!tpu.dma_semaphore, #tpu.memory_space<semaphore_mem>>)
        %dma_wait3A_328 = tpu.memref_slice %arg6[%add3A_245] : memref<323712xi32, #tpu.memory_space<hbm>> -> memref<64xi32, #tpu.memory_space<hbm>>
        %dma_wait3A_329 = tpu.memref_slice %arg6[%add3A_245] : memref<323712xi32, #tpu.memory_space<hbm>> -> memref<64xi32, #tpu.memory_space<hbm>>
        tpu.wait_dma2 semaphore(%run_scoped3A : memref<!tpu.dma_semaphore, #tpu.memory_space<semaphore_mem>>) src(%dma_wait3A_329 : memref<64xi32, #tpu.memory_space<hbm>>) dst(%arg15 : memref<64xi32, #tpu.memory_space<vmem>>)
        tpu.yield
      }) : () -> ()
      %dma_start3A_246 = arith.constant 0 : i32
      %dma_start3A_247 = arith.constant 0 : i32
      %dma_start3A_248 = tpu.memref_slice %arg2[%dma_start3A_246, %dma_start3A_247] : memref<10016x128xf32, #tpu.memory_space<hbm>> -> memref<10016x128xf32, #tpu.memory_space<hbm>>
      tpu.enqueue_indirect_dma source(%dma_start3A_248 : memref<10016x128xf32, #tpu.memory_space<hbm>>) target(%arg19 : memref<64x128xf32, #tpu.memory_space<vmem>>) offsets(%arg13 : memref<64xi32, #tpu.memory_space<vmem>>) semaphore(%arg29 : memref<!tpu.dma_semaphore, #tpu.memory_space<semaphore_mem>>)
      %dma_start3A_249 = arith.constant 0 : i32
      %dma_start3A_250 = arith.constant 0 : i32
      %dma_start3A_251 = tpu.memref_slice %arg3[%dma_start3A_249, %dma_start3A_250] : memref<10016x16xf32, #tpu.memory_space<hbm>> -> memref<10016x16xf32, #tpu.memory_space<hbm>>
      tpu.enqueue_indirect_dma source(%dma_start3A_251 : memref<10016x16xf32, #tpu.memory_space<hbm>>) target(%arg21 : memref<64x16xf32, #tpu.memory_space<vmem>>) offsets(%arg13 : memref<64xi32, #tpu.memory_space<vmem>>) semaphore(%arg29 : memref<!tpu.dma_semaphore, #tpu.memory_space<semaphore_mem>>)
      %dma_start3A_252 = arith.constant 0 : i32
      %dma_start3A_253 = arith.constant 0 : i32
      %dma_start3A_254 = tpu.memref_slice %arg4[%dma_start3A_252, %dma_start3A_253] : memref<10016x16xf32, #tpu.memory_space<hbm>> -> memref<10016x16xf32, #tpu.memory_space<hbm>>
      tpu.enqueue_indirect_dma source(%dma_start3A_254 : memref<10016x16xf32, #tpu.memory_space<hbm>>) target(%arg23 : memref<64x16xf32, #tpu.memory_space<vmem>>) offsets(%arg15 : memref<64xi32, #tpu.memory_space<vmem>>) semaphore(%arg29 : memref<!tpu.dma_semaphore, #tpu.memory_space<semaphore_mem>>)
      %add3A_255 = arith.constant 1 : i32
      %add3A_256 = arith.addi %mul3A_183, %add3A_255 : i32
      %dma_wait3A_257 = arith.constant 0 : i32
      %dma_wait3A_258 = arith.constant 0 : i32
      %dma_wait3A_259 = tpu.memref_slice %arg2[%dma_wait3A_257, %dma_wait3A_258] : memref<10016x128xf32, #tpu.memory_space<hbm>> -> memref<10016x128xf32, #tpu.memory_space<hbm>>
      tpu.wait_indirect_dma semaphore(%arg30 : memref<!tpu.dma_semaphore, #tpu.memory_space<semaphore_mem>>) src(%dma_wait3A_259 : memref<10016x128xf32, #tpu.memory_space<hbm>>) dst(%arg20 : memref<64x128xf32, #tpu.memory_space<vmem>>)
      %dma_wait3A_260 = arith.constant 0 : i32
      %dma_wait3A_261 = arith.constant 0 : i32
      %dma_wait3A_262 = tpu.memref_slice %arg3[%dma_wait3A_260, %dma_wait3A_261] : memref<10016x16xf32, #tpu.memory_space<hbm>> -> memref<10016x16xf32, #tpu.memory_space<hbm>>
      tpu.wait_indirect_dma semaphore(%arg30 : memref<!tpu.dma_semaphore, #tpu.memory_space<semaphore_mem>>) src(%dma_wait3A_262 : memref<10016x16xf32, #tpu.memory_space<hbm>>) dst(%arg22 : memref<64x16xf32, #tpu.memory_space<vmem>>)
      %dma_wait3A_263 = arith.constant 0 : i32
      %dma_wait3A_264 = arith.constant 0 : i32
      %dma_wait3A_265 = tpu.memref_slice %arg4[%dma_wait3A_263, %dma_wait3A_264] : memref<10016x16xf32, #tpu.memory_space<hbm>> -> memref<10016x16xf32, #tpu.memory_space<hbm>>
      tpu.wait_indirect_dma semaphore(%arg30 : memref<!tpu.dma_semaphore, #tpu.memory_space<semaphore_mem>>) src(%dma_wait3A_265 : memref<10016x16xf32, #tpu.memory_space<hbm>>) dst(%arg24 : memref<64x16xf32, #tpu.memory_space<vmem>>)
      %dma_wait3A_266 = arith.constant 0 : i32
      %dma_wait3A_267 = arith.constant 0 : i32
      %dma_wait3A_268 = tpu.memref_slice %arg11[%dma_wait3A_266, %dma_wait3A_267] : memref<10016x128xf32, #tpu.memory_space<vmem_shared>> -> memref<10016x128xf32, #tpu.memory_space<vmem_shared>>
      tpu.wait_indirect_dma semaphore(%arg32 : memref<!tpu.dma_semaphore, #tpu.memory_space<semaphore_mem>>) src(%arg28 : memref<64x128xf32, #tpu.memory_space<vmem>>) dst(%dma_wait3A_268 : memref<10016x128xf32, #tpu.memory_space<vmem_shared>>)
      %dma_wait3A_269 = arith.constant 0 : i32
      %dma_wait3A_270 = arith.constant 0 : i32
      %dma_wait3A_271 = tpu.memref_slice %arg12[%dma_wait3A_269, %dma_wait3A_270] : memref<10016x16xf32, #tpu.memory_space<vmem_shared>> -> memref<10016x16xf32, #tpu.memory_space<vmem_shared>>
      tpu.wait_indirect_dma semaphore(%arg32 : memref<!tpu.dma_semaphore, #tpu.memory_space<semaphore_mem>>) src(%arg26 : memref<64x16xf32, #tpu.memory_space<vmem>>) dst(%dma_wait3A_271 : memref<10016x16xf32, #tpu.memory_space<vmem_shared>>)
      %scan3A_272 = arith.constant 0 : i32
      %scan3A_273 = arith.constant 0 : i32
      %scan3A_274 = arith.constant 64 : i32
      %scan3A_275 = arith.addi %scan3A_273, %scan3A_274 : i32
      %scan3A_276 = arith.constant 1 : i32
      scf.for %scan3A_326 = %scan3A_273 to %scan3A_275 step %scan3A_276  : i32 {
        %get3A_327 = arith.index_cast %scan3A_326 : i32 to index
        %get3A_328 = arith.constant 0 : index
        %get3A_329 = tpu.vector_load %arg22[%get3A_327, %get3A_328] {strides = array<i32>} : memref<64x16xf32, #tpu.memory_space<vmem>>, vector<1x16xf32>,
        %get3A_330 = vector.shape_cast %get3A_329 : vector<1x16xf32> to vector<16xf32>
        %get3A_331 = arith.index_cast %scan3A_326 : i32 to index
        %get3A_332 = arith.constant 0 : index
        %get3A_333 = tpu.vector_load %arg24[%get3A_331, %get3A_332] {strides = array<i32>} : memref<64x16xf32, #tpu.memory_space<vmem>>, vector<1x16xf32>,
        %get3A_334 = vector.shape_cast %get3A_333 : vector<1x16xf32> to vector<16xf32>
        %add3A_335 = arith.addf %get3A_330, %get3A_334 : vector<16xf32>
        %gt3A = arith.constant 0.000000e+00 : f32
        %gt3A_336 = vector.broadcast %gt3A : f32 to vector<16xf32>
        %gt3A_337 = arith.cmpf ogt, %add3A_335, %gt3A_336 : vector<16xf32>
        %mul3A_338 = arith.constant 2.000000e-01 : f32
        %mul3A_339 = vector.broadcast %mul3A_338 : f32 to vector<16xf32>
        %mul3A_340 = arith.mulf %add3A_335, %mul3A_339 : vector<16xf32>
        %select_n3A = arith.select %gt3A_337, %add3A_335, %mul3A_340 : vector<16xi1>, vector<16xf32>
        %exp3A = math.exp %select_n3A : vector<16xf32>
        %jit3A = arith.constant 0.000000e+00 : f32
        %broadcast_in_dim3A = vector.broadcast %jit3A : f32 to vector<16xf32>
        %select_n3A_341 = arith.select %lt3A_4, %exp3A, %broadcast_in_dim3A : vector<16xi1>, vector<16xf32>
        %swap3A_342 = arith.index_cast %scan3A_326 : i32 to index
        %swap3A_343 = arith.constant 0 : index
        %swap3A_344 = tpu.vector_load %arg26[%swap3A_342, %swap3A_343] {strides = array<i32>} : memref<64x16xf32, #tpu.memory_space<vmem>>, vector<1x16xf32>,
        %swap3A_345 = vector.shape_cast %swap3A_344 : vector<1x16xf32> to vector<16xf32>
        %swap3A_346 = vector.shape_cast %select_n3A_341 : vector<16xf32> to vector<1x16xf32>
        tpu.vector_store %arg26[%swap3A_342, %swap3A_343], %swap3A_346 {strides = array<i32>} : memref<64x16xf32, #tpu.memory_space<vmem>>, vector<1x16xf32>,
        %broadcast_in_dim3A_347 = arith.constant 0 : i32
        %broadcast_in_dim3A_348 = vector.broadcast %broadcast_in_dim3A_347 : i32 to vector<16xi32>
        %broadcast_in_dim3A_349 = vector.shape_cast %broadcast_in_dim3A_348 : vector<16xi32> to vector<16x1xi32>
        %gather3A = vector.shape_cast %broadcast_in_dim3A_349 : vector<16x1xi32> to vector<16xi32>
        %gather3A_350 = tpu.dynamic_gather %select_n3A_341[%gather3A] in [0] : vector<16xf32>, vector<16xi32> -> vector<16xf32>
        %get3A_351 = arith.index_cast %scan3A_326 : i32 to index
        %get3A_352 = arith.constant 0 : index
        %get3A_353 = tpu.vector_load %arg20[%get3A_351, %get3A_352] {strides = array<i32>} : memref<64x128xf32, #tpu.memory_space<vmem>>, vector<1x16xf32>,
        %get3A_354 = vector.shape_cast %get3A_353 : vector<1x16xf32> to vector<16xf32>
        %mul3A_355 = arith.mulf %gather3A_350, %get3A_354 : vector<16xf32>
        %swap3A_356 = arith.index_cast %scan3A_326 : i32 to index
        %swap3A_357 = arith.constant 0 : index
        %swap3A_358 = tpu.vector_load %arg28[%swap3A_356, %swap3A_357] {strides = array<i32>} : memref<64x128xf32, #tpu.memory_space<vmem>>, vector<1x16xf32>,
        %swap3A_359 = vector.shape_cast %swap3A_358 : vector<1x16xf32> to vector<16xf32>
        %swap3A_360 = vector.shape_cast %mul3A_355 : vector<16xf32> to vector<1x16xf32>
        tpu.vector_store %arg28[%swap3A_356, %swap3A_357], %swap3A_360 {strides = array<i32>} : memref<64x128xf32, #tpu.memory_space<vmem>>, vector<1x16xf32>,
        %broadcast_in_dim3A_361 = arith.constant 1 : i32
        %broadcast_in_dim3A_362 = vector.broadcast %broadcast_in_dim3A_361 : i32 to vector<16xi32>
        %broadcast_in_dim3A_363 = vector.shape_cast %broadcast_in_dim3A_362 : vector<16xi32> to vector<16x1xi32>
        %gather3A_364 = vector.shape_cast %broadcast_in_dim3A_363 : vector<16x1xi32> to vector<16xi32>
        %gather3A_365 = tpu.dynamic_gather %select_n3A_341[%gather3A_364] in [0] : vector<16xf32>, vector<16xi32> -> vector<16xf32>
        %get3A_366 = arith.index_cast %scan3A_326 : i32 to index
        %get3A_367 = arith.constant 16 : index
        %get3A_368 = tpu.vector_load %arg20[%get3A_366, %get3A_367] {strides = array<i32>} : memref<64x128xf32, #tpu.memory_space<vmem>>, vector<1x16xf32>,
        %get3A_369 = vector.shape_cast %get3A_368 : vector<1x16xf32> to vector<16xf32>
        %mul3A_370 = arith.mulf %gather3A_365, %get3A_369 : vector<16xf32>
        %swap3A_371 = arith.index_cast %scan3A_326 : i32 to index
        %swap3A_372 = arith.constant 16 : index
        %swap3A_373 = tpu.vector_load %arg28[%swap3A_371, %swap3A_372] {strides = array<i32>} : memref<64x128xf32, #tpu.memory_space<vmem>>, vector<1x16xf32>,
        %swap3A_374 = vector.shape_cast %swap3A_373 : vector<1x16xf32> to vector<16xf32>
        %swap3A_375 = vector.shape_cast %mul3A_370 : vector<16xf32> to vector<1x16xf32>
        tpu.vector_store %arg28[%swap3A_371, %swap3A_372], %swap3A_375 {strides = array<i32>} : memref<64x128xf32, #tpu.memory_space<vmem>>, vector<1x16xf32>,
        %broadcast_in_dim3A_376 = arith.constant 2 : i32
        %broadcast_in_dim3A_377 = vector.broadcast %broadcast_in_dim3A_376 : i32 to vector<16xi32>
        %broadcast_in_dim3A_378 = vector.shape_cast %broadcast_in_dim3A_377 : vector<16xi32> to vector<16x1xi32>
        %gather3A_379 = vector.shape_cast %broadcast_in_dim3A_378 : vector<16x1xi32> to vector<16xi32>
        %gather3A_380 = tpu.dynamic_gather %select_n3A_341[%gather3A_379] in [0] : vector<16xf32>, vector<16xi32> -> vector<16xf32>
        %get3A_381 = arith.index_cast %scan3A_326 : i32 to index
        %get3A_382 = arith.constant 32 : index
        %get3A_383 = tpu.vector_load %arg20[%get3A_381, %get3A_382] {strides = array<i32>} : memref<64x128xf32, #tpu.memory_space<vmem>>, vector<1x16xf32>,
        %get3A_384 = vector.shape_cast %get3A_383 : vector<1x16xf32> to vector<16xf32>
        %mul3A_385 = arith.mulf %gather3A_380, %get3A_384 : vector<16xf32>
        %swap3A_386 = arith.index_cast %scan3A_326 : i32 to index
        %swap3A_387 = arith.constant 32 : index
        %swap3A_388 = tpu.vector_load %arg28[%swap3A_386, %swap3A_387] {strides = array<i32>} : memref<64x128xf32, #tpu.memory_space<vmem>>, vector<1x16xf32>,
        %swap3A_389 = vector.shape_cast %swap3A_388 : vector<1x16xf32> to vector<16xf32>
        %swap3A_390 = vector.shape_cast %mul3A_385 : vector<16xf32> to vector<1x16xf32>
        tpu.vector_store %arg28[%swap3A_386, %swap3A_387], %swap3A_390 {strides = array<i32>} : memref<64x128xf32, #tpu.memory_space<vmem>>, vector<1x16xf32>,
        %broadcast_in_dim3A_391 = arith.constant 3 : i32
        %broadcast_in_dim3A_392 = vector.broadcast %broadcast_in_dim3A_391 : i32 to vector<16xi32>
        %broadcast_in_dim3A_393 = vector.shape_cast %broadcast_in_dim3A_392 : vector<16xi32> to vector<16x1xi32>
        %gather3A_394 = vector.shape_cast %broadcast_in_dim3A_393 : vector<16x1xi32> to vector<16xi32>
        %gather3A_395 = tpu.dynamic_gather %select_n3A_341[%gather3A_394] in [0] : vector<16xf32>, vector<16xi32> -> vector<16xf32>
        %get3A_396 = arith.index_cast %scan3A_326 : i32 to index
        %get3A_397 = arith.constant 48 : index
        %get3A_398 = tpu.vector_load %arg20[%get3A_396, %get3A_397] {strides = array<i32>} : memref<64x128xf32, #tpu.memory_space<vmem>>, vector<1x16xf32>,
        %get3A_399 = vector.shape_cast %get3A_398 : vector<1x16xf32> to vector<16xf32>
        %mul3A_400 = arith.mulf %gather3A_395, %get3A_399 : vector<16xf32>
        %swap3A_401 = arith.index_cast %scan3A_326 : i32 to index
        %swap3A_402 = arith.constant 48 : index
        %swap3A_403 = tpu.vector_load %arg28[%swap3A_401, %swap3A_402] {strides = array<i32>} : memref<64x128xf32, #tpu.memory_space<vmem>>, vector<1x16xf32>,
        %swap3A_404 = vector.shape_cast %swap3A_403 : vector<1x16xf32> to vector<16xf32>
        %swap3A_405 = vector.shape_cast %mul3A_400 : vector<16xf32> to vector<1x16xf32>
        tpu.vector_store %arg28[%swap3A_401, %swap3A_402], %swap3A_405 {strides = array<i32>} : memref<64x128xf32, #tpu.memory_space<vmem>>, vector<1x16xf32>,
        %broadcast_in_dim3A_406 = arith.constant 4 : i32
        %broadcast_in_dim3A_407 = vector.broadcast %broadcast_in_dim3A_406 : i32 to vector<16xi32>
        %broadcast_in_dim3A_408 = vector.shape_cast %broadcast_in_dim3A_407 : vector<16xi32> to vector<16x1xi32>
        %gather3A_409 = vector.shape_cast %broadcast_in_dim3A_408 : vector<16x1xi32> to vector<16xi32>
        %gather3A_410 = tpu.dynamic_gather %select_n3A_341[%gather3A_409] in [0] : vector<16xf32>, vector<16xi32> -> vector<16xf32>
        %get3A_411 = arith.index_cast %scan3A_326 : i32 to index
        %get3A_412 = arith.constant 64 : index
        %get3A_413 = tpu.vector_load %arg20[%get3A_411, %get3A_412] {strides = array<i32>} : memref<64x128xf32, #tpu.memory_space<vmem>>, vector<1x16xf32>,
        %get3A_414 = vector.shape_cast %get3A_413 : vector<1x16xf32> to vector<16xf32>
        %mul3A_415 = arith.mulf %gather3A_410, %get3A_414 : vector<16xf32>
        %swap3A_416 = arith.index_cast %scan3A_326 : i32 to index
        %swap3A_417 = arith.constant 64 : index
        %swap3A_418 = tpu.vector_load %arg28[%swap3A_416, %swap3A_417] {strides = array<i32>} : memref<64x128xf32, #tpu.memory_space<vmem>>, vector<1x16xf32>,
        %swap3A_419 = vector.shape_cast %swap3A_418 : vector<1x16xf32> to vector<16xf32>
        %swap3A_420 = vector.shape_cast %mul3A_415 : vector<16xf32> to vector<1x16xf32>
        tpu.vector_store %arg28[%swap3A_416, %swap3A_417], %swap3A_420 {strides = array<i32>} : memref<64x128xf32, #tpu.memory_space<vmem>>, vector<1x16xf32>,
        %broadcast_in_dim3A_421 = arith.constant 5 : i32
        %broadcast_in_dim3A_422 = vector.broadcast %broadcast_in_dim3A_421 : i32 to vector<16xi32>
        %broadcast_in_dim3A_423 = vector.shape_cast %broadcast_in_dim3A_422 : vector<16xi32> to vector<16x1xi32>
        %gather3A_424 = vector.shape_cast %broadcast_in_dim3A_423 : vector<16x1xi32> to vector<16xi32>
        %gather3A_425 = tpu.dynamic_gather %select_n3A_341[%gather3A_424] in [0] : vector<16xf32>, vector<16xi32> -> vector<16xf32>
        %get3A_426 = arith.index_cast %scan3A_326 : i32 to index
        %get3A_427 = arith.constant 80 : index
        %get3A_428 = tpu.vector_load %arg20[%get3A_426, %get3A_427] {strides = array<i32>} : memref<64x128xf32, #tpu.memory_space<vmem>>, vector<1x16xf32>,
        %get3A_429 = vector.shape_cast %get3A_428 : vector<1x16xf32> to vector<16xf32>
        %mul3A_430 = arith.mulf %gather3A_425, %get3A_429 : vector<16xf32>
        %swap3A_431 = arith.index_cast %scan3A_326 : i32 to index
        %swap3A_432 = arith.constant 80 : index
        %swap3A_433 = tpu.vector_load %arg28[%swap3A_431, %swap3A_432] {strides = array<i32>} : memref<64x128xf32, #tpu.memory_space<vmem>>, vector<1x16xf32>,
        %swap3A_434 = vector.shape_cast %swap3A_433 : vector<1x16xf32> to vector<16xf32>
        %swap3A_435 = vector.shape_cast %mul3A_430 : vector<16xf32> to vector<1x16xf32>
        tpu.vector_store %arg28[%swap3A_431, %swap3A_432], %swap3A_435 {strides = array<i32>} : memref<64x128xf32, #tpu.memory_space<vmem>>, vector<1x16xf32>,
        %broadcast_in_dim3A_436 = arith.constant 6 : i32
        %broadcast_in_dim3A_437 = vector.broadcast %broadcast_in_dim3A_436 : i32 to vector<16xi32>
        %broadcast_in_dim3A_438 = vector.shape_cast %broadcast_in_dim3A_437 : vector<16xi32> to vector<16x1xi32>
        %gather3A_439 = vector.shape_cast %broadcast_in_dim3A_438 : vector<16x1xi32> to vector<16xi32>
        %gather3A_440 = tpu.dynamic_gather %select_n3A_341[%gather3A_439] in [0] : vector<16xf32>, vector<16xi32> -> vector<16xf32>
        %get3A_441 = arith.index_cast %scan3A_326 : i32 to index
        %get3A_442 = arith.constant 96 : index
        %get3A_443 = tpu.vector_load %arg20[%get3A_441, %get3A_442] {strides = array<i32>} : memref<64x128xf32, #tpu.memory_space<vmem>>, vector<1x16xf32>,
        %get3A_444 = vector.shape_cast %get3A_443 : vector<1x16xf32> to vector<16xf32>
        %mul3A_445 = arith.mulf %gather3A_440, %get3A_444 : vector<16xf32>
        %swap3A_446 = arith.index_cast %scan3A_326 : i32 to index
        %swap3A_447 = arith.constant 96 : index
        %swap3A_448 = tpu.vector_load %arg28[%swap3A_446, %swap3A_447] {strides = array<i32>} : memref<64x128xf32, #tpu.memory_space<vmem>>, vector<1x16xf32>,
        %swap3A_449 = vector.shape_cast %swap3A_448 : vector<1x16xf32> to vector<16xf32>
        %swap3A_450 = vector.shape_cast %mul3A_445 : vector<16xf32> to vector<1x16xf32>
        tpu.vector_store %arg28[%swap3A_446, %swap3A_447], %swap3A_450 {strides = array<i32>} : memref<64x128xf32, #tpu.memory_space<vmem>>, vector<1x16xf32>,
        %broadcast_in_dim3A_451 = arith.constant 7 : i32
        %broadcast_in_dim3A_452 = vector.broadcast %broadcast_in_dim3A_451 : i32 to vector<16xi32>
        %broadcast_in_dim3A_453 = vector.shape_cast %broadcast_in_dim3A_452 : vector<16xi32> to vector<16x1xi32>
        %gather3A_454 = vector.shape_cast %broadcast_in_dim3A_453 : vector<16x1xi32> to vector<16xi32>
        %gather3A_455 = tpu.dynamic_gather %select_n3A_341[%gather3A_454] in [0] : vector<16xf32>, vector<16xi32> -> vector<16xf32>
        %get3A_456 = arith.index_cast %scan3A_326 : i32 to index
        %get3A_457 = arith.constant 112 : index
        %get3A_458 = tpu.vector_load %arg20[%get3A_456, %get3A_457] {strides = array<i32>} : memref<64x128xf32, #tpu.memory_space<vmem>>, vector<1x16xf32>,
        %get3A_459 = vector.shape_cast %get3A_458 : vector<1x16xf32> to vector<16xf32>
        %mul3A_460 = arith.mulf %gather3A_455, %get3A_459 : vector<16xf32>
        %swap3A_461 = arith.index_cast %scan3A_326 : i32 to index
        %swap3A_462 = arith.constant 112 : index
        %swap3A_463 = tpu.vector_load %arg28[%swap3A_461, %swap3A_462] {strides = array<i32>} : memref<64x128xf32, #tpu.memory_space<vmem>>, vector<1x16xf32>,
        %swap3A_464 = vector.shape_cast %swap3A_463 : vector<1x16xf32> to vector<16xf32>
        %swap3A_465 = vector.shape_cast %mul3A_460 : vector<16xf32> to vector<1x16xf32>
        tpu.vector_store %arg28[%swap3A_461, %swap3A_462], %swap3A_465 {strides = array<i32>} : memref<64x128xf32, #tpu.memory_space<vmem>>, vector<1x16xf32>,
      }
      %scan3A_277 = arith.constant 64 : i32
      %get3A_278 = arith.constant 0 : index
      %get3A_279 = tpu.vector_load %arg16[%get3A_278] {strides = array<i32>} : memref<64xi32, #tpu.memory_space<vmem>>, vector<16xi32>,
      %get3A_280 = vector.shape_cast %get3A_279 : vector<16xi32> to vector<16xi32>
      %swap3A_281 = arith.constant 0 : index
      %swap3A_282 = tpu.vector_load %arg18[%swap3A_281] {strides = array<i32>} : memref<64xi32, #tpu.memory_space<vmem>>, vector<16xi32>,
      %swap3A_283 = vector.shape_cast %swap3A_282 : vector<16xi32> to vector<16xi32>
      %swap3A_284 = vector.shape_cast %get3A_280 : vector<16xi32> to vector<16xi32>
      tpu.vector_store %arg18[%swap3A_281], %swap3A_284 {strides = array<i32>} : memref<64xi32, #tpu.memory_space<vmem>>, vector<16xi32>,
      %get3A_285 = arith.constant 16 : index
      %get3A_286 = tpu.vector_load %arg16[%get3A_285] {strides = array<i32>} : memref<64xi32, #tpu.memory_space<vmem>>, vector<16xi32>,
      %get3A_287 = vector.shape_cast %get3A_286 : vector<16xi32> to vector<16xi32>
      %swap3A_288 = arith.constant 16 : index
      %swap3A_289 = tpu.vector_load %arg18[%swap3A_288] {strides = array<i32>} : memref<64xi32, #tpu.memory_space<vmem>>, vector<16xi32>,
      %swap3A_290 = vector.shape_cast %swap3A_289 : vector<16xi32> to vector<16xi32>
      %swap3A_291 = vector.shape_cast %get3A_287 : vector<16xi32> to vector<16xi32>
      tpu.vector_store %arg18[%swap3A_288], %swap3A_291 {strides = array<i32>} : memref<64xi32, #tpu.memory_space<vmem>>, vector<16xi32>,
      %get3A_292 = arith.constant 32 : index
      %get3A_293 = tpu.vector_load %arg16[%get3A_292] {strides = array<i32>} : memref<64xi32, #tpu.memory_space<vmem>>, vector<16xi32>,
      %get3A_294 = vector.shape_cast %get3A_293 : vector<16xi32> to vector<16xi32>
      %swap3A_295 = arith.constant 32 : index
      %swap3A_296 = tpu.vector_load %arg18[%swap3A_295] {strides = array<i32>} : memref<64xi32, #tpu.memory_space<vmem>>, vector<16xi32>,
      %swap3A_297 = vector.shape_cast %swap3A_296 : vector<16xi32> to vector<16xi32>
      %swap3A_298 = vector.shape_cast %get3A_294 : vector<16xi32> to vector<16xi32>
      tpu.vector_store %arg18[%swap3A_295], %swap3A_298 {strides = array<i32>} : memref<64xi32, #tpu.memory_space<vmem>>, vector<16xi32>,
      %get3A_299 = arith.constant 48 : index
      %get3A_300 = tpu.vector_load %arg16[%get3A_299] {strides = array<i32>} : memref<64xi32, #tpu.memory_space<vmem>>, vector<16xi32>,
      %get3A_301 = vector.shape_cast %get3A_300 : vector<16xi32> to vector<16xi32>
      %swap3A_302 = arith.constant 48 : index
      %swap3A_303 = tpu.vector_load %arg18[%swap3A_302] {strides = array<i32>} : memref<64xi32, #tpu.memory_space<vmem>>, vector<16xi32>,
      %swap3A_304 = vector.shape_cast %swap3A_303 : vector<16xi32> to vector<16xi32>
      %swap3A_305 = vector.shape_cast %get3A_301 : vector<16xi32> to vector<16xi32>
      tpu.vector_store %arg18[%swap3A_302], %swap3A_305 {strides = array<i32>} : memref<64xi32, #tpu.memory_space<vmem>>, vector<16xi32>,
      %dma_start3A_306 = arith.constant 0 : i32
      %dma_start3A_307 = arith.constant 0 : i32
      %dma_start3A_308 = tpu.memref_slice %arg11[%dma_start3A_306, %dma_start3A_307] : memref<10016x128xf32, #tpu.memory_space<vmem_shared>> -> memref<10016x128xf32, #tpu.memory_space<vmem_shared>>
      tpu.enqueue_indirect_dma source(%arg28 : memref<64x128xf32, #tpu.memory_space<vmem>>) target(%dma_start3A_308 : memref<10016x128xf32, #tpu.memory_space<vmem_shared>>) offsets(%arg18 : memref<64xi32, #tpu.memory_space<vmem>>) semaphore(%arg32 : memref<!tpu.dma_semaphore, #tpu.memory_space<semaphore_mem>>) {add = true}
      %dma_start3A_309 = arith.constant 0 : i32
      %dma_start3A_310 = arith.constant 0 : i32
      %dma_start3A_311 = tpu.memref_slice %arg12[%dma_start3A_309, %dma_start3A_310] : memref<10016x16xf32, #tpu.memory_space<vmem_shared>> -> memref<10016x16xf32, #tpu.memory_space<vmem_shared>>
      tpu.enqueue_indirect_dma source(%arg26 : memref<64x16xf32, #tpu.memory_space<vmem>>) target(%dma_start3A_311 : memref<10016x16xf32, #tpu.memory_space<vmem_shared>>) offsets(%arg18 : memref<64xi32, #tpu.memory_space<vmem>>) semaphore(%arg32 : memref<!tpu.dma_semaphore, #tpu.memory_space<semaphore_mem>>) {add = true}
      %add3A_312 = arith.constant 2 : i32
      %add3A_313 = arith.addi %add3A_256, %add3A_312 : i32
      %mul3A_314 = arith.constant 64 : i32
      %mul3A_315 = arith.muli %add3A_313, %mul3A_314 : i32
      %add3A_316 = arith.addi %mul3A_6, %mul3A_315 : i32
      "tpu.region"() ({
        %run_scoped3A = tpu.sem_alloc : memref<!tpu.dma_semaphore, #tpu.memory_space<semaphore_mem>>
        %dma_start3A_326 = tpu.memref_slice %arg5[%add3A_316] : memref<323712xi32, #tpu.memory_space<hbm>> -> memref<64xi32, #tpu.memory_space<hbm>>
        %dma_start3A_327 = tpu.memref_slice %arg5[%add3A_316] : memref<323712xi32, #tpu.memory_space<hbm>> -> memref<64xi32, #tpu.memory_space<hbm>>
        tpu.enqueue_dma source(%dma_start3A_327 : memref<64xi32, #tpu.memory_space<hbm>>) target(%arg14 : memref<64xi32, #tpu.memory_space<vmem>>) target_semaphore(%run_scoped3A : memref<!tpu.dma_semaphore, #tpu.memory_space<semaphore_mem>>)
        %dma_wait3A_328 = tpu.memref_slice %arg5[%add3A_316] : memref<323712xi32, #tpu.memory_space<hbm>> -> memref<64xi32, #tpu.memory_space<hbm>>
        %dma_wait3A_329 = tpu.memref_slice %arg5[%add3A_316] : memref<323712xi32, #tpu.memory_space<hbm>> -> memref<64xi32, #tpu.memory_space<hbm>>
        tpu.wait_dma2 semaphore(%run_scoped3A : memref<!tpu.dma_semaphore, #tpu.memory_space<semaphore_mem>>) src(%dma_wait3A_329 : memref<64xi32, #tpu.memory_space<hbm>>) dst(%arg14 : memref<64xi32, #tpu.memory_space<vmem>>)
        tpu.yield
      }) : () -> ()
      "tpu.region"() ({
        %run_scoped3A = tpu.sem_alloc : memref<!tpu.dma_semaphore, #tpu.memory_space<semaphore_mem>>
        %dma_start3A_326 = tpu.memref_slice %arg6[%add3A_316] : memref<323712xi32, #tpu.memory_space<hbm>> -> memref<64xi32, #tpu.memory_space<hbm>>
        %dma_start3A_327 = tpu.memref_slice %arg6[%add3A_316] : memref<323712xi32, #tpu.memory_space<hbm>> -> memref<64xi32, #tpu.memory_space<hbm>>
        tpu.enqueue_dma source(%dma_start3A_327 : memref<64xi32, #tpu.memory_space<hbm>>) target(%arg16 : memref<64xi32, #tpu.memory_space<vmem>>) target_semaphore(%run_scoped3A : memref<!tpu.dma_semaphore, #tpu.memory_space<semaphore_mem>>)
        %dma_wait3A_328 = tpu.memref_slice %arg6[%add3A_316] : memref<323712xi32, #tpu.memory_space<hbm>> -> memref<64xi32, #tpu.memory_space<hbm>>
        %dma_wait3A_329 = tpu.memref_slice %arg6[%add3A_316] : memref<323712xi32, #tpu.memory_space<hbm>> -> memref<64xi32, #tpu.memory_space<hbm>>
        tpu.wait_dma2 semaphore(%run_scoped3A : memref<!tpu.dma_semaphore, #tpu.memory_space<semaphore_mem>>) src(%dma_wait3A_329 : memref<64xi32, #tpu.memory_space<hbm>>) dst(%arg16 : memref<64xi32, #tpu.memory_space<vmem>>)
        tpu.yield
      }) : () -> ()
      %dma_start3A_317 = arith.constant 0 : i32
      %dma_start3A_318 = arith.constant 0 : i32
      %dma_start3A_319 = tpu.memref_slice %arg2[%dma_start3A_317, %dma_start3A_318] : memref<10016x128xf32, #tpu.memory_space<hbm>> -> memref<10016x128xf32, #tpu.memory_space<hbm>>
      tpu.enqueue_indirect_dma source(%dma_start3A_319 : memref<10016x128xf32, #tpu.memory_space<hbm>>) target(%arg20 : memref<64x128xf32, #tpu.memory_space<vmem>>) offsets(%arg14 : memref<64xi32, #tpu.memory_space<vmem>>) semaphore(%arg30 : memref<!tpu.dma_semaphore, #tpu.memory_space<semaphore_mem>>)
      %dma_start3A_320 = arith.constant 0 : i32
      %dma_start3A_321 = arith.constant 0 : i32
      %dma_start3A_322 = tpu.memref_slice %arg3[%dma_start3A_320, %dma_start3A_321] : memref<10016x16xf32, #tpu.memory_space<hbm>> -> memref<10016x16xf32, #tpu.memory_space<hbm>>
      tpu.enqueue_indirect_dma source(%dma_start3A_322 : memref<10016x16xf32, #tpu.memory_space<hbm>>) target(%arg22 : memref<64x16xf32, #tpu.memory_space<vmem>>) offsets(%arg14 : memref<64xi32, #tpu.memory_space<vmem>>) semaphore(%arg30 : memref<!tpu.dma_semaphore, #tpu.memory_space<semaphore_mem>>)
      %dma_start3A_323 = arith.constant 0 : i32
      %dma_start3A_324 = arith.constant 0 : i32
      %dma_start3A_325 = tpu.memref_slice %arg4[%dma_start3A_323, %dma_start3A_324] : memref<10016x16xf32, #tpu.memory_space<hbm>> -> memref<10016x16xf32, #tpu.memory_space<hbm>>
      tpu.enqueue_indirect_dma source(%dma_start3A_325 : memref<10016x16xf32, #tpu.memory_space<hbm>>) target(%arg24 : memref<64x16xf32, #tpu.memory_space<vmem>>) offsets(%arg16 : memref<64xi32, #tpu.memory_space<vmem>>) semaphore(%arg30 : memref<!tpu.dma_semaphore, #tpu.memory_space<semaphore_mem>>)
    }
    %scan3A_149 = arith.constant 78 : i32
    %dma_wait3A_150 = arith.constant 0 : i32
    %dma_wait3A_151 = arith.constant 0 : i32
    %dma_wait3A_152 = tpu.memref_slice %arg11[%dma_wait3A_150, %dma_wait3A_151] : memref<10016x128xf32, #tpu.memory_space<vmem_shared>> -> memref<10016x128xf32, #tpu.memory_space<vmem_shared>>
    tpu.wait_indirect_dma semaphore(%arg31 : memref<!tpu.dma_semaphore, #tpu.memory_space<semaphore_mem>>) src(%arg27 : memref<64x128xf32, #tpu.memory_space<vmem>>) dst(%dma_wait3A_152 : memref<10016x128xf32, #tpu.memory_space<vmem_shared>>)
    %dma_wait3A_153 = arith.constant 0 : i32
    %dma_wait3A_154 = arith.constant 0 : i32
    %dma_wait3A_155 = tpu.memref_slice %arg12[%dma_wait3A_153, %dma_wait3A_154] : memref<10016x16xf32, #tpu.memory_space<vmem_shared>> -> memref<10016x16xf32, #tpu.memory_space<vmem_shared>>
    tpu.wait_indirect_dma semaphore(%arg31 : memref<!tpu.dma_semaphore, #tpu.memory_space<semaphore_mem>>) src(%arg25 : memref<64x16xf32, #tpu.memory_space<vmem>>) dst(%dma_wait3A_155 : memref<10016x16xf32, #tpu.memory_space<vmem_shared>>)
    %dma_wait3A_156 = arith.constant 0 : i32
    %dma_wait3A_157 = arith.constant 0 : i32
    %dma_wait3A_158 = tpu.memref_slice %arg2[%dma_wait3A_156, %dma_wait3A_157] : memref<10016x128xf32, #tpu.memory_space<hbm>> -> memref<10016x128xf32, #tpu.memory_space<hbm>>
    tpu.wait_indirect_dma semaphore(%arg29 : memref<!tpu.dma_semaphore, #tpu.memory_space<semaphore_mem>>) src(%dma_wait3A_158 : memref<10016x128xf32, #tpu.memory_space<hbm>>) dst(%arg19 : memref<64x128xf32, #tpu.memory_space<vmem>>)
    %dma_wait3A_159 = arith.constant 0 : i32
    %dma_wait3A_160 = arith.constant 0 : i32
    %dma_wait3A_161 = tpu.memref_slice %arg3[%dma_wait3A_159, %dma_wait3A_160] : memref<10016x16xf32, #tpu.memory_space<hbm>> -> memref<10016x16xf32, #tpu.memory_space<hbm>>
    tpu.wait_indirect_dma semaphore(%arg29 : memref<!tpu.dma_semaphore, #tpu.memory_space<semaphore_mem>>) src(%dma_wait3A_161 : memref<10016x16xf32, #tpu.memory_space<hbm>>) dst(%arg21 : memref<64x16xf32, #tpu.memory_space<vmem>>)
    %dma_wait3A_162 = arith.constant 0 : i32
    %dma_wait3A_163 = arith.constant 0 : i32
    %dma_wait3A_164 = tpu.memref_slice %arg4[%dma_wait3A_162, %dma_wait3A_163] : memref<10016x16xf32, #tpu.memory_space<hbm>> -> memref<10016x16xf32, #tpu.memory_space<hbm>>
    tpu.wait_indirect_dma semaphore(%arg29 : memref<!tpu.dma_semaphore, #tpu.memory_space<semaphore_mem>>) src(%dma_wait3A_164 : memref<10016x16xf32, #tpu.memory_space<hbm>>) dst(%arg23 : memref<64x16xf32, #tpu.memory_space<vmem>>)
    %dma_wait3A_165 = arith.constant 0 : i32
    %dma_wait3A_166 = arith.constant 0 : i32
    %dma_wait3A_167 = tpu.memref_slice %arg11[%dma_wait3A_165, %dma_wait3A_166] : memref<10016x128xf32, #tpu.memory_space<vmem_shared>> -> memref<10016x128xf32, #tpu.memory_space<vmem_shared>>
    tpu.wait_indirect_dma semaphore(%arg32 : memref<!tpu.dma_semaphore, #tpu.memory_space<semaphore_mem>>) src(%arg28 : memref<64x128xf32, #tpu.memory_space<vmem>>) dst(%dma_wait3A_167 : memref<10016x128xf32, #tpu.memory_space<vmem_shared>>)
    %dma_wait3A_168 = arith.constant 0 : i32
    %dma_wait3A_169 = arith.constant 0 : i32
    %dma_wait3A_170 = tpu.memref_slice %arg12[%dma_wait3A_168, %dma_wait3A_169] : memref<10016x16xf32, #tpu.memory_space<vmem_shared>> -> memref<10016x16xf32, #tpu.memory_space<vmem_shared>>
    tpu.wait_indirect_dma semaphore(%arg32 : memref<!tpu.dma_semaphore, #tpu.memory_space<semaphore_mem>>) src(%arg26 : memref<64x16xf32, #tpu.memory_space<vmem>>) dst(%dma_wait3A_170 : memref<10016x16xf32, #tpu.memory_space<vmem_shared>>)
    %dma_wait3A_171 = arith.constant 0 : i32
    %dma_wait3A_172 = arith.constant 0 : i32
    %dma_wait3A_173 = tpu.memref_slice %arg2[%dma_wait3A_171, %dma_wait3A_172] : memref<10016x128xf32, #tpu.memory_space<hbm>> -> memref<10016x128xf32, #tpu.memory_space<hbm>>
    tpu.wait_indirect_dma semaphore(%arg30 : memref<!tpu.dma_semaphore, #tpu.memory_space<semaphore_mem>>) src(%dma_wait3A_173 : memref<10016x128xf32, #tpu.memory_space<hbm>>) dst(%arg20 : memref<64x128xf32, #tpu.memory_space<vmem>>)
    %dma_wait3A_174 = arith.constant 0 : i32
    %dma_wait3A_175 = arith.constant 0 : i32
    %dma_wait3A_176 = tpu.memref_slice %arg3[%dma_wait3A_174, %dma_wait3A_175] : memref<10016x16xf32, #tpu.memory_space<hbm>> -> memref<10016x16xf32, #tpu.memory_space<hbm>>
    tpu.wait_indirect_dma semaphore(%arg30 : memref<!tpu.dma_semaphore, #tpu.memory_space<semaphore_mem>>) src(%dma_wait3A_176 : memref<10016x16xf32, #tpu.memory_space<hbm>>) dst(%arg22 : memref<64x16xf32, #tpu.memory_space<vmem>>)
    %dma_wait3A_177 = arith.constant 0 : i32
    %dma_wait3A_178 = arith.constant 0 : i32
    %dma_wait3A_179 = tpu.memref_slice %arg4[%dma_wait3A_177, %dma_wait3A_178] : memref<10016x16xf32, #tpu.memory_space<hbm>> -> memref<10016x16xf32, #tpu.memory_space<hbm>>
    tpu.wait_indirect_dma semaphore(%arg30 : memref<!tpu.dma_semaphore, #tpu.memory_space<semaphore_mem>>) src(%dma_wait3A_179 : memref<10016x16xf32, #tpu.memory_space<hbm>>) dst(%arg24 : memref<64x16xf32, #tpu.memory_space<vmem>>)
    %barrier3A_180 = arith.constant 0 : index
    tpu.barrier barrier_id(%barrier3A_180)
    "tpu.region"() ({
      %run_scoped3A = tpu.sem_alloc : memref<!tpu.dma_semaphore, #tpu.memory_space<semaphore_mem>>
      %dma_start3A_181 = arith.constant 0 : i32
      %dma_start3A_182 = tpu.memref_slice %arg9[%arg0, %mul3A_2, %dma_start3A_181] : memref<2x10016x128xf32, #tpu.memory_space<hbm>> -> memref<1x313x128xf32, #tpu.memory_space<hbm>>
      %dma_start3A_183 = tpu.memref_squeeze %dma_start3A_182 : memref<1x313x128xf32, #tpu.memory_space<hbm>> -> memref<313x128xf32, #tpu.memory_space<hbm>>
      %dma_start3A_184 = arith.constant 0 : i32
      %dma_start3A_185 = tpu.memref_slice %arg11[%mul3A_2, %dma_start3A_184] : memref<10016x128xf32, #tpu.memory_space<vmem_shared>> -> memref<313x128xf32, #tpu.memory_space<vmem_shared>>
      tpu.enqueue_dma source(%dma_start3A_185 : memref<313x128xf32, #tpu.memory_space<vmem_shared>>) target(%dma_start3A_183 : memref<313x128xf32, #tpu.memory_space<hbm>>) target_semaphore(%run_scoped3A : memref<!tpu.dma_semaphore, #tpu.memory_space<semaphore_mem>>)
      %dma_wait3A_186 = arith.constant 0 : i32
      %dma_wait3A_187 = tpu.memref_slice %arg9[%arg0, %mul3A_2, %dma_wait3A_186] : memref<2x10016x128xf32, #tpu.memory_space<hbm>> -> memref<1x313x128xf32, #tpu.memory_space<hbm>>
      %dma_wait3A_188 = tpu.memref_squeeze %dma_wait3A_187 : memref<1x313x128xf32, #tpu.memory_space<hbm>> -> memref<313x128xf32, #tpu.memory_space<hbm>>
      %dma_wait3A_189 = arith.constant 0 : i32
      %dma_wait3A_190 = tpu.memref_slice %arg11[%mul3A_2, %dma_wait3A_189] : memref<10016x128xf32, #tpu.memory_space<vmem_shared>> -> memref<313x128xf32, #tpu.memory_space<vmem_shared>>
      tpu.wait_dma2 semaphore(%run_scoped3A : memref<!tpu.dma_semaphore, #tpu.memory_space<semaphore_mem>>) src(%dma_wait3A_190 : memref<313x128xf32, #tpu.memory_space<vmem_shared>>) dst(%dma_wait3A_188 : memref<313x128xf32, #tpu.memory_space<hbm>>)
      tpu.yield
    }) : () -> ()
    "tpu.region"() ({
      %run_scoped3A = tpu.sem_alloc : memref<!tpu.dma_semaphore, #tpu.memory_space<semaphore_mem>>
      %dma_start3A_181 = arith.constant 0 : i32
      %dma_start3A_182 = tpu.memref_slice %arg10[%arg0, %mul3A_2, %dma_start3A_181] : memref<2x10016x16xf32, #tpu.memory_space<hbm>> -> memref<1x313x16xf32, #tpu.memory_space<hbm>>
      %dma_start3A_183 = tpu.memref_squeeze %dma_start3A_182 : memref<1x313x16xf32, #tpu.memory_space<hbm>> -> memref<313x16xf32, #tpu.memory_space<hbm>>
      %dma_start3A_184 = arith.constant 0 : i32
      %dma_start3A_185 = tpu.memref_slice %arg12[%mul3A_2, %dma_start3A_184] : memref<10016x16xf32, #tpu.memory_space<vmem_shared>> -> memref<313x16xf32, #tpu.memory_space<vmem_shared>>
      tpu.enqueue_dma source(%dma_start3A_185 : memref<313x16xf32, #tpu.memory_space<vmem_shared>>) target(%dma_start3A_183 : memref<313x16xf32, #tpu.memory_space<hbm>>) target_semaphore(%run_scoped3A : memref<!tpu.dma_semaphore, #tpu.memory_space<semaphore_mem>>)
      %dma_wait3A_186 = arith.constant 0 : i32
      %dma_wait3A_187 = tpu.memref_slice %arg10[%arg0, %mul3A_2, %dma_wait3A_186] : memref<2x10016x16xf32, #tpu.memory_space<hbm>> -> memref<1x313x16xf32, #tpu.memory_space<hbm>>
      %dma_wait3A_188 = tpu.memref_squeeze %dma_wait3A_187 : memref<1x313x16xf32, #tpu.memory_space<hbm>> -> memref<313x16xf32, #tpu.memory_space<hbm>>
      %dma_wait3A_189 = arith.constant 0 : i32
      %dma_wait3A_190 = tpu.memref_slice %arg12[%mul3A_2, %dma_wait3A_189] : memref<10016x16xf32, #tpu.memory_space<vmem_shared>> -> memref<313x16xf32, #tpu.memory_space<vmem_shared>>
      tpu.wait_dma2 semaphore(%run_scoped3A : memref<!tpu.dma_semaphore, #tpu.memory_space<semaphore_mem>>) src(%dma_wait3A_190 : memref<313x16xf32, #tpu.memory_space<vmem_shared>>) dst(%dma_wait3A_188 : memref<313x16xf32, #tpu.memory_space<hbm>>)
      tpu.yield
    }) : () -> ()
    return
  }
}

#map = affine_map<(d0, d1) -> (0, 0)>
#map1 = affine_map<(d0, d1) -> (0)>
#map2 = affine_map<(d0, d1) -> (0, 0, 0)>
module attributes {stable_mosaic.version = 14 : i64} {
  func.func @body(%arg0: i32, %arg1: i32, %arg2: memref<10016x16xf32, #tpu.memory_space<hbm>>, %arg3: memref<10016x16xf32, #tpu.memory_space<hbm>>, %arg4: memref<10016x16xf32, #tpu.memory_space<hbm>>, %arg5: memref<328192xi32, #tpu.memory_space<hbm>>, %arg6: memref<328192xi32, #tpu.memory_space<hbm>>, %arg7: memref<313x16xf32, #tpu.memory_space<hbm>>, %arg8: memref<313x16xf32, #tpu.memory_space<hbm>>, %arg9: memref<2x10016x16xf32, #tpu.memory_space<hbm>>, %arg10: memref<2x10016x16xf32, #tpu.memory_space<hbm>>, %arg11: memref<10016x16xf32, #tpu.memory_space<vmem_shared>>, %arg12: memref<10016x16xf32, #tpu.memory_space<vmem_shared>>, %arg13: memref<128xi32, #tpu.memory_space<vmem>>, %arg14: memref<128xi32, #tpu.memory_space<vmem>>, %arg15: memref<128xi32, #tpu.memory_space<vmem>>, %arg16: memref<128xi32, #tpu.memory_space<vmem>>, %arg17: memref<128xi32, #tpu.memory_space<vmem>>, %arg18: memref<128xi32, #tpu.memory_space<vmem>>, %arg19: memref<128xi32, #tpu.memory_space<vmem>>, %arg20: memref<128xi32, #tpu.memory_space<vmem>>, %arg21: memref<128xi32, #tpu.memory_space<vmem>>, %arg22: memref<128xi32, #tpu.memory_space<vmem>>, %arg23: memref<128xi32, #tpu.memory_space<vmem>>, %arg24: memref<128xi32, #tpu.memory_space<vmem>>, %arg25: memref<128x16xf32, #tpu.memory_space<vmem>>, %arg26: memref<128x16xf32, #tpu.memory_space<vmem>>, %arg27: memref<128x16xf32, #tpu.memory_space<vmem>>, %arg28: memref<128x16xf32, #tpu.memory_space<vmem>>, %arg29: memref<128x16xf32, #tpu.memory_space<vmem>>, %arg30: memref<128x16xf32, #tpu.memory_space<vmem>>, %arg31: memref<128x16xf32, #tpu.memory_space<vmem>>, %arg32: memref<128x16xf32, #tpu.memory_space<vmem>>, %arg33: memref<128x16xf32, #tpu.memory_space<vmem>>, %arg34: memref<128x16xf32, #tpu.memory_space<vmem>>, %arg35: memref<128x16xf32, #tpu.memory_space<vmem>>, %arg36: memref<128x16xf32, #tpu.memory_space<vmem>>, %arg37: memref<128x16xf32, #tpu.memory_space<vmem>>, %arg38: memref<128x16xf32, #tpu.memory_space<vmem>>, %arg39: memref<128x16xf32, #tpu.memory_space<vmem>>, %arg40: memref<128x16xf32, #tpu.memory_space<vmem>>, %arg41: memref<128x16xf32, #tpu.memory_space<vmem>>, %arg42: memref<128x16xf32, #tpu.memory_space<vmem>>, %arg43: memref<128x16xf32, #tpu.memory_space<vmem>>, %arg44: memref<128x16xf32, #tpu.memory_space<vmem>>, %arg45: memref<!tpu.dma_semaphore, #tpu.memory_space<semaphore_mem>>, %arg46: memref<!tpu.dma_semaphore, #tpu.memory_space<semaphore_mem>>, %arg47: memref<!tpu.dma_semaphore, #tpu.memory_space<semaphore_mem>>, %arg48: memref<!tpu.dma_semaphore, #tpu.memory_space<semaphore_mem>>, %arg49: memref<!tpu.dma_semaphore, #tpu.memory_space<semaphore_mem>>, %arg50: memref<!tpu.dma_semaphore, #tpu.memory_space<semaphore_mem>>, %arg51: memref<!tpu.dma_semaphore, #tpu.memory_space<semaphore_mem>>, %arg52: memref<!tpu.dma_semaphore, #tpu.memory_space<semaphore_mem>>) attributes {dimension_semantics = [#tpu.dimension_semantics<core_parallel>, #tpu.dimension_semantics<subcore_parallel>], iteration_bounds = array<i64: 2, 16>, scalar_prefetch = 0 : i64, scratch_operands = 42 : i64, tpu.core_type = #tpu.core_type<sc_vector_subcore>, window_params = [{transform_indices = #map}, {transform_indices = #map}, {transform_indices = #map}, {transform_indices = #map1}, {transform_indices = #map1}, {transform_indices = #map}, {transform_indices = #map}, {transform_indices = #map2}, {transform_indices = #map2}]} {
    %mul3A = arith.constant 16 : i32
    %mul3A_0 = arith.muli %arg0, %mul3A : i32
    %add3A = arith.addi %mul3A_0, %arg1 : i32
    %mul3A_1 = arith.constant 313 : i32
    %mul3A_2 = arith.muli %arg1, %mul3A_1 : i32
    "tpu.region"() ({
      %run_scoped3A = tpu.sem_alloc : memref<!tpu.dma_semaphore, #tpu.memory_space<semaphore_mem>>
      %dma_start3A_465 = arith.constant 0 : i32
      %dma_start3A_466 = tpu.memref_slice %arg11[%mul3A_2, %dma_start3A_465] : memref<10016x16xf32, #tpu.memory_space<vmem_shared>> -> memref<313x16xf32, #tpu.memory_space<vmem_shared>>
      tpu.enqueue_dma source(%arg7 : memref<313x16xf32, #tpu.memory_space<hbm>>) target(%dma_start3A_466 : memref<313x16xf32, #tpu.memory_space<vmem_shared>>) target_semaphore(%run_scoped3A : memref<!tpu.dma_semaphore, #tpu.memory_space<semaphore_mem>>)
      %dma_wait3A_467 = arith.constant 0 : i32
      %dma_wait3A_468 = tpu.memref_slice %arg11[%mul3A_2, %dma_wait3A_467] : memref<10016x16xf32, #tpu.memory_space<vmem_shared>> -> memref<313x16xf32, #tpu.memory_space<vmem_shared>>
      tpu.wait_dma2 semaphore(%run_scoped3A : memref<!tpu.dma_semaphore, #tpu.memory_space<semaphore_mem>>) src(%arg7 : memref<313x16xf32, #tpu.memory_space<hbm>>) dst(%dma_wait3A_468 : memref<313x16xf32, #tpu.memory_space<vmem_shared>>)
      tpu.yield
    }) : () -> ()
    "tpu.region"() ({
      %run_scoped3A = tpu.sem_alloc : memref<!tpu.dma_semaphore, #tpu.memory_space<semaphore_mem>>
      %dma_start3A_465 = arith.constant 0 : i32
      %dma_start3A_466 = tpu.memref_slice %arg12[%mul3A_2, %dma_start3A_465] : memref<10016x16xf32, #tpu.memory_space<vmem_shared>> -> memref<313x16xf32, #tpu.memory_space<vmem_shared>>
      tpu.enqueue_dma source(%arg8 : memref<313x16xf32, #tpu.memory_space<hbm>>) target(%dma_start3A_466 : memref<313x16xf32, #tpu.memory_space<vmem_shared>>) target_semaphore(%run_scoped3A : memref<!tpu.dma_semaphore, #tpu.memory_space<semaphore_mem>>)
      %dma_wait3A_467 = arith.constant 0 : i32
      %dma_wait3A_468 = tpu.memref_slice %arg12[%mul3A_2, %dma_wait3A_467] : memref<10016x16xf32, #tpu.memory_space<vmem_shared>> -> memref<313x16xf32, #tpu.memory_space<vmem_shared>>
      tpu.wait_dma2 semaphore(%run_scoped3A : memref<!tpu.dma_semaphore, #tpu.memory_space<semaphore_mem>>) src(%arg8 : memref<313x16xf32, #tpu.memory_space<hbm>>) dst(%dma_wait3A_468 : memref<313x16xf32, #tpu.memory_space<vmem_shared>>)
      tpu.yield
    }) : () -> ()
    %barrier3A = arith.constant 0 : index
    tpu.barrier barrier_id(%barrier3A)
    %iota3A = tpu.iota {dimensions = array<i32: 0>} : vector<16xi32>
    %lt3A = arith.constant 1 : i32
    %lt3A_3 = vector.broadcast %lt3A : i32 to vector<16xi32>
    %lt3A_4 = arith.cmpi slt, %iota3A, %lt3A_3 : vector<16xi32>
    %mul3A_5 = arith.constant 10240 : i32
    %mul3A_6 = arith.muli %add3A, %mul3A_5 : i32
    %add3A_7 = arith.constant 0 : i32
    %add3A_8 = arith.addi %mul3A_6, %add3A_7 : i32
    "tpu.region"() ({
      %run_scoped3A = tpu.sem_alloc : memref<!tpu.dma_semaphore, #tpu.memory_space<semaphore_mem>>
      %dma_start3A_465 = tpu.memref_slice %arg5[%add3A_8] : memref<328192xi32, #tpu.memory_space<hbm>> -> memref<128xi32, #tpu.memory_space<hbm>>
      %dma_start3A_466 = tpu.memref_slice %arg5[%add3A_8] : memref<328192xi32, #tpu.memory_space<hbm>> -> memref<128xi32, #tpu.memory_space<hbm>>
      tpu.enqueue_dma source(%dma_start3A_466 : memref<128xi32, #tpu.memory_space<hbm>>) target(%arg13 : memref<128xi32, #tpu.memory_space<vmem>>) target_semaphore(%run_scoped3A : memref<!tpu.dma_semaphore, #tpu.memory_space<semaphore_mem>>)
      %dma_wait3A_467 = tpu.memref_slice %arg5[%add3A_8] : memref<328192xi32, #tpu.memory_space<hbm>> -> memref<128xi32, #tpu.memory_space<hbm>>
      %dma_wait3A_468 = tpu.memref_slice %arg5[%add3A_8] : memref<328192xi32, #tpu.memory_space<hbm>> -> memref<128xi32, #tpu.memory_space<hbm>>
      tpu.wait_dma2 semaphore(%run_scoped3A : memref<!tpu.dma_semaphore, #tpu.memory_space<semaphore_mem>>) src(%dma_wait3A_468 : memref<128xi32, #tpu.memory_space<hbm>>) dst(%arg13 : memref<128xi32, #tpu.memory_space<vmem>>)
      tpu.yield
    }) : () -> ()
    "tpu.region"() ({
      %run_scoped3A = tpu.sem_alloc : memref<!tpu.dma_semaphore, #tpu.memory_space<semaphore_mem>>
      %dma_start3A_465 = tpu.memref_slice %arg6[%add3A_8] : memref<328192xi32, #tpu.memory_space<hbm>> -> memref<128xi32, #tpu.memory_space<hbm>>
      %dma_start3A_466 = tpu.memref_slice %arg6[%add3A_8] : memref<328192xi32, #tpu.memory_space<hbm>> -> memref<128xi32, #tpu.memory_space<hbm>>
      tpu.enqueue_dma source(%dma_start3A_466 : memref<128xi32, #tpu.memory_space<hbm>>) target(%arg17 : memref<128xi32, #tpu.memory_space<vmem>>) target_semaphore(%run_scoped3A : memref<!tpu.dma_semaphore, #tpu.memory_space<semaphore_mem>>)
      %dma_wait3A_467 = tpu.memref_slice %arg6[%add3A_8] : memref<328192xi32, #tpu.memory_space<hbm>> -> memref<128xi32, #tpu.memory_space<hbm>>
      %dma_wait3A_468 = tpu.memref_slice %arg6[%add3A_8] : memref<328192xi32, #tpu.memory_space<hbm>> -> memref<128xi32, #tpu.memory_space<hbm>>
      tpu.wait_dma2 semaphore(%run_scoped3A : memref<!tpu.dma_semaphore, #tpu.memory_space<semaphore_mem>>) src(%dma_wait3A_468 : memref<128xi32, #tpu.memory_space<hbm>>) dst(%arg17 : memref<128xi32, #tpu.memory_space<vmem>>)
      tpu.yield
    }) : () -> ()
    %dma_start3A = arith.constant 0 : i32
    %dma_start3A_9 = arith.constant 0 : i32
    %dma_start3A_10 = tpu.memref_slice %arg2[%dma_start3A, %dma_start3A_9] : memref<10016x16xf32, #tpu.memory_space<hbm>> -> memref<10016x16xf32, #tpu.memory_space<hbm>>
    tpu.enqueue_indirect_dma source(%dma_start3A_10 : memref<10016x16xf32, #tpu.memory_space<hbm>>) target(%arg25 : memref<128x16xf32, #tpu.memory_space<vmem>>) offsets(%arg13 : memref<128xi32, #tpu.memory_space<vmem>>) semaphore(%arg45 : memref<!tpu.dma_semaphore, #tpu.memory_space<semaphore_mem>>)
    %dma_start3A_11 = arith.constant 0 : i32
    %dma_start3A_12 = arith.constant 0 : i32
    %dma_start3A_13 = tpu.memref_slice %arg3[%dma_start3A_11, %dma_start3A_12] : memref<10016x16xf32, #tpu.memory_space<hbm>> -> memref<10016x16xf32, #tpu.memory_space<hbm>>
    tpu.enqueue_indirect_dma source(%dma_start3A_13 : memref<10016x16xf32, #tpu.memory_space<hbm>>) target(%arg29 : memref<128x16xf32, #tpu.memory_space<vmem>>) offsets(%arg13 : memref<128xi32, #tpu.memory_space<vmem>>) semaphore(%arg45 : memref<!tpu.dma_semaphore, #tpu.memory_space<semaphore_mem>>)
    %dma_start3A_14 = arith.constant 0 : i32
    %dma_start3A_15 = arith.constant 0 : i32
    %dma_start3A_16 = tpu.memref_slice %arg4[%dma_start3A_14, %dma_start3A_15] : memref<10016x16xf32, #tpu.memory_space<hbm>> -> memref<10016x16xf32, #tpu.memory_space<hbm>>
    tpu.enqueue_indirect_dma source(%dma_start3A_16 : memref<10016x16xf32, #tpu.memory_space<hbm>>) target(%arg33 : memref<128x16xf32, #tpu.memory_space<vmem>>) offsets(%arg17 : memref<128xi32, #tpu.memory_space<vmem>>) semaphore(%arg45 : memref<!tpu.dma_semaphore, #tpu.memory_space<semaphore_mem>>)
    %add3A_17 = arith.constant 128 : i32
    %add3A_18 = arith.addi %mul3A_6, %add3A_17 : i32
    "tpu.region"() ({
      %run_scoped3A = tpu.sem_alloc : memref<!tpu.dma_semaphore, #tpu.memory_space<semaphore_mem>>
      %dma_start3A_465 = tpu.memref_slice %arg5[%add3A_18] : memref<328192xi32, #tpu.memory_space<hbm>> -> memref<128xi32, #tpu.memory_space<hbm>>
      %dma_start3A_466 = tpu.memref_slice %arg5[%add3A_18] : memref<328192xi32, #tpu.memory_space<hbm>> -> memref<128xi32, #tpu.memory_space<hbm>>
      tpu.enqueue_dma source(%dma_start3A_466 : memref<128xi32, #tpu.memory_space<hbm>>) target(%arg14 : memref<128xi32, #tpu.memory_space<vmem>>) target_semaphore(%run_scoped3A : memref<!tpu.dma_semaphore, #tpu.memory_space<semaphore_mem>>)
      %dma_wait3A_467 = tpu.memref_slice %arg5[%add3A_18] : memref<328192xi32, #tpu.memory_space<hbm>> -> memref<128xi32, #tpu.memory_space<hbm>>
      %dma_wait3A_468 = tpu.memref_slice %arg5[%add3A_18] : memref<328192xi32, #tpu.memory_space<hbm>> -> memref<128xi32, #tpu.memory_space<hbm>>
      tpu.wait_dma2 semaphore(%run_scoped3A : memref<!tpu.dma_semaphore, #tpu.memory_space<semaphore_mem>>) src(%dma_wait3A_468 : memref<128xi32, #tpu.memory_space<hbm>>) dst(%arg14 : memref<128xi32, #tpu.memory_space<vmem>>)
      tpu.yield
    }) : () -> ()
    "tpu.region"() ({
      %run_scoped3A = tpu.sem_alloc : memref<!tpu.dma_semaphore, #tpu.memory_space<semaphore_mem>>
      %dma_start3A_465 = tpu.memref_slice %arg6[%add3A_18] : memref<328192xi32, #tpu.memory_space<hbm>> -> memref<128xi32, #tpu.memory_space<hbm>>
      %dma_start3A_466 = tpu.memref_slice %arg6[%add3A_18] : memref<328192xi32, #tpu.memory_space<hbm>> -> memref<128xi32, #tpu.memory_space<hbm>>
      tpu.enqueue_dma source(%dma_start3A_466 : memref<128xi32, #tpu.memory_space<hbm>>) target(%arg18 : memref<128xi32, #tpu.memory_space<vmem>>) target_semaphore(%run_scoped3A : memref<!tpu.dma_semaphore, #tpu.memory_space<semaphore_mem>>)
      %dma_wait3A_467 = tpu.memref_slice %arg6[%add3A_18] : memref<328192xi32, #tpu.memory_space<hbm>> -> memref<128xi32, #tpu.memory_space<hbm>>
      %dma_wait3A_468 = tpu.memref_slice %arg6[%add3A_18] : memref<328192xi32, #tpu.memory_space<hbm>> -> memref<128xi32, #tpu.memory_space<hbm>>
      tpu.wait_dma2 semaphore(%run_scoped3A : memref<!tpu.dma_semaphore, #tpu.memory_space<semaphore_mem>>) src(%dma_wait3A_468 : memref<128xi32, #tpu.memory_space<hbm>>) dst(%arg18 : memref<128xi32, #tpu.memory_space<vmem>>)
      tpu.yield
    }) : () -> ()
    %dma_start3A_19 = arith.constant 0 : i32
    %dma_start3A_20 = arith.constant 0 : i32
    %dma_start3A_21 = tpu.memref_slice %arg2[%dma_start3A_19, %dma_start3A_20] : memref<10016x16xf32, #tpu.memory_space<hbm>> -> memref<10016x16xf32, #tpu.memory_space<hbm>>
    tpu.enqueue_indirect_dma source(%dma_start3A_21 : memref<10016x16xf32, #tpu.memory_space<hbm>>) target(%arg26 : memref<128x16xf32, #tpu.memory_space<vmem>>) offsets(%arg14 : memref<128xi32, #tpu.memory_space<vmem>>) semaphore(%arg46 : memref<!tpu.dma_semaphore, #tpu.memory_space<semaphore_mem>>)
    %dma_start3A_22 = arith.constant 0 : i32
    %dma_start3A_23 = arith.constant 0 : i32
    %dma_start3A_24 = tpu.memref_slice %arg3[%dma_start3A_22, %dma_start3A_23] : memref<10016x16xf32, #tpu.memory_space<hbm>> -> memref<10016x16xf32, #tpu.memory_space<hbm>>
    tpu.enqueue_indirect_dma source(%dma_start3A_24 : memref<10016x16xf32, #tpu.memory_space<hbm>>) target(%arg30 : memref<128x16xf32, #tpu.memory_space<vmem>>) offsets(%arg14 : memref<128xi32, #tpu.memory_space<vmem>>) semaphore(%arg46 : memref<!tpu.dma_semaphore, #tpu.memory_space<semaphore_mem>>)
    %dma_start3A_25 = arith.constant 0 : i32
    %dma_start3A_26 = arith.constant 0 : i32
    %dma_start3A_27 = tpu.memref_slice %arg4[%dma_start3A_25, %dma_start3A_26] : memref<10016x16xf32, #tpu.memory_space<hbm>> -> memref<10016x16xf32, #tpu.memory_space<hbm>>
    tpu.enqueue_indirect_dma source(%dma_start3A_27 : memref<10016x16xf32, #tpu.memory_space<hbm>>) target(%arg34 : memref<128x16xf32, #tpu.memory_space<vmem>>) offsets(%arg18 : memref<128xi32, #tpu.memory_space<vmem>>) semaphore(%arg46 : memref<!tpu.dma_semaphore, #tpu.memory_space<semaphore_mem>>)
    %add3A_28 = arith.constant 256 : i32
    %add3A_29 = arith.addi %mul3A_6, %add3A_28 : i32
    "tpu.region"() ({
      %run_scoped3A = tpu.sem_alloc : memref<!tpu.dma_semaphore, #tpu.memory_space<semaphore_mem>>
      %dma_start3A_465 = tpu.memref_slice %arg5[%add3A_29] : memref<328192xi32, #tpu.memory_space<hbm>> -> memref<128xi32, #tpu.memory_space<hbm>>
      %dma_start3A_466 = tpu.memref_slice %arg5[%add3A_29] : memref<328192xi32, #tpu.memory_space<hbm>> -> memref<128xi32, #tpu.memory_space<hbm>>
      tpu.enqueue_dma source(%dma_start3A_466 : memref<128xi32, #tpu.memory_space<hbm>>) target(%arg15 : memref<128xi32, #tpu.memory_space<vmem>>) target_semaphore(%run_scoped3A : memref<!tpu.dma_semaphore, #tpu.memory_space<semaphore_mem>>)
      %dma_wait3A_467 = tpu.memref_slice %arg5[%add3A_29] : memref<328192xi32, #tpu.memory_space<hbm>> -> memref<128xi32, #tpu.memory_space<hbm>>
      %dma_wait3A_468 = tpu.memref_slice %arg5[%add3A_29] : memref<328192xi32, #tpu.memory_space<hbm>> -> memref<128xi32, #tpu.memory_space<hbm>>
      tpu.wait_dma2 semaphore(%run_scoped3A : memref<!tpu.dma_semaphore, #tpu.memory_space<semaphore_mem>>) src(%dma_wait3A_468 : memref<128xi32, #tpu.memory_space<hbm>>) dst(%arg15 : memref<128xi32, #tpu.memory_space<vmem>>)
      tpu.yield
    }) : () -> ()
    "tpu.region"() ({
      %run_scoped3A = tpu.sem_alloc : memref<!tpu.dma_semaphore, #tpu.memory_space<semaphore_mem>>
      %dma_start3A_465 = tpu.memref_slice %arg6[%add3A_29] : memref<328192xi32, #tpu.memory_space<hbm>> -> memref<128xi32, #tpu.memory_space<hbm>>
      %dma_start3A_466 = tpu.memref_slice %arg6[%add3A_29] : memref<328192xi32, #tpu.memory_space<hbm>> -> memref<128xi32, #tpu.memory_space<hbm>>
      tpu.enqueue_dma source(%dma_start3A_466 : memref<128xi32, #tpu.memory_space<hbm>>) target(%arg19 : memref<128xi32, #tpu.memory_space<vmem>>) target_semaphore(%run_scoped3A : memref<!tpu.dma_semaphore, #tpu.memory_space<semaphore_mem>>)
      %dma_wait3A_467 = tpu.memref_slice %arg6[%add3A_29] : memref<328192xi32, #tpu.memory_space<hbm>> -> memref<128xi32, #tpu.memory_space<hbm>>
      %dma_wait3A_468 = tpu.memref_slice %arg6[%add3A_29] : memref<328192xi32, #tpu.memory_space<hbm>> -> memref<128xi32, #tpu.memory_space<hbm>>
      tpu.wait_dma2 semaphore(%run_scoped3A : memref<!tpu.dma_semaphore, #tpu.memory_space<semaphore_mem>>) src(%dma_wait3A_468 : memref<128xi32, #tpu.memory_space<hbm>>) dst(%arg19 : memref<128xi32, #tpu.memory_space<vmem>>)
      tpu.yield
    }) : () -> ()
    %dma_start3A_30 = arith.constant 0 : i32
    %dma_start3A_31 = arith.constant 0 : i32
    %dma_start3A_32 = tpu.memref_slice %arg2[%dma_start3A_30, %dma_start3A_31] : memref<10016x16xf32, #tpu.memory_space<hbm>> -> memref<10016x16xf32, #tpu.memory_space<hbm>>
    tpu.enqueue_indirect_dma source(%dma_start3A_32 : memref<10016x16xf32, #tpu.memory_space<hbm>>) target(%arg27 : memref<128x16xf32, #tpu.memory_space<vmem>>) offsets(%arg15 : memref<128xi32, #tpu.memory_space<vmem>>) semaphore(%arg47 : memref<!tpu.dma_semaphore, #tpu.memory_space<semaphore_mem>>)
    %dma_start3A_33 = arith.constant 0 : i32
    %dma_start3A_34 = arith.constant 0 : i32
    %dma_start3A_35 = tpu.memref_slice %arg3[%dma_start3A_33, %dma_start3A_34] : memref<10016x16xf32, #tpu.memory_space<hbm>> -> memref<10016x16xf32, #tpu.memory_space<hbm>>
    tpu.enqueue_indirect_dma source(%dma_start3A_35 : memref<10016x16xf32, #tpu.memory_space<hbm>>) target(%arg31 : memref<128x16xf32, #tpu.memory_space<vmem>>) offsets(%arg15 : memref<128xi32, #tpu.memory_space<vmem>>) semaphore(%arg47 : memref<!tpu.dma_semaphore, #tpu.memory_space<semaphore_mem>>)
    %dma_start3A_36 = arith.constant 0 : i32
    %dma_start3A_37 = arith.constant 0 : i32
    %dma_start3A_38 = tpu.memref_slice %arg4[%dma_start3A_36, %dma_start3A_37] : memref<10016x16xf32, #tpu.memory_space<hbm>> -> memref<10016x16xf32, #tpu.memory_space<hbm>>
    tpu.enqueue_indirect_dma source(%dma_start3A_38 : memref<10016x16xf32, #tpu.memory_space<hbm>>) target(%arg35 : memref<128x16xf32, #tpu.memory_space<vmem>>) offsets(%arg19 : memref<128xi32, #tpu.memory_space<vmem>>) semaphore(%arg47 : memref<!tpu.dma_semaphore, #tpu.memory_space<semaphore_mem>>)
    %add3A_39 = arith.constant 384 : i32
    %add3A_40 = arith.addi %mul3A_6, %add3A_39 : i32
    "tpu.region"() ({
      %run_scoped3A = tpu.sem_alloc : memref<!tpu.dma_semaphore, #tpu.memory_space<semaphore_mem>>
      %dma_start3A_465 = tpu.memref_slice %arg5[%add3A_40] : memref<328192xi32, #tpu.memory_space<hbm>> -> memref<128xi32, #tpu.memory_space<hbm>>
      %dma_start3A_466 = tpu.memref_slice %arg5[%add3A_40] : memref<328192xi32, #tpu.memory_space<hbm>> -> memref<128xi32, #tpu.memory_space<hbm>>
      tpu.enqueue_dma source(%dma_start3A_466 : memref<128xi32, #tpu.memory_space<hbm>>) target(%arg16 : memref<128xi32, #tpu.memory_space<vmem>>) target_semaphore(%run_scoped3A : memref<!tpu.dma_semaphore, #tpu.memory_space<semaphore_mem>>)
      %dma_wait3A_467 = tpu.memref_slice %arg5[%add3A_40] : memref<328192xi32, #tpu.memory_space<hbm>> -> memref<128xi32, #tpu.memory_space<hbm>>
      %dma_wait3A_468 = tpu.memref_slice %arg5[%add3A_40] : memref<328192xi32, #tpu.memory_space<hbm>> -> memref<128xi32, #tpu.memory_space<hbm>>
      tpu.wait_dma2 semaphore(%run_scoped3A : memref<!tpu.dma_semaphore, #tpu.memory_space<semaphore_mem>>) src(%dma_wait3A_468 : memref<128xi32, #tpu.memory_space<hbm>>) dst(%arg16 : memref<128xi32, #tpu.memory_space<vmem>>)
      tpu.yield
    }) : () -> ()
    "tpu.region"() ({
      %run_scoped3A = tpu.sem_alloc : memref<!tpu.dma_semaphore, #tpu.memory_space<semaphore_mem>>
      %dma_start3A_465 = tpu.memref_slice %arg6[%add3A_40] : memref<328192xi32, #tpu.memory_space<hbm>> -> memref<128xi32, #tpu.memory_space<hbm>>
      %dma_start3A_466 = tpu.memref_slice %arg6[%add3A_40] : memref<328192xi32, #tpu.memory_space<hbm>> -> memref<128xi32, #tpu.memory_space<hbm>>
      tpu.enqueue_dma source(%dma_start3A_466 : memref<128xi32, #tpu.memory_space<hbm>>) target(%arg20 : memref<128xi32, #tpu.memory_space<vmem>>) target_semaphore(%run_scoped3A : memref<!tpu.dma_semaphore, #tpu.memory_space<semaphore_mem>>)
      %dma_wait3A_467 = tpu.memref_slice %arg6[%add3A_40] : memref<328192xi32, #tpu.memory_space<hbm>> -> memref<128xi32, #tpu.memory_space<hbm>>
      %dma_wait3A_468 = tpu.memref_slice %arg6[%add3A_40] : memref<328192xi32, #tpu.memory_space<hbm>> -> memref<128xi32, #tpu.memory_space<hbm>>
      tpu.wait_dma2 semaphore(%run_scoped3A : memref<!tpu.dma_semaphore, #tpu.memory_space<semaphore_mem>>) src(%dma_wait3A_468 : memref<128xi32, #tpu.memory_space<hbm>>) dst(%arg20 : memref<128xi32, #tpu.memory_space<vmem>>)
      tpu.yield
    }) : () -> ()
    %dma_start3A_41 = arith.constant 0 : i32
    %dma_start3A_42 = arith.constant 0 : i32
    %dma_start3A_43 = tpu.memref_slice %arg2[%dma_start3A_41, %dma_start3A_42] : memref<10016x16xf32, #tpu.memory_space<hbm>> -> memref<10016x16xf32, #tpu.memory_space<hbm>>
    tpu.enqueue_indirect_dma source(%dma_start3A_43 : memref<10016x16xf32, #tpu.memory_space<hbm>>) target(%arg28 : memref<128x16xf32, #tpu.memory_space<vmem>>) offsets(%arg16 : memref<128xi32, #tpu.memory_space<vmem>>) semaphore(%arg48 : memref<!tpu.dma_semaphore, #tpu.memory_space<semaphore_mem>>)
    %dma_start3A_44 = arith.constant 0 : i32
    %dma_start3A_45 = arith.constant 0 : i32
    %dma_start3A_46 = tpu.memref_slice %arg3[%dma_start3A_44, %dma_start3A_45] : memref<10016x16xf32, #tpu.memory_space<hbm>> -> memref<10016x16xf32, #tpu.memory_space<hbm>>
    tpu.enqueue_indirect_dma source(%dma_start3A_46 : memref<10016x16xf32, #tpu.memory_space<hbm>>) target(%arg32 : memref<128x16xf32, #tpu.memory_space<vmem>>) offsets(%arg16 : memref<128xi32, #tpu.memory_space<vmem>>) semaphore(%arg48 : memref<!tpu.dma_semaphore, #tpu.memory_space<semaphore_mem>>)
    %dma_start3A_47 = arith.constant 0 : i32
    %dma_start3A_48 = arith.constant 0 : i32
    %dma_start3A_49 = tpu.memref_slice %arg4[%dma_start3A_47, %dma_start3A_48] : memref<10016x16xf32, #tpu.memory_space<hbm>> -> memref<10016x16xf32, #tpu.memory_space<hbm>>
    tpu.enqueue_indirect_dma source(%dma_start3A_49 : memref<10016x16xf32, #tpu.memory_space<hbm>>) target(%arg36 : memref<128x16xf32, #tpu.memory_space<vmem>>) offsets(%arg20 : memref<128xi32, #tpu.memory_space<vmem>>) semaphore(%arg48 : memref<!tpu.dma_semaphore, #tpu.memory_space<semaphore_mem>>)
    %dma_wait3A = arith.constant 0 : i32
    %dma_wait3A_50 = arith.constant 0 : i32
    %dma_wait3A_51 = tpu.memref_slice %arg2[%dma_wait3A, %dma_wait3A_50] : memref<10016x16xf32, #tpu.memory_space<hbm>> -> memref<10016x16xf32, #tpu.memory_space<hbm>>
    tpu.wait_indirect_dma semaphore(%arg45 : memref<!tpu.dma_semaphore, #tpu.memory_space<semaphore_mem>>) src(%dma_wait3A_51 : memref<10016x16xf32, #tpu.memory_space<hbm>>) dst(%arg25 : memref<128x16xf32, #tpu.memory_space<vmem>>)
    %dma_wait3A_52 = arith.constant 0 : i32
    %dma_wait3A_53 = arith.constant 0 : i32
    %dma_wait3A_54 = tpu.memref_slice %arg3[%dma_wait3A_52, %dma_wait3A_53] : memref<10016x16xf32, #tpu.memory_space<hbm>> -> memref<10016x16xf32, #tpu.memory_space<hbm>>
    tpu.wait_indirect_dma semaphore(%arg45 : memref<!tpu.dma_semaphore, #tpu.memory_space<semaphore_mem>>) src(%dma_wait3A_54 : memref<10016x16xf32, #tpu.memory_space<hbm>>) dst(%arg29 : memref<128x16xf32, #tpu.memory_space<vmem>>)
    %dma_wait3A_55 = arith.constant 0 : i32
    %dma_wait3A_56 = arith.constant 0 : i32
    %dma_wait3A_57 = tpu.memref_slice %arg4[%dma_wait3A_55, %dma_wait3A_56] : memref<10016x16xf32, #tpu.memory_space<hbm>> -> memref<10016x16xf32, #tpu.memory_space<hbm>>
    tpu.wait_indirect_dma semaphore(%arg45 : memref<!tpu.dma_semaphore, #tpu.memory_space<semaphore_mem>>) src(%dma_wait3A_57 : memref<10016x16xf32, #tpu.memory_space<hbm>>) dst(%arg33 : memref<128x16xf32, #tpu.memory_space<vmem>>)
    %scan3A = arith.constant 0 : i32
    %scan3A_58 = arith.constant 0 : i32
    %scan3A_59 = arith.constant 128 : i32
    %scan3A_60 = arith.addi %scan3A_58, %scan3A_59 : i32
    %scan3A_61 = arith.constant 1 : i32
    scf.for %scan3A_465 = %scan3A_58 to %scan3A_60 step %scan3A_61  : i32 {
      %get3A_466 = arith.index_cast %scan3A_465 : i32 to index
      %get3A_467 = arith.constant 0 : index
      %get3A_468 = tpu.vector_load %arg29[%get3A_466, %get3A_467] {strides = array<i32>} : memref<128x16xf32, #tpu.memory_space<vmem>>, vector<1x16xf32>,
      %get3A_469 = vector.shape_cast %get3A_468 : vector<1x16xf32> to vector<16xf32>
      %get3A_470 = arith.index_cast %scan3A_465 : i32 to index
      %get3A_471 = arith.constant 0 : index
      %get3A_472 = tpu.vector_load %arg33[%get3A_470, %get3A_471] {strides = array<i32>} : memref<128x16xf32, #tpu.memory_space<vmem>>, vector<1x16xf32>,
      %get3A_473 = vector.shape_cast %get3A_472 : vector<1x16xf32> to vector<16xf32>
      %add3A_474 = arith.addf %get3A_469, %get3A_473 : vector<16xf32>
      %gt3A = arith.constant 0.000000e+00 : f32
      %gt3A_475 = vector.broadcast %gt3A : f32 to vector<16xf32>
      %gt3A_476 = arith.cmpf ogt, %add3A_474, %gt3A_475 : vector<16xf32>
      %mul3A_477 = arith.constant 2.000000e-01 : f32
      %mul3A_478 = vector.broadcast %mul3A_477 : f32 to vector<16xf32>
      %mul3A_479 = arith.mulf %add3A_474, %mul3A_478 : vector<16xf32>
      %select_n3A = arith.select %gt3A_476, %add3A_474, %mul3A_479 : vector<16xi1>, vector<16xf32>
      %exp3A = math.exp %select_n3A : vector<16xf32>
      %jit3A = arith.constant 0.000000e+00 : f32
      %broadcast_in_dim3A = vector.broadcast %jit3A : f32 to vector<16xf32>
      %select_n3A_480 = arith.select %lt3A_4, %exp3A, %broadcast_in_dim3A : vector<16xi1>, vector<16xf32>
      %swap3A_481 = arith.index_cast %scan3A_465 : i32 to index
      %swap3A_482 = arith.constant 0 : index
      %swap3A_483 = tpu.vector_load %arg37[%swap3A_481, %swap3A_482] {strides = array<i32>} : memref<128x16xf32, #tpu.memory_space<vmem>>, vector<1x16xf32>,
      %swap3A_484 = vector.shape_cast %swap3A_483 : vector<1x16xf32> to vector<16xf32>
      %swap3A_485 = vector.shape_cast %select_n3A_480 : vector<16xf32> to vector<1x16xf32>
      tpu.vector_store %arg37[%swap3A_481, %swap3A_482], %swap3A_485 {strides = array<i32>} : memref<128x16xf32, #tpu.memory_space<vmem>>, vector<1x16xf32>,
      %broadcast_in_dim3A_486 = arith.constant 0 : i32
      %broadcast_in_dim3A_487 = vector.broadcast %broadcast_in_dim3A_486 : i32 to vector<16xi32>
      %broadcast_in_dim3A_488 = vector.shape_cast %broadcast_in_dim3A_487 : vector<16xi32> to vector<16x1xi32>
      %gather3A = vector.shape_cast %broadcast_in_dim3A_488 : vector<16x1xi32> to vector<16xi32>
      %gather3A_489 = tpu.dynamic_gather %select_n3A_480[%gather3A] in [0] : vector<16xf32>, vector<16xi32> -> vector<16xf32>
      %get3A_490 = arith.index_cast %scan3A_465 : i32 to index
      %get3A_491 = arith.constant 0 : index
      %get3A_492 = tpu.vector_load %arg25[%get3A_490, %get3A_491] {strides = array<i32>} : memref<128x16xf32, #tpu.memory_space<vmem>>, vector<1x16xf32>,
      %get3A_493 = vector.shape_cast %get3A_492 : vector<1x16xf32> to vector<16xf32>
      %mul3A_494 = arith.mulf %gather3A_489, %get3A_493 : vector<16xf32>
      %swap3A_495 = arith.index_cast %scan3A_465 : i32 to index
      %swap3A_496 = arith.constant 0 : index
      %swap3A_497 = tpu.vector_load %arg41[%swap3A_495, %swap3A_496] {strides = array<i32>} : memref<128x16xf32, #tpu.memory_space<vmem>>, vector<1x16xf32>,
      %swap3A_498 = vector.shape_cast %swap3A_497 : vector<1x16xf32> to vector<16xf32>
      %swap3A_499 = vector.shape_cast %mul3A_494 : vector<16xf32> to vector<1x16xf32>
      tpu.vector_store %arg41[%swap3A_495, %swap3A_496], %swap3A_499 {strides = array<i32>} : memref<128x16xf32, #tpu.memory_space<vmem>>, vector<1x16xf32>,
    }
    %scan3A_62 = arith.constant 128 : i32
    %get3A = arith.constant 0 : index
    %get3A_63 = tpu.vector_load %arg17[%get3A] {strides = array<i32>} : memref<128xi32, #tpu.memory_space<vmem>>, vector<16xi32>,
    %get3A_64 = vector.shape_cast %get3A_63 : vector<16xi32> to vector<16xi32>
    %swap3A = arith.constant 0 : index
    %swap3A_65 = tpu.vector_load %arg21[%swap3A] {strides = array<i32>} : memref<128xi32, #tpu.memory_space<vmem>>, vector<16xi32>,
    %swap3A_66 = vector.shape_cast %swap3A_65 : vector<16xi32> to vector<16xi32>
    %swap3A_67 = vector.shape_cast %get3A_64 : vector<16xi32> to vector<16xi32>
    tpu.vector_store %arg21[%swap3A], %swap3A_67 {strides = array<i32>} : memref<128xi32, #tpu.memory_space<vmem>>, vector<16xi32>,
    %get3A_68 = arith.constant 16 : index
    %get3A_69 = tpu.vector_load %arg17[%get3A_68] {strides = array<i32>} : memref<128xi32, #tpu.memory_space<vmem>>, vector<16xi32>,
    %get3A_70 = vector.shape_cast %get3A_69 : vector<16xi32> to vector<16xi32>
    %swap3A_71 = arith.constant 16 : index
    %swap3A_72 = tpu.vector_load %arg21[%swap3A_71] {strides = array<i32>} : memref<128xi32, #tpu.memory_space<vmem>>, vector<16xi32>,
    %swap3A_73 = vector.shape_cast %swap3A_72 : vector<16xi32> to vector<16xi32>
    %swap3A_74 = vector.shape_cast %get3A_70 : vector<16xi32> to vector<16xi32>
    tpu.vector_store %arg21[%swap3A_71], %swap3A_74 {strides = array<i32>} : memref<128xi32, #tpu.memory_space<vmem>>, vector<16xi32>,
    %get3A_75 = arith.constant 32 : index
    %get3A_76 = tpu.vector_load %arg17[%get3A_75] {strides = array<i32>} : memref<128xi32, #tpu.memory_space<vmem>>, vector<16xi32>,
    %get3A_77 = vector.shape_cast %get3A_76 : vector<16xi32> to vector<16xi32>
    %swap3A_78 = arith.constant 32 : index
    %swap3A_79 = tpu.vector_load %arg21[%swap3A_78] {strides = array<i32>} : memref<128xi32, #tpu.memory_space<vmem>>, vector<16xi32>,
    %swap3A_80 = vector.shape_cast %swap3A_79 : vector<16xi32> to vector<16xi32>
    %swap3A_81 = vector.shape_cast %get3A_77 : vector<16xi32> to vector<16xi32>
    tpu.vector_store %arg21[%swap3A_78], %swap3A_81 {strides = array<i32>} : memref<128xi32, #tpu.memory_space<vmem>>, vector<16xi32>,
    %get3A_82 = arith.constant 48 : index
    %get3A_83 = tpu.vector_load %arg17[%get3A_82] {strides = array<i32>} : memref<128xi32, #tpu.memory_space<vmem>>, vector<16xi32>,
    %get3A_84 = vector.shape_cast %get3A_83 : vector<16xi32> to vector<16xi32>
    %swap3A_85 = arith.constant 48 : index
    %swap3A_86 = tpu.vector_load %arg21[%swap3A_85] {strides = array<i32>} : memref<128xi32, #tpu.memory_space<vmem>>, vector<16xi32>,
    %swap3A_87 = vector.shape_cast %swap3A_86 : vector<16xi32> to vector<16xi32>
    %swap3A_88 = vector.shape_cast %get3A_84 : vector<16xi32> to vector<16xi32>
    tpu.vector_store %arg21[%swap3A_85], %swap3A_88 {strides = array<i32>} : memref<128xi32, #tpu.memory_space<vmem>>, vector<16xi32>,
    %get3A_89 = arith.constant 64 : index
    %get3A_90 = tpu.vector_load %arg17[%get3A_89] {strides = array<i32>} : memref<128xi32, #tpu.memory_space<vmem>>, vector<16xi32>,
    %get3A_91 = vector.shape_cast %get3A_90 : vector<16xi32> to vector<16xi32>
    %swap3A_92 = arith.constant 64 : index
    %swap3A_93 = tpu.vector_load %arg21[%swap3A_92] {strides = array<i32>} : memref<128xi32, #tpu.memory_space<vmem>>, vector<16xi32>,
    %swap3A_94 = vector.shape_cast %swap3A_93 : vector<16xi32> to vector<16xi32>
    %swap3A_95 = vector.shape_cast %get3A_91 : vector<16xi32> to vector<16xi32>
    tpu.vector_store %arg21[%swap3A_92], %swap3A_95 {strides = array<i32>} : memref<128xi32, #tpu.memory_space<vmem>>, vector<16xi32>,
    %get3A_96 = arith.constant 80 : index
    %get3A_97 = tpu.vector_load %arg17[%get3A_96] {strides = array<i32>} : memref<128xi32, #tpu.memory_space<vmem>>, vector<16xi32>,
    %get3A_98 = vector.shape_cast %get3A_97 : vector<16xi32> to vector<16xi32>
    %swap3A_99 = arith.constant 80 : index
    %swap3A_100 = tpu.vector_load %arg21[%swap3A_99] {strides = array<i32>} : memref<128xi32, #tpu.memory_space<vmem>>, vector<16xi32>,
    %swap3A_101 = vector.shape_cast %swap3A_100 : vector<16xi32> to vector<16xi32>
    %swap3A_102 = vector.shape_cast %get3A_98 : vector<16xi32> to vector<16xi32>
    tpu.vector_store %arg21[%swap3A_99], %swap3A_102 {strides = array<i32>} : memref<128xi32, #tpu.memory_space<vmem>>, vector<16xi32>,
    %get3A_103 = arith.constant 96 : index
    %get3A_104 = tpu.vector_load %arg17[%get3A_103] {strides = array<i32>} : memref<128xi32, #tpu.memory_space<vmem>>, vector<16xi32>,
    %get3A_105 = vector.shape_cast %get3A_104 : vector<16xi32> to vector<16xi32>
    %swap3A_106 = arith.constant 96 : index
    %swap3A_107 = tpu.vector_load %arg21[%swap3A_106] {strides = array<i32>} : memref<128xi32, #tpu.memory_space<vmem>>, vector<16xi32>,
    %swap3A_108 = vector.shape_cast %swap3A_107 : vector<16xi32> to vector<16xi32>
    %swap3A_109 = vector.shape_cast %get3A_105 : vector<16xi32> to vector<16xi32>
    tpu.vector_store %arg21[%swap3A_106], %swap3A_109 {strides = array<i32>} : memref<128xi32, #tpu.memory_space<vmem>>, vector<16xi32>,
    %get3A_110 = arith.constant 112 : index
    %get3A_111 = tpu.vector_load %arg17[%get3A_110] {strides = array<i32>} : memref<128xi32, #tpu.memory_space<vmem>>, vector<16xi32>,
    %get3A_112 = vector.shape_cast %get3A_111 : vector<16xi32> to vector<16xi32>
    %swap3A_113 = arith.constant 112 : index
    %swap3A_114 = tpu.vector_load %arg21[%swap3A_113] {strides = array<i32>} : memref<128xi32, #tpu.memory_space<vmem>>, vector<16xi32>,
    %swap3A_115 = vector.shape_cast %swap3A_114 : vector<16xi32> to vector<16xi32>
    %swap3A_116 = vector.shape_cast %get3A_112 : vector<16xi32> to vector<16xi32>
    tpu.vector_store %arg21[%swap3A_113], %swap3A_116 {strides = array<i32>} : memref<128xi32, #tpu.memory_space<vmem>>, vector<16xi32>,
    %dma_start3A_117 = arith.constant 0 : i32
    %dma_start3A_118 = arith.constant 0 : i32
    %dma_start3A_119 = tpu.memref_slice %arg11[%dma_start3A_117, %dma_start3A_118] : memref<10016x16xf32, #tpu.memory_space<vmem_shared>> -> memref<10016x16xf32, #tpu.memory_space<vmem_shared>>
    tpu.enqueue_indirect_dma source(%arg41 : memref<128x16xf32, #tpu.memory_space<vmem>>) target(%dma_start3A_119 : memref<10016x16xf32, #tpu.memory_space<vmem_shared>>) offsets(%arg21 : memref<128xi32, #tpu.memory_space<vmem>>) semaphore(%arg49 : memref<!tpu.dma_semaphore, #tpu.memory_space<semaphore_mem>>) {add = true}
    %dma_start3A_120 = arith.constant 0 : i32
    %dma_start3A_121 = arith.constant 0 : i32
    %dma_start3A_122 = tpu.memref_slice %arg12[%dma_start3A_120, %dma_start3A_121] : memref<10016x16xf32, #tpu.memory_space<vmem_shared>> -> memref<10016x16xf32, #tpu.memory_space<vmem_shared>>
    tpu.enqueue_indirect_dma source(%arg37 : memref<128x16xf32, #tpu.memory_space<vmem>>) target(%dma_start3A_122 : memref<10016x16xf32, #tpu.memory_space<vmem_shared>>) offsets(%arg21 : memref<128xi32, #tpu.memory_space<vmem>>) semaphore(%arg49 : memref<!tpu.dma_semaphore, #tpu.memory_space<semaphore_mem>>) {add = true}
    %add3A_123 = arith.constant 512 : i32
    %add3A_124 = arith.addi %mul3A_6, %add3A_123 : i32
    "tpu.region"() ({
      %run_scoped3A = tpu.sem_alloc : memref<!tpu.dma_semaphore, #tpu.memory_space<semaphore_mem>>
      %dma_start3A_465 = tpu.memref_slice %arg5[%add3A_124] : memref<328192xi32, #tpu.memory_space<hbm>> -> memref<128xi32, #tpu.memory_space<hbm>>
      %dma_start3A_466 = tpu.memref_slice %arg5[%add3A_124] : memref<328192xi32, #tpu.memory_space<hbm>> -> memref<128xi32, #tpu.memory_space<hbm>>
      tpu.enqueue_dma source(%dma_start3A_466 : memref<128xi32, #tpu.memory_space<hbm>>) target(%arg13 : memref<128xi32, #tpu.memory_space<vmem>>) target_semaphore(%run_scoped3A : memref<!tpu.dma_semaphore, #tpu.memory_space<semaphore_mem>>)
      %dma_wait3A_467 = tpu.memref_slice %arg5[%add3A_124] : memref<328192xi32, #tpu.memory_space<hbm>> -> memref<128xi32, #tpu.memory_space<hbm>>
      %dma_wait3A_468 = tpu.memref_slice %arg5[%add3A_124] : memref<328192xi32, #tpu.memory_space<hbm>> -> memref<128xi32, #tpu.memory_space<hbm>>
      tpu.wait_dma2 semaphore(%run_scoped3A : memref<!tpu.dma_semaphore, #tpu.memory_space<semaphore_mem>>) src(%dma_wait3A_468 : memref<128xi32, #tpu.memory_space<hbm>>) dst(%arg13 : memref<128xi32, #tpu.memory_space<vmem>>)
      tpu.yield
    }) : () -> ()
    "tpu.region"() ({
      %run_scoped3A = tpu.sem_alloc : memref<!tpu.dma_semaphore, #tpu.memory_space<semaphore_mem>>
      %dma_start3A_465 = tpu.memref_slice %arg6[%add3A_124] : memref<328192xi32, #tpu.memory_space<hbm>> -> memref<128xi32, #tpu.memory_space<hbm>>
      %dma_start3A_466 = tpu.memref_slice %arg6[%add3A_124] : memref<328192xi32, #tpu.memory_space<hbm>> -> memref<128xi32, #tpu.memory_space<hbm>>
      tpu.enqueue_dma source(%dma_start3A_466 : memref<128xi32, #tpu.memory_space<hbm>>) target(%arg17 : memref<128xi32, #tpu.memory_space<vmem>>) target_semaphore(%run_scoped3A : memref<!tpu.dma_semaphore, #tpu.memory_space<semaphore_mem>>)
      %dma_wait3A_467 = tpu.memref_slice %arg6[%add3A_124] : memref<328192xi32, #tpu.memory_space<hbm>> -> memref<128xi32, #tpu.memory_space<hbm>>
      %dma_wait3A_468 = tpu.memref_slice %arg6[%add3A_124] : memref<328192xi32, #tpu.memory_space<hbm>> -> memref<128xi32, #tpu.memory_space<hbm>>
      tpu.wait_dma2 semaphore(%run_scoped3A : memref<!tpu.dma_semaphore, #tpu.memory_space<semaphore_mem>>) src(%dma_wait3A_468 : memref<128xi32, #tpu.memory_space<hbm>>) dst(%arg17 : memref<128xi32, #tpu.memory_space<vmem>>)
      tpu.yield
    }) : () -> ()
    %dma_start3A_125 = arith.constant 0 : i32
    %dma_start3A_126 = arith.constant 0 : i32
    %dma_start3A_127 = tpu.memref_slice %arg2[%dma_start3A_125, %dma_start3A_126] : memref<10016x16xf32, #tpu.memory_space<hbm>> -> memref<10016x16xf32, #tpu.memory_space<hbm>>
    tpu.enqueue_indirect_dma source(%dma_start3A_127 : memref<10016x16xf32, #tpu.memory_space<hbm>>) target(%arg25 : memref<128x16xf32, #tpu.memory_space<vmem>>) offsets(%arg13 : memref<128xi32, #tpu.memory_space<vmem>>) semaphore(%arg45 : memref<!tpu.dma_semaphore, #tpu.memory_space<semaphore_mem>>)
    %dma_start3A_128 = arith.constant 0 : i32
    %dma_start3A_129 = arith.constant 0 : i32
    %dma_start3A_130 = tpu.memref_slice %arg3[%dma_start3A_128, %dma_start3A_129] : memref<10016x16xf32, #tpu.memory_space<hbm>> -> memref<10016x16xf32, #tpu.memory_space<hbm>>
    tpu.enqueue_indirect_dma source(%dma_start3A_130 : memref<10016x16xf32, #tpu.memory_space<hbm>>) target(%arg29 : memref<128x16xf32, #tpu.memory_space<vmem>>) offsets(%arg13 : memref<128xi32, #tpu.memory_space<vmem>>) semaphore(%arg45 : memref<!tpu.dma_semaphore, #tpu.memory_space<semaphore_mem>>)
    %dma_start3A_131 = arith.constant 0 : i32
    %dma_start3A_132 = arith.constant 0 : i32
    %dma_start3A_133 = tpu.memref_slice %arg4[%dma_start3A_131, %dma_start3A_132] : memref<10016x16xf32, #tpu.memory_space<hbm>> -> memref<10016x16xf32, #tpu.memory_space<hbm>>
    tpu.enqueue_indirect_dma source(%dma_start3A_133 : memref<10016x16xf32, #tpu.memory_space<hbm>>) target(%arg33 : memref<128x16xf32, #tpu.memory_space<vmem>>) offsets(%arg17 : memref<128xi32, #tpu.memory_space<vmem>>) semaphore(%arg45 : memref<!tpu.dma_semaphore, #tpu.memory_space<semaphore_mem>>)
    %dma_wait3A_134 = arith.constant 0 : i32
    %dma_wait3A_135 = arith.constant 0 : i32
    %dma_wait3A_136 = tpu.memref_slice %arg2[%dma_wait3A_134, %dma_wait3A_135] : memref<10016x16xf32, #tpu.memory_space<hbm>> -> memref<10016x16xf32, #tpu.memory_space<hbm>>
    tpu.wait_indirect_dma semaphore(%arg46 : memref<!tpu.dma_semaphore, #tpu.memory_space<semaphore_mem>>) src(%dma_wait3A_136 : memref<10016x16xf32, #tpu.memory_space<hbm>>) dst(%arg26 : memref<128x16xf32, #tpu.memory_space<vmem>>)
    %dma_wait3A_137 = arith.constant 0 : i32
    %dma_wait3A_138 = arith.constant 0 : i32
    %dma_wait3A_139 = tpu.memref_slice %arg3[%dma_wait3A_137, %dma_wait3A_138] : memref<10016x16xf32, #tpu.memory_space<hbm>> -> memref<10016x16xf32, #tpu.memory_space<hbm>>
    tpu.wait_indirect_dma semaphore(%arg46 : memref<!tpu.dma_semaphore, #tpu.memory_space<semaphore_mem>>) src(%dma_wait3A_139 : memref<10016x16xf32, #tpu.memory_space<hbm>>) dst(%arg30 : memref<128x16xf32, #tpu.memory_space<vmem>>)
    %dma_wait3A_140 = arith.constant 0 : i32
    %dma_wait3A_141 = arith.constant 0 : i32
    %dma_wait3A_142 = tpu.memref_slice %arg4[%dma_wait3A_140, %dma_wait3A_141] : memref<10016x16xf32, #tpu.memory_space<hbm>> -> memref<10016x16xf32, #tpu.memory_space<hbm>>
    tpu.wait_indirect_dma semaphore(%arg46 : memref<!tpu.dma_semaphore, #tpu.memory_space<semaphore_mem>>) src(%dma_wait3A_142 : memref<10016x16xf32, #tpu.memory_space<hbm>>) dst(%arg34 : memref<128x16xf32, #tpu.memory_space<vmem>>)
    %scan3A_143 = arith.constant 0 : i32
    %scan3A_144 = arith.constant 0 : i32
    %scan3A_145 = arith.constant 128 : i32
    %scan3A_146 = arith.addi %scan3A_144, %scan3A_145 : i32
    %scan3A_147 = arith.constant 1 : i32
    scf.for %scan3A_465 = %scan3A_144 to %scan3A_146 step %scan3A_147  : i32 {
      %get3A_466 = arith.index_cast %scan3A_465 : i32 to index
      %get3A_467 = arith.constant 0 : index
      %get3A_468 = tpu.vector_load %arg30[%get3A_466, %get3A_467] {strides = array<i32>} : memref<128x16xf32, #tpu.memory_space<vmem>>, vector<1x16xf32>,
      %get3A_469 = vector.shape_cast %get3A_468 : vector<1x16xf32> to vector<16xf32>
      %get3A_470 = arith.index_cast %scan3A_465 : i32 to index
      %get3A_471 = arith.constant 0 : index
      %get3A_472 = tpu.vector_load %arg34[%get3A_470, %get3A_471] {strides = array<i32>} : memref<128x16xf32, #tpu.memory_space<vmem>>, vector<1x16xf32>,
      %get3A_473 = vector.shape_cast %get3A_472 : vector<1x16xf32> to vector<16xf32>
      %add3A_474 = arith.addf %get3A_469, %get3A_473 : vector<16xf32>
      %gt3A = arith.constant 0.000000e+00 : f32
      %gt3A_475 = vector.broadcast %gt3A : f32 to vector<16xf32>
      %gt3A_476 = arith.cmpf ogt, %add3A_474, %gt3A_475 : vector<16xf32>
      %mul3A_477 = arith.constant 2.000000e-01 : f32
      %mul3A_478 = vector.broadcast %mul3A_477 : f32 to vector<16xf32>
      %mul3A_479 = arith.mulf %add3A_474, %mul3A_478 : vector<16xf32>
      %select_n3A = arith.select %gt3A_476, %add3A_474, %mul3A_479 : vector<16xi1>, vector<16xf32>
      %exp3A = math.exp %select_n3A : vector<16xf32>
      %jit3A = arith.constant 0.000000e+00 : f32
      %broadcast_in_dim3A = vector.broadcast %jit3A : f32 to vector<16xf32>
      %select_n3A_480 = arith.select %lt3A_4, %exp3A, %broadcast_in_dim3A : vector<16xi1>, vector<16xf32>
      %swap3A_481 = arith.index_cast %scan3A_465 : i32 to index
      %swap3A_482 = arith.constant 0 : index
      %swap3A_483 = tpu.vector_load %arg38[%swap3A_481, %swap3A_482] {strides = array<i32>} : memref<128x16xf32, #tpu.memory_space<vmem>>, vector<1x16xf32>,
      %swap3A_484 = vector.shape_cast %swap3A_483 : vector<1x16xf32> to vector<16xf32>
      %swap3A_485 = vector.shape_cast %select_n3A_480 : vector<16xf32> to vector<1x16xf32>
      tpu.vector_store %arg38[%swap3A_481, %swap3A_482], %swap3A_485 {strides = array<i32>} : memref<128x16xf32, #tpu.memory_space<vmem>>, vector<1x16xf32>,
      %broadcast_in_dim3A_486 = arith.constant 0 : i32
      %broadcast_in_dim3A_487 = vector.broadcast %broadcast_in_dim3A_486 : i32 to vector<16xi32>
      %broadcast_in_dim3A_488 = vector.shape_cast %broadcast_in_dim3A_487 : vector<16xi32> to vector<16x1xi32>
      %gather3A = vector.shape_cast %broadcast_in_dim3A_488 : vector<16x1xi32> to vector<16xi32>
      %gather3A_489 = tpu.dynamic_gather %select_n3A_480[%gather3A] in [0] : vector<16xf32>, vector<16xi32> -> vector<16xf32>
      %get3A_490 = arith.index_cast %scan3A_465 : i32 to index
      %get3A_491 = arith.constant 0 : index
      %get3A_492 = tpu.vector_load %arg26[%get3A_490, %get3A_491] {strides = array<i32>} : memref<128x16xf32, #tpu.memory_space<vmem>>, vector<1x16xf32>,
      %get3A_493 = vector.shape_cast %get3A_492 : vector<1x16xf32> to vector<16xf32>
      %mul3A_494 = arith.mulf %gather3A_489, %get3A_493 : vector<16xf32>
      %swap3A_495 = arith.index_cast %scan3A_465 : i32 to index
      %swap3A_496 = arith.constant 0 : index
      %swap3A_497 = tpu.vector_load %arg42[%swap3A_495, %swap3A_496] {strides = array<i32>} : memref<128x16xf32, #tpu.memory_space<vmem>>, vector<1x16xf32>,
      %swap3A_498 = vector.shape_cast %swap3A_497 : vector<1x16xf32> to vector<16xf32>
      %swap3A_499 = vector.shape_cast %mul3A_494 : vector<16xf32> to vector<1x16xf32>
      tpu.vector_store %arg42[%swap3A_495, %swap3A_496], %swap3A_499 {strides = array<i32>} : memref<128x16xf32, #tpu.memory_space<vmem>>, vector<1x16xf32>,
    }
    %scan3A_148 = arith.constant 128 : i32
    %get3A_149 = arith.constant 0 : index
    %get3A_150 = tpu.vector_load %arg18[%get3A_149] {strides = array<i32>} : memref<128xi32, #tpu.memory_space<vmem>>, vector<16xi32>,
    %get3A_151 = vector.shape_cast %get3A_150 : vector<16xi32> to vector<16xi32>
    %swap3A_152 = arith.constant 0 : index
    %swap3A_153 = tpu.vector_load %arg22[%swap3A_152] {strides = array<i32>} : memref<128xi32, #tpu.memory_space<vmem>>, vector<16xi32>,
    %swap3A_154 = vector.shape_cast %swap3A_153 : vector<16xi32> to vector<16xi32>
    %swap3A_155 = vector.shape_cast %get3A_151 : vector<16xi32> to vector<16xi32>
    tpu.vector_store %arg22[%swap3A_152], %swap3A_155 {strides = array<i32>} : memref<128xi32, #tpu.memory_space<vmem>>, vector<16xi32>,
    %get3A_156 = arith.constant 16 : index
    %get3A_157 = tpu.vector_load %arg18[%get3A_156] {strides = array<i32>} : memref<128xi32, #tpu.memory_space<vmem>>, vector<16xi32>,
    %get3A_158 = vector.shape_cast %get3A_157 : vector<16xi32> to vector<16xi32>
    %swap3A_159 = arith.constant 16 : index
    %swap3A_160 = tpu.vector_load %arg22[%swap3A_159] {strides = array<i32>} : memref<128xi32, #tpu.memory_space<vmem>>, vector<16xi32>,
    %swap3A_161 = vector.shape_cast %swap3A_160 : vector<16xi32> to vector<16xi32>
    %swap3A_162 = vector.shape_cast %get3A_158 : vector<16xi32> to vector<16xi32>
    tpu.vector_store %arg22[%swap3A_159], %swap3A_162 {strides = array<i32>} : memref<128xi32, #tpu.memory_space<vmem>>, vector<16xi32>,
    %get3A_163 = arith.constant 32 : index
    %get3A_164 = tpu.vector_load %arg18[%get3A_163] {strides = array<i32>} : memref<128xi32, #tpu.memory_space<vmem>>, vector<16xi32>,
    %get3A_165 = vector.shape_cast %get3A_164 : vector<16xi32> to vector<16xi32>
    %swap3A_166 = arith.constant 32 : index
    %swap3A_167 = tpu.vector_load %arg22[%swap3A_166] {strides = array<i32>} : memref<128xi32, #tpu.memory_space<vmem>>, vector<16xi32>,
    %swap3A_168 = vector.shape_cast %swap3A_167 : vector<16xi32> to vector<16xi32>
    %swap3A_169 = vector.shape_cast %get3A_165 : vector<16xi32> to vector<16xi32>
    tpu.vector_store %arg22[%swap3A_166], %swap3A_169 {strides = array<i32>} : memref<128xi32, #tpu.memory_space<vmem>>, vector<16xi32>,
    %get3A_170 = arith.constant 48 : index
    %get3A_171 = tpu.vector_load %arg18[%get3A_170] {strides = array<i32>} : memref<128xi32, #tpu.memory_space<vmem>>, vector<16xi32>,
    %get3A_172 = vector.shape_cast %get3A_171 : vector<16xi32> to vector<16xi32>
    %swap3A_173 = arith.constant 48 : index
    %swap3A_174 = tpu.vector_load %arg22[%swap3A_173] {strides = array<i32>} : memref<128xi32, #tpu.memory_space<vmem>>, vector<16xi32>,
    %swap3A_175 = vector.shape_cast %swap3A_174 : vector<16xi32> to vector<16xi32>
    %swap3A_176 = vector.shape_cast %get3A_172 : vector<16xi32> to vector<16xi32>
    tpu.vector_store %arg22[%swap3A_173], %swap3A_176 {strides = array<i32>} : memref<128xi32, #tpu.memory_space<vmem>>, vector<16xi32>,
    %get3A_177 = arith.constant 64 : index
    %get3A_178 = tpu.vector_load %arg18[%get3A_177] {strides = array<i32>} : memref<128xi32, #tpu.memory_space<vmem>>, vector<16xi32>,
    %get3A_179 = vector.shape_cast %get3A_178 : vector<16xi32> to vector<16xi32>
    %swap3A_180 = arith.constant 64 : index
    %swap3A_181 = tpu.vector_load %arg22[%swap3A_180] {strides = array<i32>} : memref<128xi32, #tpu.memory_space<vmem>>, vector<16xi32>,
    %swap3A_182 = vector.shape_cast %swap3A_181 : vector<16xi32> to vector<16xi32>
    %swap3A_183 = vector.shape_cast %get3A_179 : vector<16xi32> to vector<16xi32>
    tpu.vector_store %arg22[%swap3A_180], %swap3A_183 {strides = array<i32>} : memref<128xi32, #tpu.memory_space<vmem>>, vector<16xi32>,
    %get3A_184 = arith.constant 80 : index
    %get3A_185 = tpu.vector_load %arg18[%get3A_184] {strides = array<i32>} : memref<128xi32, #tpu.memory_space<vmem>>, vector<16xi32>,
    %get3A_186 = vector.shape_cast %get3A_185 : vector<16xi32> to vector<16xi32>
    %swap3A_187 = arith.constant 80 : index
    %swap3A_188 = tpu.vector_load %arg22[%swap3A_187] {strides = array<i32>} : memref<128xi32, #tpu.memory_space<vmem>>, vector<16xi32>,
    %swap3A_189 = vector.shape_cast %swap3A_188 : vector<16xi32> to vector<16xi32>
    %swap3A_190 = vector.shape_cast %get3A_186 : vector<16xi32> to vector<16xi32>
    tpu.vector_store %arg22[%swap3A_187], %swap3A_190 {strides = array<i32>} : memref<128xi32, #tpu.memory_space<vmem>>, vector<16xi32>,
    %get3A_191 = arith.constant 96 : index
    %get3A_192 = tpu.vector_load %arg18[%get3A_191] {strides = array<i32>} : memref<128xi32, #tpu.memory_space<vmem>>, vector<16xi32>,
    %get3A_193 = vector.shape_cast %get3A_192 : vector<16xi32> to vector<16xi32>
    %swap3A_194 = arith.constant 96 : index
    %swap3A_195 = tpu.vector_load %arg22[%swap3A_194] {strides = array<i32>} : memref<128xi32, #tpu.memory_space<vmem>>, vector<16xi32>,
    %swap3A_196 = vector.shape_cast %swap3A_195 : vector<16xi32> to vector<16xi32>
    %swap3A_197 = vector.shape_cast %get3A_193 : vector<16xi32> to vector<16xi32>
    tpu.vector_store %arg22[%swap3A_194], %swap3A_197 {strides = array<i32>} : memref<128xi32, #tpu.memory_space<vmem>>, vector<16xi32>,
    %get3A_198 = arith.constant 112 : index
    %get3A_199 = tpu.vector_load %arg18[%get3A_198] {strides = array<i32>} : memref<128xi32, #tpu.memory_space<vmem>>, vector<16xi32>,
    %get3A_200 = vector.shape_cast %get3A_199 : vector<16xi32> to vector<16xi32>
    %swap3A_201 = arith.constant 112 : index
    %swap3A_202 = tpu.vector_load %arg22[%swap3A_201] {strides = array<i32>} : memref<128xi32, #tpu.memory_space<vmem>>, vector<16xi32>,
    %swap3A_203 = vector.shape_cast %swap3A_202 : vector<16xi32> to vector<16xi32>
    %swap3A_204 = vector.shape_cast %get3A_200 : vector<16xi32> to vector<16xi32>
    tpu.vector_store %arg22[%swap3A_201], %swap3A_204 {strides = array<i32>} : memref<128xi32, #tpu.memory_space<vmem>>, vector<16xi32>,
    %dma_start3A_205 = arith.constant 0 : i32
    %dma_start3A_206 = arith.constant 0 : i32
    %dma_start3A_207 = tpu.memref_slice %arg11[%dma_start3A_205, %dma_start3A_206] : memref<10016x16xf32, #tpu.memory_space<vmem_shared>> -> memref<10016x16xf32, #tpu.memory_space<vmem_shared>>
    tpu.enqueue_indirect_dma source(%arg42 : memref<128x16xf32, #tpu.memory_space<vmem>>) target(%dma_start3A_207 : memref<10016x16xf32, #tpu.memory_space<vmem_shared>>) offsets(%arg22 : memref<128xi32, #tpu.memory_space<vmem>>) semaphore(%arg50 : memref<!tpu.dma_semaphore, #tpu.memory_space<semaphore_mem>>) {add = true}
    %dma_start3A_208 = arith.constant 0 : i32
    %dma_start3A_209 = arith.constant 0 : i32
    %dma_start3A_210 = tpu.memref_slice %arg12[%dma_start3A_208, %dma_start3A_209] : memref<10016x16xf32, #tpu.memory_space<vmem_shared>> -> memref<10016x16xf32, #tpu.memory_space<vmem_shared>>
    tpu.enqueue_indirect_dma source(%arg38 : memref<128x16xf32, #tpu.memory_space<vmem>>) target(%dma_start3A_210 : memref<10016x16xf32, #tpu.memory_space<vmem_shared>>) offsets(%arg22 : memref<128xi32, #tpu.memory_space<vmem>>) semaphore(%arg50 : memref<!tpu.dma_semaphore, #tpu.memory_space<semaphore_mem>>) {add = true}
    %add3A_211 = arith.constant 640 : i32
    %add3A_212 = arith.addi %mul3A_6, %add3A_211 : i32
    "tpu.region"() ({
      %run_scoped3A = tpu.sem_alloc : memref<!tpu.dma_semaphore, #tpu.memory_space<semaphore_mem>>
      %dma_start3A_465 = tpu.memref_slice %arg5[%add3A_212] : memref<328192xi32, #tpu.memory_space<hbm>> -> memref<128xi32, #tpu.memory_space<hbm>>
      %dma_start3A_466 = tpu.memref_slice %arg5[%add3A_212] : memref<328192xi32, #tpu.memory_space<hbm>> -> memref<128xi32, #tpu.memory_space<hbm>>
      tpu.enqueue_dma source(%dma_start3A_466 : memref<128xi32, #tpu.memory_space<hbm>>) target(%arg14 : memref<128xi32, #tpu.memory_space<vmem>>) target_semaphore(%run_scoped3A : memref<!tpu.dma_semaphore, #tpu.memory_space<semaphore_mem>>)
      %dma_wait3A_467 = tpu.memref_slice %arg5[%add3A_212] : memref<328192xi32, #tpu.memory_space<hbm>> -> memref<128xi32, #tpu.memory_space<hbm>>
      %dma_wait3A_468 = tpu.memref_slice %arg5[%add3A_212] : memref<328192xi32, #tpu.memory_space<hbm>> -> memref<128xi32, #tpu.memory_space<hbm>>
      tpu.wait_dma2 semaphore(%run_scoped3A : memref<!tpu.dma_semaphore, #tpu.memory_space<semaphore_mem>>) src(%dma_wait3A_468 : memref<128xi32, #tpu.memory_space<hbm>>) dst(%arg14 : memref<128xi32, #tpu.memory_space<vmem>>)
      tpu.yield
    }) : () -> ()
    "tpu.region"() ({
      %run_scoped3A = tpu.sem_alloc : memref<!tpu.dma_semaphore, #tpu.memory_space<semaphore_mem>>
      %dma_start3A_465 = tpu.memref_slice %arg6[%add3A_212] : memref<328192xi32, #tpu.memory_space<hbm>> -> memref<128xi32, #tpu.memory_space<hbm>>
      %dma_start3A_466 = tpu.memref_slice %arg6[%add3A_212] : memref<328192xi32, #tpu.memory_space<hbm>> -> memref<128xi32, #tpu.memory_space<hbm>>
      tpu.enqueue_dma source(%dma_start3A_466 : memref<128xi32, #tpu.memory_space<hbm>>) target(%arg18 : memref<128xi32, #tpu.memory_space<vmem>>) target_semaphore(%run_scoped3A : memref<!tpu.dma_semaphore, #tpu.memory_space<semaphore_mem>>)
      %dma_wait3A_467 = tpu.memref_slice %arg6[%add3A_212] : memref<328192xi32, #tpu.memory_space<hbm>> -> memref<128xi32, #tpu.memory_space<hbm>>
      %dma_wait3A_468 = tpu.memref_slice %arg6[%add3A_212] : memref<328192xi32, #tpu.memory_space<hbm>> -> memref<128xi32, #tpu.memory_space<hbm>>
      tpu.wait_dma2 semaphore(%run_scoped3A : memref<!tpu.dma_semaphore, #tpu.memory_space<semaphore_mem>>) src(%dma_wait3A_468 : memref<128xi32, #tpu.memory_space<hbm>>) dst(%arg18 : memref<128xi32, #tpu.memory_space<vmem>>)
      tpu.yield
    }) : () -> ()
    %dma_start3A_213 = arith.constant 0 : i32
    %dma_start3A_214 = arith.constant 0 : i32
    %dma_start3A_215 = tpu.memref_slice %arg2[%dma_start3A_213, %dma_start3A_214] : memref<10016x16xf32, #tpu.memory_space<hbm>> -> memref<10016x16xf32, #tpu.memory_space<hbm>>
    tpu.enqueue_indirect_dma source(%dma_start3A_215 : memref<10016x16xf32, #tpu.memory_space<hbm>>) target(%arg26 : memref<128x16xf32, #tpu.memory_space<vmem>>) offsets(%arg14 : memref<128xi32, #tpu.memory_space<vmem>>) semaphore(%arg46 : memref<!tpu.dma_semaphore, #tpu.memory_space<semaphore_mem>>)
    %dma_start3A_216 = arith.constant 0 : i32
    %dma_start3A_217 = arith.constant 0 : i32
    %dma_start3A_218 = tpu.memref_slice %arg3[%dma_start3A_216, %dma_start3A_217] : memref<10016x16xf32, #tpu.memory_space<hbm>> -> memref<10016x16xf32, #tpu.memory_space<hbm>>
    tpu.enqueue_indirect_dma source(%dma_start3A_218 : memref<10016x16xf32, #tpu.memory_space<hbm>>) target(%arg30 : memref<128x16xf32, #tpu.memory_space<vmem>>) offsets(%arg14 : memref<128xi32, #tpu.memory_space<vmem>>) semaphore(%arg46 : memref<!tpu.dma_semaphore, #tpu.memory_space<semaphore_mem>>)
    %dma_start3A_219 = arith.constant 0 : i32
    %dma_start3A_220 = arith.constant 0 : i32
    %dma_start3A_221 = tpu.memref_slice %arg4[%dma_start3A_219, %dma_start3A_220] : memref<10016x16xf32, #tpu.memory_space<hbm>> -> memref<10016x16xf32, #tpu.memory_space<hbm>>
    tpu.enqueue_indirect_dma source(%dma_start3A_221 : memref<10016x16xf32, #tpu.memory_space<hbm>>) target(%arg34 : memref<128x16xf32, #tpu.memory_space<vmem>>) offsets(%arg18 : memref<128xi32, #tpu.memory_space<vmem>>) semaphore(%arg46 : memref<!tpu.dma_semaphore, #tpu.memory_space<semaphore_mem>>)
    %dma_wait3A_222 = arith.constant 0 : i32
    %dma_wait3A_223 = arith.constant 0 : i32
    %dma_wait3A_224 = tpu.memref_slice %arg2[%dma_wait3A_222, %dma_wait3A_223] : memref<10016x16xf32, #tpu.memory_space<hbm>> -> memref<10016x16xf32, #tpu.memory_space<hbm>>
    tpu.wait_indirect_dma semaphore(%arg47 : memref<!tpu.dma_semaphore, #tpu.memory_space<semaphore_mem>>) src(%dma_wait3A_224 : memref<10016x16xf32, #tpu.memory_space<hbm>>) dst(%arg27 : memref<128x16xf32, #tpu.memory_space<vmem>>)
    %dma_wait3A_225 = arith.constant 0 : i32
    %dma_wait3A_226 = arith.constant 0 : i32
    %dma_wait3A_227 = tpu.memref_slice %arg3[%dma_wait3A_225, %dma_wait3A_226] : memref<10016x16xf32, #tpu.memory_space<hbm>> -> memref<10016x16xf32, #tpu.memory_space<hbm>>
    tpu.wait_indirect_dma semaphore(%arg47 : memref<!tpu.dma_semaphore, #tpu.memory_space<semaphore_mem>>) src(%dma_wait3A_227 : memref<10016x16xf32, #tpu.memory_space<hbm>>) dst(%arg31 : memref<128x16xf32, #tpu.memory_space<vmem>>)
    %dma_wait3A_228 = arith.constant 0 : i32
    %dma_wait3A_229 = arith.constant 0 : i32
    %dma_wait3A_230 = tpu.memref_slice %arg4[%dma_wait3A_228, %dma_wait3A_229] : memref<10016x16xf32, #tpu.memory_space<hbm>> -> memref<10016x16xf32, #tpu.memory_space<hbm>>
    tpu.wait_indirect_dma semaphore(%arg47 : memref<!tpu.dma_semaphore, #tpu.memory_space<semaphore_mem>>) src(%dma_wait3A_230 : memref<10016x16xf32, #tpu.memory_space<hbm>>) dst(%arg35 : memref<128x16xf32, #tpu.memory_space<vmem>>)
    %scan3A_231 = arith.constant 0 : i32
    %scan3A_232 = arith.constant 0 : i32
    %scan3A_233 = arith.constant 128 : i32
    %scan3A_234 = arith.addi %scan3A_232, %scan3A_233 : i32
    %scan3A_235 = arith.constant 1 : i32
    scf.for %scan3A_465 = %scan3A_232 to %scan3A_234 step %scan3A_235  : i32 {
      %get3A_466 = arith.index_cast %scan3A_465 : i32 to index
      %get3A_467 = arith.constant 0 : index
      %get3A_468 = tpu.vector_load %arg31[%get3A_466, %get3A_467] {strides = array<i32>} : memref<128x16xf32, #tpu.memory_space<vmem>>, vector<1x16xf32>,
      %get3A_469 = vector.shape_cast %get3A_468 : vector<1x16xf32> to vector<16xf32>
      %get3A_470 = arith.index_cast %scan3A_465 : i32 to index
      %get3A_471 = arith.constant 0 : index
      %get3A_472 = tpu.vector_load %arg35[%get3A_470, %get3A_471] {strides = array<i32>} : memref<128x16xf32, #tpu.memory_space<vmem>>, vector<1x16xf32>,
      %get3A_473 = vector.shape_cast %get3A_472 : vector<1x16xf32> to vector<16xf32>
      %add3A_474 = arith.addf %get3A_469, %get3A_473 : vector<16xf32>
      %gt3A = arith.constant 0.000000e+00 : f32
      %gt3A_475 = vector.broadcast %gt3A : f32 to vector<16xf32>
      %gt3A_476 = arith.cmpf ogt, %add3A_474, %gt3A_475 : vector<16xf32>
      %mul3A_477 = arith.constant 2.000000e-01 : f32
      %mul3A_478 = vector.broadcast %mul3A_477 : f32 to vector<16xf32>
      %mul3A_479 = arith.mulf %add3A_474, %mul3A_478 : vector<16xf32>
      %select_n3A = arith.select %gt3A_476, %add3A_474, %mul3A_479 : vector<16xi1>, vector<16xf32>
      %exp3A = math.exp %select_n3A : vector<16xf32>
      %jit3A = arith.constant 0.000000e+00 : f32
      %broadcast_in_dim3A = vector.broadcast %jit3A : f32 to vector<16xf32>
      %select_n3A_480 = arith.select %lt3A_4, %exp3A, %broadcast_in_dim3A : vector<16xi1>, vector<16xf32>
      %swap3A_481 = arith.index_cast %scan3A_465 : i32 to index
      %swap3A_482 = arith.constant 0 : index
      %swap3A_483 = tpu.vector_load %arg39[%swap3A_481, %swap3A_482] {strides = array<i32>} : memref<128x16xf32, #tpu.memory_space<vmem>>, vector<1x16xf32>,
      %swap3A_484 = vector.shape_cast %swap3A_483 : vector<1x16xf32> to vector<16xf32>
      %swap3A_485 = vector.shape_cast %select_n3A_480 : vector<16xf32> to vector<1x16xf32>
      tpu.vector_store %arg39[%swap3A_481, %swap3A_482], %swap3A_485 {strides = array<i32>} : memref<128x16xf32, #tpu.memory_space<vmem>>, vector<1x16xf32>,
      %broadcast_in_dim3A_486 = arith.constant 0 : i32
      %broadcast_in_dim3A_487 = vector.broadcast %broadcast_in_dim3A_486 : i32 to vector<16xi32>
      %broadcast_in_dim3A_488 = vector.shape_cast %broadcast_in_dim3A_487 : vector<16xi32> to vector<16x1xi32>
      %gather3A = vector.shape_cast %broadcast_in_dim3A_488 : vector<16x1xi32> to vector<16xi32>
      %gather3A_489 = tpu.dynamic_gather %select_n3A_480[%gather3A] in [0] : vector<16xf32>, vector<16xi32> -> vector<16xf32>
      %get3A_490 = arith.index_cast %scan3A_465 : i32 to index
      %get3A_491 = arith.constant 0 : index
      %get3A_492 = tpu.vector_load %arg27[%get3A_490, %get3A_491] {strides = array<i32>} : memref<128x16xf32, #tpu.memory_space<vmem>>, vector<1x16xf32>,
      %get3A_493 = vector.shape_cast %get3A_492 : vector<1x16xf32> to vector<16xf32>
      %mul3A_494 = arith.mulf %gather3A_489, %get3A_493 : vector<16xf32>
      %swap3A_495 = arith.index_cast %scan3A_465 : i32 to index
      %swap3A_496 = arith.constant 0 : index
      %swap3A_497 = tpu.vector_load %arg43[%swap3A_495, %swap3A_496] {strides = array<i32>} : memref<128x16xf32, #tpu.memory_space<vmem>>, vector<1x16xf32>,
      %swap3A_498 = vector.shape_cast %swap3A_497 : vector<1x16xf32> to vector<16xf32>
      %swap3A_499 = vector.shape_cast %mul3A_494 : vector<16xf32> to vector<1x16xf32>
      tpu.vector_store %arg43[%swap3A_495, %swap3A_496], %swap3A_499 {strides = array<i32>} : memref<128x16xf32, #tpu.memory_space<vmem>>, vector<1x16xf32>,
    }
    %scan3A_236 = arith.constant 128 : i32
    %get3A_237 = arith.constant 0 : index
    %get3A_238 = tpu.vector_load %arg19[%get3A_237] {strides = array<i32>} : memref<128xi32, #tpu.memory_space<vmem>>, vector<16xi32>,
    %get3A_239 = vector.shape_cast %get3A_238 : vector<16xi32> to vector<16xi32>
    %swap3A_240 = arith.constant 0 : index
    %swap3A_241 = tpu.vector_load %arg23[%swap3A_240] {strides = array<i32>} : memref<128xi32, #tpu.memory_space<vmem>>, vector<16xi32>,
    %swap3A_242 = vector.shape_cast %swap3A_241 : vector<16xi32> to vector<16xi32>
    %swap3A_243 = vector.shape_cast %get3A_239 : vector<16xi32> to vector<16xi32>
    tpu.vector_store %arg23[%swap3A_240], %swap3A_243 {strides = array<i32>} : memref<128xi32, #tpu.memory_space<vmem>>, vector<16xi32>,
    %get3A_244 = arith.constant 16 : index
    %get3A_245 = tpu.vector_load %arg19[%get3A_244] {strides = array<i32>} : memref<128xi32, #tpu.memory_space<vmem>>, vector<16xi32>,
    %get3A_246 = vector.shape_cast %get3A_245 : vector<16xi32> to vector<16xi32>
    %swap3A_247 = arith.constant 16 : index
    %swap3A_248 = tpu.vector_load %arg23[%swap3A_247] {strides = array<i32>} : memref<128xi32, #tpu.memory_space<vmem>>, vector<16xi32>,
    %swap3A_249 = vector.shape_cast %swap3A_248 : vector<16xi32> to vector<16xi32>
    %swap3A_250 = vector.shape_cast %get3A_246 : vector<16xi32> to vector<16xi32>
    tpu.vector_store %arg23[%swap3A_247], %swap3A_250 {strides = array<i32>} : memref<128xi32, #tpu.memory_space<vmem>>, vector<16xi32>,
    %get3A_251 = arith.constant 32 : index
    %get3A_252 = tpu.vector_load %arg19[%get3A_251] {strides = array<i32>} : memref<128xi32, #tpu.memory_space<vmem>>, vector<16xi32>,
    %get3A_253 = vector.shape_cast %get3A_252 : vector<16xi32> to vector<16xi32>
    %swap3A_254 = arith.constant 32 : index
    %swap3A_255 = tpu.vector_load %arg23[%swap3A_254] {strides = array<i32>} : memref<128xi32, #tpu.memory_space<vmem>>, vector<16xi32>,
    %swap3A_256 = vector.shape_cast %swap3A_255 : vector<16xi32> to vector<16xi32>
    %swap3A_257 = vector.shape_cast %get3A_253 : vector<16xi32> to vector<16xi32>
    tpu.vector_store %arg23[%swap3A_254], %swap3A_257 {strides = array<i32>} : memref<128xi32, #tpu.memory_space<vmem>>, vector<16xi32>,
    %get3A_258 = arith.constant 48 : index
    %get3A_259 = tpu.vector_load %arg19[%get3A_258] {strides = array<i32>} : memref<128xi32, #tpu.memory_space<vmem>>, vector<16xi32>,
    %get3A_260 = vector.shape_cast %get3A_259 : vector<16xi32> to vector<16xi32>
    %swap3A_261 = arith.constant 48 : index
    %swap3A_262 = tpu.vector_load %arg23[%swap3A_261] {strides = array<i32>} : memref<128xi32, #tpu.memory_space<vmem>>, vector<16xi32>,
    %swap3A_263 = vector.shape_cast %swap3A_262 : vector<16xi32> to vector<16xi32>
    %swap3A_264 = vector.shape_cast %get3A_260 : vector<16xi32> to vector<16xi32>
    tpu.vector_store %arg23[%swap3A_261], %swap3A_264 {strides = array<i32>} : memref<128xi32, #tpu.memory_space<vmem>>, vector<16xi32>,
    %get3A_265 = arith.constant 64 : index
    %get3A_266 = tpu.vector_load %arg19[%get3A_265] {strides = array<i32>} : memref<128xi32, #tpu.memory_space<vmem>>, vector<16xi32>,
    %get3A_267 = vector.shape_cast %get3A_266 : vector<16xi32> to vector<16xi32>
    %swap3A_268 = arith.constant 64 : index
    %swap3A_269 = tpu.vector_load %arg23[%swap3A_268] {strides = array<i32>} : memref<128xi32, #tpu.memory_space<vmem>>, vector<16xi32>,
    %swap3A_270 = vector.shape_cast %swap3A_269 : vector<16xi32> to vector<16xi32>
    %swap3A_271 = vector.shape_cast %get3A_267 : vector<16xi32> to vector<16xi32>
    tpu.vector_store %arg23[%swap3A_268], %swap3A_271 {strides = array<i32>} : memref<128xi32, #tpu.memory_space<vmem>>, vector<16xi32>,
    %get3A_272 = arith.constant 80 : index
    %get3A_273 = tpu.vector_load %arg19[%get3A_272] {strides = array<i32>} : memref<128xi32, #tpu.memory_space<vmem>>, vector<16xi32>,
    %get3A_274 = vector.shape_cast %get3A_273 : vector<16xi32> to vector<16xi32>
    %swap3A_275 = arith.constant 80 : index
    %swap3A_276 = tpu.vector_load %arg23[%swap3A_275] {strides = array<i32>} : memref<128xi32, #tpu.memory_space<vmem>>, vector<16xi32>,
    %swap3A_277 = vector.shape_cast %swap3A_276 : vector<16xi32> to vector<16xi32>
    %swap3A_278 = vector.shape_cast %get3A_274 : vector<16xi32> to vector<16xi32>
    tpu.vector_store %arg23[%swap3A_275], %swap3A_278 {strides = array<i32>} : memref<128xi32, #tpu.memory_space<vmem>>, vector<16xi32>,
    %get3A_279 = arith.constant 96 : index
    %get3A_280 = tpu.vector_load %arg19[%get3A_279] {strides = array<i32>} : memref<128xi32, #tpu.memory_space<vmem>>, vector<16xi32>,
    %get3A_281 = vector.shape_cast %get3A_280 : vector<16xi32> to vector<16xi32>
    %swap3A_282 = arith.constant 96 : index
    %swap3A_283 = tpu.vector_load %arg23[%swap3A_282] {strides = array<i32>} : memref<128xi32, #tpu.memory_space<vmem>>, vector<16xi32>,
    %swap3A_284 = vector.shape_cast %swap3A_283 : vector<16xi32> to vector<16xi32>
    %swap3A_285 = vector.shape_cast %get3A_281 : vector<16xi32> to vector<16xi32>
    tpu.vector_store %arg23[%swap3A_282], %swap3A_285 {strides = array<i32>} : memref<128xi32, #tpu.memory_space<vmem>>, vector<16xi32>,
    %get3A_286 = arith.constant 112 : index
    %get3A_287 = tpu.vector_load %arg19[%get3A_286] {strides = array<i32>} : memref<128xi32, #tpu.memory_space<vmem>>, vector<16xi32>,
    %get3A_288 = vector.shape_cast %get3A_287 : vector<16xi32> to vector<16xi32>
    %swap3A_289 = arith.constant 112 : index
    %swap3A_290 = tpu.vector_load %arg23[%swap3A_289] {strides = array<i32>} : memref<128xi32, #tpu.memory_space<vmem>>, vector<16xi32>,
    %swap3A_291 = vector.shape_cast %swap3A_290 : vector<16xi32> to vector<16xi32>
    %swap3A_292 = vector.shape_cast %get3A_288 : vector<16xi32> to vector<16xi32>
    tpu.vector_store %arg23[%swap3A_289], %swap3A_292 {strides = array<i32>} : memref<128xi32, #tpu.memory_space<vmem>>, vector<16xi32>,
    %dma_start3A_293 = arith.constant 0 : i32
    %dma_start3A_294 = arith.constant 0 : i32
    %dma_start3A_295 = tpu.memref_slice %arg11[%dma_start3A_293, %dma_start3A_294] : memref<10016x16xf32, #tpu.memory_space<vmem_shared>> -> memref<10016x16xf32, #tpu.memory_space<vmem_shared>>
    tpu.enqueue_indirect_dma source(%arg43 : memref<128x16xf32, #tpu.memory_space<vmem>>) target(%dma_start3A_295 : memref<10016x16xf32, #tpu.memory_space<vmem_shared>>) offsets(%arg23 : memref<128xi32, #tpu.memory_space<vmem>>) semaphore(%arg51 : memref<!tpu.dma_semaphore, #tpu.memory_space<semaphore_mem>>) {add = true}
    %dma_start3A_296 = arith.constant 0 : i32
    %dma_start3A_297 = arith.constant 0 : i32
    %dma_start3A_298 = tpu.memref_slice %arg12[%dma_start3A_296, %dma_start3A_297] : memref<10016x16xf32, #tpu.memory_space<vmem_shared>> -> memref<10016x16xf32, #tpu.memory_space<vmem_shared>>
    tpu.enqueue_indirect_dma source(%arg39 : memref<128x16xf32, #tpu.memory_space<vmem>>) target(%dma_start3A_298 : memref<10016x16xf32, #tpu.memory_space<vmem_shared>>) offsets(%arg23 : memref<128xi32, #tpu.memory_space<vmem>>) semaphore(%arg51 : memref<!tpu.dma_semaphore, #tpu.memory_space<semaphore_mem>>) {add = true}
    %add3A_299 = arith.constant 768 : i32
    %add3A_300 = arith.addi %mul3A_6, %add3A_299 : i32
    "tpu.region"() ({
      %run_scoped3A = tpu.sem_alloc : memref<!tpu.dma_semaphore, #tpu.memory_space<semaphore_mem>>
      %dma_start3A_465 = tpu.memref_slice %arg5[%add3A_300] : memref<328192xi32, #tpu.memory_space<hbm>> -> memref<128xi32, #tpu.memory_space<hbm>>
      %dma_start3A_466 = tpu.memref_slice %arg5[%add3A_300] : memref<328192xi32, #tpu.memory_space<hbm>> -> memref<128xi32, #tpu.memory_space<hbm>>
      tpu.enqueue_dma source(%dma_start3A_466 : memref<128xi32, #tpu.memory_space<hbm>>) target(%arg15 : memref<128xi32, #tpu.memory_space<vmem>>) target_semaphore(%run_scoped3A : memref<!tpu.dma_semaphore, #tpu.memory_space<semaphore_mem>>)
      %dma_wait3A_467 = tpu.memref_slice %arg5[%add3A_300] : memref<328192xi32, #tpu.memory_space<hbm>> -> memref<128xi32, #tpu.memory_space<hbm>>
      %dma_wait3A_468 = tpu.memref_slice %arg5[%add3A_300] : memref<328192xi32, #tpu.memory_space<hbm>> -> memref<128xi32, #tpu.memory_space<hbm>>
      tpu.wait_dma2 semaphore(%run_scoped3A : memref<!tpu.dma_semaphore, #tpu.memory_space<semaphore_mem>>) src(%dma_wait3A_468 : memref<128xi32, #tpu.memory_space<hbm>>) dst(%arg15 : memref<128xi32, #tpu.memory_space<vmem>>)
      tpu.yield
    }) : () -> ()
    "tpu.region"() ({
      %run_scoped3A = tpu.sem_alloc : memref<!tpu.dma_semaphore, #tpu.memory_space<semaphore_mem>>
      %dma_start3A_465 = tpu.memref_slice %arg6[%add3A_300] : memref<328192xi32, #tpu.memory_space<hbm>> -> memref<128xi32, #tpu.memory_space<hbm>>
      %dma_start3A_466 = tpu.memref_slice %arg6[%add3A_300] : memref<328192xi32, #tpu.memory_space<hbm>> -> memref<128xi32, #tpu.memory_space<hbm>>
      tpu.enqueue_dma source(%dma_start3A_466 : memref<128xi32, #tpu.memory_space<hbm>>) target(%arg19 : memref<128xi32, #tpu.memory_space<vmem>>) target_semaphore(%run_scoped3A : memref<!tpu.dma_semaphore, #tpu.memory_space<semaphore_mem>>)
      %dma_wait3A_467 = tpu.memref_slice %arg6[%add3A_300] : memref<328192xi32, #tpu.memory_space<hbm>> -> memref<128xi32, #tpu.memory_space<hbm>>
      %dma_wait3A_468 = tpu.memref_slice %arg6[%add3A_300] : memref<328192xi32, #tpu.memory_space<hbm>> -> memref<128xi32, #tpu.memory_space<hbm>>
      tpu.wait_dma2 semaphore(%run_scoped3A : memref<!tpu.dma_semaphore, #tpu.memory_space<semaphore_mem>>) src(%dma_wait3A_468 : memref<128xi32, #tpu.memory_space<hbm>>) dst(%arg19 : memref<128xi32, #tpu.memory_space<vmem>>)
      tpu.yield
    }) : () -> ()
    %dma_start3A_301 = arith.constant 0 : i32
    %dma_start3A_302 = arith.constant 0 : i32
    %dma_start3A_303 = tpu.memref_slice %arg2[%dma_start3A_301, %dma_start3A_302] : memref<10016x16xf32, #tpu.memory_space<hbm>> -> memref<10016x16xf32, #tpu.memory_space<hbm>>
    tpu.enqueue_indirect_dma source(%dma_start3A_303 : memref<10016x16xf32, #tpu.memory_space<hbm>>) target(%arg27 : memref<128x16xf32, #tpu.memory_space<vmem>>) offsets(%arg15 : memref<128xi32, #tpu.memory_space<vmem>>) semaphore(%arg47 : memref<!tpu.dma_semaphore, #tpu.memory_space<semaphore_mem>>)
    %dma_start3A_304 = arith.constant 0 : i32
    %dma_start3A_305 = arith.constant 0 : i32
    %dma_start3A_306 = tpu.memref_slice %arg3[%dma_start3A_304, %dma_start3A_305] : memref<10016x16xf32, #tpu.memory_space<hbm>> -> memref<10016x16xf32, #tpu.memory_space<hbm>>
    tpu.enqueue_indirect_dma source(%dma_start3A_306 : memref<10016x16xf32, #tpu.memory_space<hbm>>) target(%arg31 : memref<128x16xf32, #tpu.memory_space<vmem>>) offsets(%arg15 : memref<128xi32, #tpu.memory_space<vmem>>) semaphore(%arg47 : memref<!tpu.dma_semaphore, #tpu.memory_space<semaphore_mem>>)
    %dma_start3A_307 = arith.constant 0 : i32
    %dma_start3A_308 = arith.constant 0 : i32
    %dma_start3A_309 = tpu.memref_slice %arg4[%dma_start3A_307, %dma_start3A_308] : memref<10016x16xf32, #tpu.memory_space<hbm>> -> memref<10016x16xf32, #tpu.memory_space<hbm>>
    tpu.enqueue_indirect_dma source(%dma_start3A_309 : memref<10016x16xf32, #tpu.memory_space<hbm>>) target(%arg35 : memref<128x16xf32, #tpu.memory_space<vmem>>) offsets(%arg19 : memref<128xi32, #tpu.memory_space<vmem>>) semaphore(%arg47 : memref<!tpu.dma_semaphore, #tpu.memory_space<semaphore_mem>>)
    %dma_wait3A_310 = arith.constant 0 : i32
    %dma_wait3A_311 = arith.constant 0 : i32
    %dma_wait3A_312 = tpu.memref_slice %arg2[%dma_wait3A_310, %dma_wait3A_311] : memref<10016x16xf32, #tpu.memory_space<hbm>> -> memref<10016x16xf32, #tpu.memory_space<hbm>>
    tpu.wait_indirect_dma semaphore(%arg48 : memref<!tpu.dma_semaphore, #tpu.memory_space<semaphore_mem>>) src(%dma_wait3A_312 : memref<10016x16xf32, #tpu.memory_space<hbm>>) dst(%arg28 : memref<128x16xf32, #tpu.memory_space<vmem>>)
    %dma_wait3A_313 = arith.constant 0 : i32
    %dma_wait3A_314 = arith.constant 0 : i32
    %dma_wait3A_315 = tpu.memref_slice %arg3[%dma_wait3A_313, %dma_wait3A_314] : memref<10016x16xf32, #tpu.memory_space<hbm>> -> memref<10016x16xf32, #tpu.memory_space<hbm>>
    tpu.wait_indirect_dma semaphore(%arg48 : memref<!tpu.dma_semaphore, #tpu.memory_space<semaphore_mem>>) src(%dma_wait3A_315 : memref<10016x16xf32, #tpu.memory_space<hbm>>) dst(%arg32 : memref<128x16xf32, #tpu.memory_space<vmem>>)
    %dma_wait3A_316 = arith.constant 0 : i32
    %dma_wait3A_317 = arith.constant 0 : i32
    %dma_wait3A_318 = tpu.memref_slice %arg4[%dma_wait3A_316, %dma_wait3A_317] : memref<10016x16xf32, #tpu.memory_space<hbm>> -> memref<10016x16xf32, #tpu.memory_space<hbm>>
    tpu.wait_indirect_dma semaphore(%arg48 : memref<!tpu.dma_semaphore, #tpu.memory_space<semaphore_mem>>) src(%dma_wait3A_318 : memref<10016x16xf32, #tpu.memory_space<hbm>>) dst(%arg36 : memref<128x16xf32, #tpu.memory_space<vmem>>)
    %scan3A_319 = arith.constant 0 : i32
    %scan3A_320 = arith.constant 0 : i32
    %scan3A_321 = arith.constant 128 : i32
    %scan3A_322 = arith.addi %scan3A_320, %scan3A_321 : i32
    %scan3A_323 = arith.constant 1 : i32
    scf.for %scan3A_465 = %scan3A_320 to %scan3A_322 step %scan3A_323  : i32 {
      %get3A_466 = arith.index_cast %scan3A_465 : i32 to index
      %get3A_467 = arith.constant 0 : index
      %get3A_468 = tpu.vector_load %arg32[%get3A_466, %get3A_467] {strides = array<i32>} : memref<128x16xf32, #tpu.memory_space<vmem>>, vector<1x16xf32>,
      %get3A_469 = vector.shape_cast %get3A_468 : vector<1x16xf32> to vector<16xf32>
      %get3A_470 = arith.index_cast %scan3A_465 : i32 to index
      %get3A_471 = arith.constant 0 : index
      %get3A_472 = tpu.vector_load %arg36[%get3A_470, %get3A_471] {strides = array<i32>} : memref<128x16xf32, #tpu.memory_space<vmem>>, vector<1x16xf32>,
      %get3A_473 = vector.shape_cast %get3A_472 : vector<1x16xf32> to vector<16xf32>
      %add3A_474 = arith.addf %get3A_469, %get3A_473 : vector<16xf32>
      %gt3A = arith.constant 0.000000e+00 : f32
      %gt3A_475 = vector.broadcast %gt3A : f32 to vector<16xf32>
      %gt3A_476 = arith.cmpf ogt, %add3A_474, %gt3A_475 : vector<16xf32>
      %mul3A_477 = arith.constant 2.000000e-01 : f32
      %mul3A_478 = vector.broadcast %mul3A_477 : f32 to vector<16xf32>
      %mul3A_479 = arith.mulf %add3A_474, %mul3A_478 : vector<16xf32>
      %select_n3A = arith.select %gt3A_476, %add3A_474, %mul3A_479 : vector<16xi1>, vector<16xf32>
      %exp3A = math.exp %select_n3A : vector<16xf32>
      %jit3A = arith.constant 0.000000e+00 : f32
      %broadcast_in_dim3A = vector.broadcast %jit3A : f32 to vector<16xf32>
      %select_n3A_480 = arith.select %lt3A_4, %exp3A, %broadcast_in_dim3A : vector<16xi1>, vector<16xf32>
      %swap3A_481 = arith.index_cast %scan3A_465 : i32 to index
      %swap3A_482 = arith.constant 0 : index
      %swap3A_483 = tpu.vector_load %arg40[%swap3A_481, %swap3A_482] {strides = array<i32>} : memref<128x16xf32, #tpu.memory_space<vmem>>, vector<1x16xf32>,
      %swap3A_484 = vector.shape_cast %swap3A_483 : vector<1x16xf32> to vector<16xf32>
      %swap3A_485 = vector.shape_cast %select_n3A_480 : vector<16xf32> to vector<1x16xf32>
      tpu.vector_store %arg40[%swap3A_481, %swap3A_482], %swap3A_485 {strides = array<i32>} : memref<128x16xf32, #tpu.memory_space<vmem>>, vector<1x16xf32>,
      %broadcast_in_dim3A_486 = arith.constant 0 : i32
      %broadcast_in_dim3A_487 = vector.broadcast %broadcast_in_dim3A_486 : i32 to vector<16xi32>
      %broadcast_in_dim3A_488 = vector.shape_cast %broadcast_in_dim3A_487 : vector<16xi32> to vector<16x1xi32>
      %gather3A = vector.shape_cast %broadcast_in_dim3A_488 : vector<16x1xi32> to vector<16xi32>
      %gather3A_489 = tpu.dynamic_gather %select_n3A_480[%gather3A] in [0] : vector<16xf32>, vector<16xi32> -> vector<16xf32>
      %get3A_490 = arith.index_cast %scan3A_465 : i32 to index
      %get3A_491 = arith.constant 0 : index
      %get3A_492 = tpu.vector_load %arg28[%get3A_490, %get3A_491] {strides = array<i32>} : memref<128x16xf32, #tpu.memory_space<vmem>>, vector<1x16xf32>,
      %get3A_493 = vector.shape_cast %get3A_492 : vector<1x16xf32> to vector<16xf32>
      %mul3A_494 = arith.mulf %gather3A_489, %get3A_493 : vector<16xf32>
      %swap3A_495 = arith.index_cast %scan3A_465 : i32 to index
      %swap3A_496 = arith.constant 0 : index
      %swap3A_497 = tpu.vector_load %arg44[%swap3A_495, %swap3A_496] {strides = array<i32>} : memref<128x16xf32, #tpu.memory_space<vmem>>, vector<1x16xf32>,
      %swap3A_498 = vector.shape_cast %swap3A_497 : vector<1x16xf32> to vector<16xf32>
      %swap3A_499 = vector.shape_cast %mul3A_494 : vector<16xf32> to vector<1x16xf32>
      tpu.vector_store %arg44[%swap3A_495, %swap3A_496], %swap3A_499 {strides = array<i32>} : memref<128x16xf32, #tpu.memory_space<vmem>>, vector<1x16xf32>,
    }
    %scan3A_324 = arith.constant 128 : i32
    %get3A_325 = arith.constant 0 : index
    %get3A_326 = tpu.vector_load %arg20[%get3A_325] {strides = array<i32>} : memref<128xi32, #tpu.memory_space<vmem>>, vector<16xi32>,
    %get3A_327 = vector.shape_cast %get3A_326 : vector<16xi32> to vector<16xi32>
    %swap3A_328 = arith.constant 0 : index
    %swap3A_329 = tpu.vector_load %arg24[%swap3A_328] {strides = array<i32>} : memref<128xi32, #tpu.memory_space<vmem>>, vector<16xi32>,
    %swap3A_330 = vector.shape_cast %swap3A_329 : vector<16xi32> to vector<16xi32>
    %swap3A_331 = vector.shape_cast %get3A_327 : vector<16xi32> to vector<16xi32>
    tpu.vector_store %arg24[%swap3A_328], %swap3A_331 {strides = array<i32>} : memref<128xi32, #tpu.memory_space<vmem>>, vector<16xi32>,
    %get3A_332 = arith.constant 16 : index
    %get3A_333 = tpu.vector_load %arg20[%get3A_332] {strides = array<i32>} : memref<128xi32, #tpu.memory_space<vmem>>, vector<16xi32>,
    %get3A_334 = vector.shape_cast %get3A_333 : vector<16xi32> to vector<16xi32>
    %swap3A_335 = arith.constant 16 : index
    %swap3A_336 = tpu.vector_load %arg24[%swap3A_335] {strides = array<i32>} : memref<128xi32, #tpu.memory_space<vmem>>, vector<16xi32>,
    %swap3A_337 = vector.shape_cast %swap3A_336 : vector<16xi32> to vector<16xi32>
    %swap3A_338 = vector.shape_cast %get3A_334 : vector<16xi32> to vector<16xi32>
    tpu.vector_store %arg24[%swap3A_335], %swap3A_338 {strides = array<i32>} : memref<128xi32, #tpu.memory_space<vmem>>, vector<16xi32>,
    %get3A_339 = arith.constant 32 : index
    %get3A_340 = tpu.vector_load %arg20[%get3A_339] {strides = array<i32>} : memref<128xi32, #tpu.memory_space<vmem>>, vector<16xi32>,
    %get3A_341 = vector.shape_cast %get3A_340 : vector<16xi32> to vector<16xi32>
    %swap3A_342 = arith.constant 32 : index
    %swap3A_343 = tpu.vector_load %arg24[%swap3A_342] {strides = array<i32>} : memref<128xi32, #tpu.memory_space<vmem>>, vector<16xi32>,
    %swap3A_344 = vector.shape_cast %swap3A_343 : vector<16xi32> to vector<16xi32>
    %swap3A_345 = vector.shape_cast %get3A_341 : vector<16xi32> to vector<16xi32>
    tpu.vector_store %arg24[%swap3A_342], %swap3A_345 {strides = array<i32>} : memref<128xi32, #tpu.memory_space<vmem>>, vector<16xi32>,
    %get3A_346 = arith.constant 48 : index
    %get3A_347 = tpu.vector_load %arg20[%get3A_346] {strides = array<i32>} : memref<128xi32, #tpu.memory_space<vmem>>, vector<16xi32>,
    %get3A_348 = vector.shape_cast %get3A_347 : vector<16xi32> to vector<16xi32>
    %swap3A_349 = arith.constant 48 : index
    %swap3A_350 = tpu.vector_load %arg24[%swap3A_349] {strides = array<i32>} : memref<128xi32, #tpu.memory_space<vmem>>, vector<16xi32>,
    %swap3A_351 = vector.shape_cast %swap3A_350 : vector<16xi32> to vector<16xi32>
    %swap3A_352 = vector.shape_cast %get3A_348 : vector<16xi32> to vector<16xi32>
    tpu.vector_store %arg24[%swap3A_349], %swap3A_352 {strides = array<i32>} : memref<128xi32, #tpu.memory_space<vmem>>, vector<16xi32>,
    %get3A_353 = arith.constant 64 : index
    %get3A_354 = tpu.vector_load %arg20[%get3A_353] {strides = array<i32>} : memref<128xi32, #tpu.memory_space<vmem>>, vector<16xi32>,
    %get3A_355 = vector.shape_cast %get3A_354 : vector<16xi32> to vector<16xi32>
    %swap3A_356 = arith.constant 64 : index
    %swap3A_357 = tpu.vector_load %arg24[%swap3A_356] {strides = array<i32>} : memref<128xi32, #tpu.memory_space<vmem>>, vector<16xi32>,
    %swap3A_358 = vector.shape_cast %swap3A_357 : vector<16xi32> to vector<16xi32>
    %swap3A_359 = vector.shape_cast %get3A_355 : vector<16xi32> to vector<16xi32>
    tpu.vector_store %arg24[%swap3A_356], %swap3A_359 {strides = array<i32>} : memref<128xi32, #tpu.memory_space<vmem>>, vector<16xi32>,
    %get3A_360 = arith.constant 80 : index
    %get3A_361 = tpu.vector_load %arg20[%get3A_360] {strides = array<i32>} : memref<128xi32, #tpu.memory_space<vmem>>, vector<16xi32>,
    %get3A_362 = vector.shape_cast %get3A_361 : vector<16xi32> to vector<16xi32>
    %swap3A_363 = arith.constant 80 : index
    %swap3A_364 = tpu.vector_load %arg24[%swap3A_363] {strides = array<i32>} : memref<128xi32, #tpu.memory_space<vmem>>, vector<16xi32>,
    %swap3A_365 = vector.shape_cast %swap3A_364 : vector<16xi32> to vector<16xi32>
    %swap3A_366 = vector.shape_cast %get3A_362 : vector<16xi32> to vector<16xi32>
    tpu.vector_store %arg24[%swap3A_363], %swap3A_366 {strides = array<i32>} : memref<128xi32, #tpu.memory_space<vmem>>, vector<16xi32>,
    %get3A_367 = arith.constant 96 : index
    %get3A_368 = tpu.vector_load %arg20[%get3A_367] {strides = array<i32>} : memref<128xi32, #tpu.memory_space<vmem>>, vector<16xi32>,
    %get3A_369 = vector.shape_cast %get3A_368 : vector<16xi32> to vector<16xi32>
    %swap3A_370 = arith.constant 96 : index
    %swap3A_371 = tpu.vector_load %arg24[%swap3A_370] {strides = array<i32>} : memref<128xi32, #tpu.memory_space<vmem>>, vector<16xi32>,
    %swap3A_372 = vector.shape_cast %swap3A_371 : vector<16xi32> to vector<16xi32>
    %swap3A_373 = vector.shape_cast %get3A_369 : vector<16xi32> to vector<16xi32>
    tpu.vector_store %arg24[%swap3A_370], %swap3A_373 {strides = array<i32>} : memref<128xi32, #tpu.memory_space<vmem>>, vector<16xi32>,
    %get3A_374 = arith.constant 112 : index
    %get3A_375 = tpu.vector_load %arg20[%get3A_374] {strides = array<i32>} : memref<128xi32, #tpu.memory_space<vmem>>, vector<16xi32>,
    %get3A_376 = vector.shape_cast %get3A_375 : vector<16xi32> to vector<16xi32>
    %swap3A_377 = arith.constant 112 : index
    %swap3A_378 = tpu.vector_load %arg24[%swap3A_377] {strides = array<i32>} : memref<128xi32, #tpu.memory_space<vmem>>, vector<16xi32>,
    %swap3A_379 = vector.shape_cast %swap3A_378 : vector<16xi32> to vector<16xi32>
    %swap3A_380 = vector.shape_cast %get3A_376 : vector<16xi32> to vector<16xi32>
    tpu.vector_store %arg24[%swap3A_377], %swap3A_380 {strides = array<i32>} : memref<128xi32, #tpu.memory_space<vmem>>, vector<16xi32>,
    %dma_start3A_381 = arith.constant 0 : i32
    %dma_start3A_382 = arith.constant 0 : i32
    %dma_start3A_383 = tpu.memref_slice %arg11[%dma_start3A_381, %dma_start3A_382] : memref<10016x16xf32, #tpu.memory_space<vmem_shared>> -> memref<10016x16xf32, #tpu.memory_space<vmem_shared>>
    tpu.enqueue_indirect_dma source(%arg44 : memref<128x16xf32, #tpu.memory_space<vmem>>) target(%dma_start3A_383 : memref<10016x16xf32, #tpu.memory_space<vmem_shared>>) offsets(%arg24 : memref<128xi32, #tpu.memory_space<vmem>>) semaphore(%arg52 : memref<!tpu.dma_semaphore, #tpu.memory_space<semaphore_mem>>) {add = true}
    %dma_start3A_384 = arith.constant 0 : i32
    %dma_start3A_385 = arith.constant 0 : i32
    %dma_start3A_386 = tpu.memref_slice %arg12[%dma_start3A_384, %dma_start3A_385] : memref<10016x16xf32, #tpu.memory_space<vmem_shared>> -> memref<10016x16xf32, #tpu.memory_space<vmem_shared>>
    tpu.enqueue_indirect_dma source(%arg40 : memref<128x16xf32, #tpu.memory_space<vmem>>) target(%dma_start3A_386 : memref<10016x16xf32, #tpu.memory_space<vmem_shared>>) offsets(%arg24 : memref<128xi32, #tpu.memory_space<vmem>>) semaphore(%arg52 : memref<!tpu.dma_semaphore, #tpu.memory_space<semaphore_mem>>) {add = true}
    %add3A_387 = arith.constant 896 : i32
    %add3A_388 = arith.addi %mul3A_6, %add3A_387 : i32
    "tpu.region"() ({
      %run_scoped3A = tpu.sem_alloc : memref<!tpu.dma_semaphore, #tpu.memory_space<semaphore_mem>>
      %dma_start3A_465 = tpu.memref_slice %arg5[%add3A_388] : memref<328192xi32, #tpu.memory_space<hbm>> -> memref<128xi32, #tpu.memory_space<hbm>>
      %dma_start3A_466 = tpu.memref_slice %arg5[%add3A_388] : memref<328192xi32, #tpu.memory_space<hbm>> -> memref<128xi32, #tpu.memory_space<hbm>>
      tpu.enqueue_dma source(%dma_start3A_466 : memref<128xi32, #tpu.memory_space<hbm>>) target(%arg16 : memref<128xi32, #tpu.memory_space<vmem>>) target_semaphore(%run_scoped3A : memref<!tpu.dma_semaphore, #tpu.memory_space<semaphore_mem>>)
      %dma_wait3A_467 = tpu.memref_slice %arg5[%add3A_388] : memref<328192xi32, #tpu.memory_space<hbm>> -> memref<128xi32, #tpu.memory_space<hbm>>
      %dma_wait3A_468 = tpu.memref_slice %arg5[%add3A_388] : memref<328192xi32, #tpu.memory_space<hbm>> -> memref<128xi32, #tpu.memory_space<hbm>>
      tpu.wait_dma2 semaphore(%run_scoped3A : memref<!tpu.dma_semaphore, #tpu.memory_space<semaphore_mem>>) src(%dma_wait3A_468 : memref<128xi32, #tpu.memory_space<hbm>>) dst(%arg16 : memref<128xi32, #tpu.memory_space<vmem>>)
      tpu.yield
    }) : () -> ()
    "tpu.region"() ({
      %run_scoped3A = tpu.sem_alloc : memref<!tpu.dma_semaphore, #tpu.memory_space<semaphore_mem>>
      %dma_start3A_465 = tpu.memref_slice %arg6[%add3A_388] : memref<328192xi32, #tpu.memory_space<hbm>> -> memref<128xi32, #tpu.memory_space<hbm>>
      %dma_start3A_466 = tpu.memref_slice %arg6[%add3A_388] : memref<328192xi32, #tpu.memory_space<hbm>> -> memref<128xi32, #tpu.memory_space<hbm>>
      tpu.enqueue_dma source(%dma_start3A_466 : memref<128xi32, #tpu.memory_space<hbm>>) target(%arg20 : memref<128xi32, #tpu.memory_space<vmem>>) target_semaphore(%run_scoped3A : memref<!tpu.dma_semaphore, #tpu.memory_space<semaphore_mem>>)
      %dma_wait3A_467 = tpu.memref_slice %arg6[%add3A_388] : memref<328192xi32, #tpu.memory_space<hbm>> -> memref<128xi32, #tpu.memory_space<hbm>>
      %dma_wait3A_468 = tpu.memref_slice %arg6[%add3A_388] : memref<328192xi32, #tpu.memory_space<hbm>> -> memref<128xi32, #tpu.memory_space<hbm>>
      tpu.wait_dma2 semaphore(%run_scoped3A : memref<!tpu.dma_semaphore, #tpu.memory_space<semaphore_mem>>) src(%dma_wait3A_468 : memref<128xi32, #tpu.memory_space<hbm>>) dst(%arg20 : memref<128xi32, #tpu.memory_space<vmem>>)
      tpu.yield
    }) : () -> ()
    %dma_start3A_389 = arith.constant 0 : i32
    %dma_start3A_390 = arith.constant 0 : i32
    %dma_start3A_391 = tpu.memref_slice %arg2[%dma_start3A_389, %dma_start3A_390] : memref<10016x16xf32, #tpu.memory_space<hbm>> -> memref<10016x16xf32, #tpu.memory_space<hbm>>
    tpu.enqueue_indirect_dma source(%dma_start3A_391 : memref<10016x16xf32, #tpu.memory_space<hbm>>) target(%arg28 : memref<128x16xf32, #tpu.memory_space<vmem>>) offsets(%arg16 : memref<128xi32, #tpu.memory_space<vmem>>) semaphore(%arg48 : memref<!tpu.dma_semaphore, #tpu.memory_space<semaphore_mem>>)
    %dma_start3A_392 = arith.constant 0 : i32
    %dma_start3A_393 = arith.constant 0 : i32
    %dma_start3A_394 = tpu.memref_slice %arg3[%dma_start3A_392, %dma_start3A_393] : memref<10016x16xf32, #tpu.memory_space<hbm>> -> memref<10016x16xf32, #tpu.memory_space<hbm>>
    tpu.enqueue_indirect_dma source(%dma_start3A_394 : memref<10016x16xf32, #tpu.memory_space<hbm>>) target(%arg32 : memref<128x16xf32, #tpu.memory_space<vmem>>) offsets(%arg16 : memref<128xi32, #tpu.memory_space<vmem>>) semaphore(%arg48 : memref<!tpu.dma_semaphore, #tpu.memory_space<semaphore_mem>>)
    %dma_start3A_395 = arith.constant 0 : i32
    %dma_start3A_396 = arith.constant 0 : i32
    %dma_start3A_397 = tpu.memref_slice %arg4[%dma_start3A_395, %dma_start3A_396] : memref<10016x16xf32, #tpu.memory_space<hbm>> -> memref<10016x16xf32, #tpu.memory_space<hbm>>
    tpu.enqueue_indirect_dma source(%dma_start3A_397 : memref<10016x16xf32, #tpu.memory_space<hbm>>) target(%arg36 : memref<128x16xf32, #tpu.memory_space<vmem>>) offsets(%arg20 : memref<128xi32, #tpu.memory_space<vmem>>) semaphore(%arg48 : memref<!tpu.dma_semaphore, #tpu.memory_space<semaphore_mem>>)
    %scan3A_398 = arith.constant 0 : i32
    %scan3A_399 = arith.constant 1 : i32
    %scan3A_400 = arith.constant 19 : i32
    %scan3A_401 = arith.addi %scan3A_399, %scan3A_400 : i32
    %scan3A_402 = arith.constant 1 : i32
    scf.for %scan3A_465 = %scan3A_399 to %scan3A_401 step %scan3A_402  : i32 {
      %mul3A_466 = arith.constant 4 : i32
      %mul3A_467 = arith.muli %scan3A_465, %mul3A_466 : i32
      %add3A_468 = arith.constant 0 : i32
      %add3A_469 = arith.addi %mul3A_467, %add3A_468 : i32
      %dma_wait3A_470 = arith.constant 0 : i32
      %dma_wait3A_471 = arith.constant 0 : i32
      %dma_wait3A_472 = tpu.memref_slice %arg2[%dma_wait3A_470, %dma_wait3A_471] : memref<10016x16xf32, #tpu.memory_space<hbm>> -> memref<10016x16xf32, #tpu.memory_space<hbm>>
      tpu.wait_indirect_dma semaphore(%arg45 : memref<!tpu.dma_semaphore, #tpu.memory_space<semaphore_mem>>) src(%dma_wait3A_472 : memref<10016x16xf32, #tpu.memory_space<hbm>>) dst(%arg25 : memref<128x16xf32, #tpu.memory_space<vmem>>)
      %dma_wait3A_473 = arith.constant 0 : i32
      %dma_wait3A_474 = arith.constant 0 : i32
      %dma_wait3A_475 = tpu.memref_slice %arg3[%dma_wait3A_473, %dma_wait3A_474] : memref<10016x16xf32, #tpu.memory_space<hbm>> -> memref<10016x16xf32, #tpu.memory_space<hbm>>
      tpu.wait_indirect_dma semaphore(%arg45 : memref<!tpu.dma_semaphore, #tpu.memory_space<semaphore_mem>>) src(%dma_wait3A_475 : memref<10016x16xf32, #tpu.memory_space<hbm>>) dst(%arg29 : memref<128x16xf32, #tpu.memory_space<vmem>>)
      %dma_wait3A_476 = arith.constant 0 : i32
      %dma_wait3A_477 = arith.constant 0 : i32
      %dma_wait3A_478 = tpu.memref_slice %arg4[%dma_wait3A_476, %dma_wait3A_477] : memref<10016x16xf32, #tpu.memory_space<hbm>> -> memref<10016x16xf32, #tpu.memory_space<hbm>>
      tpu.wait_indirect_dma semaphore(%arg45 : memref<!tpu.dma_semaphore, #tpu.memory_space<semaphore_mem>>) src(%dma_wait3A_478 : memref<10016x16xf32, #tpu.memory_space<hbm>>) dst(%arg33 : memref<128x16xf32, #tpu.memory_space<vmem>>)
      %dma_wait3A_479 = arith.constant 0 : i32
      %dma_wait3A_480 = arith.constant 0 : i32
      %dma_wait3A_481 = tpu.memref_slice %arg11[%dma_wait3A_479, %dma_wait3A_480] : memref<10016x16xf32, #tpu.memory_space<vmem_shared>> -> memref<10016x16xf32, #tpu.memory_space<vmem_shared>>
      tpu.wait_indirect_dma semaphore(%arg49 : memref<!tpu.dma_semaphore, #tpu.memory_space<semaphore_mem>>) src(%arg41 : memref<128x16xf32, #tpu.memory_space<vmem>>) dst(%dma_wait3A_481 : memref<10016x16xf32, #tpu.memory_space<vmem_shared>>)
      %dma_wait3A_482 = arith.constant 0 : i32
      %dma_wait3A_483 = arith.constant 0 : i32
      %dma_wait3A_484 = tpu.memref_slice %arg12[%dma_wait3A_482, %dma_wait3A_483] : memref<10016x16xf32, #tpu.memory_space<vmem_shared>> -> memref<10016x16xf32, #tpu.memory_space<vmem_shared>>
      tpu.wait_indirect_dma semaphore(%arg49 : memref<!tpu.dma_semaphore, #tpu.memory_space<semaphore_mem>>) src(%arg37 : memref<128x16xf32, #tpu.memory_space<vmem>>) dst(%dma_wait3A_484 : memref<10016x16xf32, #tpu.memory_space<vmem_shared>>)
      %scan3A_485 = arith.constant 0 : i32
      %scan3A_486 = arith.constant 0 : i32
      %scan3A_487 = arith.constant 128 : i32
      %scan3A_488 = arith.addi %scan3A_486, %scan3A_487 : i32
      %scan3A_489 = arith.constant 1 : i32
      scf.for %scan3A_864 = %scan3A_486 to %scan3A_488 step %scan3A_489  : i32 {
        %get3A_865 = arith.index_cast %scan3A_864 : i32 to index
        %get3A_866 = arith.constant 0 : index
        %get3A_867 = tpu.vector_load %arg29[%get3A_865, %get3A_866] {strides = array<i32>} : memref<128x16xf32, #tpu.memory_space<vmem>>, vector<1x16xf32>,
        %get3A_868 = vector.shape_cast %get3A_867 : vector<1x16xf32> to vector<16xf32>
        %get3A_869 = arith.index_cast %scan3A_864 : i32 to index
        %get3A_870 = arith.constant 0 : index
        %get3A_871 = tpu.vector_load %arg33[%get3A_869, %get3A_870] {strides = array<i32>} : memref<128x16xf32, #tpu.memory_space<vmem>>, vector<1x16xf32>,
        %get3A_872 = vector.shape_cast %get3A_871 : vector<1x16xf32> to vector<16xf32>
        %add3A_873 = arith.addf %get3A_868, %get3A_872 : vector<16xf32>
        %gt3A = arith.constant 0.000000e+00 : f32
        %gt3A_874 = vector.broadcast %gt3A : f32 to vector<16xf32>
        %gt3A_875 = arith.cmpf ogt, %add3A_873, %gt3A_874 : vector<16xf32>
        %mul3A_876 = arith.constant 2.000000e-01 : f32
        %mul3A_877 = vector.broadcast %mul3A_876 : f32 to vector<16xf32>
        %mul3A_878 = arith.mulf %add3A_873, %mul3A_877 : vector<16xf32>
        %select_n3A = arith.select %gt3A_875, %add3A_873, %mul3A_878 : vector<16xi1>, vector<16xf32>
        %exp3A = math.exp %select_n3A : vector<16xf32>
        %jit3A = arith.constant 0.000000e+00 : f32
        %broadcast_in_dim3A = vector.broadcast %jit3A : f32 to vector<16xf32>
        %select_n3A_879 = arith.select %lt3A_4, %exp3A, %broadcast_in_dim3A : vector<16xi1>, vector<16xf32>
        %swap3A_880 = arith.index_cast %scan3A_864 : i32 to index
        %swap3A_881 = arith.constant 0 : index
        %swap3A_882 = tpu.vector_load %arg37[%swap3A_880, %swap3A_881] {strides = array<i32>} : memref<128x16xf32, #tpu.memory_space<vmem>>, vector<1x16xf32>,
        %swap3A_883 = vector.shape_cast %swap3A_882 : vector<1x16xf32> to vector<16xf32>
        %swap3A_884 = vector.shape_cast %select_n3A_879 : vector<16xf32> to vector<1x16xf32>
        tpu.vector_store %arg37[%swap3A_880, %swap3A_881], %swap3A_884 {strides = array<i32>} : memref<128x16xf32, #tpu.memory_space<vmem>>, vector<1x16xf32>,
        %broadcast_in_dim3A_885 = arith.constant 0 : i32
        %broadcast_in_dim3A_886 = vector.broadcast %broadcast_in_dim3A_885 : i32 to vector<16xi32>
        %broadcast_in_dim3A_887 = vector.shape_cast %broadcast_in_dim3A_886 : vector<16xi32> to vector<16x1xi32>
        %gather3A = vector.shape_cast %broadcast_in_dim3A_887 : vector<16x1xi32> to vector<16xi32>
        %gather3A_888 = tpu.dynamic_gather %select_n3A_879[%gather3A] in [0] : vector<16xf32>, vector<16xi32> -> vector<16xf32>
        %get3A_889 = arith.index_cast %scan3A_864 : i32 to index
        %get3A_890 = arith.constant 0 : index
        %get3A_891 = tpu.vector_load %arg25[%get3A_889, %get3A_890] {strides = array<i32>} : memref<128x16xf32, #tpu.memory_space<vmem>>, vector<1x16xf32>,
        %get3A_892 = vector.shape_cast %get3A_891 : vector<1x16xf32> to vector<16xf32>
        %mul3A_893 = arith.mulf %gather3A_888, %get3A_892 : vector<16xf32>
        %swap3A_894 = arith.index_cast %scan3A_864 : i32 to index
        %swap3A_895 = arith.constant 0 : index
        %swap3A_896 = tpu.vector_load %arg41[%swap3A_894, %swap3A_895] {strides = array<i32>} : memref<128x16xf32, #tpu.memory_space<vmem>>, vector<1x16xf32>,
        %swap3A_897 = vector.shape_cast %swap3A_896 : vector<1x16xf32> to vector<16xf32>
        %swap3A_898 = vector.shape_cast %mul3A_893 : vector<16xf32> to vector<1x16xf32>
        tpu.vector_store %arg41[%swap3A_894, %swap3A_895], %swap3A_898 {strides = array<i32>} : memref<128x16xf32, #tpu.memory_space<vmem>>, vector<1x16xf32>,
      }
      %scan3A_490 = arith.constant 128 : i32
      %get3A_491 = arith.constant 0 : index
      %get3A_492 = tpu.vector_load %arg17[%get3A_491] {strides = array<i32>} : memref<128xi32, #tpu.memory_space<vmem>>, vector<16xi32>,
      %get3A_493 = vector.shape_cast %get3A_492 : vector<16xi32> to vector<16xi32>
      %swap3A_494 = arith.constant 0 : index
      %swap3A_495 = tpu.vector_load %arg21[%swap3A_494] {strides = array<i32>} : memref<128xi32, #tpu.memory_space<vmem>>, vector<16xi32>,
      %swap3A_496 = vector.shape_cast %swap3A_495 : vector<16xi32> to vector<16xi32>
      %swap3A_497 = vector.shape_cast %get3A_493 : vector<16xi32> to vector<16xi32>
      tpu.vector_store %arg21[%swap3A_494], %swap3A_497 {strides = array<i32>} : memref<128xi32, #tpu.memory_space<vmem>>, vector<16xi32>,
      %get3A_498 = arith.constant 16 : index
      %get3A_499 = tpu.vector_load %arg17[%get3A_498] {strides = array<i32>} : memref<128xi32, #tpu.memory_space<vmem>>, vector<16xi32>,
      %get3A_500 = vector.shape_cast %get3A_499 : vector<16xi32> to vector<16xi32>
      %swap3A_501 = arith.constant 16 : index
      %swap3A_502 = tpu.vector_load %arg21[%swap3A_501] {strides = array<i32>} : memref<128xi32, #tpu.memory_space<vmem>>, vector<16xi32>,
      %swap3A_503 = vector.shape_cast %swap3A_502 : vector<16xi32> to vector<16xi32>
      %swap3A_504 = vector.shape_cast %get3A_500 : vector<16xi32> to vector<16xi32>
      tpu.vector_store %arg21[%swap3A_501], %swap3A_504 {strides = array<i32>} : memref<128xi32, #tpu.memory_space<vmem>>, vector<16xi32>,
      %get3A_505 = arith.constant 32 : index
      %get3A_506 = tpu.vector_load %arg17[%get3A_505] {strides = array<i32>} : memref<128xi32, #tpu.memory_space<vmem>>, vector<16xi32>,
      %get3A_507 = vector.shape_cast %get3A_506 : vector<16xi32> to vector<16xi32>
      %swap3A_508 = arith.constant 32 : index
      %swap3A_509 = tpu.vector_load %arg21[%swap3A_508] {strides = array<i32>} : memref<128xi32, #tpu.memory_space<vmem>>, vector<16xi32>,
      %swap3A_510 = vector.shape_cast %swap3A_509 : vector<16xi32> to vector<16xi32>
      %swap3A_511 = vector.shape_cast %get3A_507 : vector<16xi32> to vector<16xi32>
      tpu.vector_store %arg21[%swap3A_508], %swap3A_511 {strides = array<i32>} : memref<128xi32, #tpu.memory_space<vmem>>, vector<16xi32>,
      %get3A_512 = arith.constant 48 : index
      %get3A_513 = tpu.vector_load %arg17[%get3A_512] {strides = array<i32>} : memref<128xi32, #tpu.memory_space<vmem>>, vector<16xi32>,
      %get3A_514 = vector.shape_cast %get3A_513 : vector<16xi32> to vector<16xi32>
      %swap3A_515 = arith.constant 48 : index
      %swap3A_516 = tpu.vector_load %arg21[%swap3A_515] {strides = array<i32>} : memref<128xi32, #tpu.memory_space<vmem>>, vector<16xi32>,
      %swap3A_517 = vector.shape_cast %swap3A_516 : vector<16xi32> to vector<16xi32>
      %swap3A_518 = vector.shape_cast %get3A_514 : vector<16xi32> to vector<16xi32>
      tpu.vector_store %arg21[%swap3A_515], %swap3A_518 {strides = array<i32>} : memref<128xi32, #tpu.memory_space<vmem>>, vector<16xi32>,
      %get3A_519 = arith.constant 64 : index
      %get3A_520 = tpu.vector_load %arg17[%get3A_519] {strides = array<i32>} : memref<128xi32, #tpu.memory_space<vmem>>, vector<16xi32>,
      %get3A_521 = vector.shape_cast %get3A_520 : vector<16xi32> to vector<16xi32>
      %swap3A_522 = arith.constant 64 : index
      %swap3A_523 = tpu.vector_load %arg21[%swap3A_522] {strides = array<i32>} : memref<128xi32, #tpu.memory_space<vmem>>, vector<16xi32>,
      %swap3A_524 = vector.shape_cast %swap3A_523 : vector<16xi32> to vector<16xi32>
      %swap3A_525 = vector.shape_cast %get3A_521 : vector<16xi32> to vector<16xi32>
      tpu.vector_store %arg21[%swap3A_522], %swap3A_525 {strides = array<i32>} : memref<128xi32, #tpu.memory_space<vmem>>, vector<16xi32>,
      %get3A_526 = arith.constant 80 : index
      %get3A_527 = tpu.vector_load %arg17[%get3A_526] {strides = array<i32>} : memref<128xi32, #tpu.memory_space<vmem>>, vector<16xi32>,
      %get3A_528 = vector.shape_cast %get3A_527 : vector<16xi32> to vector<16xi32>
      %swap3A_529 = arith.constant 80 : index
      %swap3A_530 = tpu.vector_load %arg21[%swap3A_529] {strides = array<i32>} : memref<128xi32, #tpu.memory_space<vmem>>, vector<16xi32>,
      %swap3A_531 = vector.shape_cast %swap3A_530 : vector<16xi32> to vector<16xi32>
      %swap3A_532 = vector.shape_cast %get3A_528 : vector<16xi32> to vector<16xi32>
      tpu.vector_store %arg21[%swap3A_529], %swap3A_532 {strides = array<i32>} : memref<128xi32, #tpu.memory_space<vmem>>, vector<16xi32>,
      %get3A_533 = arith.constant 96 : index
      %get3A_534 = tpu.vector_load %arg17[%get3A_533] {strides = array<i32>} : memref<128xi32, #tpu.memory_space<vmem>>, vector<16xi32>,
      %get3A_535 = vector.shape_cast %get3A_534 : vector<16xi32> to vector<16xi32>
      %swap3A_536 = arith.constant 96 : index
      %swap3A_537 = tpu.vector_load %arg21[%swap3A_536] {strides = array<i32>} : memref<128xi32, #tpu.memory_space<vmem>>, vector<16xi32>,
      %swap3A_538 = vector.shape_cast %swap3A_537 : vector<16xi32> to vector<16xi32>
      %swap3A_539 = vector.shape_cast %get3A_535 : vector<16xi32> to vector<16xi32>
      tpu.vector_store %arg21[%swap3A_536], %swap3A_539 {strides = array<i32>} : memref<128xi32, #tpu.memory_space<vmem>>, vector<16xi32>,
      %get3A_540 = arith.constant 112 : index
      %get3A_541 = tpu.vector_load %arg17[%get3A_540] {strides = array<i32>} : memref<128xi32, #tpu.memory_space<vmem>>, vector<16xi32>,
      %get3A_542 = vector.shape_cast %get3A_541 : vector<16xi32> to vector<16xi32>
      %swap3A_543 = arith.constant 112 : index
      %swap3A_544 = tpu.vector_load %arg21[%swap3A_543] {strides = array<i32>} : memref<128xi32, #tpu.memory_space<vmem>>, vector<16xi32>,
      %swap3A_545 = vector.shape_cast %swap3A_544 : vector<16xi32> to vector<16xi32>
      %swap3A_546 = vector.shape_cast %get3A_542 : vector<16xi32> to vector<16xi32>
      tpu.vector_store %arg21[%swap3A_543], %swap3A_546 {strides = array<i32>} : memref<128xi32, #tpu.memory_space<vmem>>, vector<16xi32>,
      %dma_start3A_547 = arith.constant 0 : i32
      %dma_start3A_548 = arith.constant 0 : i32
      %dma_start3A_549 = tpu.memref_slice %arg11[%dma_start3A_547, %dma_start3A_548] : memref<10016x16xf32, #tpu.memory_space<vmem_shared>> -> memref<10016x16xf32, #tpu.memory_space<vmem_shared>>
      tpu.enqueue_indirect_dma source(%arg41 : memref<128x16xf32, #tpu.memory_space<vmem>>) target(%dma_start3A_549 : memref<10016x16xf32, #tpu.memory_space<vmem_shared>>) offsets(%arg21 : memref<128xi32, #tpu.memory_space<vmem>>) semaphore(%arg49 : memref<!tpu.dma_semaphore, #tpu.memory_space<semaphore_mem>>) {add = true}
      %dma_start3A_550 = arith.constant 0 : i32
      %dma_start3A_551 = arith.constant 0 : i32
      %dma_start3A_552 = tpu.memref_slice %arg12[%dma_start3A_550, %dma_start3A_551] : memref<10016x16xf32, #tpu.memory_space<vmem_shared>> -> memref<10016x16xf32, #tpu.memory_space<vmem_shared>>
      tpu.enqueue_indirect_dma source(%arg37 : memref<128x16xf32, #tpu.memory_space<vmem>>) target(%dma_start3A_552 : memref<10016x16xf32, #tpu.memory_space<vmem_shared>>) offsets(%arg21 : memref<128xi32, #tpu.memory_space<vmem>>) semaphore(%arg49 : memref<!tpu.dma_semaphore, #tpu.memory_space<semaphore_mem>>) {add = true}
      %add3A_553 = arith.constant 4 : i32
      %add3A_554 = arith.addi %add3A_469, %add3A_553 : i32
      %mul3A_555 = arith.constant 128 : i32
      %mul3A_556 = arith.muli %add3A_554, %mul3A_555 : i32
      %add3A_557 = arith.addi %mul3A_6, %mul3A_556 : i32
      "tpu.region"() ({
        %run_scoped3A = tpu.sem_alloc : memref<!tpu.dma_semaphore, #tpu.memory_space<semaphore_mem>>
        %dma_start3A_864 = tpu.memref_slice %arg5[%add3A_557] : memref<328192xi32, #tpu.memory_space<hbm>> -> memref<128xi32, #tpu.memory_space<hbm>>
        %dma_start3A_865 = tpu.memref_slice %arg5[%add3A_557] : memref<328192xi32, #tpu.memory_space<hbm>> -> memref<128xi32, #tpu.memory_space<hbm>>
        tpu.enqueue_dma source(%dma_start3A_865 : memref<128xi32, #tpu.memory_space<hbm>>) target(%arg13 : memref<128xi32, #tpu.memory_space<vmem>>) target_semaphore(%run_scoped3A : memref<!tpu.dma_semaphore, #tpu.memory_space<semaphore_mem>>)
        %dma_wait3A_866 = tpu.memref_slice %arg5[%add3A_557] : memref<328192xi32, #tpu.memory_space<hbm>> -> memref<128xi32, #tpu.memory_space<hbm>>
        %dma_wait3A_867 = tpu.memref_slice %arg5[%add3A_557] : memref<328192xi32, #tpu.memory_space<hbm>> -> memref<128xi32, #tpu.memory_space<hbm>>
        tpu.wait_dma2 semaphore(%run_scoped3A : memref<!tpu.dma_semaphore, #tpu.memory_space<semaphore_mem>>) src(%dma_wait3A_867 : memref<128xi32, #tpu.memory_space<hbm>>) dst(%arg13 : memref<128xi32, #tpu.memory_space<vmem>>)
        tpu.yield
      }) : () -> ()
      "tpu.region"() ({
        %run_scoped3A = tpu.sem_alloc : memref<!tpu.dma_semaphore, #tpu.memory_space<semaphore_mem>>
        %dma_start3A_864 = tpu.memref_slice %arg6[%add3A_557] : memref<328192xi32, #tpu.memory_space<hbm>> -> memref<128xi32, #tpu.memory_space<hbm>>
        %dma_start3A_865 = tpu.memref_slice %arg6[%add3A_557] : memref<328192xi32, #tpu.memory_space<hbm>> -> memref<128xi32, #tpu.memory_space<hbm>>
        tpu.enqueue_dma source(%dma_start3A_865 : memref<128xi32, #tpu.memory_space<hbm>>) target(%arg17 : memref<128xi32, #tpu.memory_space<vmem>>) target_semaphore(%run_scoped3A : memref<!tpu.dma_semaphore, #tpu.memory_space<semaphore_mem>>)
        %dma_wait3A_866 = tpu.memref_slice %arg6[%add3A_557] : memref<328192xi32, #tpu.memory_space<hbm>> -> memref<128xi32, #tpu.memory_space<hbm>>
        %dma_wait3A_867 = tpu.memref_slice %arg6[%add3A_557] : memref<328192xi32, #tpu.memory_space<hbm>> -> memref<128xi32, #tpu.memory_space<hbm>>
        tpu.wait_dma2 semaphore(%run_scoped3A : memref<!tpu.dma_semaphore, #tpu.memory_space<semaphore_mem>>) src(%dma_wait3A_867 : memref<128xi32, #tpu.memory_space<hbm>>) dst(%arg17 : memref<128xi32, #tpu.memory_space<vmem>>)
        tpu.yield
      }) : () -> ()
      %dma_start3A_558 = arith.constant 0 : i32
      %dma_start3A_559 = arith.constant 0 : i32
      %dma_start3A_560 = tpu.memref_slice %arg2[%dma_start3A_558, %dma_start3A_559] : memref<10016x16xf32, #tpu.memory_space<hbm>> -> memref<10016x16xf32, #tpu.memory_space<hbm>>
      tpu.enqueue_indirect_dma source(%dma_start3A_560 : memref<10016x16xf32, #tpu.memory_space<hbm>>) target(%arg25 : memref<128x16xf32, #tpu.memory_space<vmem>>) offsets(%arg13 : memref<128xi32, #tpu.memory_space<vmem>>) semaphore(%arg45 : memref<!tpu.dma_semaphore, #tpu.memory_space<semaphore_mem>>)
      %dma_start3A_561 = arith.constant 0 : i32
      %dma_start3A_562 = arith.constant 0 : i32
      %dma_start3A_563 = tpu.memref_slice %arg3[%dma_start3A_561, %dma_start3A_562] : memref<10016x16xf32, #tpu.memory_space<hbm>> -> memref<10016x16xf32, #tpu.memory_space<hbm>>
      tpu.enqueue_indirect_dma source(%dma_start3A_563 : memref<10016x16xf32, #tpu.memory_space<hbm>>) target(%arg29 : memref<128x16xf32, #tpu.memory_space<vmem>>) offsets(%arg13 : memref<128xi32, #tpu.memory_space<vmem>>) semaphore(%arg45 : memref<!tpu.dma_semaphore, #tpu.memory_space<semaphore_mem>>)
      %dma_start3A_564 = arith.constant 0 : i32
      %dma_start3A_565 = arith.constant 0 : i32
      %dma_start3A_566 = tpu.memref_slice %arg4[%dma_start3A_564, %dma_start3A_565] : memref<10016x16xf32, #tpu.memory_space<hbm>> -> memref<10016x16xf32, #tpu.memory_space<hbm>>
      tpu.enqueue_indirect_dma source(%dma_start3A_566 : memref<10016x16xf32, #tpu.memory_space<hbm>>) target(%arg33 : memref<128x16xf32, #tpu.memory_space<vmem>>) offsets(%arg17 : memref<128xi32, #tpu.memory_space<vmem>>) semaphore(%arg45 : memref<!tpu.dma_semaphore, #tpu.memory_space<semaphore_mem>>)
      %add3A_567 = arith.constant 1 : i32
      %add3A_568 = arith.addi %mul3A_467, %add3A_567 : i32
      %dma_wait3A_569 = arith.constant 0 : i32
      %dma_wait3A_570 = arith.constant 0 : i32
      %dma_wait3A_571 = tpu.memref_slice %arg2[%dma_wait3A_569, %dma_wait3A_570] : memref<10016x16xf32, #tpu.memory_space<hbm>> -> memref<10016x16xf32, #tpu.memory_space<hbm>>
      tpu.wait_indirect_dma semaphore(%arg46 : memref<!tpu.dma_semaphore, #tpu.memory_space<semaphore_mem>>) src(%dma_wait3A_571 : memref<10016x16xf32, #tpu.memory_space<hbm>>) dst(%arg26 : memref<128x16xf32, #tpu.memory_space<vmem>>)
      %dma_wait3A_572 = arith.constant 0 : i32
      %dma_wait3A_573 = arith.constant 0 : i32
      %dma_wait3A_574 = tpu.memref_slice %arg3[%dma_wait3A_572, %dma_wait3A_573] : memref<10016x16xf32, #tpu.memory_space<hbm>> -> memref<10016x16xf32, #tpu.memory_space<hbm>>
      tpu.wait_indirect_dma semaphore(%arg46 : memref<!tpu.dma_semaphore, #tpu.memory_space<semaphore_mem>>) src(%dma_wait3A_574 : memref<10016x16xf32, #tpu.memory_space<hbm>>) dst(%arg30 : memref<128x16xf32, #tpu.memory_space<vmem>>)
      %dma_wait3A_575 = arith.constant 0 : i32
      %dma_wait3A_576 = arith.constant 0 : i32
      %dma_wait3A_577 = tpu.memref_slice %arg4[%dma_wait3A_575, %dma_wait3A_576] : memref<10016x16xf32, #tpu.memory_space<hbm>> -> memref<10016x16xf32, #tpu.memory_space<hbm>>
      tpu.wait_indirect_dma semaphore(%arg46 : memref<!tpu.dma_semaphore, #tpu.memory_space<semaphore_mem>>) src(%dma_wait3A_577 : memref<10016x16xf32, #tpu.memory_space<hbm>>) dst(%arg34 : memref<128x16xf32, #tpu.memory_space<vmem>>)
      %dma_wait3A_578 = arith.constant 0 : i32
      %dma_wait3A_579 = arith.constant 0 : i32
      %dma_wait3A_580 = tpu.memref_slice %arg11[%dma_wait3A_578, %dma_wait3A_579] : memref<10016x16xf32, #tpu.memory_space<vmem_shared>> -> memref<10016x16xf32, #tpu.memory_space<vmem_shared>>
      tpu.wait_indirect_dma semaphore(%arg50 : memref<!tpu.dma_semaphore, #tpu.memory_space<semaphore_mem>>) src(%arg42 : memref<128x16xf32, #tpu.memory_space<vmem>>) dst(%dma_wait3A_580 : memref<10016x16xf32, #tpu.memory_space<vmem_shared>>)
      %dma_wait3A_581 = arith.constant 0 : i32
      %dma_wait3A_582 = arith.constant 0 : i32
      %dma_wait3A_583 = tpu.memref_slice %arg12[%dma_wait3A_581, %dma_wait3A_582] : memref<10016x16xf32, #tpu.memory_space<vmem_shared>> -> memref<10016x16xf32, #tpu.memory_space<vmem_shared>>
      tpu.wait_indirect_dma semaphore(%arg50 : memref<!tpu.dma_semaphore, #tpu.memory_space<semaphore_mem>>) src(%arg38 : memref<128x16xf32, #tpu.memory_space<vmem>>) dst(%dma_wait3A_583 : memref<10016x16xf32, #tpu.memory_space<vmem_shared>>)
      %scan3A_584 = arith.constant 0 : i32
      %scan3A_585 = arith.constant 0 : i32
      %scan3A_586 = arith.constant 128 : i32
      %scan3A_587 = arith.addi %scan3A_585, %scan3A_586 : i32
      %scan3A_588 = arith.constant 1 : i32
      scf.for %scan3A_864 = %scan3A_585 to %scan3A_587 step %scan3A_588  : i32 {
        %get3A_865 = arith.index_cast %scan3A_864 : i32 to index
        %get3A_866 = arith.constant 0 : index
        %get3A_867 = tpu.vector_load %arg30[%get3A_865, %get3A_866] {strides = array<i32>} : memref<128x16xf32, #tpu.memory_space<vmem>>, vector<1x16xf32>,
        %get3A_868 = vector.shape_cast %get3A_867 : vector<1x16xf32> to vector<16xf32>
        %get3A_869 = arith.index_cast %scan3A_864 : i32 to index
        %get3A_870 = arith.constant 0 : index
        %get3A_871 = tpu.vector_load %arg34[%get3A_869, %get3A_870] {strides = array<i32>} : memref<128x16xf32, #tpu.memory_space<vmem>>, vector<1x16xf32>,
        %get3A_872 = vector.shape_cast %get3A_871 : vector<1x16xf32> to vector<16xf32>
        %add3A_873 = arith.addf %get3A_868, %get3A_872 : vector<16xf32>
        %gt3A = arith.constant 0.000000e+00 : f32
        %gt3A_874 = vector.broadcast %gt3A : f32 to vector<16xf32>
        %gt3A_875 = arith.cmpf ogt, %add3A_873, %gt3A_874 : vector<16xf32>
        %mul3A_876 = arith.constant 2.000000e-01 : f32
        %mul3A_877 = vector.broadcast %mul3A_876 : f32 to vector<16xf32>
        %mul3A_878 = arith.mulf %add3A_873, %mul3A_877 : vector<16xf32>
        %select_n3A = arith.select %gt3A_875, %add3A_873, %mul3A_878 : vector<16xi1>, vector<16xf32>
        %exp3A = math.exp %select_n3A : vector<16xf32>
        %jit3A = arith.constant 0.000000e+00 : f32
        %broadcast_in_dim3A = vector.broadcast %jit3A : f32 to vector<16xf32>
        %select_n3A_879 = arith.select %lt3A_4, %exp3A, %broadcast_in_dim3A : vector<16xi1>, vector<16xf32>
        %swap3A_880 = arith.index_cast %scan3A_864 : i32 to index
        %swap3A_881 = arith.constant 0 : index
        %swap3A_882 = tpu.vector_load %arg38[%swap3A_880, %swap3A_881] {strides = array<i32>} : memref<128x16xf32, #tpu.memory_space<vmem>>, vector<1x16xf32>,
        %swap3A_883 = vector.shape_cast %swap3A_882 : vector<1x16xf32> to vector<16xf32>
        %swap3A_884 = vector.shape_cast %select_n3A_879 : vector<16xf32> to vector<1x16xf32>
        tpu.vector_store %arg38[%swap3A_880, %swap3A_881], %swap3A_884 {strides = array<i32>} : memref<128x16xf32, #tpu.memory_space<vmem>>, vector<1x16xf32>,
        %broadcast_in_dim3A_885 = arith.constant 0 : i32
        %broadcast_in_dim3A_886 = vector.broadcast %broadcast_in_dim3A_885 : i32 to vector<16xi32>
        %broadcast_in_dim3A_887 = vector.shape_cast %broadcast_in_dim3A_886 : vector<16xi32> to vector<16x1xi32>
        %gather3A = vector.shape_cast %broadcast_in_dim3A_887 : vector<16x1xi32> to vector<16xi32>
        %gather3A_888 = tpu.dynamic_gather %select_n3A_879[%gather3A] in [0] : vector<16xf32>, vector<16xi32> -> vector<16xf32>
        %get3A_889 = arith.index_cast %scan3A_864 : i32 to index
        %get3A_890 = arith.constant 0 : index
        %get3A_891 = tpu.vector_load %arg26[%get3A_889, %get3A_890] {strides = array<i32>} : memref<128x16xf32, #tpu.memory_space<vmem>>, vector<1x16xf32>,
        %get3A_892 = vector.shape_cast %get3A_891 : vector<1x16xf32> to vector<16xf32>
        %mul3A_893 = arith.mulf %gather3A_888, %get3A_892 : vector<16xf32>
        %swap3A_894 = arith.index_cast %scan3A_864 : i32 to index
        %swap3A_895 = arith.constant 0 : index
        %swap3A_896 = tpu.vector_load %arg42[%swap3A_894, %swap3A_895] {strides = array<i32>} : memref<128x16xf32, #tpu.memory_space<vmem>>, vector<1x16xf32>,
        %swap3A_897 = vector.shape_cast %swap3A_896 : vector<1x16xf32> to vector<16xf32>
        %swap3A_898 = vector.shape_cast %mul3A_893 : vector<16xf32> to vector<1x16xf32>
        tpu.vector_store %arg42[%swap3A_894, %swap3A_895], %swap3A_898 {strides = array<i32>} : memref<128x16xf32, #tpu.memory_space<vmem>>, vector<1x16xf32>,
      }
      %scan3A_589 = arith.constant 128 : i32
      %get3A_590 = arith.constant 0 : index
      %get3A_591 = tpu.vector_load %arg18[%get3A_590] {strides = array<i32>} : memref<128xi32, #tpu.memory_space<vmem>>, vector<16xi32>,
      %get3A_592 = vector.shape_cast %get3A_591 : vector<16xi32> to vector<16xi32>
      %swap3A_593 = arith.constant 0 : index
      %swap3A_594 = tpu.vector_load %arg22[%swap3A_593] {strides = array<i32>} : memref<128xi32, #tpu.memory_space<vmem>>, vector<16xi32>,
      %swap3A_595 = vector.shape_cast %swap3A_594 : vector<16xi32> to vector<16xi32>
      %swap3A_596 = vector.shape_cast %get3A_592 : vector<16xi32> to vector<16xi32>
      tpu.vector_store %arg22[%swap3A_593], %swap3A_596 {strides = array<i32>} : memref<128xi32, #tpu.memory_space<vmem>>, vector<16xi32>,
      %get3A_597 = arith.constant 16 : index
      %get3A_598 = tpu.vector_load %arg18[%get3A_597] {strides = array<i32>} : memref<128xi32, #tpu.memory_space<vmem>>, vector<16xi32>,
      %get3A_599 = vector.shape_cast %get3A_598 : vector<16xi32> to vector<16xi32>
      %swap3A_600 = arith.constant 16 : index
      %swap3A_601 = tpu.vector_load %arg22[%swap3A_600] {strides = array<i32>} : memref<128xi32, #tpu.memory_space<vmem>>, vector<16xi32>,
      %swap3A_602 = vector.shape_cast %swap3A_601 : vector<16xi32> to vector<16xi32>
      %swap3A_603 = vector.shape_cast %get3A_599 : vector<16xi32> to vector<16xi32>
      tpu.vector_store %arg22[%swap3A_600], %swap3A_603 {strides = array<i32>} : memref<128xi32, #tpu.memory_space<vmem>>, vector<16xi32>,
      %get3A_604 = arith.constant 32 : index
      %get3A_605 = tpu.vector_load %arg18[%get3A_604] {strides = array<i32>} : memref<128xi32, #tpu.memory_space<vmem>>, vector<16xi32>,
      %get3A_606 = vector.shape_cast %get3A_605 : vector<16xi32> to vector<16xi32>
      %swap3A_607 = arith.constant 32 : index
      %swap3A_608 = tpu.vector_load %arg22[%swap3A_607] {strides = array<i32>} : memref<128xi32, #tpu.memory_space<vmem>>, vector<16xi32>,
      %swap3A_609 = vector.shape_cast %swap3A_608 : vector<16xi32> to vector<16xi32>
      %swap3A_610 = vector.shape_cast %get3A_606 : vector<16xi32> to vector<16xi32>
      tpu.vector_store %arg22[%swap3A_607], %swap3A_610 {strides = array<i32>} : memref<128xi32, #tpu.memory_space<vmem>>, vector<16xi32>,
      %get3A_611 = arith.constant 48 : index
      %get3A_612 = tpu.vector_load %arg18[%get3A_611] {strides = array<i32>} : memref<128xi32, #tpu.memory_space<vmem>>, vector<16xi32>,
      %get3A_613 = vector.shape_cast %get3A_612 : vector<16xi32> to vector<16xi32>
      %swap3A_614 = arith.constant 48 : index
      %swap3A_615 = tpu.vector_load %arg22[%swap3A_614] {strides = array<i32>} : memref<128xi32, #tpu.memory_space<vmem>>, vector<16xi32>,
      %swap3A_616 = vector.shape_cast %swap3A_615 : vector<16xi32> to vector<16xi32>
      %swap3A_617 = vector.shape_cast %get3A_613 : vector<16xi32> to vector<16xi32>
      tpu.vector_store %arg22[%swap3A_614], %swap3A_617 {strides = array<i32>} : memref<128xi32, #tpu.memory_space<vmem>>, vector<16xi32>,
      %get3A_618 = arith.constant 64 : index
      %get3A_619 = tpu.vector_load %arg18[%get3A_618] {strides = array<i32>} : memref<128xi32, #tpu.memory_space<vmem>>, vector<16xi32>,
      %get3A_620 = vector.shape_cast %get3A_619 : vector<16xi32> to vector<16xi32>
      %swap3A_621 = arith.constant 64 : index
      %swap3A_622 = tpu.vector_load %arg22[%swap3A_621] {strides = array<i32>} : memref<128xi32, #tpu.memory_space<vmem>>, vector<16xi32>,
      %swap3A_623 = vector.shape_cast %swap3A_622 : vector<16xi32> to vector<16xi32>
      %swap3A_624 = vector.shape_cast %get3A_620 : vector<16xi32> to vector<16xi32>
      tpu.vector_store %arg22[%swap3A_621], %swap3A_624 {strides = array<i32>} : memref<128xi32, #tpu.memory_space<vmem>>, vector<16xi32>,
      %get3A_625 = arith.constant 80 : index
      %get3A_626 = tpu.vector_load %arg18[%get3A_625] {strides = array<i32>} : memref<128xi32, #tpu.memory_space<vmem>>, vector<16xi32>,
      %get3A_627 = vector.shape_cast %get3A_626 : vector<16xi32> to vector<16xi32>
      %swap3A_628 = arith.constant 80 : index
      %swap3A_629 = tpu.vector_load %arg22[%swap3A_628] {strides = array<i32>} : memref<128xi32, #tpu.memory_space<vmem>>, vector<16xi32>,
      %swap3A_630 = vector.shape_cast %swap3A_629 : vector<16xi32> to vector<16xi32>
      %swap3A_631 = vector.shape_cast %get3A_627 : vector<16xi32> to vector<16xi32>
      tpu.vector_store %arg22[%swap3A_628], %swap3A_631 {strides = array<i32>} : memref<128xi32, #tpu.memory_space<vmem>>, vector<16xi32>,
      %get3A_632 = arith.constant 96 : index
      %get3A_633 = tpu.vector_load %arg18[%get3A_632] {strides = array<i32>} : memref<128xi32, #tpu.memory_space<vmem>>, vector<16xi32>,
      %get3A_634 = vector.shape_cast %get3A_633 : vector<16xi32> to vector<16xi32>
      %swap3A_635 = arith.constant 96 : index
      %swap3A_636 = tpu.vector_load %arg22[%swap3A_635] {strides = array<i32>} : memref<128xi32, #tpu.memory_space<vmem>>, vector<16xi32>,
      %swap3A_637 = vector.shape_cast %swap3A_636 : vector<16xi32> to vector<16xi32>
      %swap3A_638 = vector.shape_cast %get3A_634 : vector<16xi32> to vector<16xi32>
      tpu.vector_store %arg22[%swap3A_635], %swap3A_638 {strides = array<i32>} : memref<128xi32, #tpu.memory_space<vmem>>, vector<16xi32>,
      %get3A_639 = arith.constant 112 : index
      %get3A_640 = tpu.vector_load %arg18[%get3A_639] {strides = array<i32>} : memref<128xi32, #tpu.memory_space<vmem>>, vector<16xi32>,
      %get3A_641 = vector.shape_cast %get3A_640 : vector<16xi32> to vector<16xi32>
      %swap3A_642 = arith.constant 112 : index
      %swap3A_643 = tpu.vector_load %arg22[%swap3A_642] {strides = array<i32>} : memref<128xi32, #tpu.memory_space<vmem>>, vector<16xi32>,
      %swap3A_644 = vector.shape_cast %swap3A_643 : vector<16xi32> to vector<16xi32>
      %swap3A_645 = vector.shape_cast %get3A_641 : vector<16xi32> to vector<16xi32>
      tpu.vector_store %arg22[%swap3A_642], %swap3A_645 {strides = array<i32>} : memref<128xi32, #tpu.memory_space<vmem>>, vector<16xi32>,
      %dma_start3A_646 = arith.constant 0 : i32
      %dma_start3A_647 = arith.constant 0 : i32
      %dma_start3A_648 = tpu.memref_slice %arg11[%dma_start3A_646, %dma_start3A_647] : memref<10016x16xf32, #tpu.memory_space<vmem_shared>> -> memref<10016x16xf32, #tpu.memory_space<vmem_shared>>
      tpu.enqueue_indirect_dma source(%arg42 : memref<128x16xf32, #tpu.memory_space<vmem>>) target(%dma_start3A_648 : memref<10016x16xf32, #tpu.memory_space<vmem_shared>>) offsets(%arg22 : memref<128xi32, #tpu.memory_space<vmem>>) semaphore(%arg50 : memref<!tpu.dma_semaphore, #tpu.memory_space<semaphore_mem>>) {add = true}
      %dma_start3A_649 = arith.constant 0 : i32
      %dma_start3A_650 = arith.constant 0 : i32
      %dma_start3A_651 = tpu.memref_slice %arg12[%dma_start3A_649, %dma_start3A_650] : memref<10016x16xf32, #tpu.memory_space<vmem_shared>> -> memref<10016x16xf32, #tpu.memory_space<vmem_shared>>
      tpu.enqueue_indirect_dma source(%arg38 : memref<128x16xf32, #tpu.memory_space<vmem>>) target(%dma_start3A_651 : memref<10016x16xf32, #tpu.memory_space<vmem_shared>>) offsets(%arg22 : memref<128xi32, #tpu.memory_space<vmem>>) semaphore(%arg50 : memref<!tpu.dma_semaphore, #tpu.memory_space<semaphore_mem>>) {add = true}
      %add3A_652 = arith.constant 4 : i32
      %add3A_653 = arith.addi %add3A_568, %add3A_652 : i32
      %mul3A_654 = arith.constant 128 : i32
      %mul3A_655 = arith.muli %add3A_653, %mul3A_654 : i32
      %add3A_656 = arith.addi %mul3A_6, %mul3A_655 : i32
      "tpu.region"() ({
        %run_scoped3A = tpu.sem_alloc : memref<!tpu.dma_semaphore, #tpu.memory_space<semaphore_mem>>
        %dma_start3A_864 = tpu.memref_slice %arg5[%add3A_656] : memref<328192xi32, #tpu.memory_space<hbm>> -> memref<128xi32, #tpu.memory_space<hbm>>
        %dma_start3A_865 = tpu.memref_slice %arg5[%add3A_656] : memref<328192xi32, #tpu.memory_space<hbm>> -> memref<128xi32, #tpu.memory_space<hbm>>
        tpu.enqueue_dma source(%dma_start3A_865 : memref<128xi32, #tpu.memory_space<hbm>>) target(%arg14 : memref<128xi32, #tpu.memory_space<vmem>>) target_semaphore(%run_scoped3A : memref<!tpu.dma_semaphore, #tpu.memory_space<semaphore_mem>>)
        %dma_wait3A_866 = tpu.memref_slice %arg5[%add3A_656] : memref<328192xi32, #tpu.memory_space<hbm>> -> memref<128xi32, #tpu.memory_space<hbm>>
        %dma_wait3A_867 = tpu.memref_slice %arg5[%add3A_656] : memref<328192xi32, #tpu.memory_space<hbm>> -> memref<128xi32, #tpu.memory_space<hbm>>
        tpu.wait_dma2 semaphore(%run_scoped3A : memref<!tpu.dma_semaphore, #tpu.memory_space<semaphore_mem>>) src(%dma_wait3A_867 : memref<128xi32, #tpu.memory_space<hbm>>) dst(%arg14 : memref<128xi32, #tpu.memory_space<vmem>>)
        tpu.yield
      }) : () -> ()
      "tpu.region"() ({
        %run_scoped3A = tpu.sem_alloc : memref<!tpu.dma_semaphore, #tpu.memory_space<semaphore_mem>>
        %dma_start3A_864 = tpu.memref_slice %arg6[%add3A_656] : memref<328192xi32, #tpu.memory_space<hbm>> -> memref<128xi32, #tpu.memory_space<hbm>>
        %dma_start3A_865 = tpu.memref_slice %arg6[%add3A_656] : memref<328192xi32, #tpu.memory_space<hbm>> -> memref<128xi32, #tpu.memory_space<hbm>>
        tpu.enqueue_dma source(%dma_start3A_865 : memref<128xi32, #tpu.memory_space<hbm>>) target(%arg18 : memref<128xi32, #tpu.memory_space<vmem>>) target_semaphore(%run_scoped3A : memref<!tpu.dma_semaphore, #tpu.memory_space<semaphore_mem>>)
        %dma_wait3A_866 = tpu.memref_slice %arg6[%add3A_656] : memref<328192xi32, #tpu.memory_space<hbm>> -> memref<128xi32, #tpu.memory_space<hbm>>
        %dma_wait3A_867 = tpu.memref_slice %arg6[%add3A_656] : memref<328192xi32, #tpu.memory_space<hbm>> -> memref<128xi32, #tpu.memory_space<hbm>>
        tpu.wait_dma2 semaphore(%run_scoped3A : memref<!tpu.dma_semaphore, #tpu.memory_space<semaphore_mem>>) src(%dma_wait3A_867 : memref<128xi32, #tpu.memory_space<hbm>>) dst(%arg18 : memref<128xi32, #tpu.memory_space<vmem>>)
        tpu.yield
      }) : () -> ()
      %dma_start3A_657 = arith.constant 0 : i32
      %dma_start3A_658 = arith.constant 0 : i32
      %dma_start3A_659 = tpu.memref_slice %arg2[%dma_start3A_657, %dma_start3A_658] : memref<10016x16xf32, #tpu.memory_space<hbm>> -> memref<10016x16xf32, #tpu.memory_space<hbm>>
      tpu.enqueue_indirect_dma source(%dma_start3A_659 : memref<10016x16xf32, #tpu.memory_space<hbm>>) target(%arg26 : memref<128x16xf32, #tpu.memory_space<vmem>>) offsets(%arg14 : memref<128xi32, #tpu.memory_space<vmem>>) semaphore(%arg46 : memref<!tpu.dma_semaphore, #tpu.memory_space<semaphore_mem>>)
      %dma_start3A_660 = arith.constant 0 : i32
      %dma_start3A_661 = arith.constant 0 : i32
      %dma_start3A_662 = tpu.memref_slice %arg3[%dma_start3A_660, %dma_start3A_661] : memref<10016x16xf32, #tpu.memory_space<hbm>> -> memref<10016x16xf32, #tpu.memory_space<hbm>>
      tpu.enqueue_indirect_dma source(%dma_start3A_662 : memref<10016x16xf32, #tpu.memory_space<hbm>>) target(%arg30 : memref<128x16xf32, #tpu.memory_space<vmem>>) offsets(%arg14 : memref<128xi32, #tpu.memory_space<vmem>>) semaphore(%arg46 : memref<!tpu.dma_semaphore, #tpu.memory_space<semaphore_mem>>)
      %dma_start3A_663 = arith.constant 0 : i32
      %dma_start3A_664 = arith.constant 0 : i32
      %dma_start3A_665 = tpu.memref_slice %arg4[%dma_start3A_663, %dma_start3A_664] : memref<10016x16xf32, #tpu.memory_space<hbm>> -> memref<10016x16xf32, #tpu.memory_space<hbm>>
      tpu.enqueue_indirect_dma source(%dma_start3A_665 : memref<10016x16xf32, #tpu.memory_space<hbm>>) target(%arg34 : memref<128x16xf32, #tpu.memory_space<vmem>>) offsets(%arg18 : memref<128xi32, #tpu.memory_space<vmem>>) semaphore(%arg46 : memref<!tpu.dma_semaphore, #tpu.memory_space<semaphore_mem>>)
      %add3A_666 = arith.constant 2 : i32
      %add3A_667 = arith.addi %mul3A_467, %add3A_666 : i32
      %dma_wait3A_668 = arith.constant 0 : i32
      %dma_wait3A_669 = arith.constant 0 : i32
      %dma_wait3A_670 = tpu.memref_slice %arg2[%dma_wait3A_668, %dma_wait3A_669] : memref<10016x16xf32, #tpu.memory_space<hbm>> -> memref<10016x16xf32, #tpu.memory_space<hbm>>
      tpu.wait_indirect_dma semaphore(%arg47 : memref<!tpu.dma_semaphore, #tpu.memory_space<semaphore_mem>>) src(%dma_wait3A_670 : memref<10016x16xf32, #tpu.memory_space<hbm>>) dst(%arg27 : memref<128x16xf32, #tpu.memory_space<vmem>>)
      %dma_wait3A_671 = arith.constant 0 : i32
      %dma_wait3A_672 = arith.constant 0 : i32
      %dma_wait3A_673 = tpu.memref_slice %arg3[%dma_wait3A_671, %dma_wait3A_672] : memref<10016x16xf32, #tpu.memory_space<hbm>> -> memref<10016x16xf32, #tpu.memory_space<hbm>>
      tpu.wait_indirect_dma semaphore(%arg47 : memref<!tpu.dma_semaphore, #tpu.memory_space<semaphore_mem>>) src(%dma_wait3A_673 : memref<10016x16xf32, #tpu.memory_space<hbm>>) dst(%arg31 : memref<128x16xf32, #tpu.memory_space<vmem>>)
      %dma_wait3A_674 = arith.constant 0 : i32
      %dma_wait3A_675 = arith.constant 0 : i32
      %dma_wait3A_676 = tpu.memref_slice %arg4[%dma_wait3A_674, %dma_wait3A_675] : memref<10016x16xf32, #tpu.memory_space<hbm>> -> memref<10016x16xf32, #tpu.memory_space<hbm>>
      tpu.wait_indirect_dma semaphore(%arg47 : memref<!tpu.dma_semaphore, #tpu.memory_space<semaphore_mem>>) src(%dma_wait3A_676 : memref<10016x16xf32, #tpu.memory_space<hbm>>) dst(%arg35 : memref<128x16xf32, #tpu.memory_space<vmem>>)
      %dma_wait3A_677 = arith.constant 0 : i32
      %dma_wait3A_678 = arith.constant 0 : i32
      %dma_wait3A_679 = tpu.memref_slice %arg11[%dma_wait3A_677, %dma_wait3A_678] : memref<10016x16xf32, #tpu.memory_space<vmem_shared>> -> memref<10016x16xf32, #tpu.memory_space<vmem_shared>>
      tpu.wait_indirect_dma semaphore(%arg51 : memref<!tpu.dma_semaphore, #tpu.memory_space<semaphore_mem>>) src(%arg43 : memref<128x16xf32, #tpu.memory_space<vmem>>) dst(%dma_wait3A_679 : memref<10016x16xf32, #tpu.memory_space<vmem_shared>>)
      %dma_wait3A_680 = arith.constant 0 : i32
      %dma_wait3A_681 = arith.constant 0 : i32
      %dma_wait3A_682 = tpu.memref_slice %arg12[%dma_wait3A_680, %dma_wait3A_681] : memref<10016x16xf32, #tpu.memory_space<vmem_shared>> -> memref<10016x16xf32, #tpu.memory_space<vmem_shared>>
      tpu.wait_indirect_dma semaphore(%arg51 : memref<!tpu.dma_semaphore, #tpu.memory_space<semaphore_mem>>) src(%arg39 : memref<128x16xf32, #tpu.memory_space<vmem>>) dst(%dma_wait3A_682 : memref<10016x16xf32, #tpu.memory_space<vmem_shared>>)
      %scan3A_683 = arith.constant 0 : i32
      %scan3A_684 = arith.constant 0 : i32
      %scan3A_685 = arith.constant 128 : i32
      %scan3A_686 = arith.addi %scan3A_684, %scan3A_685 : i32
      %scan3A_687 = arith.constant 1 : i32
      scf.for %scan3A_864 = %scan3A_684 to %scan3A_686 step %scan3A_687  : i32 {
        %get3A_865 = arith.index_cast %scan3A_864 : i32 to index
        %get3A_866 = arith.constant 0 : index
        %get3A_867 = tpu.vector_load %arg31[%get3A_865, %get3A_866] {strides = array<i32>} : memref<128x16xf32, #tpu.memory_space<vmem>>, vector<1x16xf32>,
        %get3A_868 = vector.shape_cast %get3A_867 : vector<1x16xf32> to vector<16xf32>
        %get3A_869 = arith.index_cast %scan3A_864 : i32 to index
        %get3A_870 = arith.constant 0 : index
        %get3A_871 = tpu.vector_load %arg35[%get3A_869, %get3A_870] {strides = array<i32>} : memref<128x16xf32, #tpu.memory_space<vmem>>, vector<1x16xf32>,
        %get3A_872 = vector.shape_cast %get3A_871 : vector<1x16xf32> to vector<16xf32>
        %add3A_873 = arith.addf %get3A_868, %get3A_872 : vector<16xf32>
        %gt3A = arith.constant 0.000000e+00 : f32
        %gt3A_874 = vector.broadcast %gt3A : f32 to vector<16xf32>
        %gt3A_875 = arith.cmpf ogt, %add3A_873, %gt3A_874 : vector<16xf32>
        %mul3A_876 = arith.constant 2.000000e-01 : f32
        %mul3A_877 = vector.broadcast %mul3A_876 : f32 to vector<16xf32>
        %mul3A_878 = arith.mulf %add3A_873, %mul3A_877 : vector<16xf32>
        %select_n3A = arith.select %gt3A_875, %add3A_873, %mul3A_878 : vector<16xi1>, vector<16xf32>
        %exp3A = math.exp %select_n3A : vector<16xf32>
        %jit3A = arith.constant 0.000000e+00 : f32
        %broadcast_in_dim3A = vector.broadcast %jit3A : f32 to vector<16xf32>
        %select_n3A_879 = arith.select %lt3A_4, %exp3A, %broadcast_in_dim3A : vector<16xi1>, vector<16xf32>
        %swap3A_880 = arith.index_cast %scan3A_864 : i32 to index
        %swap3A_881 = arith.constant 0 : index
        %swap3A_882 = tpu.vector_load %arg39[%swap3A_880, %swap3A_881] {strides = array<i32>} : memref<128x16xf32, #tpu.memory_space<vmem>>, vector<1x16xf32>,
        %swap3A_883 = vector.shape_cast %swap3A_882 : vector<1x16xf32> to vector<16xf32>
        %swap3A_884 = vector.shape_cast %select_n3A_879 : vector<16xf32> to vector<1x16xf32>
        tpu.vector_store %arg39[%swap3A_880, %swap3A_881], %swap3A_884 {strides = array<i32>} : memref<128x16xf32, #tpu.memory_space<vmem>>, vector<1x16xf32>,
        %broadcast_in_dim3A_885 = arith.constant 0 : i32
        %broadcast_in_dim3A_886 = vector.broadcast %broadcast_in_dim3A_885 : i32 to vector<16xi32>
        %broadcast_in_dim3A_887 = vector.shape_cast %broadcast_in_dim3A_886 : vector<16xi32> to vector<16x1xi32>
        %gather3A = vector.shape_cast %broadcast_in_dim3A_887 : vector<16x1xi32> to vector<16xi32>
        %gather3A_888 = tpu.dynamic_gather %select_n3A_879[%gather3A] in [0] : vector<16xf32>, vector<16xi32> -> vector<16xf32>
        %get3A_889 = arith.index_cast %scan3A_864 : i32 to index
        %get3A_890 = arith.constant 0 : index
        %get3A_891 = tpu.vector_load %arg27[%get3A_889, %get3A_890] {strides = array<i32>} : memref<128x16xf32, #tpu.memory_space<vmem>>, vector<1x16xf32>,
        %get3A_892 = vector.shape_cast %get3A_891 : vector<1x16xf32> to vector<16xf32>
        %mul3A_893 = arith.mulf %gather3A_888, %get3A_892 : vector<16xf32>
        %swap3A_894 = arith.index_cast %scan3A_864 : i32 to index
        %swap3A_895 = arith.constant 0 : index
        %swap3A_896 = tpu.vector_load %arg43[%swap3A_894, %swap3A_895] {strides = array<i32>} : memref<128x16xf32, #tpu.memory_space<vmem>>, vector<1x16xf32>,
        %swap3A_897 = vector.shape_cast %swap3A_896 : vector<1x16xf32> to vector<16xf32>
        %swap3A_898 = vector.shape_cast %mul3A_893 : vector<16xf32> to vector<1x16xf32>
        tpu.vector_store %arg43[%swap3A_894, %swap3A_895], %swap3A_898 {strides = array<i32>} : memref<128x16xf32, #tpu.memory_space<vmem>>, vector<1x16xf32>,
      }
      %scan3A_688 = arith.constant 128 : i32
      %get3A_689 = arith.constant 0 : index
      %get3A_690 = tpu.vector_load %arg19[%get3A_689] {strides = array<i32>} : memref<128xi32, #tpu.memory_space<vmem>>, vector<16xi32>,
      %get3A_691 = vector.shape_cast %get3A_690 : vector<16xi32> to vector<16xi32>
      %swap3A_692 = arith.constant 0 : index
      %swap3A_693 = tpu.vector_load %arg23[%swap3A_692] {strides = array<i32>} : memref<128xi32, #tpu.memory_space<vmem>>, vector<16xi32>,
      %swap3A_694 = vector.shape_cast %swap3A_693 : vector<16xi32> to vector<16xi32>
      %swap3A_695 = vector.shape_cast %get3A_691 : vector<16xi32> to vector<16xi32>
      tpu.vector_store %arg23[%swap3A_692], %swap3A_695 {strides = array<i32>} : memref<128xi32, #tpu.memory_space<vmem>>, vector<16xi32>,
      %get3A_696 = arith.constant 16 : index
      %get3A_697 = tpu.vector_load %arg19[%get3A_696] {strides = array<i32>} : memref<128xi32, #tpu.memory_space<vmem>>, vector<16xi32>,
      %get3A_698 = vector.shape_cast %get3A_697 : vector<16xi32> to vector<16xi32>
      %swap3A_699 = arith.constant 16 : index
      %swap3A_700 = tpu.vector_load %arg23[%swap3A_699] {strides = array<i32>} : memref<128xi32, #tpu.memory_space<vmem>>, vector<16xi32>,
      %swap3A_701 = vector.shape_cast %swap3A_700 : vector<16xi32> to vector<16xi32>
      %swap3A_702 = vector.shape_cast %get3A_698 : vector<16xi32> to vector<16xi32>
      tpu.vector_store %arg23[%swap3A_699], %swap3A_702 {strides = array<i32>} : memref<128xi32, #tpu.memory_space<vmem>>, vector<16xi32>,
      %get3A_703 = arith.constant 32 : index
      %get3A_704 = tpu.vector_load %arg19[%get3A_703] {strides = array<i32>} : memref<128xi32, #tpu.memory_space<vmem>>, vector<16xi32>,
      %get3A_705 = vector.shape_cast %get3A_704 : vector<16xi32> to vector<16xi32>
      %swap3A_706 = arith.constant 32 : index
      %swap3A_707 = tpu.vector_load %arg23[%swap3A_706] {strides = array<i32>} : memref<128xi32, #tpu.memory_space<vmem>>, vector<16xi32>,
      %swap3A_708 = vector.shape_cast %swap3A_707 : vector<16xi32> to vector<16xi32>
      %swap3A_709 = vector.shape_cast %get3A_705 : vector<16xi32> to vector<16xi32>
      tpu.vector_store %arg23[%swap3A_706], %swap3A_709 {strides = array<i32>} : memref<128xi32, #tpu.memory_space<vmem>>, vector<16xi32>,
      %get3A_710 = arith.constant 48 : index
      %get3A_711 = tpu.vector_load %arg19[%get3A_710] {strides = array<i32>} : memref<128xi32, #tpu.memory_space<vmem>>, vector<16xi32>,
      %get3A_712 = vector.shape_cast %get3A_711 : vector<16xi32> to vector<16xi32>
      %swap3A_713 = arith.constant 48 : index
      %swap3A_714 = tpu.vector_load %arg23[%swap3A_713] {strides = array<i32>} : memref<128xi32, #tpu.memory_space<vmem>>, vector<16xi32>,
      %swap3A_715 = vector.shape_cast %swap3A_714 : vector<16xi32> to vector<16xi32>
      %swap3A_716 = vector.shape_cast %get3A_712 : vector<16xi32> to vector<16xi32>
      tpu.vector_store %arg23[%swap3A_713], %swap3A_716 {strides = array<i32>} : memref<128xi32, #tpu.memory_space<vmem>>, vector<16xi32>,
      %get3A_717 = arith.constant 64 : index
      %get3A_718 = tpu.vector_load %arg19[%get3A_717] {strides = array<i32>} : memref<128xi32, #tpu.memory_space<vmem>>, vector<16xi32>,
      %get3A_719 = vector.shape_cast %get3A_718 : vector<16xi32> to vector<16xi32>
      %swap3A_720 = arith.constant 64 : index
      %swap3A_721 = tpu.vector_load %arg23[%swap3A_720] {strides = array<i32>} : memref<128xi32, #tpu.memory_space<vmem>>, vector<16xi32>,
      %swap3A_722 = vector.shape_cast %swap3A_721 : vector<16xi32> to vector<16xi32>
      %swap3A_723 = vector.shape_cast %get3A_719 : vector<16xi32> to vector<16xi32>
      tpu.vector_store %arg23[%swap3A_720], %swap3A_723 {strides = array<i32>} : memref<128xi32, #tpu.memory_space<vmem>>, vector<16xi32>,
      %get3A_724 = arith.constant 80 : index
      %get3A_725 = tpu.vector_load %arg19[%get3A_724] {strides = array<i32>} : memref<128xi32, #tpu.memory_space<vmem>>, vector<16xi32>,
      %get3A_726 = vector.shape_cast %get3A_725 : vector<16xi32> to vector<16xi32>
      %swap3A_727 = arith.constant 80 : index
      %swap3A_728 = tpu.vector_load %arg23[%swap3A_727] {strides = array<i32>} : memref<128xi32, #tpu.memory_space<vmem>>, vector<16xi32>,
      %swap3A_729 = vector.shape_cast %swap3A_728 : vector<16xi32> to vector<16xi32>
      %swap3A_730 = vector.shape_cast %get3A_726 : vector<16xi32> to vector<16xi32>
      tpu.vector_store %arg23[%swap3A_727], %swap3A_730 {strides = array<i32>} : memref<128xi32, #tpu.memory_space<vmem>>, vector<16xi32>,
      %get3A_731 = arith.constant 96 : index
      %get3A_732 = tpu.vector_load %arg19[%get3A_731] {strides = array<i32>} : memref<128xi32, #tpu.memory_space<vmem>>, vector<16xi32>,
      %get3A_733 = vector.shape_cast %get3A_732 : vector<16xi32> to vector<16xi32>
      %swap3A_734 = arith.constant 96 : index
      %swap3A_735 = tpu.vector_load %arg23[%swap3A_734] {strides = array<i32>} : memref<128xi32, #tpu.memory_space<vmem>>, vector<16xi32>,
      %swap3A_736 = vector.shape_cast %swap3A_735 : vector<16xi32> to vector<16xi32>
      %swap3A_737 = vector.shape_cast %get3A_733 : vector<16xi32> to vector<16xi32>
      tpu.vector_store %arg23[%swap3A_734], %swap3A_737 {strides = array<i32>} : memref<128xi32, #tpu.memory_space<vmem>>, vector<16xi32>,
      %get3A_738 = arith.constant 112 : index
      %get3A_739 = tpu.vector_load %arg19[%get3A_738] {strides = array<i32>} : memref<128xi32, #tpu.memory_space<vmem>>, vector<16xi32>,
      %get3A_740 = vector.shape_cast %get3A_739 : vector<16xi32> to vector<16xi32>
      %swap3A_741 = arith.constant 112 : index
      %swap3A_742 = tpu.vector_load %arg23[%swap3A_741] {strides = array<i32>} : memref<128xi32, #tpu.memory_space<vmem>>, vector<16xi32>,
      %swap3A_743 = vector.shape_cast %swap3A_742 : vector<16xi32> to vector<16xi32>
      %swap3A_744 = vector.shape_cast %get3A_740 : vector<16xi32> to vector<16xi32>
      tpu.vector_store %arg23[%swap3A_741], %swap3A_744 {strides = array<i32>} : memref<128xi32, #tpu.memory_space<vmem>>, vector<16xi32>,
      %dma_start3A_745 = arith.constant 0 : i32
      %dma_start3A_746 = arith.constant 0 : i32
      %dma_start3A_747 = tpu.memref_slice %arg11[%dma_start3A_745, %dma_start3A_746] : memref<10016x16xf32, #tpu.memory_space<vmem_shared>> -> memref<10016x16xf32, #tpu.memory_space<vmem_shared>>
      tpu.enqueue_indirect_dma source(%arg43 : memref<128x16xf32, #tpu.memory_space<vmem>>) target(%dma_start3A_747 : memref<10016x16xf32, #tpu.memory_space<vmem_shared>>) offsets(%arg23 : memref<128xi32, #tpu.memory_space<vmem>>) semaphore(%arg51 : memref<!tpu.dma_semaphore, #tpu.memory_space<semaphore_mem>>) {add = true}
      %dma_start3A_748 = arith.constant 0 : i32
      %dma_start3A_749 = arith.constant 0 : i32
      %dma_start3A_750 = tpu.memref_slice %arg12[%dma_start3A_748, %dma_start3A_749] : memref<10016x16xf32, #tpu.memory_space<vmem_shared>> -> memref<10016x16xf32, #tpu.memory_space<vmem_shared>>
      tpu.enqueue_indirect_dma source(%arg39 : memref<128x16xf32, #tpu.memory_space<vmem>>) target(%dma_start3A_750 : memref<10016x16xf32, #tpu.memory_space<vmem_shared>>) offsets(%arg23 : memref<128xi32, #tpu.memory_space<vmem>>) semaphore(%arg51 : memref<!tpu.dma_semaphore, #tpu.memory_space<semaphore_mem>>) {add = true}
      %add3A_751 = arith.constant 4 : i32
      %add3A_752 = arith.addi %add3A_667, %add3A_751 : i32
      %mul3A_753 = arith.constant 128 : i32
      %mul3A_754 = arith.muli %add3A_752, %mul3A_753 : i32
      %add3A_755 = arith.addi %mul3A_6, %mul3A_754 : i32
      "tpu.region"() ({
        %run_scoped3A = tpu.sem_alloc : memref<!tpu.dma_semaphore, #tpu.memory_space<semaphore_mem>>
        %dma_start3A_864 = tpu.memref_slice %arg5[%add3A_755] : memref<328192xi32, #tpu.memory_space<hbm>> -> memref<128xi32, #tpu.memory_space<hbm>>
        %dma_start3A_865 = tpu.memref_slice %arg5[%add3A_755] : memref<328192xi32, #tpu.memory_space<hbm>> -> memref<128xi32, #tpu.memory_space<hbm>>
        tpu.enqueue_dma source(%dma_start3A_865 : memref<128xi32, #tpu.memory_space<hbm>>) target(%arg15 : memref<128xi32, #tpu.memory_space<vmem>>) target_semaphore(%run_scoped3A : memref<!tpu.dma_semaphore, #tpu.memory_space<semaphore_mem>>)
        %dma_wait3A_866 = tpu.memref_slice %arg5[%add3A_755] : memref<328192xi32, #tpu.memory_space<hbm>> -> memref<128xi32, #tpu.memory_space<hbm>>
        %dma_wait3A_867 = tpu.memref_slice %arg5[%add3A_755] : memref<328192xi32, #tpu.memory_space<hbm>> -> memref<128xi32, #tpu.memory_space<hbm>>
        tpu.wait_dma2 semaphore(%run_scoped3A : memref<!tpu.dma_semaphore, #tpu.memory_space<semaphore_mem>>) src(%dma_wait3A_867 : memref<128xi32, #tpu.memory_space<hbm>>) dst(%arg15 : memref<128xi32, #tpu.memory_space<vmem>>)
        tpu.yield
      }) : () -> ()
      "tpu.region"() ({
        %run_scoped3A = tpu.sem_alloc : memref<!tpu.dma_semaphore, #tpu.memory_space<semaphore_mem>>
        %dma_start3A_864 = tpu.memref_slice %arg6[%add3A_755] : memref<328192xi32, #tpu.memory_space<hbm>> -> memref<128xi32, #tpu.memory_space<hbm>>
        %dma_start3A_865 = tpu.memref_slice %arg6[%add3A_755] : memref<328192xi32, #tpu.memory_space<hbm>> -> memref<128xi32, #tpu.memory_space<hbm>>
        tpu.enqueue_dma source(%dma_start3A_865 : memref<128xi32, #tpu.memory_space<hbm>>) target(%arg19 : memref<128xi32, #tpu.memory_space<vmem>>) target_semaphore(%run_scoped3A : memref<!tpu.dma_semaphore, #tpu.memory_space<semaphore_mem>>)
        %dma_wait3A_866 = tpu.memref_slice %arg6[%add3A_755] : memref<328192xi32, #tpu.memory_space<hbm>> -> memref<128xi32, #tpu.memory_space<hbm>>
        %dma_wait3A_867 = tpu.memref_slice %arg6[%add3A_755] : memref<328192xi32, #tpu.memory_space<hbm>> -> memref<128xi32, #tpu.memory_space<hbm>>
        tpu.wait_dma2 semaphore(%run_scoped3A : memref<!tpu.dma_semaphore, #tpu.memory_space<semaphore_mem>>) src(%dma_wait3A_867 : memref<128xi32, #tpu.memory_space<hbm>>) dst(%arg19 : memref<128xi32, #tpu.memory_space<vmem>>)
        tpu.yield
      }) : () -> ()
      %dma_start3A_756 = arith.constant 0 : i32
      %dma_start3A_757 = arith.constant 0 : i32
      %dma_start3A_758 = tpu.memref_slice %arg2[%dma_start3A_756, %dma_start3A_757] : memref<10016x16xf32, #tpu.memory_space<hbm>> -> memref<10016x16xf32, #tpu.memory_space<hbm>>
      tpu.enqueue_indirect_dma source(%dma_start3A_758 : memref<10016x16xf32, #tpu.memory_space<hbm>>) target(%arg27 : memref<128x16xf32, #tpu.memory_space<vmem>>) offsets(%arg15 : memref<128xi32, #tpu.memory_space<vmem>>) semaphore(%arg47 : memref<!tpu.dma_semaphore, #tpu.memory_space<semaphore_mem>>)
      %dma_start3A_759 = arith.constant 0 : i32
      %dma_start3A_760 = arith.constant 0 : i32
      %dma_start3A_761 = tpu.memref_slice %arg3[%dma_start3A_759, %dma_start3A_760] : memref<10016x16xf32, #tpu.memory_space<hbm>> -> memref<10016x16xf32, #tpu.memory_space<hbm>>
      tpu.enqueue_indirect_dma source(%dma_start3A_761 : memref<10016x16xf32, #tpu.memory_space<hbm>>) target(%arg31 : memref<128x16xf32, #tpu.memory_space<vmem>>) offsets(%arg15 : memref<128xi32, #tpu.memory_space<vmem>>) semaphore(%arg47 : memref<!tpu.dma_semaphore, #tpu.memory_space<semaphore_mem>>)
      %dma_start3A_762 = arith.constant 0 : i32
      %dma_start3A_763 = arith.constant 0 : i32
      %dma_start3A_764 = tpu.memref_slice %arg4[%dma_start3A_762, %dma_start3A_763] : memref<10016x16xf32, #tpu.memory_space<hbm>> -> memref<10016x16xf32, #tpu.memory_space<hbm>>
      tpu.enqueue_indirect_dma source(%dma_start3A_764 : memref<10016x16xf32, #tpu.memory_space<hbm>>) target(%arg35 : memref<128x16xf32, #tpu.memory_space<vmem>>) offsets(%arg19 : memref<128xi32, #tpu.memory_space<vmem>>) semaphore(%arg47 : memref<!tpu.dma_semaphore, #tpu.memory_space<semaphore_mem>>)
      %add3A_765 = arith.constant 3 : i32
      %add3A_766 = arith.addi %mul3A_467, %add3A_765 : i32
      %dma_wait3A_767 = arith.constant 0 : i32
      %dma_wait3A_768 = arith.constant 0 : i32
      %dma_wait3A_769 = tpu.memref_slice %arg2[%dma_wait3A_767, %dma_wait3A_768] : memref<10016x16xf32, #tpu.memory_space<hbm>> -> memref<10016x16xf32, #tpu.memory_space<hbm>>
      tpu.wait_indirect_dma semaphore(%arg48 : memref<!tpu.dma_semaphore, #tpu.memory_space<semaphore_mem>>) src(%dma_wait3A_769 : memref<10016x16xf32, #tpu.memory_space<hbm>>) dst(%arg28 : memref<128x16xf32, #tpu.memory_space<vmem>>)
      %dma_wait3A_770 = arith.constant 0 : i32
      %dma_wait3A_771 = arith.constant 0 : i32
      %dma_wait3A_772 = tpu.memref_slice %arg3[%dma_wait3A_770, %dma_wait3A_771] : memref<10016x16xf32, #tpu.memory_space<hbm>> -> memref<10016x16xf32, #tpu.memory_space<hbm>>
      tpu.wait_indirect_dma semaphore(%arg48 : memref<!tpu.dma_semaphore, #tpu.memory_space<semaphore_mem>>) src(%dma_wait3A_772 : memref<10016x16xf32, #tpu.memory_space<hbm>>) dst(%arg32 : memref<128x16xf32, #tpu.memory_space<vmem>>)
      %dma_wait3A_773 = arith.constant 0 : i32
      %dma_wait3A_774 = arith.constant 0 : i32
      %dma_wait3A_775 = tpu.memref_slice %arg4[%dma_wait3A_773, %dma_wait3A_774] : memref<10016x16xf32, #tpu.memory_space<hbm>> -> memref<10016x16xf32, #tpu.memory_space<hbm>>
      tpu.wait_indirect_dma semaphore(%arg48 : memref<!tpu.dma_semaphore, #tpu.memory_space<semaphore_mem>>) src(%dma_wait3A_775 : memref<10016x16xf32, #tpu.memory_space<hbm>>) dst(%arg36 : memref<128x16xf32, #tpu.memory_space<vmem>>)
      %dma_wait3A_776 = arith.constant 0 : i32
      %dma_wait3A_777 = arith.constant 0 : i32
      %dma_wait3A_778 = tpu.memref_slice %arg11[%dma_wait3A_776, %dma_wait3A_777] : memref<10016x16xf32, #tpu.memory_space<vmem_shared>> -> memref<10016x16xf32, #tpu.memory_space<vmem_shared>>
      tpu.wait_indirect_dma semaphore(%arg52 : memref<!tpu.dma_semaphore, #tpu.memory_space<semaphore_mem>>) src(%arg44 : memref<128x16xf32, #tpu.memory_space<vmem>>) dst(%dma_wait3A_778 : memref<10016x16xf32, #tpu.memory_space<vmem_shared>>)
      %dma_wait3A_779 = arith.constant 0 : i32
      %dma_wait3A_780 = arith.constant 0 : i32
      %dma_wait3A_781 = tpu.memref_slice %arg12[%dma_wait3A_779, %dma_wait3A_780] : memref<10016x16xf32, #tpu.memory_space<vmem_shared>> -> memref<10016x16xf32, #tpu.memory_space<vmem_shared>>
      tpu.wait_indirect_dma semaphore(%arg52 : memref<!tpu.dma_semaphore, #tpu.memory_space<semaphore_mem>>) src(%arg40 : memref<128x16xf32, #tpu.memory_space<vmem>>) dst(%dma_wait3A_781 : memref<10016x16xf32, #tpu.memory_space<vmem_shared>>)
      %scan3A_782 = arith.constant 0 : i32
      %scan3A_783 = arith.constant 0 : i32
      %scan3A_784 = arith.constant 128 : i32
      %scan3A_785 = arith.addi %scan3A_783, %scan3A_784 : i32
      %scan3A_786 = arith.constant 1 : i32
      scf.for %scan3A_864 = %scan3A_783 to %scan3A_785 step %scan3A_786  : i32 {
        %get3A_865 = arith.index_cast %scan3A_864 : i32 to index
        %get3A_866 = arith.constant 0 : index
        %get3A_867 = tpu.vector_load %arg32[%get3A_865, %get3A_866] {strides = array<i32>} : memref<128x16xf32, #tpu.memory_space<vmem>>, vector<1x16xf32>,
        %get3A_868 = vector.shape_cast %get3A_867 : vector<1x16xf32> to vector<16xf32>
        %get3A_869 = arith.index_cast %scan3A_864 : i32 to index
        %get3A_870 = arith.constant 0 : index
        %get3A_871 = tpu.vector_load %arg36[%get3A_869, %get3A_870] {strides = array<i32>} : memref<128x16xf32, #tpu.memory_space<vmem>>, vector<1x16xf32>,
        %get3A_872 = vector.shape_cast %get3A_871 : vector<1x16xf32> to vector<16xf32>
        %add3A_873 = arith.addf %get3A_868, %get3A_872 : vector<16xf32>
        %gt3A = arith.constant 0.000000e+00 : f32
        %gt3A_874 = vector.broadcast %gt3A : f32 to vector<16xf32>
        %gt3A_875 = arith.cmpf ogt, %add3A_873, %gt3A_874 : vector<16xf32>
        %mul3A_876 = arith.constant 2.000000e-01 : f32
        %mul3A_877 = vector.broadcast %mul3A_876 : f32 to vector<16xf32>
        %mul3A_878 = arith.mulf %add3A_873, %mul3A_877 : vector<16xf32>
        %select_n3A = arith.select %gt3A_875, %add3A_873, %mul3A_878 : vector<16xi1>, vector<16xf32>
        %exp3A = math.exp %select_n3A : vector<16xf32>
        %jit3A = arith.constant 0.000000e+00 : f32
        %broadcast_in_dim3A = vector.broadcast %jit3A : f32 to vector<16xf32>
        %select_n3A_879 = arith.select %lt3A_4, %exp3A, %broadcast_in_dim3A : vector<16xi1>, vector<16xf32>
        %swap3A_880 = arith.index_cast %scan3A_864 : i32 to index
        %swap3A_881 = arith.constant 0 : index
        %swap3A_882 = tpu.vector_load %arg40[%swap3A_880, %swap3A_881] {strides = array<i32>} : memref<128x16xf32, #tpu.memory_space<vmem>>, vector<1x16xf32>,
        %swap3A_883 = vector.shape_cast %swap3A_882 : vector<1x16xf32> to vector<16xf32>
        %swap3A_884 = vector.shape_cast %select_n3A_879 : vector<16xf32> to vector<1x16xf32>
        tpu.vector_store %arg40[%swap3A_880, %swap3A_881], %swap3A_884 {strides = array<i32>} : memref<128x16xf32, #tpu.memory_space<vmem>>, vector<1x16xf32>,
        %broadcast_in_dim3A_885 = arith.constant 0 : i32
        %broadcast_in_dim3A_886 = vector.broadcast %broadcast_in_dim3A_885 : i32 to vector<16xi32>
        %broadcast_in_dim3A_887 = vector.shape_cast %broadcast_in_dim3A_886 : vector<16xi32> to vector<16x1xi32>
        %gather3A = vector.shape_cast %broadcast_in_dim3A_887 : vector<16x1xi32> to vector<16xi32>
        %gather3A_888 = tpu.dynamic_gather %select_n3A_879[%gather3A] in [0] : vector<16xf32>, vector<16xi32> -> vector<16xf32>
        %get3A_889 = arith.index_cast %scan3A_864 : i32 to index
        %get3A_890 = arith.constant 0 : index
        %get3A_891 = tpu.vector_load %arg28[%get3A_889, %get3A_890] {strides = array<i32>} : memref<128x16xf32, #tpu.memory_space<vmem>>, vector<1x16xf32>,
        %get3A_892 = vector.shape_cast %get3A_891 : vector<1x16xf32> to vector<16xf32>
        %mul3A_893 = arith.mulf %gather3A_888, %get3A_892 : vector<16xf32>
        %swap3A_894 = arith.index_cast %scan3A_864 : i32 to index
        %swap3A_895 = arith.constant 0 : index
        %swap3A_896 = tpu.vector_load %arg44[%swap3A_894, %swap3A_895] {strides = array<i32>} : memref<128x16xf32, #tpu.memory_space<vmem>>, vector<1x16xf32>,
        %swap3A_897 = vector.shape_cast %swap3A_896 : vector<1x16xf32> to vector<16xf32>
        %swap3A_898 = vector.shape_cast %mul3A_893 : vector<16xf32> to vector<1x16xf32>
        tpu.vector_store %arg44[%swap3A_894, %swap3A_895], %swap3A_898 {strides = array<i32>} : memref<128x16xf32, #tpu.memory_space<vmem>>, vector<1x16xf32>,
      }
      %scan3A_787 = arith.constant 128 : i32
      %get3A_788 = arith.constant 0 : index
      %get3A_789 = tpu.vector_load %arg20[%get3A_788] {strides = array<i32>} : memref<128xi32, #tpu.memory_space<vmem>>, vector<16xi32>,
      %get3A_790 = vector.shape_cast %get3A_789 : vector<16xi32> to vector<16xi32>
      %swap3A_791 = arith.constant 0 : index
      %swap3A_792 = tpu.vector_load %arg24[%swap3A_791] {strides = array<i32>} : memref<128xi32, #tpu.memory_space<vmem>>, vector<16xi32>,
      %swap3A_793 = vector.shape_cast %swap3A_792 : vector<16xi32> to vector<16xi32>
      %swap3A_794 = vector.shape_cast %get3A_790 : vector<16xi32> to vector<16xi32>
      tpu.vector_store %arg24[%swap3A_791], %swap3A_794 {strides = array<i32>} : memref<128xi32, #tpu.memory_space<vmem>>, vector<16xi32>,
      %get3A_795 = arith.constant 16 : index
      %get3A_796 = tpu.vector_load %arg20[%get3A_795] {strides = array<i32>} : memref<128xi32, #tpu.memory_space<vmem>>, vector<16xi32>,
      %get3A_797 = vector.shape_cast %get3A_796 : vector<16xi32> to vector<16xi32>
      %swap3A_798 = arith.constant 16 : index
      %swap3A_799 = tpu.vector_load %arg24[%swap3A_798] {strides = array<i32>} : memref<128xi32, #tpu.memory_space<vmem>>, vector<16xi32>,
      %swap3A_800 = vector.shape_cast %swap3A_799 : vector<16xi32> to vector<16xi32>
      %swap3A_801 = vector.shape_cast %get3A_797 : vector<16xi32> to vector<16xi32>
      tpu.vector_store %arg24[%swap3A_798], %swap3A_801 {strides = array<i32>} : memref<128xi32, #tpu.memory_space<vmem>>, vector<16xi32>,
      %get3A_802 = arith.constant 32 : index
      %get3A_803 = tpu.vector_load %arg20[%get3A_802] {strides = array<i32>} : memref<128xi32, #tpu.memory_space<vmem>>, vector<16xi32>,
      %get3A_804 = vector.shape_cast %get3A_803 : vector<16xi32> to vector<16xi32>
      %swap3A_805 = arith.constant 32 : index
      %swap3A_806 = tpu.vector_load %arg24[%swap3A_805] {strides = array<i32>} : memref<128xi32, #tpu.memory_space<vmem>>, vector<16xi32>,
      %swap3A_807 = vector.shape_cast %swap3A_806 : vector<16xi32> to vector<16xi32>
      %swap3A_808 = vector.shape_cast %get3A_804 : vector<16xi32> to vector<16xi32>
      tpu.vector_store %arg24[%swap3A_805], %swap3A_808 {strides = array<i32>} : memref<128xi32, #tpu.memory_space<vmem>>, vector<16xi32>,
      %get3A_809 = arith.constant 48 : index
      %get3A_810 = tpu.vector_load %arg20[%get3A_809] {strides = array<i32>} : memref<128xi32, #tpu.memory_space<vmem>>, vector<16xi32>,
      %get3A_811 = vector.shape_cast %get3A_810 : vector<16xi32> to vector<16xi32>
      %swap3A_812 = arith.constant 48 : index
      %swap3A_813 = tpu.vector_load %arg24[%swap3A_812] {strides = array<i32>} : memref<128xi32, #tpu.memory_space<vmem>>, vector<16xi32>,
      %swap3A_814 = vector.shape_cast %swap3A_813 : vector<16xi32> to vector<16xi32>
      %swap3A_815 = vector.shape_cast %get3A_811 : vector<16xi32> to vector<16xi32>
      tpu.vector_store %arg24[%swap3A_812], %swap3A_815 {strides = array<i32>} : memref<128xi32, #tpu.memory_space<vmem>>, vector<16xi32>,
      %get3A_816 = arith.constant 64 : index
      %get3A_817 = tpu.vector_load %arg20[%get3A_816] {strides = array<i32>} : memref<128xi32, #tpu.memory_space<vmem>>, vector<16xi32>,
      %get3A_818 = vector.shape_cast %get3A_817 : vector<16xi32> to vector<16xi32>
      %swap3A_819 = arith.constant 64 : index
      %swap3A_820 = tpu.vector_load %arg24[%swap3A_819] {strides = array<i32>} : memref<128xi32, #tpu.memory_space<vmem>>, vector<16xi32>,
      %swap3A_821 = vector.shape_cast %swap3A_820 : vector<16xi32> to vector<16xi32>
      %swap3A_822 = vector.shape_cast %get3A_818 : vector<16xi32> to vector<16xi32>
      tpu.vector_store %arg24[%swap3A_819], %swap3A_822 {strides = array<i32>} : memref<128xi32, #tpu.memory_space<vmem>>, vector<16xi32>,
      %get3A_823 = arith.constant 80 : index
      %get3A_824 = tpu.vector_load %arg20[%get3A_823] {strides = array<i32>} : memref<128xi32, #tpu.memory_space<vmem>>, vector<16xi32>,
      %get3A_825 = vector.shape_cast %get3A_824 : vector<16xi32> to vector<16xi32>
      %swap3A_826 = arith.constant 80 : index
      %swap3A_827 = tpu.vector_load %arg24[%swap3A_826] {strides = array<i32>} : memref<128xi32, #tpu.memory_space<vmem>>, vector<16xi32>,
      %swap3A_828 = vector.shape_cast %swap3A_827 : vector<16xi32> to vector<16xi32>
      %swap3A_829 = vector.shape_cast %get3A_825 : vector<16xi32> to vector<16xi32>
      tpu.vector_store %arg24[%swap3A_826], %swap3A_829 {strides = array<i32>} : memref<128xi32, #tpu.memory_space<vmem>>, vector<16xi32>,
      %get3A_830 = arith.constant 96 : index
      %get3A_831 = tpu.vector_load %arg20[%get3A_830] {strides = array<i32>} : memref<128xi32, #tpu.memory_space<vmem>>, vector<16xi32>,
      %get3A_832 = vector.shape_cast %get3A_831 : vector<16xi32> to vector<16xi32>
      %swap3A_833 = arith.constant 96 : index
      %swap3A_834 = tpu.vector_load %arg24[%swap3A_833] {strides = array<i32>} : memref<128xi32, #tpu.memory_space<vmem>>, vector<16xi32>,
      %swap3A_835 = vector.shape_cast %swap3A_834 : vector<16xi32> to vector<16xi32>
      %swap3A_836 = vector.shape_cast %get3A_832 : vector<16xi32> to vector<16xi32>
      tpu.vector_store %arg24[%swap3A_833], %swap3A_836 {strides = array<i32>} : memref<128xi32, #tpu.memory_space<vmem>>, vector<16xi32>,
      %get3A_837 = arith.constant 112 : index
      %get3A_838 = tpu.vector_load %arg20[%get3A_837] {strides = array<i32>} : memref<128xi32, #tpu.memory_space<vmem>>, vector<16xi32>,
      %get3A_839 = vector.shape_cast %get3A_838 : vector<16xi32> to vector<16xi32>
      %swap3A_840 = arith.constant 112 : index
      %swap3A_841 = tpu.vector_load %arg24[%swap3A_840] {strides = array<i32>} : memref<128xi32, #tpu.memory_space<vmem>>, vector<16xi32>,
      %swap3A_842 = vector.shape_cast %swap3A_841 : vector<16xi32> to vector<16xi32>
      %swap3A_843 = vector.shape_cast %get3A_839 : vector<16xi32> to vector<16xi32>
      tpu.vector_store %arg24[%swap3A_840], %swap3A_843 {strides = array<i32>} : memref<128xi32, #tpu.memory_space<vmem>>, vector<16xi32>,
      %dma_start3A_844 = arith.constant 0 : i32
      %dma_start3A_845 = arith.constant 0 : i32
      %dma_start3A_846 = tpu.memref_slice %arg11[%dma_start3A_844, %dma_start3A_845] : memref<10016x16xf32, #tpu.memory_space<vmem_shared>> -> memref<10016x16xf32, #tpu.memory_space<vmem_shared>>
      tpu.enqueue_indirect_dma source(%arg44 : memref<128x16xf32, #tpu.memory_space<vmem>>) target(%dma_start3A_846 : memref<10016x16xf32, #tpu.memory_space<vmem_shared>>) offsets(%arg24 : memref<128xi32, #tpu.memory_space<vmem>>) semaphore(%arg52 : memref<!tpu.dma_semaphore, #tpu.memory_space<semaphore_mem>>) {add = true}
      %dma_start3A_847 = arith.constant 0 : i32
      %dma_start3A_848 = arith.constant 0 : i32
      %dma_start3A_849 = tpu.memref_slice %arg12[%dma_start3A_847, %dma_start3A_848] : memref<10016x16xf32, #tpu.memory_space<vmem_shared>> -> memref<10016x16xf32, #tpu.memory_space<vmem_shared>>
      tpu.enqueue_indirect_dma source(%arg40 : memref<128x16xf32, #tpu.memory_space<vmem>>) target(%dma_start3A_849 : memref<10016x16xf32, #tpu.memory_space<vmem_shared>>) offsets(%arg24 : memref<128xi32, #tpu.memory_space<vmem>>) semaphore(%arg52 : memref<!tpu.dma_semaphore, #tpu.memory_space<semaphore_mem>>) {add = true}
      %add3A_850 = arith.constant 4 : i32
      %add3A_851 = arith.addi %add3A_766, %add3A_850 : i32
      %mul3A_852 = arith.constant 128 : i32
      %mul3A_853 = arith.muli %add3A_851, %mul3A_852 : i32
      %add3A_854 = arith.addi %mul3A_6, %mul3A_853 : i32
      "tpu.region"() ({
        %run_scoped3A = tpu.sem_alloc : memref<!tpu.dma_semaphore, #tpu.memory_space<semaphore_mem>>
        %dma_start3A_864 = tpu.memref_slice %arg5[%add3A_854] : memref<328192xi32, #tpu.memory_space<hbm>> -> memref<128xi32, #tpu.memory_space<hbm>>
        %dma_start3A_865 = tpu.memref_slice %arg5[%add3A_854] : memref<328192xi32, #tpu.memory_space<hbm>> -> memref<128xi32, #tpu.memory_space<hbm>>
        tpu.enqueue_dma source(%dma_start3A_865 : memref<128xi32, #tpu.memory_space<hbm>>) target(%arg16 : memref<128xi32, #tpu.memory_space<vmem>>) target_semaphore(%run_scoped3A : memref<!tpu.dma_semaphore, #tpu.memory_space<semaphore_mem>>)
        %dma_wait3A_866 = tpu.memref_slice %arg5[%add3A_854] : memref<328192xi32, #tpu.memory_space<hbm>> -> memref<128xi32, #tpu.memory_space<hbm>>
        %dma_wait3A_867 = tpu.memref_slice %arg5[%add3A_854] : memref<328192xi32, #tpu.memory_space<hbm>> -> memref<128xi32, #tpu.memory_space<hbm>>
        tpu.wait_dma2 semaphore(%run_scoped3A : memref<!tpu.dma_semaphore, #tpu.memory_space<semaphore_mem>>) src(%dma_wait3A_867 : memref<128xi32, #tpu.memory_space<hbm>>) dst(%arg16 : memref<128xi32, #tpu.memory_space<vmem>>)
        tpu.yield
      }) : () -> ()
      "tpu.region"() ({
        %run_scoped3A = tpu.sem_alloc : memref<!tpu.dma_semaphore, #tpu.memory_space<semaphore_mem>>
        %dma_start3A_864 = tpu.memref_slice %arg6[%add3A_854] : memref<328192xi32, #tpu.memory_space<hbm>> -> memref<128xi32, #tpu.memory_space<hbm>>
        %dma_start3A_865 = tpu.memref_slice %arg6[%add3A_854] : memref<328192xi32, #tpu.memory_space<hbm>> -> memref<128xi32, #tpu.memory_space<hbm>>
        tpu.enqueue_dma source(%dma_start3A_865 : memref<128xi32, #tpu.memory_space<hbm>>) target(%arg20 : memref<128xi32, #tpu.memory_space<vmem>>) target_semaphore(%run_scoped3A : memref<!tpu.dma_semaphore, #tpu.memory_space<semaphore_mem>>)
        %dma_wait3A_866 = tpu.memref_slice %arg6[%add3A_854] : memref<328192xi32, #tpu.memory_space<hbm>> -> memref<128xi32, #tpu.memory_space<hbm>>
        %dma_wait3A_867 = tpu.memref_slice %arg6[%add3A_854] : memref<328192xi32, #tpu.memory_space<hbm>> -> memref<128xi32, #tpu.memory_space<hbm>>
        tpu.wait_dma2 semaphore(%run_scoped3A : memref<!tpu.dma_semaphore, #tpu.memory_space<semaphore_mem>>) src(%dma_wait3A_867 : memref<128xi32, #tpu.memory_space<hbm>>) dst(%arg20 : memref<128xi32, #tpu.memory_space<vmem>>)
        tpu.yield
      }) : () -> ()
      %dma_start3A_855 = arith.constant 0 : i32
      %dma_start3A_856 = arith.constant 0 : i32
      %dma_start3A_857 = tpu.memref_slice %arg2[%dma_start3A_855, %dma_start3A_856] : memref<10016x16xf32, #tpu.memory_space<hbm>> -> memref<10016x16xf32, #tpu.memory_space<hbm>>
      tpu.enqueue_indirect_dma source(%dma_start3A_857 : memref<10016x16xf32, #tpu.memory_space<hbm>>) target(%arg28 : memref<128x16xf32, #tpu.memory_space<vmem>>) offsets(%arg16 : memref<128xi32, #tpu.memory_space<vmem>>) semaphore(%arg48 : memref<!tpu.dma_semaphore, #tpu.memory_space<semaphore_mem>>)
      %dma_start3A_858 = arith.constant 0 : i32
      %dma_start3A_859 = arith.constant 0 : i32
      %dma_start3A_860 = tpu.memref_slice %arg3[%dma_start3A_858, %dma_start3A_859] : memref<10016x16xf32, #tpu.memory_space<hbm>> -> memref<10016x16xf32, #tpu.memory_space<hbm>>
      tpu.enqueue_indirect_dma source(%dma_start3A_860 : memref<10016x16xf32, #tpu.memory_space<hbm>>) target(%arg32 : memref<128x16xf32, #tpu.memory_space<vmem>>) offsets(%arg16 : memref<128xi32, #tpu.memory_space<vmem>>) semaphore(%arg48 : memref<!tpu.dma_semaphore, #tpu.memory_space<semaphore_mem>>)
      %dma_start3A_861 = arith.constant 0 : i32
      %dma_start3A_862 = arith.constant 0 : i32
      %dma_start3A_863 = tpu.memref_slice %arg4[%dma_start3A_861, %dma_start3A_862] : memref<10016x16xf32, #tpu.memory_space<hbm>> -> memref<10016x16xf32, #tpu.memory_space<hbm>>
      tpu.enqueue_indirect_dma source(%dma_start3A_863 : memref<10016x16xf32, #tpu.memory_space<hbm>>) target(%arg36 : memref<128x16xf32, #tpu.memory_space<vmem>>) offsets(%arg20 : memref<128xi32, #tpu.memory_space<vmem>>) semaphore(%arg48 : memref<!tpu.dma_semaphore, #tpu.memory_space<semaphore_mem>>)
    }
    %scan3A_403 = arith.constant 19 : i32
    %dma_wait3A_404 = arith.constant 0 : i32
    %dma_wait3A_405 = arith.constant 0 : i32
    %dma_wait3A_406 = tpu.memref_slice %arg11[%dma_wait3A_404, %dma_wait3A_405] : memref<10016x16xf32, #tpu.memory_space<vmem_shared>> -> memref<10016x16xf32, #tpu.memory_space<vmem_shared>>
    tpu.wait_indirect_dma semaphore(%arg49 : memref<!tpu.dma_semaphore, #tpu.memory_space<semaphore_mem>>) src(%arg41 : memref<128x16xf32, #tpu.memory_space<vmem>>) dst(%dma_wait3A_406 : memref<10016x16xf32, #tpu.memory_space<vmem_shared>>)
    %dma_wait3A_407 = arith.constant 0 : i32
    %dma_wait3A_408 = arith.constant 0 : i32
    %dma_wait3A_409 = tpu.memref_slice %arg12[%dma_wait3A_407, %dma_wait3A_408] : memref<10016x16xf32, #tpu.memory_space<vmem_shared>> -> memref<10016x16xf32, #tpu.memory_space<vmem_shared>>
    tpu.wait_indirect_dma semaphore(%arg49 : memref<!tpu.dma_semaphore, #tpu.memory_space<semaphore_mem>>) src(%arg37 : memref<128x16xf32, #tpu.memory_space<vmem>>) dst(%dma_wait3A_409 : memref<10016x16xf32, #tpu.memory_space<vmem_shared>>)
    %dma_wait3A_410 = arith.constant 0 : i32
    %dma_wait3A_411 = arith.constant 0 : i32
    %dma_wait3A_412 = tpu.memref_slice %arg2[%dma_wait3A_410, %dma_wait3A_411] : memref<10016x16xf32, #tpu.memory_space<hbm>> -> memref<10016x16xf32, #tpu.memory_space<hbm>>
    tpu.wait_indirect_dma semaphore(%arg45 : memref<!tpu.dma_semaphore, #tpu.memory_space<semaphore_mem>>) src(%dma_wait3A_412 : memref<10016x16xf32, #tpu.memory_space<hbm>>) dst(%arg25 : memref<128x16xf32, #tpu.memory_space<vmem>>)
    %dma_wait3A_413 = arith.constant 0 : i32
    %dma_wait3A_414 = arith.constant 0 : i32
    %dma_wait3A_415 = tpu.memref_slice %arg3[%dma_wait3A_413, %dma_wait3A_414] : memref<10016x16xf32, #tpu.memory_space<hbm>> -> memref<10016x16xf32, #tpu.memory_space<hbm>>
    tpu.wait_indirect_dma semaphore(%arg45 : memref<!tpu.dma_semaphore, #tpu.memory_space<semaphore_mem>>) src(%dma_wait3A_415 : memref<10016x16xf32, #tpu.memory_space<hbm>>) dst(%arg29 : memref<128x16xf32, #tpu.memory_space<vmem>>)
    %dma_wait3A_416 = arith.constant 0 : i32
    %dma_wait3A_417 = arith.constant 0 : i32
    %dma_wait3A_418 = tpu.memref_slice %arg4[%dma_wait3A_416, %dma_wait3A_417] : memref<10016x16xf32, #tpu.memory_space<hbm>> -> memref<10016x16xf32, #tpu.memory_space<hbm>>
    tpu.wait_indirect_dma semaphore(%arg45 : memref<!tpu.dma_semaphore, #tpu.memory_space<semaphore_mem>>) src(%dma_wait3A_418 : memref<10016x16xf32, #tpu.memory_space<hbm>>) dst(%arg33 : memref<128x16xf32, #tpu.memory_space<vmem>>)
    %dma_wait3A_419 = arith.constant 0 : i32
    %dma_wait3A_420 = arith.constant 0 : i32
    %dma_wait3A_421 = tpu.memref_slice %arg11[%dma_wait3A_419, %dma_wait3A_420] : memref<10016x16xf32, #tpu.memory_space<vmem_shared>> -> memref<10016x16xf32, #tpu.memory_space<vmem_shared>>
    tpu.wait_indirect_dma semaphore(%arg50 : memref<!tpu.dma_semaphore, #tpu.memory_space<semaphore_mem>>) src(%arg42 : memref<128x16xf32, #tpu.memory_space<vmem>>) dst(%dma_wait3A_421 : memref<10016x16xf32, #tpu.memory_space<vmem_shared>>)
    %dma_wait3A_422 = arith.constant 0 : i32
    %dma_wait3A_423 = arith.constant 0 : i32
    %dma_wait3A_424 = tpu.memref_slice %arg12[%dma_wait3A_422, %dma_wait3A_423] : memref<10016x16xf32, #tpu.memory_space<vmem_shared>> -> memref<10016x16xf32, #tpu.memory_space<vmem_shared>>
    tpu.wait_indirect_dma semaphore(%arg50 : memref<!tpu.dma_semaphore, #tpu.memory_space<semaphore_mem>>) src(%arg38 : memref<128x16xf32, #tpu.memory_space<vmem>>) dst(%dma_wait3A_424 : memref<10016x16xf32, #tpu.memory_space<vmem_shared>>)
    %dma_wait3A_425 = arith.constant 0 : i32
    %dma_wait3A_426 = arith.constant 0 : i32
    %dma_wait3A_427 = tpu.memref_slice %arg2[%dma_wait3A_425, %dma_wait3A_426] : memref<10016x16xf32, #tpu.memory_space<hbm>> -> memref<10016x16xf32, #tpu.memory_space<hbm>>
    tpu.wait_indirect_dma semaphore(%arg46 : memref<!tpu.dma_semaphore, #tpu.memory_space<semaphore_mem>>) src(%dma_wait3A_427 : memref<10016x16xf32, #tpu.memory_space<hbm>>) dst(%arg26 : memref<128x16xf32, #tpu.memory_space<vmem>>)
    %dma_wait3A_428 = arith.constant 0 : i32
    %dma_wait3A_429 = arith.constant 0 : i32
    %dma_wait3A_430 = tpu.memref_slice %arg3[%dma_wait3A_428, %dma_wait3A_429] : memref<10016x16xf32, #tpu.memory_space<hbm>> -> memref<10016x16xf32, #tpu.memory_space<hbm>>
    tpu.wait_indirect_dma semaphore(%arg46 : memref<!tpu.dma_semaphore, #tpu.memory_space<semaphore_mem>>) src(%dma_wait3A_430 : memref<10016x16xf32, #tpu.memory_space<hbm>>) dst(%arg30 : memref<128x16xf32, #tpu.memory_space<vmem>>)
    %dma_wait3A_431 = arith.constant 0 : i32
    %dma_wait3A_432 = arith.constant 0 : i32
    %dma_wait3A_433 = tpu.memref_slice %arg4[%dma_wait3A_431, %dma_wait3A_432] : memref<10016x16xf32, #tpu.memory_space<hbm>> -> memref<10016x16xf32, #tpu.memory_space<hbm>>
    tpu.wait_indirect_dma semaphore(%arg46 : memref<!tpu.dma_semaphore, #tpu.memory_space<semaphore_mem>>) src(%dma_wait3A_433 : memref<10016x16xf32, #tpu.memory_space<hbm>>) dst(%arg34 : memref<128x16xf32, #tpu.memory_space<vmem>>)
    %dma_wait3A_434 = arith.constant 0 : i32
    %dma_wait3A_435 = arith.constant 0 : i32
    %dma_wait3A_436 = tpu.memref_slice %arg11[%dma_wait3A_434, %dma_wait3A_435] : memref<10016x16xf32, #tpu.memory_space<vmem_shared>> -> memref<10016x16xf32, #tpu.memory_space<vmem_shared>>
    tpu.wait_indirect_dma semaphore(%arg51 : memref<!tpu.dma_semaphore, #tpu.memory_space<semaphore_mem>>) src(%arg43 : memref<128x16xf32, #tpu.memory_space<vmem>>) dst(%dma_wait3A_436 : memref<10016x16xf32, #tpu.memory_space<vmem_shared>>)
    %dma_wait3A_437 = arith.constant 0 : i32
    %dma_wait3A_438 = arith.constant 0 : i32
    %dma_wait3A_439 = tpu.memref_slice %arg12[%dma_wait3A_437, %dma_wait3A_438] : memref<10016x16xf32, #tpu.memory_space<vmem_shared>> -> memref<10016x16xf32, #tpu.memory_space<vmem_shared>>
    tpu.wait_indirect_dma semaphore(%arg51 : memref<!tpu.dma_semaphore, #tpu.memory_space<semaphore_mem>>) src(%arg39 : memref<128x16xf32, #tpu.memory_space<vmem>>) dst(%dma_wait3A_439 : memref<10016x16xf32, #tpu.memory_space<vmem_shared>>)
    %dma_wait3A_440 = arith.constant 0 : i32
    %dma_wait3A_441 = arith.constant 0 : i32
    %dma_wait3A_442 = tpu.memref_slice %arg2[%dma_wait3A_440, %dma_wait3A_441] : memref<10016x16xf32, #tpu.memory_space<hbm>> -> memref<10016x16xf32, #tpu.memory_space<hbm>>
    tpu.wait_indirect_dma semaphore(%arg47 : memref<!tpu.dma_semaphore, #tpu.memory_space<semaphore_mem>>) src(%dma_wait3A_442 : memref<10016x16xf32, #tpu.memory_space<hbm>>) dst(%arg27 : memref<128x16xf32, #tpu.memory_space<vmem>>)
    %dma_wait3A_443 = arith.constant 0 : i32
    %dma_wait3A_444 = arith.constant 0 : i32
    %dma_wait3A_445 = tpu.memref_slice %arg3[%dma_wait3A_443, %dma_wait3A_444] : memref<10016x16xf32, #tpu.memory_space<hbm>> -> memref<10016x16xf32, #tpu.memory_space<hbm>>
    tpu.wait_indirect_dma semaphore(%arg47 : memref<!tpu.dma_semaphore, #tpu.memory_space<semaphore_mem>>) src(%dma_wait3A_445 : memref<10016x16xf32, #tpu.memory_space<hbm>>) dst(%arg31 : memref<128x16xf32, #tpu.memory_space<vmem>>)
    %dma_wait3A_446 = arith.constant 0 : i32
    %dma_wait3A_447 = arith.constant 0 : i32
    %dma_wait3A_448 = tpu.memref_slice %arg4[%dma_wait3A_446, %dma_wait3A_447] : memref<10016x16xf32, #tpu.memory_space<hbm>> -> memref<10016x16xf32, #tpu.memory_space<hbm>>
    tpu.wait_indirect_dma semaphore(%arg47 : memref<!tpu.dma_semaphore, #tpu.memory_space<semaphore_mem>>) src(%dma_wait3A_448 : memref<10016x16xf32, #tpu.memory_space<hbm>>) dst(%arg35 : memref<128x16xf32, #tpu.memory_space<vmem>>)
    %dma_wait3A_449 = arith.constant 0 : i32
    %dma_wait3A_450 = arith.constant 0 : i32
    %dma_wait3A_451 = tpu.memref_slice %arg11[%dma_wait3A_449, %dma_wait3A_450] : memref<10016x16xf32, #tpu.memory_space<vmem_shared>> -> memref<10016x16xf32, #tpu.memory_space<vmem_shared>>
    tpu.wait_indirect_dma semaphore(%arg52 : memref<!tpu.dma_semaphore, #tpu.memory_space<semaphore_mem>>) src(%arg44 : memref<128x16xf32, #tpu.memory_space<vmem>>) dst(%dma_wait3A_451 : memref<10016x16xf32, #tpu.memory_space<vmem_shared>>)
    %dma_wait3A_452 = arith.constant 0 : i32
    %dma_wait3A_453 = arith.constant 0 : i32
    %dma_wait3A_454 = tpu.memref_slice %arg12[%dma_wait3A_452, %dma_wait3A_453] : memref<10016x16xf32, #tpu.memory_space<vmem_shared>> -> memref<10016x16xf32, #tpu.memory_space<vmem_shared>>
    tpu.wait_indirect_dma semaphore(%arg52 : memref<!tpu.dma_semaphore, #tpu.memory_space<semaphore_mem>>) src(%arg40 : memref<128x16xf32, #tpu.memory_space<vmem>>) dst(%dma_wait3A_454 : memref<10016x16xf32, #tpu.memory_space<vmem_shared>>)
    %dma_wait3A_455 = arith.constant 0 : i32
    %dma_wait3A_456 = arith.constant 0 : i32
    %dma_wait3A_457 = tpu.memref_slice %arg2[%dma_wait3A_455, %dma_wait3A_456] : memref<10016x16xf32, #tpu.memory_space<hbm>> -> memref<10016x16xf32, #tpu.memory_space<hbm>>
    tpu.wait_indirect_dma semaphore(%arg48 : memref<!tpu.dma_semaphore, #tpu.memory_space<semaphore_mem>>) src(%dma_wait3A_457 : memref<10016x16xf32, #tpu.memory_space<hbm>>) dst(%arg28 : memref<128x16xf32, #tpu.memory_space<vmem>>)
    %dma_wait3A_458 = arith.constant 0 : i32
    %dma_wait3A_459 = arith.constant 0 : i32
    %dma_wait3A_460 = tpu.memref_slice %arg3[%dma_wait3A_458, %dma_wait3A_459] : memref<10016x16xf32, #tpu.memory_space<hbm>> -> memref<10016x16xf32, #tpu.memory_space<hbm>>
    tpu.wait_indirect_dma semaphore(%arg48 : memref<!tpu.dma_semaphore, #tpu.memory_space<semaphore_mem>>) src(%dma_wait3A_460 : memref<10016x16xf32, #tpu.memory_space<hbm>>) dst(%arg32 : memref<128x16xf32, #tpu.memory_space<vmem>>)
    %dma_wait3A_461 = arith.constant 0 : i32
    %dma_wait3A_462 = arith.constant 0 : i32
    %dma_wait3A_463 = tpu.memref_slice %arg4[%dma_wait3A_461, %dma_wait3A_462] : memref<10016x16xf32, #tpu.memory_space<hbm>> -> memref<10016x16xf32, #tpu.memory_space<hbm>>
    tpu.wait_indirect_dma semaphore(%arg48 : memref<!tpu.dma_semaphore, #tpu.memory_space<semaphore_mem>>) src(%dma_wait3A_463 : memref<10016x16xf32, #tpu.memory_space<hbm>>) dst(%arg36 : memref<128x16xf32, #tpu.memory_space<vmem>>)
    %barrier3A_464 = arith.constant 0 : index
    tpu.barrier barrier_id(%barrier3A_464)
    "tpu.region"() ({
      %run_scoped3A = tpu.sem_alloc : memref<!tpu.dma_semaphore, #tpu.memory_space<semaphore_mem>>
      %dma_start3A_465 = arith.constant 0 : i32
      %dma_start3A_466 = tpu.memref_slice %arg9[%arg0, %mul3A_2, %dma_start3A_465] : memref<2x10016x16xf32, #tpu.memory_space<hbm>> -> memref<1x313x16xf32, #tpu.memory_space<hbm>>
      %dma_start3A_467 = tpu.memref_squeeze %dma_start3A_466 : memref<1x313x16xf32, #tpu.memory_space<hbm>> -> memref<313x16xf32, #tpu.memory_space<hbm>>
      %dma_start3A_468 = arith.constant 0 : i32
      %dma_start3A_469 = tpu.memref_slice %arg11[%mul3A_2, %dma_start3A_468] : memref<10016x16xf32, #tpu.memory_space<vmem_shared>> -> memref<313x16xf32, #tpu.memory_space<vmem_shared>>
      tpu.enqueue_dma source(%dma_start3A_469 : memref<313x16xf32, #tpu.memory_space<vmem_shared>>) target(%dma_start3A_467 : memref<313x16xf32, #tpu.memory_space<hbm>>) target_semaphore(%run_scoped3A : memref<!tpu.dma_semaphore, #tpu.memory_space<semaphore_mem>>)
      %dma_wait3A_470 = arith.constant 0 : i32
      %dma_wait3A_471 = tpu.memref_slice %arg9[%arg0, %mul3A_2, %dma_wait3A_470] : memref<2x10016x16xf32, #tpu.memory_space<hbm>> -> memref<1x313x16xf32, #tpu.memory_space<hbm>>
      %dma_wait3A_472 = tpu.memref_squeeze %dma_wait3A_471 : memref<1x313x16xf32, #tpu.memory_space<hbm>> -> memref<313x16xf32, #tpu.memory_space<hbm>>
      %dma_wait3A_473 = arith.constant 0 : i32
      %dma_wait3A_474 = tpu.memref_slice %arg11[%mul3A_2, %dma_wait3A_473] : memref<10016x16xf32, #tpu.memory_space<vmem_shared>> -> memref<313x16xf32, #tpu.memory_space<vmem_shared>>
      tpu.wait_dma2 semaphore(%run_scoped3A : memref<!tpu.dma_semaphore, #tpu.memory_space<semaphore_mem>>) src(%dma_wait3A_474 : memref<313x16xf32, #tpu.memory_space<vmem_shared>>) dst(%dma_wait3A_472 : memref<313x16xf32, #tpu.memory_space<hbm>>)
      tpu.yield
    }) : () -> ()
    "tpu.region"() ({
      %run_scoped3A = tpu.sem_alloc : memref<!tpu.dma_semaphore, #tpu.memory_space<semaphore_mem>>
      %dma_start3A_465 = arith.constant 0 : i32
      %dma_start3A_466 = tpu.memref_slice %arg10[%arg0, %mul3A_2, %dma_start3A_465] : memref<2x10016x16xf32, #tpu.memory_space<hbm>> -> memref<1x313x16xf32, #tpu.memory_space<hbm>>
      %dma_start3A_467 = tpu.memref_squeeze %dma_start3A_466 : memref<1x313x16xf32, #tpu.memory_space<hbm>> -> memref<313x16xf32, #tpu.memory_space<hbm>>
      %dma_start3A_468 = arith.constant 0 : i32
      %dma_start3A_469 = tpu.memref_slice %arg12[%mul3A_2, %dma_start3A_468] : memref<10016x16xf32, #tpu.memory_space<vmem_shared>> -> memref<313x16xf32, #tpu.memory_space<vmem_shared>>
      tpu.enqueue_dma source(%dma_start3A_469 : memref<313x16xf32, #tpu.memory_space<vmem_shared>>) target(%dma_start3A_467 : memref<313x16xf32, #tpu.memory_space<hbm>>) target_semaphore(%run_scoped3A : memref<!tpu.dma_semaphore, #tpu.memory_space<semaphore_mem>>)
      %dma_wait3A_470 = arith.constant 0 : i32
      %dma_wait3A_471 = tpu.memref_slice %arg10[%arg0, %mul3A_2, %dma_wait3A_470] : memref<2x10016x16xf32, #tpu.memory_space<hbm>> -> memref<1x313x16xf32, #tpu.memory_space<hbm>>
      %dma_wait3A_472 = tpu.memref_squeeze %dma_wait3A_471 : memref<1x313x16xf32, #tpu.memory_space<hbm>> -> memref<313x16xf32, #tpu.memory_space<hbm>>
      %dma_wait3A_473 = arith.constant 0 : i32
      %dma_wait3A_474 = tpu.memref_slice %arg12[%mul3A_2, %dma_wait3A_473] : memref<10016x16xf32, #tpu.memory_space<vmem_shared>> -> memref<313x16xf32, #tpu.memory_space<vmem_shared>>
      tpu.wait_dma2 semaphore(%run_scoped3A : memref<!tpu.dma_semaphore, #tpu.memory_space<semaphore_mem>>) src(%dma_wait3A_474 : memref<313x16xf32, #tpu.memory_space<vmem_shared>>) dst(%dma_wait3A_472 : memref<313x16xf32, #tpu.memory_space<hbm>>)
      tpu.yield
    }) : () -> ()
    return
  }
}

module attributes {stable_mosaic.version = 14 : i64} {
  func.func @_tc1_body(%arg0: i32, %arg1: memref<2504x128xf32, #tpu.memory_space<vmem>>, %arg2: memref<128x128xf32, #tpu.memory_space<vmem>>, %arg3: memref<128x16xf32, #tpu.memory_space<vmem>>, %arg4: memref<128x16xf32, #tpu.memory_space<vmem>>, %arg5: memref<2504x128xf32, #tpu.memory_space<vmem>>, %arg6: memref<2504x16xf32, #tpu.memory_space<vmem>>, %arg7: memref<2504x16xf32, #tpu.memory_space<vmem>>) attributes {dimension_semantics = [#tpu.dimension_semantics<arbitrary>], iteration_bounds = array<i64: 4>, scalar_prefetch = 0 : i64, scratch_operands = 0 : i64, tpu.core_type = #tpu.core_type<tc>, window_params = [{transform_indices = @transform_0, window_bounds = array<i64: 2504, 128>}, {pipeline_mode = #tpu.pipeline_mode<synchronous>, transform_indices = @transform_1, window_bounds = array<i64: 128, 128>}, {pipeline_mode = #tpu.pipeline_mode<synchronous>, transform_indices = @transform_2, window_bounds = array<i64: 128, 16>}, {pipeline_mode = #tpu.pipeline_mode<synchronous>, transform_indices = @transform_3, window_bounds = array<i64: 128, 16>}, {transform_indices = @transform_4, window_bounds = array<i64: 2504, 128>}, {transform_indices = @transform_5, window_bounds = array<i64: 2504, 16>}, {transform_indices = @transform_6, window_bounds = array<i64: 2504, 16>}]} {
    %get3A = arith.constant 0 : index
    %get3A_0 = arith.constant 0 : index
    %get3A_1 = vector.load %arg1[%get3A, %get3A_0] : memref<2504x128xf32, #tpu.memory_space<vmem>>, vector<2504x128xf32>
    %get3A_2 = arith.constant 0 : index
    %get3A_3 = arith.constant 0 : index
    %get3A_4 = vector.load %arg2[%get3A_2, %get3A_3] : memref<128x128xf32, #tpu.memory_space<vmem>>, vector<128x128xf32>
    %dot_general3A = arith.constant dense<0.000000e+00> : vector<2504x128xf32>
    %dot_general3A_5 = tpu.matmul %get3A_1, %get3A_4, %dot_general3A {dimension_numbers = #tpu.dot_dimension_numbers<[1], [0], [0], [1], [0, 0, 1, 1], [], []>, transpose_lhs_hint = false} : vector<2504x128xf32>, vector<128x128xf32>, vector<2504x128xf32> -> vector<2504x128xf32>
    %swap3A = arith.constant 0 : index
    %swap3A_6 = arith.constant 0 : index
    %swap3A_7 = vector.load %arg5[%swap3A, %swap3A_6] : memref<2504x128xf32, #tpu.memory_space<vmem>>, vector<2504x128xf32>
    tpu.vector_store %arg5[%swap3A, %swap3A_6], %dot_general3A_5 {strides = array<i32>} : memref<2504x128xf32, #tpu.memory_space<vmem>>, vector<2504x128xf32>,
    %get3A_8 = arith.constant 0 : index
    %get3A_9 = arith.constant 0 : index
    %get3A_10 = vector.load %arg3[%get3A_8, %get3A_9] : memref<128x16xf32, #tpu.memory_space<vmem>>, vector<128x16xf32>
    %dot_general3A_11 = arith.constant dense<0.000000e+00> : vector<2504x16xf32>
    %dot_general3A_12 = tpu.matmul %dot_general3A_5, %get3A_10, %dot_general3A_11 {dimension_numbers = #tpu.dot_dimension_numbers<[1], [0], [0], [1], [0, 0, 1, 1], [], []>, transpose_lhs_hint = false} : vector<2504x128xf32>, vector<128x16xf32>, vector<2504x16xf32> -> vector<2504x16xf32>
    %swap3A_13 = arith.constant 0 : index
    %swap3A_14 = arith.constant 0 : index
    %swap3A_15 = vector.load %arg6[%swap3A_13, %swap3A_14] : memref<2504x16xf32, #tpu.memory_space<vmem>>, vector<2504x16xf32>
    tpu.vector_store %arg6[%swap3A_13, %swap3A_14], %dot_general3A_12 {strides = array<i32>} : memref<2504x16xf32, #tpu.memory_space<vmem>>, vector<2504x16xf32>,
    %get3A_16 = arith.constant 0 : index
    %get3A_17 = arith.constant 0 : index
    %get3A_18 = vector.load %arg4[%get3A_16, %get3A_17] : memref<128x16xf32, #tpu.memory_space<vmem>>, vector<128x16xf32>
    %dot_general3A_19 = arith.constant dense<0.000000e+00> : vector<2504x16xf32>
    %dot_general3A_20 = tpu.matmul %dot_general3A_5, %get3A_18, %dot_general3A_19 {dimension_numbers = #tpu.dot_dimension_numbers<[1], [0], [0], [1], [0, 0, 1, 1], [], []>, transpose_lhs_hint = false} : vector<2504x128xf32>, vector<128x16xf32>, vector<2504x16xf32> -> vector<2504x16xf32>
    %swap3A_21 = arith.constant 0 : index
    %swap3A_22 = arith.constant 0 : index
    %swap3A_23 = vector.load %arg7[%swap3A_21, %swap3A_22] : memref<2504x16xf32, #tpu.memory_space<vmem>>, vector<2504x16xf32>
    tpu.vector_store %arg7[%swap3A_21, %swap3A_22], %dot_general3A_20 {strides = array<i32>} : memref<2504x16xf32, #tpu.memory_space<vmem>>, vector<2504x16xf32>,
    return
  }
  func.func @transform_0(%arg0: i32) -> (i32, i32) {
    %c0_i32 = arith.constant 0 : i32
    %c0_i32_0 = arith.constant 0 : i32
    return %arg0, %c0_i32 : i32, i32
  }
  func.func @transform_1(%arg0: i32) -> (i32, i32) {
    %c0_i32 = arith.constant 0 : i32
    %c0_i32_0 = arith.constant 0 : i32
    %c0_i32_1 = arith.constant 0 : i32
    return %c0_i32, %c0_i32_0 : i32, i32
  }
  func.func @transform_2(%arg0: i32) -> (i32, i32) {
    %c0_i32 = arith.constant 0 : i32
    %c0_i32_0 = arith.constant 0 : i32
    %c0_i32_1 = arith.constant 0 : i32
    return %c0_i32, %c0_i32_0 : i32, i32
  }
  func.func @transform_3(%arg0: i32) -> (i32, i32) {
    %c0_i32 = arith.constant 0 : i32
    %c0_i32_0 = arith.constant 0 : i32
    %c0_i32_1 = arith.constant 0 : i32
    return %c0_i32, %c0_i32_0 : i32, i32
  }
  func.func @transform_4(%arg0: i32) -> (i32, i32) {
    %c0_i32 = arith.constant 0 : i32
    %c0_i32_0 = arith.constant 0 : i32
    return %arg0, %c0_i32 : i32, i32
  }
  func.func @transform_5(%arg0: i32) -> (i32, i32) {
    %c0_i32 = arith.constant 0 : i32
    %c0_i32_0 = arith.constant 0 : i32
    return %arg0, %c0_i32 : i32, i32
  }
  func.func @transform_6(%arg0: i32) -> (i32, i32) {
    %c0_i32 = arith.constant 0 : i32
    %c0_i32_0 = arith.constant 0 : i32
    return %arg0, %c0_i32 : i32, i32
  }
}

module attributes {stable_mosaic.version = 14 : i64} {
  func.func @_tc2_body(%arg0: i32, %arg1: memref<2x2504x128xf32, #tpu.memory_space<vmem>>, %arg2: memref<2x2504x16xf32, #tpu.memory_space<vmem>>, %arg3: memref<2504x128xf32, #tpu.memory_space<vmem>>, %arg4: memref<2504x16xf32, #tpu.memory_space<vmem>>, %arg5: memref<2504x16xf32, #tpu.memory_space<vmem>>, %arg6: memref<16x128xf32, #tpu.memory_space<vmem>>, %arg7: memref<1x128xf32, #tpu.memory_space<vmem>>, %arg8: memref<128x16xf32, #tpu.memory_space<vmem>>, %arg9: memref<16x16xf32, #tpu.memory_space<vmem>>, %arg10: memref<16x16xf32, #tpu.memory_space<vmem>>, %arg11: memref<2504x16xf32, #tpu.memory_space<vmem>>, %arg12: memref<2504x16xf32, #tpu.memory_space<vmem>>, %arg13: memref<2504x16xf32, #tpu.memory_space<vmem>>) attributes {dimension_semantics = [#tpu.dimension_semantics<arbitrary>], iteration_bounds = array<i64: 4>, scalar_prefetch = 0 : i64, scratch_operands = 0 : i64, tpu.core_type = #tpu.core_type<tc>, window_params = [{transform_indices = @transform_0, window_bounds = array<i64: 2, 2504, 128>}, {transform_indices = @transform_1, window_bounds = array<i64: 2, 2504, 16>}, {transform_indices = @transform_2, window_bounds = array<i64: 2504, 128>}, {transform_indices = @transform_3, window_bounds = array<i64: 2504, 16>}, {transform_indices = @transform_4, window_bounds = array<i64: 2504, 16>}, {pipeline_mode = #tpu.pipeline_mode<synchronous>, transform_indices = @transform_5, window_bounds = array<i64: 16, 128>}, {pipeline_mode = #tpu.pipeline_mode<synchronous>, transform_indices = @transform_6, window_bounds = array<i64: 1, 128>}, {pipeline_mode = #tpu.pipeline_mode<synchronous>, transform_indices = @transform_7, window_bounds = array<i64: 128, 16>}, {pipeline_mode = #tpu.pipeline_mode<synchronous>, transform_indices = @transform_8, window_bounds = array<i64: 16, 16>}, {pipeline_mode = #tpu.pipeline_mode<synchronous>, transform_indices = @transform_9, window_bounds = array<i64: 16, 16>}, {transform_indices = @transform_10, window_bounds = array<i64: 2504, 16>}, {transform_indices = @transform_11, window_bounds = array<i64: 2504, 16>}, {transform_indices = @transform_12, window_bounds = array<i64: 2504, 16>}]} {
    %get3A = arith.constant 0 : index
    %get3A_0 = arith.constant 0 : index
    %get3A_1 = arith.constant 0 : index
    %get3A_2 = vector.load %arg1[%get3A, %get3A_0, %get3A_1] : memref<2x2504x128xf32, #tpu.memory_space<vmem>>, vector<1x2504x128xf32>
    %get3A_3 = vector.shape_cast %get3A_2 : vector<1x2504x128xf32> to vector<2504x128xf32>
    %get3A_4 = arith.constant 1 : index
    %get3A_5 = arith.constant 0 : index
    %get3A_6 = arith.constant 0 : index
    %get3A_7 = vector.load %arg1[%get3A_4, %get3A_5, %get3A_6] : memref<2x2504x128xf32, #tpu.memory_space<vmem>>, vector<1x2504x128xf32>
    %get3A_8 = vector.shape_cast %get3A_7 : vector<1x2504x128xf32> to vector<2504x128xf32>
    %add3A = arith.addf %get3A_3, %get3A_8 : vector<2504x128xf32>
    %get3A_9 = arith.constant 0 : index
    %get3A_10 = arith.constant 0 : index
    %get3A_11 = arith.constant 0 : index
    %get3A_12 = vector.load %arg2[%get3A_9, %get3A_10, %get3A_11] : memref<2x2504x16xf32, #tpu.memory_space<vmem>>, vector<1x2504x16xf32>
    %get3A_13 = vector.shape_cast %get3A_12 : vector<1x2504x16xf32> to vector<2504x16xf32>
    %get3A_14 = arith.constant 1 : index
    %get3A_15 = arith.constant 0 : index
    %get3A_16 = arith.constant 0 : index
    %get3A_17 = vector.load %arg2[%get3A_14, %get3A_15, %get3A_16] : memref<2x2504x16xf32, #tpu.memory_space<vmem>>, vector<1x2504x16xf32>
    %get3A_18 = vector.shape_cast %get3A_17 : vector<1x2504x16xf32> to vector<2504x16xf32>
    %add3A_19 = arith.addf %get3A_13, %get3A_18 : vector<2504x16xf32>
    %get3A_20 = arith.constant 0 : index
    %get3A_21 = arith.constant 0 : index
    %get3A_22 = vector.load %arg4[%get3A_20, %get3A_21] : memref<2504x16xf32, #tpu.memory_space<vmem>>, vector<2504x16xf32>
    %get3A_23 = arith.constant 0 : index
    %get3A_24 = arith.constant 0 : index
    %get3A_25 = vector.load %arg5[%get3A_23, %get3A_24] : memref<2504x16xf32, #tpu.memory_space<vmem>>, vector<2504x16xf32>
    %add3A_26 = arith.addf %get3A_22, %get3A_25 : vector<2504x16xf32>
    %gt3A = arith.constant 0.000000e+00 : f32
    %gt3A_27 = vector.broadcast %gt3A : f32 to vector<2504x16xf32>
    %gt3A_28 = arith.cmpf ogt, %add3A_26, %gt3A_27 : vector<2504x16xf32>
    %mul3A = arith.constant 2.000000e-01 : f32
    %mul3A_29 = vector.broadcast %mul3A : f32 to vector<2504x16xf32>
    %mul3A_30 = arith.mulf %add3A_26, %mul3A_29 : vector<2504x16xf32>
    %select_n3A = arith.select %gt3A_28, %add3A_26, %mul3A_30 : vector<2504x16xi1>, vector<2504x16xf32>
    %exp3A = math.exp %select_n3A : vector<2504x16xf32>
    %add3A_31 = arith.addf %add3A_19, %exp3A : vector<2504x16xf32>
    %get3A_32 = arith.constant 0 : index
    %get3A_33 = arith.constant 0 : index
    %get3A_34 = vector.load %arg6[%get3A_32, %get3A_33] : memref<16x128xf32, #tpu.memory_space<vmem>>, vector<16x128xf32>
    %dot_general3A = arith.constant dense<0.000000e+00> : vector<2504x128xf32>
    %dot_general3A_35 = tpu.matmul %add3A_31, %get3A_34, %dot_general3A {dimension_numbers = #tpu.dot_dimension_numbers<[1], [0], [0], [1], [0, 0, 1, 1], [], []>, transpose_lhs_hint = false} : vector<2504x16xf32>, vector<16x128xf32>, vector<2504x128xf32> -> vector<2504x128xf32>
    %get3A_36 = arith.constant 0 : index
    %get3A_37 = arith.constant 0 : index
    %get3A_38 = vector.load %arg6[%get3A_36, %get3A_37] : memref<16x128xf32, #tpu.memory_space<vmem>>, vector<16x128xf32>
    %dot_general3A_39 = arith.constant dense<0.000000e+00> : vector<2504x128xf32>
    %dot_general3A_40 = tpu.matmul %exp3A, %get3A_38, %dot_general3A_39 {dimension_numbers = #tpu.dot_dimension_numbers<[1], [0], [0], [1], [0, 0, 1, 1], [], []>, transpose_lhs_hint = false} : vector<2504x16xf32>, vector<16x128xf32>, vector<2504x128xf32> -> vector<2504x128xf32>
    %get3A_41 = arith.constant 0 : index
    %get3A_42 = arith.constant 0 : index
    %get3A_43 = vector.load %arg3[%get3A_41, %get3A_42] : memref<2504x128xf32, #tpu.memory_space<vmem>>, vector<2504x128xf32>
    %mul3A_44 = arith.mulf %dot_general3A_40, %get3A_43 : vector<2504x128xf32>
    %add3A_45 = arith.addf %add3A, %mul3A_44 : vector<2504x128xf32>
    %add3A_46 = arith.constant 1.000000e-16 : f32
    %add3A_47 = vector.broadcast %add3A_46 : f32 to vector<2504x128xf32>
    %add3A_48 = arith.addf %dot_general3A_35, %add3A_47 : vector<2504x128xf32>
    %div3A = arith.divf %add3A_45, %add3A_48 : vector<2504x128xf32>
    %get3A_49 = arith.constant 0 : index
    %get3A_50 = arith.constant 0 : index
    %get3A_51 = vector.load %arg7[%get3A_49, %get3A_50] : memref<1x128xf32, #tpu.memory_space<vmem>>, vector<1x128xf32>
    %add3A_52 = vector.broadcast %get3A_51 : vector<1x128xf32> to vector<2504x128xf32>
    %add3A_53 = arith.addf %div3A, %add3A_52 : vector<2504x128xf32>
    %gt3A_54 = arith.constant 0.000000e+00 : f32
    %gt3A_55 = vector.broadcast %gt3A_54 : f32 to vector<2504x128xf32>
    %gt3A_56 = arith.cmpf ogt, %add3A_53, %gt3A_55 : vector<2504x128xf32>
    %mul3A_57 = arith.constant 2.000000e-01 : f32
    %mul3A_58 = vector.broadcast %mul3A_57 : f32 to vector<2504x128xf32>
    %mul3A_59 = arith.mulf %add3A_53, %mul3A_58 : vector<2504x128xf32>
    %select_n3A_60 = arith.select %gt3A_56, %add3A_53, %mul3A_59 : vector<2504x128xi1>, vector<2504x128xf32>
    %get3A_61 = arith.constant 0 : index
    %get3A_62 = arith.constant 0 : index
    %get3A_63 = vector.load %arg8[%get3A_61, %get3A_62] : memref<128x16xf32, #tpu.memory_space<vmem>>, vector<128x16xf32>
    %dot_general3A_64 = arith.constant dense<0.000000e+00> : vector<2504x16xf32>
    %dot_general3A_65 = tpu.matmul %select_n3A_60, %get3A_63, %dot_general3A_64 {dimension_numbers = #tpu.dot_dimension_numbers<[1], [0], [0], [1], [0, 0, 1, 1], [], []>, transpose_lhs_hint = false} : vector<2504x128xf32>, vector<128x16xf32>, vector<2504x16xf32> -> vector<2504x16xf32>
    %swap3A = arith.constant 0 : index
    %swap3A_66 = arith.constant 0 : index
    %swap3A_67 = vector.load %arg11[%swap3A, %swap3A_66] : memref<2504x16xf32, #tpu.memory_space<vmem>>, vector<2504x16xf32>
    tpu.vector_store %arg11[%swap3A, %swap3A_66], %dot_general3A_65 {strides = array<i32>} : memref<2504x16xf32, #tpu.memory_space<vmem>>, vector<2504x16xf32>,
    %get3A_68 = arith.constant 0 : index
    %get3A_69 = arith.constant 0 : index
    %get3A_70 = vector.load %arg9[%get3A_68, %get3A_69] : memref<16x16xf32, #tpu.memory_space<vmem>>, vector<16x16xf32>
    %dot_general3A_71 = arith.constant dense<0.000000e+00> : vector<2504x16xf32>
    %dot_general3A_72 = tpu.matmul %dot_general3A_65, %get3A_70, %dot_general3A_71 {dimension_numbers = #tpu.dot_dimension_numbers<[1], [0], [0], [1], [0, 0, 1, 1], [], []>, transpose_lhs_hint = false} : vector<2504x16xf32>, vector<16x16xf32>, vector<2504x16xf32> -> vector<2504x16xf32>
    %swap3A_73 = arith.constant 0 : index
    %swap3A_74 = arith.constant 0 : index
    %swap3A_75 = vector.load %arg12[%swap3A_73, %swap3A_74] : memref<2504x16xf32, #tpu.memory_space<vmem>>, vector<2504x16xf32>
    tpu.vector_store %arg12[%swap3A_73, %swap3A_74], %dot_general3A_72 {strides = array<i32>} : memref<2504x16xf32, #tpu.memory_space<vmem>>, vector<2504x16xf32>,
    %get3A_76 = arith.constant 0 : index
    %get3A_77 = arith.constant 0 : index
    %get3A_78 = vector.load %arg10[%get3A_76, %get3A_77] : memref<16x16xf32, #tpu.memory_space<vmem>>, vector<16x16xf32>
    %dot_general3A_79 = arith.constant dense<0.000000e+00> : vector<2504x16xf32>
    %dot_general3A_80 = tpu.matmul %dot_general3A_65, %get3A_78, %dot_general3A_79 {dimension_numbers = #tpu.dot_dimension_numbers<[1], [0], [0], [1], [0, 0, 1, 1], [], []>, transpose_lhs_hint = false} : vector<2504x16xf32>, vector<16x16xf32>, vector<2504x16xf32> -> vector<2504x16xf32>
    %swap3A_81 = arith.constant 0 : index
    %swap3A_82 = arith.constant 0 : index
    %swap3A_83 = vector.load %arg13[%swap3A_81, %swap3A_82] : memref<2504x16xf32, #tpu.memory_space<vmem>>, vector<2504x16xf32>
    tpu.vector_store %arg13[%swap3A_81, %swap3A_82], %dot_general3A_80 {strides = array<i32>} : memref<2504x16xf32, #tpu.memory_space<vmem>>, vector<2504x16xf32>,
    return
  }
  func.func @transform_0(%arg0: i32) -> (i32, i32, i32) {
    %c0_i32 = arith.constant 0 : i32
    %c0_i32_0 = arith.constant 0 : i32
    %c0_i32_1 = arith.constant 0 : i32
    return %c0_i32, %arg0, %c0_i32_0 : i32, i32, i32
  }
  func.func @transform_1(%arg0: i32) -> (i32, i32, i32) {
    %c0_i32 = arith.constant 0 : i32
    %c0_i32_0 = arith.constant 0 : i32
    %c0_i32_1 = arith.constant 0 : i32
    return %c0_i32, %arg0, %c0_i32_0 : i32, i32, i32
  }
  func.func @transform_2(%arg0: i32) -> (i32, i32) {
    %c0_i32 = arith.constant 0 : i32
    %c0_i32_0 = arith.constant 0 : i32
    return %arg0, %c0_i32 : i32, i32
  }
  func.func @transform_3(%arg0: i32) -> (i32, i32) {
    %c0_i32 = arith.constant 0 : i32
    %c0_i32_0 = arith.constant 0 : i32
    return %arg0, %c0_i32 : i32, i32
  }
  func.func @transform_4(%arg0: i32) -> (i32, i32) {
    %c0_i32 = arith.constant 0 : i32
    %c0_i32_0 = arith.constant 0 : i32
    return %arg0, %c0_i32 : i32, i32
  }
  func.func @transform_5(%arg0: i32) -> (i32, i32) {
    %c0_i32 = arith.constant 0 : i32
    %c0_i32_0 = arith.constant 0 : i32
    %c0_i32_1 = arith.constant 0 : i32
    return %c0_i32, %c0_i32_0 : i32, i32
  }
  func.func @transform_6(%arg0: i32) -> (i32, i32) {
    %c0_i32 = arith.constant 0 : i32
    %c0_i32_0 = arith.constant 0 : i32
    %c0_i32_1 = arith.constant 0 : i32
    return %c0_i32, %c0_i32_0 : i32, i32
  }
  func.func @transform_7(%arg0: i32) -> (i32, i32) {
    %c0_i32 = arith.constant 0 : i32
    %c0_i32_0 = arith.constant 0 : i32
    %c0_i32_1 = arith.constant 0 : i32
    return %c0_i32, %c0_i32_0 : i32, i32
  }
  func.func @transform_8(%arg0: i32) -> (i32, i32) {
    %c0_i32 = arith.constant 0 : i32
    %c0_i32_0 = arith.constant 0 : i32
    %c0_i32_1 = arith.constant 0 : i32
    return %c0_i32, %c0_i32_0 : i32, i32
  }
  func.func @transform_9(%arg0: i32) -> (i32, i32) {
    %c0_i32 = arith.constant 0 : i32
    %c0_i32_0 = arith.constant 0 : i32
    %c0_i32_1 = arith.constant 0 : i32
    return %c0_i32, %c0_i32_0 : i32, i32
  }
  func.func @transform_10(%arg0: i32) -> (i32, i32) {
    %c0_i32 = arith.constant 0 : i32
    %c0_i32_0 = arith.constant 0 : i32
    return %arg0, %c0_i32 : i32, i32
  }
  func.func @transform_11(%arg0: i32) -> (i32, i32) {
    %c0_i32 = arith.constant 0 : i32
    %c0_i32_0 = arith.constant 0 : i32
    return %arg0, %c0_i32 : i32, i32
  }
  func.func @transform_12(%arg0: i32) -> (i32, i32) {
    %c0_i32 = arith.constant 0 : i32
    %c0_i32_0 = arith.constant 0 : i32
    return %arg0, %c0_i32 : i32, i32
  }
}

module attributes {stable_mosaic.version = 14 : i64} {
  func.func @_tc3_body(%arg0: i32, %arg1: memref<2x1000x16xf32, #tpu.memory_space<vmem>>, %arg2: memref<2x1000x16xf32, #tpu.memory_space<vmem>>, %arg3: memref<1000x16xf32, #tpu.memory_space<vmem>>, %arg4: memref<1000x16xf32, #tpu.memory_space<vmem>>, %arg5: memref<1000x16xf32, #tpu.memory_space<vmem>>, %arg6: memref<16x16xf32, #tpu.memory_space<vmem>>, %arg7: memref<1x16xf32, #tpu.memory_space<vmem>>, %arg8: memref<1000x16xf32, #tpu.memory_space<vmem>>) attributes {dimension_semantics = [#tpu.dimension_semantics<arbitrary>], iteration_bounds = array<i64: 10>, scalar_prefetch = 0 : i64, scratch_operands = 0 : i64, tpu.core_type = #tpu.core_type<tc>, window_params = [{transform_indices = @transform_0, window_bounds = array<i64: 2, 1000, 16>}, {transform_indices = @transform_1, window_bounds = array<i64: 2, 1000, 16>}, {transform_indices = @transform_2, window_bounds = array<i64: 1000, 16>}, {transform_indices = @transform_3, window_bounds = array<i64: 1000, 16>}, {transform_indices = @transform_4, window_bounds = array<i64: 1000, 16>}, {pipeline_mode = #tpu.pipeline_mode<synchronous>, transform_indices = @transform_5, window_bounds = array<i64: 16, 16>}, {pipeline_mode = #tpu.pipeline_mode<synchronous>, transform_indices = @transform_6, window_bounds = array<i64: 1, 16>}, {transform_indices = @transform_7, window_bounds = array<i64: 1000, 16>}]} {
    %get3A = arith.constant 0 : index
    %get3A_0 = arith.constant 0 : index
    %get3A_1 = arith.constant 0 : index
    %get3A_2 = vector.load %arg1[%get3A, %get3A_0, %get3A_1] : memref<2x1000x16xf32, #tpu.memory_space<vmem>>, vector<1x1000x16xf32>
    %get3A_3 = vector.shape_cast %get3A_2 : vector<1x1000x16xf32> to vector<1000x16xf32>
    %get3A_4 = arith.constant 1 : index
    %get3A_5 = arith.constant 0 : index
    %get3A_6 = arith.constant 0 : index
    %get3A_7 = vector.load %arg1[%get3A_4, %get3A_5, %get3A_6] : memref<2x1000x16xf32, #tpu.memory_space<vmem>>, vector<1x1000x16xf32>
    %get3A_8 = vector.shape_cast %get3A_7 : vector<1x1000x16xf32> to vector<1000x16xf32>
    %add3A = arith.addf %get3A_3, %get3A_8 : vector<1000x16xf32>
    %get3A_9 = arith.constant 0 : index
    %get3A_10 = arith.constant 0 : index
    %get3A_11 = arith.constant 0 : index
    %get3A_12 = vector.load %arg2[%get3A_9, %get3A_10, %get3A_11] : memref<2x1000x16xf32, #tpu.memory_space<vmem>>, vector<1x1000x16xf32>
    %get3A_13 = vector.shape_cast %get3A_12 : vector<1x1000x16xf32> to vector<1000x16xf32>
    %get3A_14 = arith.constant 1 : index
    %get3A_15 = arith.constant 0 : index
    %get3A_16 = arith.constant 0 : index
    %get3A_17 = vector.load %arg2[%get3A_14, %get3A_15, %get3A_16] : memref<2x1000x16xf32, #tpu.memory_space<vmem>>, vector<1x1000x16xf32>
    %get3A_18 = vector.shape_cast %get3A_17 : vector<1x1000x16xf32> to vector<1000x16xf32>
    %add3A_19 = arith.addf %get3A_13, %get3A_18 : vector<1000x16xf32>
    %get3A_20 = arith.constant 0 : index
    %get3A_21 = arith.constant 0 : index
    %get3A_22 = vector.load %arg4[%get3A_20, %get3A_21] : memref<1000x16xf32, #tpu.memory_space<vmem>>, vector<1000x16xf32>
    %get3A_23 = arith.constant 0 : index
    %get3A_24 = arith.constant 0 : index
    %get3A_25 = vector.load %arg5[%get3A_23, %get3A_24] : memref<1000x16xf32, #tpu.memory_space<vmem>>, vector<1000x16xf32>
    %add3A_26 = arith.addf %get3A_22, %get3A_25 : vector<1000x16xf32>
    %gt3A = arith.constant 0.000000e+00 : f32
    %gt3A_27 = vector.broadcast %gt3A : f32 to vector<1000x16xf32>
    %gt3A_28 = arith.cmpf ogt, %add3A_26, %gt3A_27 : vector<1000x16xf32>
    %mul3A = arith.constant 2.000000e-01 : f32
    %mul3A_29 = vector.broadcast %mul3A : f32 to vector<1000x16xf32>
    %mul3A_30 = arith.mulf %add3A_26, %mul3A_29 : vector<1000x16xf32>
    %select_n3A = arith.select %gt3A_28, %add3A_26, %mul3A_30 : vector<1000x16xi1>, vector<1000x16xf32>
    %exp3A = math.exp %select_n3A : vector<1000x16xf32>
    %add3A_31 = arith.addf %add3A_19, %exp3A : vector<1000x16xf32>
    %get3A_32 = arith.constant 0 : index
    %get3A_33 = arith.constant 0 : index
    %get3A_34 = vector.load %arg6[%get3A_32, %get3A_33] : memref<16x16xf32, #tpu.memory_space<vmem>>, vector<16x16xf32>
    %dot_general3A = arith.constant dense<0.000000e+00> : vector<1000x16xf32>
    %dot_general3A_35 = tpu.matmul %add3A_31, %get3A_34, %dot_general3A {dimension_numbers = #tpu.dot_dimension_numbers<[1], [0], [0], [1], [0, 0, 1, 1], [], []>, transpose_lhs_hint = false} : vector<1000x16xf32>, vector<16x16xf32>, vector<1000x16xf32> -> vector<1000x16xf32>
    %get3A_36 = arith.constant 0 : index
    %get3A_37 = arith.constant 0 : index
    %get3A_38 = vector.load %arg6[%get3A_36, %get3A_37] : memref<16x16xf32, #tpu.memory_space<vmem>>, vector<16x16xf32>
    %dot_general3A_39 = arith.constant dense<0.000000e+00> : vector<1000x16xf32>
    %dot_general3A_40 = tpu.matmul %exp3A, %get3A_38, %dot_general3A_39 {dimension_numbers = #tpu.dot_dimension_numbers<[1], [0], [0], [1], [0, 0, 1, 1], [], []>, transpose_lhs_hint = false} : vector<1000x16xf32>, vector<16x16xf32>, vector<1000x16xf32> -> vector<1000x16xf32>
    %get3A_41 = arith.constant 0 : index
    %get3A_42 = arith.constant 0 : index
    %get3A_43 = vector.load %arg3[%get3A_41, %get3A_42] : memref<1000x16xf32, #tpu.memory_space<vmem>>, vector<1000x16xf32>
    %mul3A_44 = arith.mulf %dot_general3A_40, %get3A_43 : vector<1000x16xf32>
    %add3A_45 = arith.addf %add3A, %mul3A_44 : vector<1000x16xf32>
    %add3A_46 = arith.constant 1.000000e-16 : f32
    %add3A_47 = vector.broadcast %add3A_46 : f32 to vector<1000x16xf32>
    %add3A_48 = arith.addf %dot_general3A_35, %add3A_47 : vector<1000x16xf32>
    %div3A = arith.divf %add3A_45, %add3A_48 : vector<1000x16xf32>
    %get3A_49 = arith.constant 0 : index
    %get3A_50 = arith.constant 0 : index
    %get3A_51 = vector.load %arg7[%get3A_49, %get3A_50] : memref<1x16xf32, #tpu.memory_space<vmem>>, vector<1x16xf32>
    %add3A_52 = vector.broadcast %get3A_51 : vector<1x16xf32> to vector<1000x16xf32>
    %add3A_53 = arith.addf %div3A, %add3A_52 : vector<1000x16xf32>
    %gt3A_54 = arith.constant 0.000000e+00 : f32
    %gt3A_55 = vector.broadcast %gt3A_54 : f32 to vector<1000x16xf32>
    %gt3A_56 = arith.cmpf ogt, %add3A_53, %gt3A_55 : vector<1000x16xf32>
    %mul3A_57 = arith.constant 2.000000e-01 : f32
    %mul3A_58 = vector.broadcast %mul3A_57 : f32 to vector<1000x16xf32>
    %mul3A_59 = arith.mulf %add3A_53, %mul3A_58 : vector<1000x16xf32>
    %select_n3A_60 = arith.select %gt3A_56, %add3A_53, %mul3A_59 : vector<1000x16xi1>, vector<1000x16xf32>
    %swap3A = arith.constant 0 : index
    %swap3A_61 = arith.constant 0 : index
    %swap3A_62 = vector.load %arg8[%swap3A, %swap3A_61] : memref<1000x16xf32, #tpu.memory_space<vmem>>, vector<1000x16xf32>
    tpu.vector_store %arg8[%swap3A, %swap3A_61], %select_n3A_60 {strides = array<i32>} : memref<1000x16xf32, #tpu.memory_space<vmem>>, vector<1000x16xf32>,
    return
  }
  func.func @transform_0(%arg0: i32) -> (i32, i32, i32) {
    %c0_i32 = arith.constant 0 : i32
    %c0_i32_0 = arith.constant 0 : i32
    %c0_i32_1 = arith.constant 0 : i32
    return %c0_i32, %arg0, %c0_i32_0 : i32, i32, i32
  }
  func.func @transform_1(%arg0: i32) -> (i32, i32, i32) {
    %c0_i32 = arith.constant 0 : i32
    %c0_i32_0 = arith.constant 0 : i32
    %c0_i32_1 = arith.constant 0 : i32
    return %c0_i32, %arg0, %c0_i32_0 : i32, i32, i32
  }
  func.func @transform_2(%arg0: i32) -> (i32, i32) {
    %c0_i32 = arith.constant 0 : i32
    %c0_i32_0 = arith.constant 0 : i32
    return %arg0, %c0_i32 : i32, i32
  }
  func.func @transform_3(%arg0: i32) -> (i32, i32) {
    %c0_i32 = arith.constant 0 : i32
    %c0_i32_0 = arith.constant 0 : i32
    return %arg0, %c0_i32 : i32, i32
  }
  func.func @transform_4(%arg0: i32) -> (i32, i32) {
    %c0_i32 = arith.constant 0 : i32
    %c0_i32_0 = arith.constant 0 : i32
    return %arg0, %c0_i32 : i32, i32
  }
  func.func @transform_5(%arg0: i32) -> (i32, i32) {
    %c0_i32 = arith.constant 0 : i32
    %c0_i32_0 = arith.constant 0 : i32
    %c0_i32_1 = arith.constant 0 : i32
    return %c0_i32, %c0_i32_0 : i32, i32
  }
  func.func @transform_6(%arg0: i32) -> (i32, i32) {
    %c0_i32 = arith.constant 0 : i32
    %c0_i32_0 = arith.constant 0 : i32
    %c0_i32_1 = arith.constant 0 : i32
    return %c0_i32, %c0_i32_0 : i32, i32
  }
  func.func @transform_7(%arg0: i32) -> (i32, i32) {
    %c0_i32 = arith.constant 0 : i32
    %c0_i32_0 = arith.constant 0 : i32
    return %arg0, %c0_i32 : i32, i32
  }
}

</mosaic_0001>

<sc_bundles>
// kernel: kernel.10.cloned.1.call-start
scs
__scs_entry_jumppad:
0x0: {  	(pc) =	sbr.rel $0x88, $3  }
0x1: {  	(tag) =	ssettag $0x0;
	lr =	simm.s32 $0x1  }
0x2: {  	[smem:$0x3F97] =	sst lr;
	_ =	strace $0xD0000000  }
0x3: {  	_ = 	snop  }
0x4: {  	_ = 	snop  }
0x5: {  	_ = 	snop  }
0x6: {  	_ = 	snop  }
0x7: {  	_ = 	snop  }
__scs_overlays_trampoline_lowered:
0x8: {  	[smem:$0x3FA6] =	sst s0  }
0x9: {  	[smem:$0x3FA7] =	sst s1  }
0xa: {  	[smem:$0x3FA8] =	sst s2  }
0xb: {  	[smem:$0x3FA9] =	sst s3  }
0xc: {  	[smem:$0x3FAA] =	sst s4  }
0xd: {  	[smem:$0x3FAB] =	sst s5  }
0xe: {  	[smem:$0x3FAC] =	sst s6  }
0xf: {  	[smem:$0x3FAD] =	sst s7  }
0x10: {  	[smem:$0x3FAE] =	sst s8  }
0x11: {  	[smem:$0x3FAF] =	sst s9;
	s0 =	simm.s32 @!p0 $0x0  }
0x12: {  	s1 =	sld [smem:$0x3F95];
	s0 =	simm.s32 @p0 $0x1  }
0x13: {  	[smem:$0x3FB0] =	sst s0;
	s0 =	simm.s32 @!p1 $0x0  }
0x14: {  	s2 =	sld [smem:$0x3F94];
	s0 =	simm.s32 @p1 $0x1  }
0x15: {  	[smem:$0x3FB1] =	sst s0;
	s0 =	simm.s32 @!p2 $0x0  }
0x16: {  	s3 =	sld [smem:$0x3FDB];
	s0 =	simm.s32 @p2 $0x1  }
0x17: {  	s4 =	simm.s32 $0x1BF5;
	[smem:$0x3FB3] =	sst s0  }
0x18: {  	s0 =	sld [smem:$0x3F96];
	_ =	swait.ge [sflag:s4], $0x0  }
0x19: {  	s7 =	sld [smem:$0x3F97]  }
0x1a: {  	s8 =	sadd.s32 $0xFFFFE003, lr  }
0x1b: {  	s9 =	sadd.s32 $0xFFFFFEF7, lr;
	s5 =	simm.s32 $0xFFFFFFFF;
	p2 =	slt.u32 s8, $0xFFFFF086  }
0x1c: {  	p1 =	slt.u32 s9, $0xF7A;
	s5 =	simm.s32 @!p2 $0x0  }
0x1d: {  	s5 =	simm.s32 @p1 $0x1;
	p0 =	seq.s32 s7, s2  }
0x1e: {  	s7 =	smul.u32 @!p0 $0xF7A, s2;
	p2 =	seq.s32 @!p0 s5, $0x0  }
0x1f: {  	s9 =	smul.u32 $0xF7A, s1;
	s8 =	simm.s32 @!p0 $0x1BF5;
	p2 =	por !p2, p0  }
0x20: {  	[sflag:s8] =	ssyncset.s32 @!p0 $0xFFFFF086;
	s6 =	sadd.s32 @!p0 s3, s7;
	s7 =	simm.s32 @!p0 $0x108  }
0x21: {  	s3 =	sadd.s32 s3, s9;
	s6 =	sadd.s32 @!p0 $0x88, s6;
	s7 =	simm.s32 @p2 $0x1082  }
0x22: {  	[simem:s7], [sflag:s8] =	dma.local @!p0 [hbm:s6], $0xF7A  }
0x23: {  	s9 =	sor.u32 $0xD0000000, s2;
	s6 =	simm.s32 $0x108;
	_ =	swait.ge @!p0 [sflag:s8], $0x0  }
0x24: {  	s3 =	sadd.s32 $0x88, s3;
	s6 =	simm.s32 @!p1 $0x1082;
	[sflag:s4] =	ssyncset.s32 $0xFFFFF086  }
0x25: {  	[simem:s6], [sflag:s4] =	dma.local [hbm:s3], $0xF7A  }
0x26: {  	[smem:$0x3F97] =	sst s1;
	(tag) =	ssettag s2;
	_ =	strace s9  }
0x27: {  	s1 =	sld [smem:$0x3FA7]  }
0x28: {  	s2 =	sld [smem:$0x3FA8]  }
0x29: {  	s4 =	sld [smem:$0x3FAA]  }
0x2a: {  	p0 =	seq.s32 s5, $0x0;
	s5 =	sld [smem:$0x3FAB]  }
0x2b: {  	s6 =	sld [smem:$0x3FAC]  }
0x2c: {  	s7 =	sld [smem:$0x3FAD]  }
0x2d: {  	s3 =	simm.s32 $0x108;
	s8 =	sld [smem:$0x3FAE]  }
0x2e: {  	s3 =	simm.s32 @!p0 $0x1082;
	s9 =	sld [smem:$0x3FAF]  }
0x2f: {  	lr =	sadd.s32 s0, s3;
	s0 =	sld [smem:$0x3FA6]  }
0x30: {  	s3 =	sld [smem:$0x3FA9]  }
0x31: {  	[smem:$0x3FB2] =	sst s10  }
0x32: {  	s10 =	sld [smem:$0x3FB0];
	_ =	sdelay $0x3  }
0x33: {  	p0 =	seq.s32 s10, $0x1;
	s10 =	sld [smem:$0x3FB2];
	_ =	sdelay $0x3  }
0x34: {  	[smem:$0x3FB2] =	sst s10  }
0x35: {  	s10 =	sld [smem:$0x3FB1];
	_ =	sdelay $0x3  }
0x36: {  	p1 =	seq.s32 s10, $0x1;
	s10 =	sld [smem:$0x3FB2];
	_ =	sdelay $0x3  }
0x37: {  	[smem:$0x3FB2] =	sst s10  }
0x38: {  	s10 =	sld [smem:$0x3FB3]  }
0x39: {  	_ = 	snop;
	(pc) =	sbr.ind lr, $3  }
0x3a: {  	_ = 	snop  }
0x3b: {  	_ = 	snop  }
0x3c: {  	p2 =	seq.s32 s10, $0x1;
	s10 =	sld [smem:$0x3FB2]  }
0x3d: {  	_ =	shalt  }
0x3e: {  	_ =	shalt  }
0x3f: {  	_ =	shalt  }
0x40: {  	_ =	shalt  }
0x41: {  	_ =	shalt  }
0x42: {  	_ =	shalt  }
0x43: {  	_ =	shalt  }
0x44: {  	_ =	shalt  }
0x45: {  	_ =	shalt  }
0x46: {  	_ =	shalt  }
0x47: {  	_ =	shalt  }
0x48: {  	_ =	shalt  }
0x49: {  	_ =	shalt  }
0x4a: {  	_ =	shalt  }
0x4b: {  	_ =	shalt  }
0x4c: {  	_ =	shalt  }
0x4d: {  	_ =	shalt  }
0x4e: {  	_ =	shalt  }
0x4f: {  	_ =	shalt  }
0x50: {  	_ =	shalt  }
0x51: {  	_ =	shalt  }
0x52: {  	_ =	shalt  }
0x53: {  	_ =	shalt  }
0x54: {  	_ =	shalt  }
0x55: {  	_ =	shalt  }
0x56: {  	_ =	shalt  }
0x57: {  	_ =	shalt  }
0x58: {  	_ =	shalt  }
0x59: {  	_ =	shalt  }
0x5a: {  	_ =	shalt  }
0x5b: {  	_ =	shalt  }
0x5c: {  	_ =	shalt  }
0x5d: {  	_ =	shalt  }
0x5e: {  	_ =	shalt  }
0x5f: {  	_ =	shalt  }
0x60: {  	_ =	shalt  }
0x61: {  	_ =	shalt  }
0x62: {  	_ =	shalt  }
0x63: {  	_ =	shalt  }
0x64: {  	_ =	shalt  }
0x65: {  	_ =	shalt  }
0x66: {  	_ =	shalt  }
0x67: {  	_ =	shalt  }
0x68: {  	_ =	shalt  }
0x69: {  	_ =	shalt  }
0x6a: {  	_ =	shalt  }
0x6b: {  	_ =	shalt  }
0x6c: {  	_ =	shalt  }
0x6d: {  	_ =	shalt  }
0x6e: {  	_ =	shalt  }
0x6f: {  	_ =	shalt  }
0x70: {  	_ =	shalt  }
0x71: {  	_ =	shalt  }
0x72: {  	_ =	shalt  }
0x73: {  	_ =	shalt  }
0x74: {  	_ =	shalt  }
0x75: {  	_ =	shalt  }
0x76: {  	_ =	shalt  }
0x77: {  	_ =	shalt  }
0x78: {  	_ =	shalt  }
0x79: {  	_ =	shalt  }
0x7a: {  	_ =	shalt  }
0x7b: {  	_ =	shalt  }
0x7c: {  	_ =	shalt  }
0x7d: {  	_ =	shalt  }
0x7e: {  	_ =	shalt  }
0x7f: {  	_ =	shalt  }
0x80: {  	_ =	shalt  }
0x81: {  	_ =	shalt  }
0x82: {  	_ =	shalt  }
0x83: {  	_ =	shalt  }
0x84: {  	_ =	shalt  }
0x85: {  	_ =	shalt  }
0x86: {  	_ =	shalt  }
0x87: {  	_ =	shalt  }
.Lfunc_end0:
.L_simem_size_0:
called_computation.1_lowered:
.L_overlay_start_0:
0x88: {  	s2 =	sld [smem:$0x3FD9]  }
0x89: {  	s3 =	sld [smem:$0x3FFE];
	_ =	sdelay $0x1  }
0x8a: {  	s1 =	srdreg.scid  }
0x8b: {  	s0 =	sand.u32 $0x1, s1  }
0x8c: {  	s17 =	sshll.u32 s0, $0xA;
	s2 =	sadd.s32 s3, s2  }
0x8d: {  	s2 =	sadd.s32 s2, s17  }
0x8e: {  	[smem:$0x3FBE] =	sst s2  }
0x8f: {  	_ = 	snop  }
0x90: {  	s2 =	sld [smem:$0x3FD0];
	(tm) =	ssettm $0x1  }
0x91: {  	s18 =	sld [smem:$0x3FFB];
	_ =	sdelay $0x3  }
0x92: {  	_ =	strace s18  }
0x93: {  	s3 =	sld [smem:$0x3FFC];
	_ =	sdelay $0x3  }
0x94: {  	_ =	strace s3  }
0x95: {  	s3 =	sld [smem:$0x3FFD];
	_ =	sdelay $0x3  }
0x96: {  	_ =	strace s3  }
0x97: {  	_ =	strace $0x8FFFFFFF  }
0x98: {  	s19 =	sld [smem:$0x3FDB];
	_ =	sdelay $0x1  }
0x99: {  	s4 =	simm.s32 $_scs_section_size  }
0x9a: {  	s5 =	simm.s32 $_size__tile_overlayer_lowered;
	s6 =	simm.s32 $_tile_overlayer_lowered  }
0x9b: {  	s22 =	simm.s32 $0x1BFF;
	s21 =	sshll.u32 s6, $0x1;
	s3 =	sadd.s32 s4, s19  }
0x9c: {  	s7 =	simm.s32 $0x0;
	s20 =	sshll.u32 s5, $0x1;
	s5 =	sadd.s32 s21, s3  }
0x9d: {  	[timem:s7], [sflag:s22] =	dma.local [hbm:s5], s20  }
0x9e: {  	_ =	swait.ge [sflag:s22], s20  }
0x9f: {  	s4 =	ssub.s32 $0x0, s20;
	[sflag:s22] =	ssyncset.done $0x0  }
0xa0: {  	[sflag:s22] =	ssyncadd.s32 s4;
	_ =	sdelay $0x1  }
0xa1: {  	s23 =	simm.s32 $0x1B8B  }
0xa2: {  	_ =	swait.ge [sflag:s23], $0x1  }
0xa3: {  	[sflag:s23] =	ssyncset.done $0x0  }
0xa4: {  	s25 =	simm.s32 $0x1B8E;
	s24 =	sld [smem:$0x3FFE];
	[sflag:s23] =	ssyncadd.s32 $0xFFFFFFFF  }
0xa5: {  	s26 =	simm.s32 $execute0_lowered;
	[smem:$0x3FD2] =	sst s25  }
0xa6: {  	s5 =	sshll.u32 s26, $0x1;
	_ =	strace $0x80000049;
	[dreg:$0x1] =	wrdreg $0xFFFFFFFF  }
0xa7: {  	s28 =	simm.s32 $_size_execute0_lowered;
	s3 =	sadd.s32 s3, s5;
	[dreg:$0x0] =	wrdreg $0x0  }
0xa8: {  	s5 =	sshll.u32 s28, $0x1;
	[dreg:$0x2] =	wrdreg s3  }
0xa9: {  	[dreg:$0x3] =	wrdreg s5  }
0xaa: {  	[dreg:$0x4] =	wrdreg $0xC0  }
0xab: {  	_ =	task [dreg:s7], $0x5FFFF  }
0xac: {  	[dreg:$0x1] =	wrdreg $0xFFFFFFFF  }
0xad: {  	[dreg:$0x0] =	wrdreg $0x60  }
0xae: {  	[dreg:$0x2] =	wrdreg s2  }
0xaf: {  	[dreg:$0x3] =	wrdreg s24  }
0xb0: {  	[dreg:$0x4] =	wrdreg $0x0  }
0xb1: {  	[dreg:$0x5] =	wrdreg $0x27200  }
0xb2: {  	[dreg:$0x6] =	wrdreg $0x9  }
0xb3: {  	_ =	task.clear_ibuf [dreg:s7], $0x7FFFF;
	_ =	strace $0x90000049  }
0xb4: {  	s29 =	simm.s32 $0x9;
	_ =	strace $0x8000004B  }
0xb5: {  	_ =	swait.ge [sflag:s29], $0x1  }
0xb6: {  	[sflag:s29] =	ssyncadd.s32 $0xFFFFFFFF  }
0xb7: {  	_ =	strace $0x9000004B  }
0xb8: {  	_ =	sfence  }
0xb9: {  	s30 =	sld [smem:$0x0];
	_ =	sdelay $0x2  }
0xba: {  	s31 =	sshll.u32 s1, $0xD;
	s1 =	sshrl.u32 s1, $0x2  }
0xbb: {  	s3 =	sand.u32 $0x4000, s31;
	s1 =	sadd.s32 s1, s30  }
0xbc: {  	s0 =	sor.u32 s3, s0;
	s1 =	sshll.u32 s1, $0x11  }
0xbd: {  	s0 =	sor.u32 s1, s0  }
0xbe: {  	s0 =	sadd.s32 $0x8F2B, s0  }
0xbf: {  	[sflag:s0] =	ssyncadd.remote.s32 $0x1  }
0xc0: {  	_ =	sfence.sel $0xFFFF  }
0xc1: {  	[dreg:$0x0] =	wrdreg $0xFFFFFFFF;
	(pc) =	sbr.abs _section_cstart, $3  }
0xc2: {  	[dreg:$0x1] =	wrdreg $0xFFFFFFFF  }
0xc3: {  	_ =	task.clear_ibuf [dreg:s7], $0x2FFFF;
	_ =	strace $0x9FFFFFFF  }
0xc4: {  	(tm) =	ssettm $0x7FFFFFFF  }
0xc5: {  	_ =	shalt  }
tec
execute0_lowered:
.L_overlay_start_1:
0x0: {  	(tag) =	ssettag $0x1  }
0x1: {  	s1 =	rddreg [dreg:$0x0]  }
0x2: {  	s0 =	rddreg [dreg:$0x1]  }
0x3: {  	s2 =	rddreg [dreg:$0x2]  }
0x4: {  	s3 =	rddreg [dreg:$0x3];
	s5 =	simm.s32 $0x0  }
0x5: {  	s4 =	srdreg.scid;
	s14 =	stileid.u32;
	s29 =	simm.s32 $0x4F40  }
0x6: {  	s28 =	simm.s32 $0x2;
	s31 =	simm.s32 $0x6;
	[smem:$0x7FF] =	sst s5  }
0x7: {  	s4 =	sand.u32 $0x1, s4;
	s10 =	smul.u32 $0x1390, s14;
	s8 =	sadd.s32 $0xF4C00, s0  }
0x8: {  	s15 =	sadd.s32 $0x91000, s0;
	s17 =	sshll.u32 s14, $0x6;
	_ =	strace $0x8000004A  }
0x9: {  	s11 =	smul.u32 $0x27200, s4;
	s12 =	sshll.u32 s4, $0x4;
	s4 =	ssub.s32 $0x2, s4  }
0xa: {  	[dreg:$0x5] =	wrdreg s15;
	s15 =	sor.u32 $0x1C09, s17;
	s12 =	sor.u32 s14, s12  }
0xb: {  	s13 =	sshrl.u32 s4, $0x1;
	s16 =	sadd.s32 s10, s2;
	s12 =	smul.u32 $0x2800, s12  }
0xc: {  	[dreg:$0x7] =	wrdreg s15;
	s11 =	sadd.s32 s10, s11;
	s4 =	ssub.s32 s4, s13  }
0xd: {  	[dreg:$0x6] =	wrdreg s16;
	s10 =	sadd.s32 s10, s3;
	s13 =	sshrl.u32 s12, $0x3  }
0xe: {  	s9 =	sadd.s32 $0xEAA00, s0;
	[dreg:$0x8] =	wrdreg s10;
	s14 =	sadd.s32 s8, s13  }
0xf: {  	s18 =	sor.u32 $0x10, s13;
	s16 =	sadd.s32 s9, s13;
	[dreg:$0x13] =	wrdreg s14  }
0x10: {  	s6 =	sadd.s32 $0x96400, s0;
	s19 =	sadd.s32 s8, s18;
	[dreg:$0x14] =	wrdreg s16  }
0x11: {  	s20 =	sor.u32 $0x20, s13;
	s10 =	sadd.s32 s9, s18;
	[dreg:$0x9] =	wrdreg s19  }
0x12: {  	s22 =	sor.u32 $0x30, s13;
	s21 =	sadd.s32 s8, s20;
	[dreg:$0xa] =	wrdreg s10  }
0x13: {  	s24 =	sor.u32 $0x40, s13;
	s23 =	sadd.s32 s8, s22;
	[dreg:$0xb] =	wrdreg s21  }
0x14: {  	s26 =	sor.u32 $0x50, s13;
	s25 =	sadd.s32 s8, s24;
	[dreg:$0xd] =	wrdreg s23  }
0x15: {  	s7 =	sadd.s32 $0x91400, s0;
	s30 =	sadd.s32 s8, s26;
	[dreg:$0xf] =	wrdreg s25  }
0x16: {  	s17 =	sor.u32 $0x60, s13;
	s10 =	sadd.s32 s9, s20;
	[dreg:$0x11] =	wrdreg s30  }
0x17: {  	s18 =	sor.u32 $0x70, s13;
	s19 =	sadd.s32 s8, s17;
	[dreg:$0xc] =	wrdreg s10  }
0x18: {  	s11 =	sshrl.u32 s11, $0x3;
	s20 =	sadd.s32 s8, s18;
	[dreg:$0x15] =	wrdreg s19  }
0x19: {  	s0 =	sadd.s32 s11, s0;
	s21 =	sadd.s32 s9, s18;
	[dreg:$0x17] =	wrdreg s20  }
0x1a: {  	s16 =	simm.s32 $0x9;
	s23 =	sor.u32 $0x280, s12;
	[dreg:$0x18] =	wrdreg s21  }
0x1b: {  	s14 =	simm.s32 $0x3;
	s25 =	sor.u32 $0x380, s12;
	[dreg:$0x1a] =	wrdreg s23  }
0x1c: {  	s13 =	simm.s32 $0x0;
	s30 =	smax.u32 s4, $0x1;
	[dreg:$0x1c] =	wrdreg s25  }
0x1d: {  	s4 =	simm.s32 $0x8;
	s10 =	sadd.s32 s9, s22;
	[dreg:$0x1f] =	wrdreg s30  }
0x1e: {  	s22 =	sor.u32 $0x200, s12;
	s19 =	simm.s32 $0x80;
	[dreg:$0xe] =	wrdreg s10  }
0x1f: {  	s23 =	simm.s32 $0x4EC0;
	s10 =	sadd.s32 s9, s24;
	[dreg:$0x19] =	wrdreg s22  }
0x20: {  	s25 =	simm.s32 $0x1;
	s24 =	sor.u32 $0x300, s12;
	[dreg:$0x10] =	wrdreg s10  }
0x21: {  	s20 =	simm.s32 $0x4;
	s10 =	sadd.s32 s9, s26;
	[dreg:$0x1b] =	wrdreg s24  }
0x22: {  	s12 =	simm.s32 $0x51C0;
	s26 =	sadd.s32 $0xA5200, s0;
	[dreg:$0x12] =	wrdreg s10  }
0x23: {  	s22 =	simm.s32 $0x5;
	s0 =	sadd.s32 $0x9B400, s0;
	[dreg:$0x1d] =	wrdreg s26  }
0x24: {  	s10 =	sadd.s32 s9, s17;
	[dreg:$0x1e] =	wrdreg s0;
	s17 =	simm.s32 $0x4E40  }
0x25: {  	vm0 =	vmmov $0x1;
	v0 =	vimm.s32 $0x0;
	s0 =	simm.s32 $0x7;
	[dreg:$0x16] =	wrdreg s10;
	s10 =	simm.s32 $0x4FC0  }
.LBB2_1:
0x26: {  	[smem:$0x7FB] =	sst s13  }
0x27: {  	s11 =	rddreg [dreg:$0x6]  }
0x28: {  	s26 =	rddreg [dreg:$0x5];
	s24 =	sshrl.u32 s11, $0x3  }
0x29: {  	[smem:$0x7FC] =	sst s24  }
0x2a: {  	[spmem:s24], [sflag:s15] =	dma.local [hbm:s26], $0x272  }
0x2b: {  	_ =	swait.ge [sflag:s16], $0x272  }
0x2c: {  	s30 =	rddreg [dreg:$0x8]  }
0x2d: {  	[sflag:s16] =	ssyncset.done $0x0;
	s13 =	sshrl.u32 s30, $0x3  }
0x2e: {  	[sflag:s16] =	ssyncadd.s32 $0xFFFFFD8E;
	[smem:$0x7FD] =	sst s13  }
0x2f: {  	[spmem:s13], [sflag:s15] =	dma.local [hbm:s26], $0x272  }
0x30: {  	_ =	swait.ge [sflag:s16], $0x272  }
0x31: {  	[sflag:s16] =	ssyncset.done $0x0  }
0x32: {  	[sflag:s16] =	ssyncadd.s32 $0xFFFFFD8E  }
0x33: {  	[bflag:$0x0] =	sbarrier.arrive $0xFFFF  }
0x34: {  	s18 =	rddreg [dreg:$0x13]  }
0x35: {  	[tilespmem:s17], [sflag:$0x9] =	stream.linear.gather [hbm4b:s18+s5], $0x80, $0x38;
	[tilespmem:$0xF440] =	vst v63  }
0x36: {  	_ =	swait.ge [sflag:s16], $0x80  }
0x37: {  	[sflag:s16] =	ssyncset.done $0x0  }
0x38: {  	s24 =	simm.s32 $0x5040;
	s21 =	rddreg [dreg:$0x14];
	[sflag:s16] =	ssyncadd.s32 $0xFFFFFF80  }
0x39: {  	[tilespmem:s24], [sflag:$0x9] =	stream.linear.gather [hbm4b:s21+s5], $0x80, $0x38;
	[tilespmem:$0xF440] =	vst v63  }
0x3a: {  	_ =	swait.ge [sflag:s16], $0x80  }
0x3b: {  	[sflag:s16] =	ssyncset.done $0x0  }
0x3c: {  	s26 =	simm.s32 $0x5440;
	[sflag:s16] =	ssyncadd.s32 $0xFFFFFF80  }
0x3d: {  	[tilespmem:s26], [sflag:$0x1] =	stream.indirect.gather [hbm4b:s1+s19], $0x10, s17, s19, $0xb8;
	[tilespmem:$0xF440] =	vst v63  }
0x3e: {  	s30 =	simm.s32 $0x7440  }
0x3f: {  	[tilespmem:s30], [sflag:$0x1] =	stream.indirect.gather [hbm4b:s6+s19], $0x10, s17, s19, $0xb8;
	[tilespmem:$0xF440] =	vst v63  }
0x40: {  	s15 =	simm.s32 $0x9440  }
0x41: {  	[tilespmem:s15], [sflag:$0x1] =	stream.indirect.gather [hbm4b:s7+s19], $0x10, s24, s19, $0xb8;
	[tilespmem:$0xF440] =	vst v63  }
0x42: {  	s18 =	rddreg [dreg:$0x9]  }
0x43: {  	[tilespmem:s23], [sflag:$0x9] =	stream.linear.gather [hbm4b:s18+s5], $0x80, $0x38;
	[tilespmem:$0xF440] =	vst v63  }
0x44: {  	_ =	swait.ge [sflag:s16], $0x80  }
0x45: {  	[sflag:s16] =	ssyncset.done $0x0  }
0x46: {  	s24 =	simm.s32 $0x50C0;
	s21 =	rddreg [dreg:$0xa];
	[sflag:s16] =	ssyncadd.s32 $0xFFFFFF80  }
0x47: {  	[tilespmem:s24], [sflag:$0x9] =	stream.linear.gather [hbm4b:s21+s5], $0x80, $0x38;
	[tilespmem:$0xF440] =	vst v63  }
0x48: {  	_ =	swait.ge [sflag:s16], $0x80  }
0x49: {  	[sflag:s16] =	ssyncset.done $0x0  }
0x4a: {  	s26 =	simm.s32 $0x5C40;
	[sflag:s16] =	ssyncadd.s32 $0xFFFFFF80  }
0x4b: {  	[tilespmem:s26], [sflag:$0x2] =	stream.indirect.gather [hbm4b:s1+s19], $0x10, s23, s19, $0xb8;
	[tilespmem:$0xF440] =	vst v63  }
0x4c: {  	s30 =	simm.s32 $0x7C40  }
0x4d: {  	[tilespmem:s30], [sflag:$0x2] =	stream.indirect.gather [hbm4b:s6+s19], $0x10, s23, s19, $0xb8;
	[tilespmem:$0xF440] =	vst v63  }
0x4e: {  	s15 =	simm.s32 $0x9C40  }
0x4f: {  	[tilespmem:s15], [sflag:$0x2] =	stream.indirect.gather [hbm4b:s7+s19], $0x10, s24, s19, $0xb8;
	[tilespmem:$0xF440] =	vst v63  }
0x50: {  	s18 =	rddreg [dreg:$0xb]  }
0x51: {  	[tilespmem:s29], [sflag:$0x9] =	stream.linear.gather [hbm4b:s18+s5], $0x80, $0x38;
	[tilespmem:$0xF440] =	vst v63  }
0x52: {  	_ =	swait.ge [sflag:s16], $0x80  }
0x53: {  	[sflag:s16] =	ssyncset.done $0x0  }
0x54: {  	s24 =	simm.s32 $0x5140;
	s21 =	rddreg [dreg:$0xc];
	[sflag:s16] =	ssyncadd.s32 $0xFFFFFF80  }
0x55: {  	[tilespmem:s24], [sflag:$0x9] =	stream.linear.gather [hbm4b:s21+s5], $0x80, $0x38;
	[tilespmem:$0xF440] =	vst v63  }
0x56: {  	_ =	swait.ge [sflag:s16], $0x80  }
0x57: {  	[sflag:s16] =	ssyncset.done $0x0  }
0x58: {  	s26 =	simm.s32 $0x6440;
	[sflag:s16] =	ssyncadd.s32 $0xFFFFFF80  }
0x59: {  	[tilespmem:s26], [sflag:$0x3] =	stream.indirect.gather [hbm4b:s1+s19], $0x10, s29, s19, $0xb8;
	[tilespmem:$0xF440] =	vst v63  }
0x5a: {  	s30 =	simm.s32 $0x8440  }
0x5b: {  	[tilespmem:s30], [sflag:$0x3] =	stream.indirect.gather [hbm4b:s6+s19], $0x10, s29, s19, $0xb8;
	[tilespmem:$0xF440] =	vst v63  }
0x5c: {  	s15 =	simm.s32 $0xA440  }
0x5d: {  	[tilespmem:s15], [sflag:$0x3] =	stream.indirect.gather [hbm4b:s7+s19], $0x10, s24, s19, $0xb8;
	[tilespmem:$0xF440] =	vst v63  }
0x5e: {  	s18 =	rddreg [dreg:$0xd]  }
0x5f: {  	[tilespmem:s10], [sflag:$0x9] =	stream.linear.gather [hbm4b:s18+s5], $0x80, $0x38;
	[tilespmem:$0xF440] =	vst v63  }
0x60: {  	_ =	swait.ge [sflag:s16], $0x80  }
0x61: {  	[sflag:s16] =	ssyncset.done $0x0  }
0x62: {  	s21 =	rddreg [dreg:$0xe];
	[sflag:s16] =	ssyncadd.s32 $0xFFFFFF80  }
0x63: {  	[tilespmem:s12], [sflag:$0x9] =	stream.linear.gather [hbm4b:s21+s5], $0x80, $0x38;
	[tilespmem:$0xF440] =	vst v63  }
0x64: {  	_ =	swait.ge [sflag:s16], $0x80  }
0x65: {  	[sflag:s16] =	ssyncset.done $0x0  }
0x66: {  	s24 =	simm.s32 $0x6C40;
	[sflag:s16] =	ssyncadd.s32 $0xFFFFFF80  }
0x67: {  	[tilespmem:s24], [sflag:$0x4] =	stream.indirect.gather [hbm4b:s1+s19], $0x10, s10, s19, $0xb8;
	[tilespmem:$0xF440] =	vst v63  }
0x68: {  	s26 =	simm.s32 $0x8C40  }
0x69: {  	[tilespmem:s26], [sflag:$0x4] =	stream.indirect.gather [hbm4b:s6+s19], $0x10, s10, s19, $0xb8;
	[tilespmem:$0xF440] =	vst v63  }
0x6a: {  	s30 =	simm.s32 $0xAC40  }
0x6b: {  	[tilespmem:s30], [sflag:$0x4] =	stream.indirect.gather [hbm4b:s7+s19], $0x10, s12, s19, $0xb8;
	[tilespmem:$0xF440] =	vst v63  }
0x6c: {  	_ =	swait.ge [sflag:s25], $0x800  }
0x6d: {  	[sflag:s25] =	ssyncset.done $0x0  }
0x6e: {  	[sflag:s25] =	ssyncadd.s32 $0xFFFFF800  }
0x6f: {  	_ =	swait.ge [sflag:s25], $0x800  }
0x70: {  	[sflag:s25] =	ssyncset.done $0x0  }
0x71: {  	[sflag:s25] =	ssyncadd.s32 $0xFFFFF800  }
0x72: {  	_ =	swait.ge [sflag:s25], $0x800  }
0x73: {  	[sflag:s25] =	ssyncset.done $0x0  }
0x74: {  	s15 =	simm.s32 $0x0;
	[sflag:s25] =	ssyncadd.s32 $0xFFFFF800  }
0x75: {  	v1 =	vld [tilespmem:s15+$0x7440]  }
0x76: {  	v2 =	vld [tilespmem:s15+$0x9440];
	_ =	sdelay $0x4  }
0x77: {  	s13 =	simm.s32 $0x10;
	v1 =	vadd.f32 v2, v1  }
0x78: {  	v3 =	vld [tilespmem:s13+$0x7440]  }
0x79: {  	v4 =	vld [tilespmem:s13+$0x9440];
	v2 =	vmul.f32 $2.000000030e-01, v1  }
0x7a: {  	vm1 =	vgt.f32 v1, $0.0e+00  }
0x7b: {  	v1 =	vsel vm1, v1, v2  }
0x7c: {  	v1 =	vmul.f32 $1.442695020e+00, v1  }
0x7d: {  	s11 =	simm.s32 $0x20  }
0x7e: {  	v5 =	vld [tilespmem:s11+$0x9440];
	(erf) = vpow2.f32 v1;
	v1 =	vadd.f32 v4, v3  }
0x7f: {  	v2 =	vld [tilespmem:s11+$0x7440]  }
0x80: {  	v3 =	vmul.f32 $2.000000030e-01, v1  }
0x81: {  	vm1 =	vgt.f32 v1, $0.0e+00  }
0x82: {  	v1 =	vsel vm1, v1, v3  }
0x83: {  	s21 =	simm.s32 $0x30;
	v1 =	vmul.f32 $1.442695020e+00, v1  }
0x84: {  	v4 =	vadd.f32 v5, v2;
	v2 =	vld [tilespmem:s21+$0x7440]  }
0x85: {  	v3 =	vld [tilespmem:s21+$0x9440];
	(erf) = vpow2.f32 v1  }
0x86: {  	v5 =	vmul.f32 $2.000000030e-01, v4  }
0x87: {  	vm1 =	vgt.f32 v4, $0.0e+00;
	v1 =	vld [tilespmem:s15+$0x5440]  }
0x88: {  	s18 =	simm.s32 $0x100;
	v5 =	vsel vm1, v4, v5;
	v4 =	vpop (erf)  }
.LBB2_2:
0x89: {  	v5 =	vmul.f32 $1.442695020e+00, v5;
	v4 =	vnsel vm0, $0x0, v4;
	s24 =	smov.u32 s21;
	s21 =	sshra.s32 s18, $0x2;
	p0 =	sne.s32 s18, $0x1FC0  }
.Ltmp0:
0x8a: {  	s18 =	sadd.s32 $0x40, s18;
	v6 =	vadd.f32 v3, v2;
	v2 =	vld [tilespmem:s21+$0x7440];
	[tilespmem:s15+$0xB440] =	vst v4;
	v4 =	vperm.xlane v4, v0;
	(pc) =	sbr.rel @p0 .LBB2_2-.Ltmp0, $4  }
0x8b: {  	v3 =	vld [tilespmem:s21+$0x9440];
	(erf) = vpow2.f32 v5  }
0x8c: {  	v5 =	vmul.f32 $2.000000030e-01, v6;
	v7 =	vmul.f32 v1, v4  }
0x8d: {  	vm1 =	vgt.f32 v6, $0.0e+00;
	v1 =	vld [tilespmem:s13+$0x5440]  }
0x8e: {  	v5 =	vsel vm1, v6, v5;
	v4 =	vpop (erf);
	[tilespmem:s15+$0xD440] =	vst v7;
	s15 =	smov.u32 s13;
	s13 =	smov.u32 s11;
	s11 =	smov.u32 s24  }
0x8f: {  	_ = 	snop  }
0x90: {  	v2 =	vadd.f32 v3, v2  }
0x91: {  	v3 =	vmul.f32 $1.442695020e+00, v5  }
0x92: {  	v5 =	vmul.f32 $2.000000030e-01, v2  }
0x93: {  	(erf) = vpow2.f32 v3;
	vm1 =	vgt.f32 v2, $0.0e+00  }
0x94: {  	v3 =	vnsel vm0, $0x0, v4;
	v2 =	vsel vm1, v2, v5  }
0x95: {  	[tilespmem:s15+$0xB440] =	vst v3;
	v2 =	vmul.f32 $1.442695020e+00, v2  }
0x96: {  	v3 =	vperm.xlane v3, v0;
	v4 =	vld [tilespmem:s13+$0x5440];
	v5 =	vpop (erf)  }
0x97: {  	(erf) = vpow2.f32 v2;
	v2 =	vnsel vm0, $0x0, v5  }
0x98: {  	v1 =	vmul.f32 v1, v3;
	v3 =	vperm.xlane v2, v0;
	_ =	sdelay $0x2  }
0x99: {  	[tilespmem:s15+$0xD440] =	vst v1;
	v1 =	vmul.f32 v4, v3  }
0x9a: {  	[tilespmem:s13+$0xB440] =	vst v2;
	v3 =	vpop (erf)  }
0x9b: {  	v2 =	vld [tilespmem:s11+$0x5440];
	[tilespmem:s13+$0xD440] =	vst v1;
	v1 =	vnsel vm0, $0x0, v3  }
0x9c: {  	[tilespmem:s11+$0xB440] =	vst v1  }
0x9d: {  	v3 =	vld [tilespmem:s21+$0x5440]  }
0x9e: {  	v1 =	vperm.xlane v1, v0;
	v4 =	vpop (erf)  }
0x9f: {  	v4 =	vnsel vm0, $0x0, v4  }
0xa0: {  	v1 =	vmul.f32 v2, v1;
	v2 =	vperm.xlane v4, v0;
	_ =	sdelay $0x1  }
0xa1: {  	[tilespmem:s11+$0xD440] =	vst v1;
	v1 =	vmul.f32 v3, v2  }
0xa2: {  	[tilespmem:s21+$0xB440] =	vst v4  }
0xa3: {  	[tilespmem:s21+$0xD440] =	vst v1  }
0xa4: {  	v1 =	vld [tilespmem:$0x5040]  }
0xa5: {  	v2 =	vld [tilespmem:$0x5050]  }
0xa6: {  	v3 =	vld [tilespmem:$0x5060]  }
0xa7: {  	v4 =	vld [tilespmem:$0x5070]  }
0xa8: {  	v5 =	vld [tilespmem:$0x5080]  }
0xa9: {  	[tilespmem:$0x5240] =	vst v1;
	v1 =	vld [tilespmem:$0x5090]  }
0xaa: {  	[tilespmem:$0x5250] =	vst v2;
	v2 =	vld [tilespmem:$0x50A0]  }
0xab: {  	[tilespmem:$0x5260] =	vst v3;
	v3 =	vld [tilespmem:$0x50B0]  }
0xac: {  	[tilespmem:$0x5270] =	vst v4  }
0xad: {  	[tilespmem:$0x5280] =	vst v5  }
0xae: {  	[tilespmem:$0x5290] =	vst v1  }
0xaf: {  	[tilespmem:$0x52A0] =	vst v2  }
0xb0: {  	s24 =	simm.s32 $0xD440;
	s21 =	simm.s32 $0x5240;
	[tilespmem:$0x52B0] =	vst v3  }
0xb1: {  	[spmem:s2] =	stream.indirect.scatter.add.f32 [tilespmem:s24], [sflag:$0x5], $0x10, s21, s19, $0xb8;
	[tilespmem:$0xF440] =	vst v63  }
0xb2: {  	s26 =	simm.s32 $0xB440  }
0xb3: {  	[spmem:s3] =	stream.indirect.scatter.add.f32 [tilespmem:s26], [sflag:$0x5], $0x10, s21, s19, $0xb8;
	[tilespmem:$0xF440] =	vst v63  }
0xb4: {  	s30 =	simm.s32 $0x0;
	s15 =	rddreg [dreg:$0xf]  }
0xb5: {  	[tilespmem:s17], [sflag:$0x9] =	stream.linear.gather [hbm4b:s15+s30], $0x80, $0x38;
	[tilespmem:$0xF440] =	vst v63  }
0xb6: {  	_ =	swait.ge [sflag:s16], $0x80  }
0xb7: {  	[sflag:s16] =	ssyncset.done $0x0  }
0xb8: {  	s21 =	simm.s32 $0x5040;
	s18 =	rddreg [dreg:$0x10];
	[sflag:s16] =	ssyncadd.s32 $0xFFFFFF80  }
0xb9: {  	[tilespmem:s21], [sflag:$0x9] =	stream.linear.gather [hbm4b:s18+s30], $0x80, $0x38;
	[tilespmem:$0xF440] =	vst v63  }
0xba: {  	_ =	swait.ge [sflag:s16], $0x80  }
0xbb: {  	[sflag:s16] =	ssyncset.done $0x0  }
0xbc: {  	s24 =	simm.s32 $0x5440;
	[sflag:s16] =	ssyncadd.s32 $0xFFFFFF80  }
0xbd: {  	[tilespmem:s24], [sflag:$0x1] =	stream.indirect.gather [hbm4b:s1+s19], $0x10, s17, s19, $0xb8;
	[tilespmem:$0xF440] =	vst v63  }
0xbe: {  	s26 =	simm.s32 $0x7440  }
0xbf: {  	[tilespmem:s26], [sflag:$0x1] =	stream.indirect.gather [hbm4b:s6+s19], $0x10, s17, s19, $0xb8;
	[tilespmem:$0xF440] =	vst v63  }
0xc0: {  	s30 =	simm.s32 $0x9440  }
0xc1: {  	[tilespmem:s30], [sflag:$0x1] =	stream.indirect.gather [hbm4b:s7+s19], $0x10, s21, s19, $0xb8;
	[tilespmem:$0xF440] =	vst v63  }
0xc2: {  	_ =	swait.ge [sflag:s28], $0x800  }
0xc3: {  	[sflag:s28] =	ssyncset.done $0x0  }
0xc4: {  	[sflag:s28] =	ssyncadd.s32 $0xFFFFF800  }
0xc5: {  	_ =	swait.ge [sflag:s28], $0x800  }
0xc6: {  	[sflag:s28] =	ssyncset.done $0x0  }
0xc7: {  	[sflag:s28] =	ssyncadd.s32 $0xFFFFF800  }
0xc8: {  	_ =	swait.ge [sflag:s28], $0x800  }
0xc9: {  	[sflag:s28] =	ssyncset.done $0x0  }
0xca: {  	s15 =	simm.s32 $0x0;
	[sflag:s28] =	ssyncadd.s32 $0xFFFFF800  }
0xcb: {  	v1 =	vld [tilespmem:s15+$0x7C40]  }
0xcc: {  	v2 =	vld [tilespmem:s15+$0x9C40];
	_ =	sdelay $0x4  }
0xcd: {  	s13 =	simm.s32 $0x10;
	v1 =	vadd.f32 v2, v1  }
0xce: {  	v3 =	vld [tilespmem:s13+$0x7C40]  }
0xcf: {  	v4 =	vld [tilespmem:s13+$0x9C40];
	v2 =	vmul.f32 $2.000000030e-01, v1  }
0xd0: {  	vm1 =	vgt.f32 v1, $0.0e+00  }
0xd1: {  	v1 =	vsel vm1, v1, v2  }
0xd2: {  	v1 =	vmul.f32 $1.442695020e+00, v1  }
0xd3: {  	s11 =	simm.s32 $0x20  }
0xd4: {  	v5 =	vld [tilespmem:s11+$0x9C40];
	(erf) = vpow2.f32 v1;
	v1 =	vadd.f32 v4, v3  }
0xd5: {  	v2 =	vld [tilespmem:s11+$0x7C40]  }
0xd6: {  	v3 =	vmul.f32 $2.000000030e-01, v1  }
0xd7: {  	vm1 =	vgt.f32 v1, $0.0e+00  }
0xd8: {  	v1 =	vsel vm1, v1, v3  }
0xd9: {  	s21 =	simm.s32 $0x30;
	v1 =	vmul.f32 $1.442695020e+00, v1  }
0xda: {  	v4 =	vadd.f32 v5, v2;
	v2 =	vld [tilespmem:s21+$0x7C40]  }
0xdb: {  	v3 =	vld [tilespmem:s21+$0x9C40];
	(erf) = vpow2.f32 v1  }
0xdc: {  	v5 =	vmul.f32 $2.000000030e-01, v4  }
0xdd: {  	vm1 =	vgt.f32 v4, $0.0e+00;
	v1 =	vld [tilespmem:s15+$0x5C40]  }
0xde: {  	s18 =	simm.s32 $0x100;
	v5 =	vsel vm1, v4, v5;
	v4 =	vpop (erf)  }
.LBB2_4:
0xdf: {  	v5 =	vmul.f32 $1.442695020e+00, v5;
	v4 =	vnsel vm0, $0x0, v4;
	s24 =	smov.u32 s21;
	s21 =	sshra.s32 s18, $0x2;
	p0 =	sne.s32 s18, $0x1FC0  }
.Ltmp1:
0xe0: {  	s18 =	sadd.s32 $0x40, s18;
	v6 =	vadd.f32 v3, v2;
	v2 =	vld [tilespmem:s21+$0x7C40];
	[tilespmem:s15+$0xBC40] =	vst v4;
	v4 =	vperm.xlane v4, v0;
	(pc) =	sbr.rel @p0 .LBB2_4-.Ltmp1, $4  }
0xe1: {  	v3 =	vld [tilespmem:s21+$0x9C40];
	(erf) = vpow2.f32 v5  }
0xe2: {  	v5 =	vmul.f32 $2.000000030e-01, v6;
	v7 =	vmul.f32 v1, v4  }
0xe3: {  	vm1 =	vgt.f32 v6, $0.0e+00;
	v1 =	vld [tilespmem:s13+$0x5C40]  }
0xe4: {  	v5 =	vsel vm1, v6, v5;
	v4 =	vpop (erf);
	[tilespmem:s15+$0xDC40] =	vst v7;
	s15 =	smov.u32 s13;
	s13 =	smov.u32 s11;
	s11 =	smov.u32 s24  }
0xe5: {  	_ = 	snop  }
0xe6: {  	v2 =	vadd.f32 v3, v2  }
0xe7: {  	v3 =	vmul.f32 $1.442695020e+00, v5  }
0xe8: {  	v5 =	vmul.f32 $2.000000030e-01, v2  }
0xe9: {  	(erf) = vpow2.f32 v3;
	vm1 =	vgt.f32 v2, $0.0e+00  }
0xea: {  	v3 =	vnsel vm0, $0x0, v4;
	v2 =	vsel vm1, v2, v5  }
0xeb: {  	[tilespmem:s15+$0xBC40] =	vst v3;
	v2 =	vmul.f32 $1.442695020e+00, v2  }
0xec: {  	v3 =	vperm.xlane v3, v0;
	v4 =	vld [tilespmem:s13+$0x5C40];
	v5 =	vpop (erf)  }
0xed: {  	(erf) = vpow2.f32 v2;
	v2 =	vnsel vm0, $0x0, v5  }
0xee: {  	v1 =	vmul.f32 v1, v3;
	v3 =	vperm.xlane v2, v0;
	_ =	sdelay $0x2  }
0xef: {  	[tilespmem:s15+$0xDC40] =	vst v1;
	v1 =	vmul.f32 v4, v3  }
0xf0: {  	[tilespmem:s13+$0xBC40] =	vst v2;
	v3 =	vpop (erf)  }
0xf1: {  	v2 =	vld [tilespmem:s11+$0x5C40];
	[tilespmem:s13+$0xDC40] =	vst v1;
	v1 =	vnsel vm0, $0x0, v3  }
0xf2: {  	[tilespmem:s11+$0xBC40] =	vst v1  }
0xf3: {  	v3 =	vld [tilespmem:s21+$0x5C40]  }
0xf4: {  	v1 =	vperm.xlane v1, v0;
	v4 =	vpop (erf)  }
0xf5: {  	v4 =	vnsel vm0, $0x0, v4  }
0xf6: {  	v1 =	vmul.f32 v2, v1;
	v2 =	vperm.xlane v4, v0;
	_ =	sdelay $0x1  }
0xf7: {  	[tilespmem:s11+$0xDC40] =	vst v1;
	v1 =	vmul.f32 v3, v2  }
0xf8: {  	[tilespmem:s21+$0xBC40] =	vst v4  }
0xf9: {  	[tilespmem:s21+$0xDC40] =	vst v1  }
0xfa: {  	v1 =	vld [tilespmem:$0x50C0]  }
0xfb: {  	v2 =	vld [tilespmem:$0x50D0]  }
0xfc: {  	v3 =	vld [tilespmem:$0x50E0]  }
0xfd: {  	v4 =	vld [tilespmem:$0x50F0]  }
0xfe: {  	v5 =	vld [tilespmem:$0x5100]  }
0xff: {  	[tilespmem:$0x52C0] =	vst v1;
	v1 =	vld [tilespmem:$0x5110]  }
0x100: {  	[tilespmem:$0x52D0] =	vst v2;
	v2 =	vld [tilespmem:$0x5120]  }
0x101: {  	[tilespmem:$0x52E0] =	vst v3;
	v3 =	vld [tilespmem:$0x5130]  }
0x102: {  	[tilespmem:$0x52F0] =	vst v4  }
0x103: {  	[tilespmem:$0x5300] =	vst v5  }
0x104: {  	[tilespmem:$0x5310] =	vst v1  }
0x105: {  	[tilespmem:$0x5320] =	vst v2  }
0x106: {  	s24 =	simm.s32 $0xDC40;
	s21 =	simm.s32 $0x52C0;
	[tilespmem:$0x5330] =	vst v3  }
0x107: {  	[spmem:s2] =	stream.indirect.scatter.add.f32 [tilespmem:s24], [sflag:$0x6], $0x10, s21, s19, $0xb8;
	[tilespmem:$0xF440] =	vst v63  }
0x108: {  	s26 =	simm.s32 $0xBC40  }
0x109: {  	[spmem:s3] =	stream.indirect.scatter.add.f32 [tilespmem:s26], [sflag:$0x6], $0x10, s21, s19, $0xb8;
	[tilespmem:$0xF440] =	vst v63  }
0x10a: {  	s30 =	simm.s32 $0x0;
	s15 =	rddreg [dreg:$0x11]  }
0x10b: {  	[tilespmem:s23], [sflag:$0x9] =	stream.linear.gather [hbm4b:s15+s30], $0x80, $0x38;
	[tilespmem:$0xF440] =	vst v63  }
0x10c: {  	_ =	swait.ge [sflag:s16], $0x80  }
0x10d: {  	[sflag:s16] =	ssyncset.done $0x0  }
0x10e: {  	s21 =	simm.s32 $0x50C0;
	s18 =	rddreg [dreg:$0x12];
	[sflag:s16] =	ssyncadd.s32 $0xFFFFFF80  }
0x10f: {  	[tilespmem:s21], [sflag:$0x9] =	stream.linear.gather [hbm4b:s18+s30], $0x80, $0x38;
	[tilespmem:$0xF440] =	vst v63  }
0x110: {  	_ =	swait.ge [sflag:s16], $0x80  }
0x111: {  	[sflag:s16] =	ssyncset.done $0x0  }
0x112: {  	s24 =	simm.s32 $0x5C40;
	[sflag:s16] =	ssyncadd.s32 $0xFFFFFF80  }
0x113: {  	[tilespmem:s24], [sflag:$0x2] =	stream.indirect.gather [hbm4b:s1+s19], $0x10, s23, s19, $0xb8;
	[tilespmem:$0xF440] =	vst v63  }
0x114: {  	s26 =	simm.s32 $0x7C40  }
0x115: {  	[tilespmem:s26], [sflag:$0x2] =	stream.indirect.gather [hbm4b:s6+s19], $0x10, s23, s19, $0xb8;
	[tilespmem:$0xF440] =	vst v63  }
0x116: {  	s30 =	simm.s32 $0x9C40  }
0x117: {  	[tilespmem:s30], [sflag:$0x2] =	stream.indirect.gather [hbm4b:s7+s19], $0x10, s21, s19, $0xb8;
	[tilespmem:$0xF440] =	vst v63  }
0x118: {  	_ =	swait.ge [sflag:s14], $0x800  }
0x119: {  	[sflag:s14] =	ssyncset.done $0x0  }
0x11a: {  	[sflag:s14] =	ssyncadd.s32 $0xFFFFF800  }
0x11b: {  	_ =	swait.ge [sflag:s14], $0x800  }
0x11c: {  	[sflag:s14] =	ssyncset.done $0x0  }
0x11d: {  	[sflag:s14] =	ssyncadd.s32 $0xFFFFF800  }
0x11e: {  	_ =	swait.ge [sflag:s14], $0x800  }
0x11f: {  	[sflag:s14] =	ssyncset.done $0x0  }
0x120: {  	s15 =	simm.s32 $0x0;
	[sflag:s14] =	ssyncadd.s32 $0xFFFFF800  }
0x121: {  	v1 =	vld [tilespmem:s15+$0x8440]  }
0x122: {  	v2 =	vld [tilespmem:s15+$0xA440];
	_ =	sdelay $0x4  }
0x123: {  	s13 =	simm.s32 $0x10;
	v1 =	vadd.f32 v2, v1  }
0x124: {  	v3 =	vld [tilespmem:s13+$0x8440]  }
0x125: {  	v4 =	vld [tilespmem:s13+$0xA440];
	v2 =	vmul.f32 $2.000000030e-01, v1  }
0x126: {  	vm1 =	vgt.f32 v1, $0.0e+00  }
0x127: {  	v1 =	vsel vm1, v1, v2  }
0x128: {  	v1 =	vmul.f32 $1.442695020e+00, v1  }
0x129: {  	s11 =	simm.s32 $0x20  }
0x12a: {  	v5 =	vld [tilespmem:s11+$0xA440];
	(erf) = vpow2.f32 v1;
	v1 =	vadd.f32 v4, v3  }
0x12b: {  	v2 =	vld [tilespmem:s11+$0x8440]  }
0x12c: {  	v3 =	vmul.f32 $2.000000030e-01, v1  }
0x12d: {  	vm1 =	vgt.f32 v1, $0.0e+00  }
0x12e: {  	v1 =	vsel vm1, v1, v3  }
0x12f: {  	s21 =	simm.s32 $0x30;
	v1 =	vmul.f32 $1.442695020e+00, v1  }
0x130: {  	v4 =	vadd.f32 v5, v2;
	v2 =	vld [tilespmem:s21+$0x8440]  }
0x131: {  	v3 =	vld [tilespmem:s21+$0xA440];
	(erf) = vpow2.f32 v1  }
0x132: {  	v5 =	vmul.f32 $2.000000030e-01, v4  }
0x133: {  	vm1 =	vgt.f32 v4, $0.0e+00;
	v1 =	vld [tilespmem:s15+$0x6440]  }
0x134: {  	s18 =	simm.s32 $0x100;
	v5 =	vsel vm1, v4, v5;
	v4 =	vpop (erf)  }
.LBB2_6:
0x135: {  	v5 =	vmul.f32 $1.442695020e+00, v5;
	v4 =	vnsel vm0, $0x0, v4;
	s24 =	smov.u32 s21;
	s21 =	sshra.s32 s18, $0x2;
	p0 =	sne.s32 s18, $0x1FC0  }
.Ltmp2:
0x136: {  	s18 =	sadd.s32 $0x40, s18;
	v6 =	vadd.f32 v3, v2;
	v2 =	vld [tilespmem:s21+$0x8440];
	[tilespmem:s15+$0xC440] =	vst v4;
	v4 =	vperm.xlane v4, v0;
	(pc) =	sbr.rel @p0 .LBB2_6-.Ltmp2, $4  }
0x137: {  	v3 =	vld [tilespmem:s21+$0xA440];
	(erf) = vpow2.f32 v5  }
0x138: {  	v5 =	vmul.f32 $2.000000030e-01, v6;
	v7 =	vmul.f32 v1, v4  }
0x139: {  	vm1 =	vgt.f32 v6, $0.0e+00;
	v1 =	vld [tilespmem:s13+$0x6440]  }
0x13a: {  	v5 =	vsel vm1, v6, v5;
	v4 =	vpop (erf);
	[tilespmem:s15+$0xE440] =	vst v7;
	s15 =	smov.u32 s13;
	s13 =	smov.u32 s11;
	s11 =	smov.u32 s24  }
0x13b: {  	_ = 	snop  }
0x13c: {  	v2 =	vadd.f32 v3, v2  }
0x13d: {  	v3 =	vmul.f32 $1.442695020e+00, v5  }
0x13e: {  	v5 =	vmul.f32 $2.000000030e-01, v2  }
0x13f: {  	(erf) = vpow2.f32 v3;
	vm1 =	vgt.f32 v2, $0.0e+00  }
0x140: {  	v3 =	vnsel vm0, $0x0, v4;
	v2 =	vsel vm1, v2, v5  }
0x141: {  	[tilespmem:s15+$0xC440] =	vst v3;
	v2 =	vmul.f32 $1.442695020e+00, v2  }
0x142: {  	v3 =	vperm.xlane v3, v0;
	v4 =	vld [tilespmem:s13+$0x6440];
	v5 =	vpop (erf)  }
0x143: {  	(erf) = vpow2.f32 v2;
	v2 =	vnsel vm0, $0x0, v5  }
0x144: {  	v1 =	vmul.f32 v1, v3;
	v3 =	vperm.xlane v2, v0;
	_ =	sdelay $0x2  }
0x145: {  	[tilespmem:s15+$0xE440] =	vst v1;
	v1 =	vmul.f32 v4, v3  }
0x146: {  	[tilespmem:s13+$0xC440] =	vst v2;
	v3 =	vpop (erf)  }
0x147: {  	v2 =	vld [tilespmem:s11+$0x6440];
	[tilespmem:s13+$0xE440] =	vst v1;
	v1 =	vnsel vm0, $0x0, v3  }
0x148: {  	[tilespmem:s11+$0xC440] =	vst v1  }
0x149: {  	v3 =	vld [tilespmem:s21+$0x6440]  }
0x14a: {  	v1 =	vperm.xlane v1, v0;
	v4 =	vpop (erf)  }
0x14b: {  	v4 =	vnsel vm0, $0x0, v4  }
0x14c: {  	v1 =	vmul.f32 v2, v1;
	v2 =	vperm.xlane v4, v0;
	_ =	sdelay $0x1  }
0x14d: {  	[tilespmem:s11+$0xE440] =	vst v1;
	v1 =	vmul.f32 v3, v2  }
0x14e: {  	[tilespmem:s21+$0xC440] =	vst v4  }
0x14f: {  	[tilespmem:s21+$0xE440] =	vst v1  }
0x150: {  	v1 =	vld [tilespmem:$0x5140]  }
0x151: {  	v2 =	vld [tilespmem:$0x5150]  }
0x152: {  	v3 =	vld [tilespmem:$0x5160]  }
0x153: {  	v4 =	vld [tilespmem:$0x5170]  }
0x154: {  	v5 =	vld [tilespmem:$0x5180]  }
0x155: {  	[tilespmem:$0x5340] =	vst v1;
	v1 =	vld [tilespmem:$0x5190]  }
0x156: {  	[tilespmem:$0x5350] =	vst v2;
	v2 =	vld [tilespmem:$0x51A0]  }
0x157: {  	[tilespmem:$0x5360] =	vst v3;
	v3 =	vld [tilespmem:$0x51B0]  }
0x158: {  	[tilespmem:$0x5370] =	vst v4  }
0x159: {  	[tilespmem:$0x5380] =	vst v5  }
0x15a: {  	[tilespmem:$0x5390] =	vst v1  }
0x15b: {  	[tilespmem:$0x53A0] =	vst v2  }
0x15c: {  	s24 =	simm.s32 $0xE440;
	s21 =	simm.s32 $0x5340;
	[tilespmem:$0x53B0] =	vst v3  }
0x15d: {  	[spmem:s2] =	stream.indirect.scatter.add.f32 [tilespmem:s24], [sflag:$0x7], $0x10, s21, s19, $0xb8;
	[tilespmem:$0xF440] =	vst v63  }
0x15e: {  	s26 =	simm.s32 $0xC440  }
0x15f: {  	[spmem:s3] =	stream.indirect.scatter.add.f32 [tilespmem:s26], [sflag:$0x7], $0x10, s21, s19, $0xb8;
	[tilespmem:$0xF440] =	vst v63  }
0x160: {  	s30 =	simm.s32 $0x0;
	s15 =	rddreg [dreg:$0x15]  }
0x161: {  	[tilespmem:s29], [sflag:$0x9] =	stream.linear.gather [hbm4b:s15+s30], $0x80, $0x38;
	[tilespmem:$0xF440] =	vst v63  }
0x162: {  	_ =	swait.ge [sflag:s16], $0x80  }
0x163: {  	[sflag:s16] =	ssyncset.done $0x0  }
0x164: {  	s21 =	simm.s32 $0x5140;
	s18 =	rddreg [dreg:$0x16];
	[sflag:s16] =	ssyncadd.s32 $0xFFFFFF80  }
0x165: {  	[tilespmem:s21], [sflag:$0x9] =	stream.linear.gather [hbm4b:s18+s30], $0x80, $0x38;
	[tilespmem:$0xF440] =	vst v63  }
0x166: {  	_ =	swait.ge [sflag:s16], $0x80  }
0x167: {  	[sflag:s16] =	ssyncset.done $0x0  }
0x168: {  	s24 =	simm.s32 $0x6440;
	[sflag:s16] =	ssyncadd.s32 $0xFFFFFF80  }
0x169: {  	[tilespmem:s24], [sflag:$0x3] =	stream.indirect.gather [hbm4b:s1+s19], $0x10, s29, s19, $0xb8;
	[tilespmem:$0xF440] =	vst v63  }
0x16a: {  	s26 =	simm.s32 $0x8440  }
0x16b: {  	[tilespmem:s26], [sflag:$0x3] =	stream.indirect.gather [hbm4b:s6+s19], $0x10, s29, s19, $0xb8;
	[tilespmem:$0xF440] =	vst v63  }
0x16c: {  	s30 =	simm.s32 $0xA440  }
0x16d: {  	[tilespmem:s30], [sflag:$0x3] =	stream.indirect.gather [hbm4b:s7+s19], $0x10, s21, s19, $0xb8;
	[tilespmem:$0xF440] =	vst v63  }
0x16e: {  	_ =	swait.ge [sflag:s20], $0x800  }
0x16f: {  	[sflag:s20] =	ssyncset.done $0x0  }
0x170: {  	[sflag:s20] =	ssyncadd.s32 $0xFFFFF800  }
0x171: {  	_ =	swait.ge [sflag:s20], $0x800  }
0x172: {  	[sflag:s20] =	ssyncset.done $0x0  }
0x173: {  	[sflag:s20] =	ssyncadd.s32 $0xFFFFF800  }
0x174: {  	_ =	swait.ge [sflag:s20], $0x800  }
0x175: {  	[sflag:s20] =	ssyncset.done $0x0  }
0x176: {  	s15 =	simm.s32 $0x0;
	[sflag:s20] =	ssyncadd.s32 $0xFFFFF800  }
0x177: {  	v1 =	vld [tilespmem:s15+$0x8C40]  }
0x178: {  	v2 =	vld [tilespmem:s15+$0xAC40];
	_ =	sdelay $0x4  }
0x179: {  	s13 =	simm.s32 $0x10;
	v1 =	vadd.f32 v2, v1  }
0x17a: {  	v3 =	vld [tilespmem:s13+$0x8C40]  }
0x17b: {  	v4 =	vld [tilespmem:s13+$0xAC40];
	v2 =	vmul.f32 $2.000000030e-01, v1  }
0x17c: {  	vm1 =	vgt.f32 v1, $0.0e+00  }
0x17d: {  	v1 =	vsel vm1, v1, v2  }
0x17e: {  	v1 =	vmul.f32 $1.442695020e+00, v1  }
0x17f: {  	s11 =	simm.s32 $0x20  }
0x180: {  	v5 =	vld [tilespmem:s11+$0xAC40];
	(erf) = vpow2.f32 v1;
	v1 =	vadd.f32 v4, v3  }
0x181: {  	v2 =	vld [tilespmem:s11+$0x8C40]  }
0x182: {  	v3 =	vmul.f32 $2.000000030e-01, v1  }
0x183: {  	vm1 =	vgt.f32 v1, $0.0e+00  }
0x184: {  	v1 =	vsel vm1, v1, v3  }
0x185: {  	s21 =	simm.s32 $0x30;
	v1 =	vmul.f32 $1.442695020e+00, v1  }
0x186: {  	v4 =	vadd.f32 v5, v2;
	v2 =	vld [tilespmem:s21+$0x8C40]  }
0x187: {  	v3 =	vld [tilespmem:s21+$0xAC40];
	(erf) = vpow2.f32 v1  }
0x188: {  	v5 =	vmul.f32 $2.000000030e-01, v4  }
0x189: {  	vm1 =	vgt.f32 v4, $0.0e+00;
	v1 =	vld [tilespmem:s15+$0x6C40]  }
0x18a: {  	s18 =	simm.s32 $0x100;
	v5 =	vsel vm1, v4, v5;
	v4 =	vpop (erf)  }
.LBB2_8:
0x18b: {  	v5 =	vmul.f32 $1.442695020e+00, v5;
	v4 =	vnsel vm0, $0x0, v4;
	s24 =	smov.u32 s21;
	s21 =	sshra.s32 s18, $0x2;
	p0 =	sne.s32 s18, $0x1FC0  }
.Ltmp3:
0x18c: {  	s18 =	sadd.s32 $0x40, s18;
	v6 =	vadd.f32 v3, v2;
	v2 =	vld [tilespmem:s21+$0x8C40];
	[tilespmem:s15+$0xCC40] =	vst v4;
	v4 =	vperm.xlane v4, v0;
	(pc) =	sbr.rel @p0 .LBB2_8-.Ltmp3, $4  }
0x18d: {  	v3 =	vld [tilespmem:s21+$0xAC40];
	(erf) = vpow2.f32 v5  }
0x18e: {  	v5 =	vmul.f32 $2.000000030e-01, v6;
	v7 =	vmul.f32 v1, v4  }
0x18f: {  	vm1 =	vgt.f32 v6, $0.0e+00;
	v1 =	vld [tilespmem:s13+$0x6C40]  }
0x190: {  	v5 =	vsel vm1, v6, v5;
	v4 =	vpop (erf);
	[tilespmem:s15+$0xEC40] =	vst v7;
	s15 =	smov.u32 s13;
	s13 =	smov.u32 s11;
	s11 =	smov.u32 s24  }
0x191: {  	_ = 	snop  }
0x192: {  	v2 =	vadd.f32 v3, v2  }
0x193: {  	v3 =	vmul.f32 $1.442695020e+00, v5  }
0x194: {  	v59 =	vmul.f32 $2.000000030e-01, v2  }
0x195: {  	(erf) = vpow2.f32 v3;
	vm1 =	vgt.f32 v2, $0.0e+00  }
0x196: {  	v3 =	vnsel vm0, $0x0, v4;
	v2 =	vsel vm1, v2, v59  }
0x197: {  	[tilespmem:s15+$0xCC40] =	vst v3;
	v2 =	vmul.f32 $1.442695020e+00, v2  }
0x198: {  	v3 =	vperm.xlane v3, v0;
	v60 =	vld [tilespmem:s13+$0x6C40];
	v61 =	vpop (erf)  }
0x199: {  	(erf) = vpow2.f32 v2;
	v2 =	vnsel vm0, $0x0, v61  }
0x19a: {  	v1 =	vmul.f32 v1, v3;
	v3 =	vperm.xlane v2, v0;
	_ =	sdelay $0x2  }
0x19b: {  	[tilespmem:s15+$0xEC40] =	vst v1;
	v1 =	vmul.f32 v60, v3  }
0x19c: {  	[tilespmem:s13+$0xCC40] =	vst v2;
	v3 =	vpop (erf)  }
0x19d: {  	v2 =	vld [tilespmem:s11+$0x6C40];
	[tilespmem:s13+$0xEC40] =	vst v1;
	v1 =	vnsel vm0, $0x0, v3  }
0x19e: {  	[tilespmem:s11+$0xCC40] =	vst v1  }
0x19f: {  	v3 =	vld [tilespmem:s21+$0x6C40]  }
0x1a0: {  	v1 =	vperm.xlane v1, v0;
	v62 =	vpop (erf)  }
0x1a1: {  	v4 =	vnsel vm0, $0x0, v62  }
0x1a2: {  	v1 =	vmul.f32 v2, v1;
	v2 =	vperm.xlane v4, v0;
	_ =	sdelay $0x1  }
0x1a3: {  	[tilespmem:s11+$0xEC40] =	vst v1;
	v1 =	vmul.f32 v3, v2  }
0x1a4: {  	[tilespmem:s21+$0xCC40] =	vst v4  }
0x1a5: {  	[tilespmem:s21+$0xEC40] =	vst v1  }
0x1a6: {  	v1 =	vld [tilespmem:$0x51C0]  }
0x1a7: {  	v2 =	vld [tilespmem:$0x51D0]  }
0x1a8: {  	v3 =	vld [tilespmem:$0x51E0]  }
0x1a9: {  	v4 =	vld [tilespmem:$0x51F0]  }
0x1aa: {  	v63 =	vld [tilespmem:$0x5200]  }
0x1ab: {  	[tilespmem:$0x53C0] =	vst v1;
	v1 =	vld [tilespmem:$0x5210]  }
0x1ac: {  	[tilespmem:$0x53D0] =	vst v2;
	v2 =	vld [tilespmem:$0x5220]  }
0x1ad: {  	[tilespmem:$0x53E0] =	vst v3;
	v3 =	vld [tilespmem:$0x5230]  }
0x1ae: {  	[tilespmem:$0x53F0] =	vst v4  }
0x1af: {  	[tilespmem:$0x5400] =	vst v63  }
0x1b0: {  	[tilespmem:$0x5410] =	vst v1  }
0x1b1: {  	[tilespmem:$0x5420] =	vst v2  }
0x1b2: {  	s26 =	simm.s32 $0x53C0;
	s30 =	simm.s32 $0xEC40;
	[tilespmem:$0x5430] =	vst v3  }
0x1b3: {  	[spmem:s2] =	stream.indirect.scatter.add.f32 [tilespmem:s30], [sflag:$0x8], $0x10, s26, s19, $0xb8;
	[tilespmem:$0xF440] =	vst v63  }
0x1b4: {  	s15 =	simm.s32 $0xCC40  }
0x1b5: {  	[spmem:s3] =	stream.indirect.scatter.add.f32 [tilespmem:s15], [sflag:$0x8], $0x10, s26, s19, $0xb8;
	[tilespmem:$0xF440] =	vst v63  }
0x1b6: {  	s18 =	rddreg [dreg:$0x17]  }
0x1b7: {  	[tilespmem:s10], [sflag:$0x9] =	stream.linear.gather [hbm4b:s18+s5], $0x80, $0x38;
	[tilespmem:$0xF440] =	vst v63  }
0x1b8: {  	_ =	swait.ge [sflag:s16], $0x80  }
0x1b9: {  	[sflag:s16] =	ssyncset.done $0x0  }
0x1ba: {  	s21 =	rddreg [dreg:$0x18];
	[sflag:s16] =	ssyncadd.s32 $0xFFFFFF80  }
0x1bb: {  	[tilespmem:s12], [sflag:$0x9] =	stream.linear.gather [hbm4b:s21+s5], $0x80, $0x38;
	[tilespmem:$0xF440] =	vst v63  }
0x1bc: {  	_ =	swait.ge [sflag:s16], $0x80  }
0x1bd: {  	[sflag:s16] =	ssyncset.done $0x0  }
0x1be: {  	s24 =	simm.s32 $0x6C40;
	[sflag:s16] =	ssyncadd.s32 $0xFFFFFF80  }
0x1bf: {  	[tilespmem:s24], [sflag:$0x4] =	stream.indirect.gather [hbm4b:s1+s19], $0x10, s10, s19, $0xb8;
	[tilespmem:$0xF440] =	vst v63  }
0x1c0: {  	s26 =	simm.s32 $0x8C40  }
0x1c1: {  	[tilespmem:s26], [sflag:$0x4] =	stream.indirect.gather [hbm4b:s6+s19], $0x10, s10, s19, $0xb8;
	[tilespmem:$0xF440] =	vst v63  }
0x1c2: {  	s11 =	simm.s32 $0x1;
	s30 =	simm.s32 $0xAC40  }
0x1c3: {  	[tilespmem:s30], [sflag:$0x4] =	stream.indirect.gather [hbm4b:s7+s19], $0x10, s12, s19, $0xb8;
	[tilespmem:$0xF440] =	vst v63  }
.LBB2_10:
0x1c4: {  	_ =	swait.ge [sflag:s25], $0x800  }
0x1c5: {  	[sflag:s25] =	ssyncset.done $0x0  }
0x1c6: {  	[sflag:s25] =	ssyncadd.s32 $0xFFFFF800  }
0x1c7: {  	_ =	swait.ge [sflag:s25], $0x800  }
0x1c8: {  	[sflag:s25] =	ssyncset.done $0x0  }
0x1c9: {  	[sflag:s25] =	ssyncadd.s32 $0xFFFFF800  }
0x1ca: {  	_ =	swait.ge [sflag:s25], $0x800  }
0x1cb: {  	[sflag:s25] =	ssyncset.done $0x0  }
0x1cc: {  	[sflag:s25] =	ssyncadd.s32 $0xFFFFF800  }
0x1cd: {  	_ =	swait.ge [sflag:s22], $0x800  }
0x1ce: {  	[sflag:s22] =	ssyncset.done $0x0  }
0x1cf: {  	[sflag:s22] =	ssyncadd.s32 $0xFFFFF800  }
0x1d0: {  	_ =	swait.ge [sflag:s22], $0x800  }
0x1d1: {  	[sflag:s22] =	ssyncset.done $0x0  }
0x1d2: {  	s15 =	simm.s32 $0x0;
	[sflag:s22] =	ssyncadd.s32 $0xFFFFF800  }
0x1d3: {  	v1 =	vld [tilespmem:s15+$0x7440]  }
0x1d4: {  	v2 =	vld [tilespmem:s15+$0x9440];
	_ =	sdelay $0x4  }
0x1d5: {  	s13 =	simm.s32 $0x10;
	v1 =	vadd.f32 v2, v1  }
0x1d6: {  	v3 =	vld [tilespmem:s13+$0x7440]  }
0x1d7: {  	v4 =	vld [tilespmem:s13+$0x9440];
	v2 =	vmul.f32 $2.000000030e-01, v1  }
0x1d8: {  	vm1 =	vgt.f32 v1, $0.0e+00  }
0x1d9: {  	v1 =	vsel vm1, v1, v2  }
0x1da: {  	v1 =	vmul.f32 $1.442695020e+00, v1  }
0x1db: {  	s26 =	simm.s32 $0x20  }
0x1dc: {  	v5 =	vld [tilespmem:s26+$0x9440];
	(erf) = vpow2.f32 v1;
	v1 =	vadd.f32 v4, v3  }
0x1dd: {  	v2 =	vld [tilespmem:s26+$0x7440]  }
0x1de: {  	v3 =	vmul.f32 $2.000000030e-01, v1  }
0x1df: {  	vm1 =	vgt.f32 v1, $0.0e+00  }
0x1e0: {  	v1 =	vsel vm1, v1, v3  }
0x1e1: {  	s21 =	simm.s32 $0x30;
	v1 =	vmul.f32 $1.442695020e+00, v1  }
0x1e2: {  	v4 =	vadd.f32 v5, v2;
	v2 =	vld [tilespmem:s21+$0x7440]  }
0x1e3: {  	v3 =	vld [tilespmem:s21+$0x9440];
	(erf) = vpow2.f32 v1  }
0x1e4: {  	v5 =	vmul.f32 $2.000000030e-01, v4  }
0x1e5: {  	vm1 =	vgt.f32 v4, $0.0e+00;
	v1 =	vld [tilespmem:s15+$0x5440]  }
0x1e6: {  	s18 =	simm.s32 $0x100;
	v5 =	vsel vm1, v4, v5;
	v4 =	vpop (erf)  }
.LBB2_11:
0x1e7: {  	v5 =	vmul.f32 $1.442695020e+00, v5;
	v4 =	vnsel vm0, $0x0, v4;
	s24 =	smov.u32 s21;
	s21 =	sshra.s32 s18, $0x2;
	p0 =	sne.s32 s18, $0x1FC0  }
.Ltmp4:
0x1e8: {  	s18 =	sadd.s32 $0x40, s18;
	v6 =	vadd.f32 v3, v2;
	v2 =	vld [tilespmem:s21+$0x7440];
	[tilespmem:s15+$0xB440] =	vst v4;
	v4 =	vperm.xlane v4, v0;
	(pc) =	sbr.rel @p0 .LBB2_11-.Ltmp4, $4  }
0x1e9: {  	v3 =	vld [tilespmem:s21+$0x9440];
	(erf) = vpow2.f32 v5  }
0x1ea: {  	v5 =	vmul.f32 $2.000000030e-01, v6;
	v7 =	vmul.f32 v1, v4  }
0x1eb: {  	vm1 =	vgt.f32 v6, $0.0e+00;
	v1 =	vld [tilespmem:s13+$0x5440]  }
0x1ec: {  	v5 =	vsel vm1, v6, v5;
	v4 =	vpop (erf);
	[tilespmem:s15+$0xD440] =	vst v7;
	s15 =	smov.u32 s13;
	s13 =	smov.u32 s26;
	s26 =	smov.u32 s24  }
0x1ed: {  	_ = 	snop  }
0x1ee: {  	v2 =	vadd.f32 v3, v2  }
0x1ef: {  	v3 =	vmul.f32 $1.442695020e+00, v5  }
0x1f0: {  	v5 =	vmul.f32 $2.000000030e-01, v2  }
0x1f1: {  	(erf) = vpow2.f32 v3;
	vm1 =	vgt.f32 v2, $0.0e+00  }
0x1f2: {  	v3 =	vnsel vm0, $0x0, v4;
	v2 =	vsel vm1, v2, v5  }
0x1f3: {  	[tilespmem:s15+$0xB440] =	vst v3;
	v2 =	vmul.f32 $1.442695020e+00, v2  }
0x1f4: {  	v3 =	vperm.xlane v3, v0;
	v4 =	vld [tilespmem:s13+$0x5440];
	v5 =	vpop (erf)  }
0x1f5: {  	(erf) = vpow2.f32 v2;
	v2 =	vnsel vm0, $0x0, v5  }
0x1f6: {  	v1 =	vmul.f32 v1, v3;
	v3 =	vperm.xlane v2, v0;
	_ =	sdelay $0x2  }
0x1f7: {  	[tilespmem:s15+$0xD440] =	vst v1;
	v1 =	vmul.f32 v4, v3  }
0x1f8: {  	[tilespmem:s13+$0xB440] =	vst v2;
	v3 =	vpop (erf)  }
0x1f9: {  	v2 =	vld [tilespmem:s26+$0x5440];
	[tilespmem:s13+$0xD440] =	vst v1;
	v1 =	vnsel vm0, $0x0, v3  }
0x1fa: {  	[tilespmem:s26+$0xB440] =	vst v1  }
0x1fb: {  	v3 =	vld [tilespmem:s21+$0x5440]  }
0x1fc: {  	v1 =	vperm.xlane v1, v0;
	v4 =	vpop (erf)  }
0x1fd: {  	v4 =	vnsel vm0, $0x0, v4  }
0x1fe: {  	v1 =	vmul.f32 v2, v1;
	v2 =	vperm.xlane v4, v0;
	_ =	sdelay $0x1  }
0x1ff: {  	[tilespmem:s26+$0xD440] =	vst v1;
	v1 =	vmul.f32 v3, v2  }
0x200: {  	[tilespmem:s21+$0xB440] =	vst v4  }
0x201: {  	[tilespmem:s21+$0xD440] =	vst v1  }
0x202: {  	v1 =	vld [tilespmem:$0x5040]  }
0x203: {  	v2 =	vld [tilespmem:$0x5050]  }
0x204: {  	v3 =	vld [tilespmem:$0x5060]  }
0x205: {  	v4 =	vld [tilespmem:$0x5070]  }
0x206: {  	v5 =	vld [tilespmem:$0x5080]  }
0x207: {  	[tilespmem:$0x5240] =	vst v1;
	v1 =	vld [tilespmem:$0x5090]  }
0x208: {  	[tilespmem:$0x5250] =	vst v2;
	v2 =	vld [tilespmem:$0x50A0]  }
0x209: {  	[tilespmem:$0x5260] =	vst v3;
	v3 =	vld [tilespmem:$0x50B0]  }
0x20a: {  	[tilespmem:$0x5270] =	vst v4  }
0x20b: {  	[tilespmem:$0x5280] =	vst v5  }
0x20c: {  	[tilespmem:$0x5290] =	vst v1  }
0x20d: {  	s24 =	rddreg [dreg:$0x19];
	s26 =	sshll.u32 s11, $0x9;
	[tilespmem:$0x52A0] =	vst v2  }
0x20e: {  	s30 =	simm.s32 $0x5240;
	s18 =	simm.s32 $0xD440;
	s13 =	sadd.s32 s26, s24;
	[tilespmem:$0x52B0] =	vst v3  }
0x20f: {  	[spmem:s2] =	stream.indirect.scatter.add.f32 [tilespmem:s18], [sflag:$0x5], $0x10, s30, s19, $0xb8;
	[tilespmem:$0xF440] =	vst v63  }
0x210: {  	s13 =	sshrl.u32 s13, $0x3;
	s21 =	simm.s32 $0xB440  }
0x211: {  	[spmem:s3] =	stream.indirect.scatter.add.f32 [tilespmem:s21], [sflag:$0x5], $0x10, s30, s19, $0xb8;
	[tilespmem:$0xF440] =	vst v63  }
0x212: {  	s18 =	simm.s32 $0x0;
	s30 =	sadd.s32 s8, s13  }
0x213: {  	[tilespmem:s17], [sflag:$0x9] =	stream.linear.gather [hbm4b:s30+s18], $0x80, $0x38;
	[tilespmem:$0xF440] =	vst v63  }
0x214: {  	_ =	swait.ge [sflag:s16], $0x80  }
0x215: {  	[sflag:s16] =	ssyncset.done $0x0  }
0x216: {  	s15 =	simm.s32 $0x5040;
	s13 =	sadd.s32 s9, s13;
	[sflag:s16] =	ssyncadd.s32 $0xFFFFFF80  }
0x217: {  	[tilespmem:s15], [sflag:$0x9] =	stream.linear.gather [hbm4b:s13+s18], $0x80, $0x38;
	[tilespmem:$0xF440] =	vst v63  }
0x218: {  	_ =	swait.ge [sflag:s16], $0x80  }
0x219: {  	[sflag:s16] =	ssyncset.done $0x0  }
0x21a: {  	s21 =	simm.s32 $0x5440;
	[sflag:s16] =	ssyncadd.s32 $0xFFFFFF80  }
0x21b: {  	[tilespmem:s21], [sflag:$0x1] =	stream.indirect.gather [hbm4b:s1+s19], $0x10, s17, s19, $0xb8;
	[tilespmem:$0xF440] =	vst v63  }
0x21c: {  	s24 =	simm.s32 $0x7440  }
0x21d: {  	[tilespmem:s24], [sflag:$0x1] =	stream.indirect.gather [hbm4b:s6+s19], $0x10, s17, s19, $0xb8;
	[tilespmem:$0xF440] =	vst v63  }
0x21e: {  	s30 =	simm.s32 $0x9440  }
0x21f: {  	[tilespmem:s30], [sflag:$0x1] =	stream.indirect.gather [hbm4b:s7+s19], $0x10, s15, s19, $0xb8;
	[tilespmem:$0xF440] =	vst v63  }
0x220: {  	_ =	swait.ge [sflag:s28], $0x800  }
0x221: {  	[sflag:s28] =	ssyncset.done $0x0  }
0x222: {  	[sflag:s28] =	ssyncadd.s32 $0xFFFFF800  }
0x223: {  	_ =	swait.ge [sflag:s28], $0x800  }
0x224: {  	[sflag:s28] =	ssyncset.done $0x0  }
0x225: {  	[sflag:s28] =	ssyncadd.s32 $0xFFFFF800  }
0x226: {  	_ =	swait.ge [sflag:s28], $0x800  }
0x227: {  	[sflag:s28] =	ssyncset.done $0x0  }
0x228: {  	[sflag:s28] =	ssyncadd.s32 $0xFFFFF800  }
0x229: {  	_ =	swait.ge [sflag:s31], $0x800  }
0x22a: {  	[sflag:s31] =	ssyncset.done $0x0  }
0x22b: {  	[sflag:s31] =	ssyncadd.s32 $0xFFFFF800  }
0x22c: {  	_ =	swait.ge [sflag:s31], $0x800  }
0x22d: {  	[sflag:s31] =	ssyncset.done $0x0  }
0x22e: {  	s21 =	simm.s32 $0x0;
	[sflag:s31] =	ssyncadd.s32 $0xFFFFF800  }
0x22f: {  	v1 =	vld [tilespmem:s21+$0x7C40]  }
0x230: {  	v2 =	vld [tilespmem:s21+$0x9C40];
	_ =	sdelay $0x4  }
0x231: {  	s15 =	simm.s32 $0x10;
	v1 =	vadd.f32 v2, v1  }
0x232: {  	v3 =	vld [tilespmem:s15+$0x7C40]  }
0x233: {  	v4 =	vld [tilespmem:s15+$0x9C40];
	v2 =	vmul.f32 $2.000000030e-01, v1  }
0x234: {  	vm1 =	vgt.f32 v1, $0.0e+00  }
0x235: {  	v1 =	vsel vm1, v1, v2  }
0x236: {  	v1 =	vmul.f32 $1.442695020e+00, v1  }
0x237: {  	s13 =	simm.s32 $0x20  }
0x238: {  	v5 =	vld [tilespmem:s13+$0x9C40];
	(erf) = vpow2.f32 v1;
	v1 =	vadd.f32 v4, v3  }
0x239: {  	v2 =	vld [tilespmem:s13+$0x7C40]  }
0x23a: {  	v3 =	vmul.f32 $2.000000030e-01, v1  }
0x23b: {  	vm1 =	vgt.f32 v1, $0.0e+00  }
0x23c: {  	v1 =	vsel vm1, v1, v3  }
0x23d: {  	s18 =	simm.s32 $0x30;
	v1 =	vmul.f32 $1.442695020e+00, v1  }
0x23e: {  	v4 =	vadd.f32 v5, v2;
	v2 =	vld [tilespmem:s18+$0x7C40]  }
0x23f: {  	v3 =	vld [tilespmem:s18+$0x9C40];
	(erf) = vpow2.f32 v1  }
0x240: {  	v5 =	vmul.f32 $2.000000030e-01, v4  }
0x241: {  	vm1 =	vgt.f32 v4, $0.0e+00;
	v1 =	vld [tilespmem:s21+$0x5C40]  }
0x242: {  	s24 =	simm.s32 $0x100;
	v5 =	vsel vm1, v4, v5;
	v4 =	vpop (erf)  }
.LBB2_13:
0x243: {  	v5 =	vmul.f32 $1.442695020e+00, v5;
	v4 =	vnsel vm0, $0x0, v4;
	s30 =	smov.u32 s18;
	s18 =	sshra.s32 s24, $0x2;
	p0 =	sne.s32 s24, $0x1FC0  }
.Ltmp5:
0x244: {  	s24 =	sadd.s32 $0x40, s24;
	v6 =	vadd.f32 v3, v2;
	v2 =	vld [tilespmem:s18+$0x7C40];
	[tilespmem:s21+$0xBC40] =	vst v4;
	v4 =	vperm.xlane v4, v0;
	(pc) =	sbr.rel @p0 .LBB2_13-.Ltmp5, $4  }
0x245: {  	v3 =	vld [tilespmem:s18+$0x9C40];
	(erf) = vpow2.f32 v5  }
0x246: {  	v5 =	vmul.f32 $2.000000030e-01, v6;
	v7 =	vmul.f32 v1, v4  }
0x247: {  	vm1 =	vgt.f32 v6, $0.0e+00;
	v1 =	vld [tilespmem:s15+$0x5C40]  }
0x248: {  	v5 =	vsel vm1, v6, v5;
	v4 =	vpop (erf);
	[tilespmem:s21+$0xDC40] =	vst v7;
	s21 =	smov.u32 s15;
	s15 =	smov.u32 s13;
	s13 =	smov.u32 s30  }
0x249: {  	_ = 	snop  }
0x24a: {  	v2 =	vadd.f32 v3, v2  }
0x24b: {  	v3 =	vmul.f32 $1.442695020e+00, v5  }
0x24c: {  	v5 =	vmul.f32 $2.000000030e-01, v2  }
0x24d: {  	(erf) = vpow2.f32 v3;
	vm1 =	vgt.f32 v2, $0.0e+00  }
0x24e: {  	v3 =	vnsel vm0, $0x0, v4;
	v2 =	vsel vm1, v2, v5  }
0x24f: {  	[tilespmem:s21+$0xBC40] =	vst v3;
	v2 =	vmul.f32 $1.442695020e+00, v2  }
0x250: {  	v3 =	vperm.xlane v3, v0;
	v4 =	vld [tilespmem:s15+$0x5C40];
	v5 =	vpop (erf)  }
0x251: {  	(erf) = vpow2.f32 v2;
	v2 =	vnsel vm0, $0x0, v5  }
0x252: {  	v1 =	vmul.f32 v1, v3;
	v3 =	vperm.xlane v2, v0;
	_ =	sdelay $0x2  }
0x253: {  	[tilespmem:s21+$0xDC40] =	vst v1;
	v1 =	vmul.f32 v4, v3  }
0x254: {  	[tilespmem:s15+$0xBC40] =	vst v2;
	v3 =	vpop (erf)  }
0x255: {  	v2 =	vld [tilespmem:s13+$0x5C40];
	[tilespmem:s15+$0xDC40] =	vst v1;
	v1 =	vnsel vm0, $0x0, v3  }
0x256: {  	[tilespmem:s13+$0xBC40] =	vst v1  }
0x257: {  	v3 =	vld [tilespmem:s18+$0x5C40]  }
0x258: {  	v1 =	vperm.xlane v1, v0;
	v4 =	vpop (erf)  }
0x259: {  	v4 =	vnsel vm0, $0x0, v4  }
0x25a: {  	v1 =	vmul.f32 v2, v1;
	v2 =	vperm.xlane v4, v0;
	_ =	sdelay $0x1  }
0x25b: {  	[tilespmem:s13+$0xDC40] =	vst v1;
	v1 =	vmul.f32 v3, v2  }
0x25c: {  	[tilespmem:s18+$0xBC40] =	vst v4  }
0x25d: {  	[tilespmem:s18+$0xDC40] =	vst v1  }
0x25e: {  	v1 =	vld [tilespmem:$0x50C0]  }
0x25f: {  	v2 =	vld [tilespmem:$0x50D0]  }
0x260: {  	v3 =	vld [tilespmem:$0x50E0]  }
0x261: {  	v4 =	vld [tilespmem:$0x50F0]  }
0x262: {  	v5 =	vld [tilespmem:$0x5100]  }
0x263: {  	[tilespmem:$0x52C0] =	vst v1;
	v1 =	vld [tilespmem:$0x5110]  }
0x264: {  	[tilespmem:$0x52D0] =	vst v2;
	v2 =	vld [tilespmem:$0x5120]  }
0x265: {  	[tilespmem:$0x52E0] =	vst v3;
	v3 =	vld [tilespmem:$0x5130]  }
0x266: {  	[tilespmem:$0x52F0] =	vst v4  }
0x267: {  	[tilespmem:$0x5300] =	vst v5  }
0x268: {  	[tilespmem:$0x5310] =	vst v1  }
0x269: {  	s21 =	rddreg [dreg:$0x1a];
	[tilespmem:$0x5320] =	vst v2  }
0x26a: {  	s24 =	simm.s32 $0x52C0;
	s30 =	simm.s32 $0xDC40;
	s13 =	sadd.s32 s26, s21;
	[tilespmem:$0x5330] =	vst v3  }
0x26b: {  	[spmem:s2] =	stream.indirect.scatter.add.f32 [tilespmem:s30], [sflag:$0x6], $0x10, s24, s19, $0xb8;
	[tilespmem:$0xF440] =	vst v63  }
0x26c: {  	s13 =	sshrl.u32 s13, $0x3;
	s18 =	simm.s32 $0xBC40  }
0x26d: {  	[spmem:s3] =	stream.indirect.scatter.add.f32 [tilespmem:s18], [sflag:$0x6], $0x10, s24, s19, $0xb8;
	[tilespmem:$0xF440] =	vst v63  }
0x26e: {  	s30 =	simm.s32 $0x0;
	s24 =	sadd.s32 s8, s13  }
0x26f: {  	[tilespmem:s23], [sflag:$0x9] =	stream.linear.gather [hbm4b:s24+s30], $0x80, $0x38;
	[tilespmem:$0xF440] =	vst v63  }
0x270: {  	_ =	swait.ge [sflag:s16], $0x80  }
0x271: {  	[sflag:s16] =	ssyncset.done $0x0  }
0x272: {  	s15 =	simm.s32 $0x50C0;
	s13 =	sadd.s32 s9, s13;
	[sflag:s16] =	ssyncadd.s32 $0xFFFFFF80  }
0x273: {  	[tilespmem:s15], [sflag:$0x9] =	stream.linear.gather [hbm4b:s13+s30], $0x80, $0x38;
	[tilespmem:$0xF440] =	vst v63  }
0x274: {  	_ =	swait.ge [sflag:s16], $0x80  }
0x275: {  	[sflag:s16] =	ssyncset.done $0x0  }
0x276: {  	s21 =	simm.s32 $0x5C40;
	[sflag:s16] =	ssyncadd.s32 $0xFFFFFF80  }
0x277: {  	[tilespmem:s21], [sflag:$0x2] =	stream.indirect.gather [hbm4b:s1+s19], $0x10, s23, s19, $0xb8;
	[tilespmem:$0xF440] =	vst v63  }
0x278: {  	s24 =	simm.s32 $0x7C40  }
0x279: {  	[tilespmem:s24], [sflag:$0x2] =	stream.indirect.gather [hbm4b:s6+s19], $0x10, s23, s19, $0xb8;
	[tilespmem:$0xF440] =	vst v63  }
0x27a: {  	s30 =	simm.s32 $0x9C40  }
0x27b: {  	[tilespmem:s30], [sflag:$0x2] =	stream.indirect.gather [hbm4b:s7+s19], $0x10, s15, s19, $0xb8;
	[tilespmem:$0xF440] =	vst v63  }
0x27c: {  	_ =	swait.ge [sflag:s14], $0x800  }
0x27d: {  	[sflag:s14] =	ssyncset.done $0x0  }
0x27e: {  	[sflag:s14] =	ssyncadd.s32 $0xFFFFF800  }
0x27f: {  	_ =	swait.ge [sflag:s14], $0x800  }
0x280: {  	[sflag:s14] =	ssyncset.done $0x0  }
0x281: {  	[sflag:s14] =	ssyncadd.s32 $0xFFFFF800  }
0x282: {  	_ =	swait.ge [sflag:s14], $0x800  }
0x283: {  	[sflag:s14] =	ssyncset.done $0x0  }
0x284: {  	[sflag:s14] =	ssyncadd.s32 $0xFFFFF800  }
0x285: {  	_ =	swait.ge [sflag:s0], $0x800  }
0x286: {  	[sflag:s0] =	ssyncset.done $0x0  }
0x287: {  	[sflag:s0] =	ssyncadd.s32 $0xFFFFF800  }
0x288: {  	_ =	swait.ge [sflag:s0], $0x800  }
0x289: {  	[sflag:s0] =	ssyncset.done $0x0  }
0x28a: {  	s21 =	simm.s32 $0x0;
	[sflag:s0] =	ssyncadd.s32 $0xFFFFF800  }
0x28b: {  	v1 =	vld [tilespmem:s21+$0x8440]  }
0x28c: {  	v2 =	vld [tilespmem:s21+$0xA440];
	_ =	sdelay $0x4  }
0x28d: {  	s15 =	simm.s32 $0x10;
	v1 =	vadd.f32 v2, v1  }
0x28e: {  	v3 =	vld [tilespmem:s15+$0x8440]  }
0x28f: {  	v4 =	vld [tilespmem:s15+$0xA440];
	v2 =	vmul.f32 $2.000000030e-01, v1  }
0x290: {  	vm1 =	vgt.f32 v1, $0.0e+00  }
0x291: {  	v1 =	vsel vm1, v1, v2  }
0x292: {  	v1 =	vmul.f32 $1.442695020e+00, v1  }
0x293: {  	s13 =	simm.s32 $0x20  }
0x294: {  	v5 =	vld [tilespmem:s13+$0xA440];
	(erf) = vpow2.f32 v1;
	v1 =	vadd.f32 v4, v3  }
0x295: {  	v2 =	vld [tilespmem:s13+$0x8440]  }
0x296: {  	v3 =	vmul.f32 $2.000000030e-01, v1  }
0x297: {  	vm1 =	vgt.f32 v1, $0.0e+00  }
0x298: {  	v1 =	vsel vm1, v1, v3  }
0x299: {  	s18 =	simm.s32 $0x30;
	v1 =	vmul.f32 $1.442695020e+00, v1  }
0x29a: {  	v4 =	vadd.f32 v5, v2;
	v2 =	vld [tilespmem:s18+$0x8440]  }
0x29b: {  	v3 =	vld [tilespmem:s18+$0xA440];
	(erf) = vpow2.f32 v1  }
0x29c: {  	v5 =	vmul.f32 $2.000000030e-01, v4  }
0x29d: {  	vm1 =	vgt.f32 v4, $0.0e+00;
	v1 =	vld [tilespmem:s21+$0x6440]  }
0x29e: {  	s24 =	simm.s32 $0x100;
	v5 =	vsel vm1, v4, v5;
	v4 =	vpop (erf)  }
.LBB2_15:
0x29f: {  	v5 =	vmul.f32 $1.442695020e+00, v5;
	v4 =	vnsel vm0, $0x0, v4;
	s30 =	smov.u32 s18;
	s18 =	sshra.s32 s24, $0x2;
	p0 =	sne.s32 s24, $0x1FC0  }
.Ltmp6:
0x2a0: {  	s24 =	sadd.s32 $0x40, s24;
	v6 =	vadd.f32 v3, v2;
	v2 =	vld [tilespmem:s18+$0x8440];
	[tilespmem:s21+$0xC440] =	vst v4;
	v4 =	vperm.xlane v4, v0;
	(pc) =	sbr.rel @p0 .LBB2_15-.Ltmp6, $4  }
0x2a1: {  	v3 =	vld [tilespmem:s18+$0xA440];
	(erf) = vpow2.f32 v5  }
0x2a2: {  	v5 =	vmul.f32 $2.000000030e-01, v6;
	v7 =	vmul.f32 v1, v4  }
0x2a3: {  	vm1 =	vgt.f32 v6, $0.0e+00;
	v1 =	vld [tilespmem:s15+$0x6440]  }
0x2a4: {  	v5 =	vsel vm1, v6, v5;
	v4 =	vpop (erf);
	[tilespmem:s21+$0xE440] =	vst v7;
	s21 =	smov.u32 s15;
	s15 =	smov.u32 s13;
	s13 =	smov.u32 s30  }
0x2a5: {  	_ = 	snop  }
0x2a6: {  	v2 =	vadd.f32 v3, v2  }
0x2a7: {  	v3 =	vmul.f32 $1.442695020e+00, v5  }
0x2a8: {  	v5 =	vmul.f32 $2.000000030e-01, v2  }
0x2a9: {  	(erf) = vpow2.f32 v3;
	vm1 =	vgt.f32 v2, $0.0e+00  }
0x2aa: {  	v3 =	vnsel vm0, $0x0, v4;
	v2 =	vsel vm1, v2, v5  }
0x2ab: {  	[tilespmem:s21+$0xC440] =	vst v3;
	v2 =	vmul.f32 $1.442695020e+00, v2  }
0x2ac: {  	v3 =	vperm.xlane v3, v0;
	v4 =	vld [tilespmem:s15+$0x6440];
	v5 =	vpop (erf)  }
0x2ad: {  	(erf) = vpow2.f32 v2;
	v2 =	vnsel vm0, $0x0, v5  }
0x2ae: {  	v1 =	vmul.f32 v1, v3;
	v3 =	vperm.xlane v2, v0;
	_ =	sdelay $0x2  }
0x2af: {  	[tilespmem:s21+$0xE440] =	vst v1;
	v1 =	vmul.f32 v4, v3  }
0x2b0: {  	[tilespmem:s15+$0xC440] =	vst v2;
	v3 =	vpop (erf)  }
0x2b1: {  	v2 =	vld [tilespmem:s13+$0x6440];
	[tilespmem:s15+$0xE440] =	vst v1;
	v1 =	vnsel vm0, $0x0, v3  }
0x2b2: {  	[tilespmem:s13+$0xC440] =	vst v1  }
0x2b3: {  	v3 =	vld [tilespmem:s18+$0x6440]  }
0x2b4: {  	v1 =	vperm.xlane v1, v0;
	v4 =	vpop (erf)  }
0x2b5: {  	v4 =	vnsel vm0, $0x0, v4  }
0x2b6: {  	v1 =	vmul.f32 v2, v1;
	v2 =	vperm.xlane v4, v0;
	_ =	sdelay $0x1  }
0x2b7: {  	[tilespmem:s13+$0xE440] =	vst v1;
	v1 =	vmul.f32 v3, v2  }
0x2b8: {  	[tilespmem:s18+$0xC440] =	vst v4  }
0x2b9: {  	[tilespmem:s18+$0xE440] =	vst v1  }
0x2ba: {  	v1 =	vld [tilespmem:$0x5140]  }
0x2bb: {  	v2 =	vld [tilespmem:$0x5150]  }
0x2bc: {  	v3 =	vld [tilespmem:$0x5160]  }
0x2bd: {  	v4 =	vld [tilespmem:$0x5170]  }
0x2be: {  	v5 =	vld [tilespmem:$0x5180]  }
0x2bf: {  	[tilespmem:$0x5340] =	vst v1;
	v1 =	vld [tilespmem:$0x5190]  }
0x2c0: {  	[tilespmem:$0x5350] =	vst v2;
	v2 =	vld [tilespmem:$0x51A0]  }
0x2c1: {  	[tilespmem:$0x5360] =	vst v3;
	v3 =	vld [tilespmem:$0x51B0]  }
0x2c2: {  	[tilespmem:$0x5370] =	vst v4  }
0x2c3: {  	[tilespmem:$0x5380] =	vst v5  }
0x2c4: {  	[tilespmem:$0x5390] =	vst v1  }
0x2c5: {  	s21 =	rddreg [dreg:$0x1b];
	[tilespmem:$0x53A0] =	vst v2  }
0x2c6: {  	s24 =	simm.s32 $0x5340;
	s30 =	simm.s32 $0xE440;
	s13 =	sadd.s32 s26, s21;
	[tilespmem:$0x53B0] =	vst v3  }
0x2c7: {  	[spmem:s2] =	stream.indirect.scatter.add.f32 [tilespmem:s30], [sflag:$0x7], $0x10, s24, s19, $0xb8;
	[tilespmem:$0xF440] =	vst v63  }
0x2c8: {  	s13 =	sshrl.u32 s13, $0x3;
	s18 =	simm.s32 $0xC440  }
0x2c9: {  	[spmem:s3] =	stream.indirect.scatter.add.f32 [tilespmem:s18], [sflag:$0x7], $0x10, s24, s19, $0xb8;
	[tilespmem:$0xF440] =	vst v63  }
0x2ca: {  	s30 =	simm.s32 $0x0;
	s24 =	sadd.s32 s8, s13  }
0x2cb: {  	[tilespmem:s29], [sflag:$0x9] =	stream.linear.gather [hbm4b:s24+s30], $0x80, $0x38;
	[tilespmem:$0xF440] =	vst v63  }
0x2cc: {  	_ =	swait.ge [sflag:s16], $0x80  }
0x2cd: {  	[sflag:s16] =	ssyncset.done $0x0  }
0x2ce: {  	s15 =	simm.s32 $0x5140;
	s13 =	sadd.s32 s9, s13;
	[sflag:s16] =	ssyncadd.s32 $0xFFFFFF80  }
0x2cf: {  	[tilespmem:s15], [sflag:$0x9] =	stream.linear.gather [hbm4b:s13+s30], $0x80, $0x38;
	[tilespmem:$0xF440] =	vst v63  }
0x2d0: {  	_ =	swait.ge [sflag:s16], $0x80  }
0x2d1: {  	[sflag:s16] =	ssyncset.done $0x0  }
0x2d2: {  	s21 =	simm.s32 $0x6440;
	[sflag:s16] =	ssyncadd.s32 $0xFFFFFF80  }
0x2d3: {  	[tilespmem:s21], [sflag:$0x3] =	stream.indirect.gather [hbm4b:s1+s19], $0x10, s29, s19, $0xb8;
	[tilespmem:$0xF440] =	vst v63  }
0x2d4: {  	s24 =	simm.s32 $0x8440  }
0x2d5: {  	[tilespmem:s24], [sflag:$0x3] =	stream.indirect.gather [hbm4b:s6+s19], $0x10, s29, s19, $0xb8;
	[tilespmem:$0xF440] =	vst v63  }
0x2d6: {  	s30 =	simm.s32 $0xA440  }
0x2d7: {  	[tilespmem:s30], [sflag:$0x3] =	stream.indirect.gather [hbm4b:s7+s19], $0x10, s15, s19, $0xb8;
	[tilespmem:$0xF440] =	vst v63  }
0x2d8: {  	_ =	swait.ge [sflag:s20], $0x800  }
0x2d9: {  	[sflag:s20] =	ssyncset.done $0x0  }
0x2da: {  	[sflag:s20] =	ssyncadd.s32 $0xFFFFF800  }
0x2db: {  	_ =	swait.ge [sflag:s20], $0x800  }
0x2dc: {  	[sflag:s20] =	ssyncset.done $0x0  }
0x2dd: {  	[sflag:s20] =	ssyncadd.s32 $0xFFFFF800  }
0x2de: {  	_ =	swait.ge [sflag:s20], $0x800  }
0x2df: {  	[sflag:s20] =	ssyncset.done $0x0  }
0x2e0: {  	[sflag:s20] =	ssyncadd.s32 $0xFFFFF800  }
0x2e1: {  	_ =	swait.ge [sflag:s4], $0x800  }
0x2e2: {  	[sflag:s4] =	ssyncset.done $0x0  }
0x2e3: {  	[sflag:s4] =	ssyncadd.s32 $0xFFFFF800  }
0x2e4: {  	_ =	swait.ge [sflag:s4], $0x800  }
0x2e5: {  	[sflag:s4] =	ssyncset.done $0x0  }
0x2e6: {  	s21 =	simm.s32 $0x0;
	[sflag:s4] =	ssyncadd.s32 $0xFFFFF800  }
0x2e7: {  	v1 =	vld [tilespmem:s21+$0x8C40]  }
0x2e8: {  	v2 =	vld [tilespmem:s21+$0xAC40];
	_ =	sdelay $0x4  }
0x2e9: {  	s15 =	simm.s32 $0x10;
	v1 =	vadd.f32 v2, v1  }
0x2ea: {  	v3 =	vld [tilespmem:s15+$0x8C40]  }
0x2eb: {  	v4 =	vld [tilespmem:s15+$0xAC40];
	v2 =	vmul.f32 $2.000000030e-01, v1  }
0x2ec: {  	vm1 =	vgt.f32 v1, $0.0e+00  }
0x2ed: {  	v1 =	vsel vm1, v1, v2  }
0x2ee: {  	v1 =	vmul.f32 $1.442695020e+00, v1  }
0x2ef: {  	s13 =	simm.s32 $0x20  }
0x2f0: {  	v5 =	vld [tilespmem:s13+$0xAC40];
	(erf) = vpow2.f32 v1;
	v1 =	vadd.f32 v4, v3  }
0x2f1: {  	v2 =	vld [tilespmem:s13+$0x8C40]  }
0x2f2: {  	v3 =	vmul.f32 $2.000000030e-01, v1  }
0x2f3: {  	vm1 =	vgt.f32 v1, $0.0e+00  }
0x2f4: {  	v1 =	vsel vm1, v1, v3  }
0x2f5: {  	s18 =	simm.s32 $0x30;
	v1 =	vmul.f32 $1.442695020e+00, v1  }
0x2f6: {  	v4 =	vadd.f32 v5, v2;
	v2 =	vld [tilespmem:s18+$0x8C40]  }
0x2f7: {  	v3 =	vld [tilespmem:s18+$0xAC40];
	(erf) = vpow2.f32 v1  }
0x2f8: {  	v5 =	vmul.f32 $2.000000030e-01, v4  }
0x2f9: {  	vm1 =	vgt.f32 v4, $0.0e+00;
	v1 =	vld [tilespmem:s21+$0x6C40]  }
0x2fa: {  	s24 =	simm.s32 $0x100;
	v5 =	vsel vm1, v4, v5;
	v4 =	vpop (erf)  }
.LBB2_17:
0x2fb: {  	v5 =	vmul.f32 $1.442695020e+00, v5;
	v4 =	vnsel vm0, $0x0, v4;
	s30 =	smov.u32 s18;
	s18 =	sshra.s32 s24, $0x2;
	p0 =	sne.s32 s24, $0x1FC0  }
.Ltmp7:
0x2fc: {  	s24 =	sadd.s32 $0x40, s24;
	v6 =	vadd.f32 v3, v2;
	v2 =	vld [tilespmem:s18+$0x8C40];
	[tilespmem:s21+$0xCC40] =	vst v4;
	v4 =	vperm.xlane v4, v0;
	(pc) =	sbr.rel @p0 .LBB2_17-.Ltmp7, $4  }
0x2fd: {  	v3 =	vld [tilespmem:s18+$0xAC40];
	(erf) = vpow2.f32 v5  }
0x2fe: {  	v5 =	vmul.f32 $2.000000030e-01, v6;
	v7 =	vmul.f32 v1, v4  }
0x2ff: {  	vm1 =	vgt.f32 v6, $0.0e+00;
	v1 =	vld [tilespmem:s15+$0x6C40]  }
0x300: {  	v5 =	vsel vm1, v6, v5;
	v4 =	vpop (erf);
	[tilespmem:s21+$0xEC40] =	vst v7;
	s21 =	smov.u32 s15;
	s15 =	smov.u32 s13;
	s13 =	smov.u32 s30  }
0x301: {  	_ = 	snop  }
0x302: {  	v2 =	vadd.f32 v3, v2  }
0x303: {  	v3 =	vmul.f32 $1.442695020e+00, v5  }
0x304: {  	v59 =	vmul.f32 $2.000000030e-01, v2  }
0x305: {  	(erf) = vpow2.f32 v3;
	vm1 =	vgt.f32 v2, $0.0e+00  }
0x306: {  	v3 =	vnsel vm0, $0x0, v4;
	v2 =	vsel vm1, v2, v59  }
0x307: {  	[tilespmem:s21+$0xCC40] =	vst v3;
	v2 =	vmul.f32 $1.442695020e+00, v2  }
0x308: {  	v3 =	vperm.xlane v3, v0;
	v60 =	vld [tilespmem:s15+$0x6C40];
	v61 =	vpop (erf)  }
0x309: {  	(erf) = vpow2.f32 v2;
	v2 =	vnsel vm0, $0x0, v61  }
0x30a: {  	v1 =	vmul.f32 v1, v3;
	v3 =	vperm.xlane v2, v0;
	_ =	sdelay $0x2  }
0x30b: {  	[tilespmem:s21+$0xEC40] =	vst v1;
	v1 =	vmul.f32 v60, v3  }
0x30c: {  	[tilespmem:s15+$0xCC40] =	vst v2;
	v3 =	vpop (erf)  }
0x30d: {  	v2 =	vld [tilespmem:s13+$0x6C40];
	[tilespmem:s15+$0xEC40] =	vst v1;
	v1 =	vnsel vm0, $0x0, v3  }
0x30e: {  	[tilespmem:s13+$0xCC40] =	vst v1  }
0x30f: {  	v3 =	vld [tilespmem:s18+$0x6C40]  }
0x310: {  	v1 =	vperm.xlane v1, v0;
	v62 =	vpop (erf)  }
0x311: {  	v4 =	vnsel vm0, $0x0, v62  }
0x312: {  	v1 =	vmul.f32 v2, v1;
	v2 =	vperm.xlane v4, v0;
	_ =	sdelay $0x1  }
0x313: {  	[tilespmem:s13+$0xEC40] =	vst v1;
	v1 =	vmul.f32 v3, v2  }
0x314: {  	[tilespmem:s18+$0xCC40] =	vst v4  }
0x315: {  	[tilespmem:s18+$0xEC40] =	vst v1  }
0x316: {  	v1 =	vld [tilespmem:$0x51C0]  }
0x317: {  	v2 =	vld [tilespmem:$0x51D0]  }
0x318: {  	v3 =	vld [tilespmem:$0x51E0]  }
0x319: {  	v4 =	vld [tilespmem:$0x51F0]  }
0x31a: {  	v63 =	vld [tilespmem:$0x5200]  }
0x31b: {  	[tilespmem:$0x53C0] =	vst v1;
	v1 =	vld [tilespmem:$0x5210]  }
0x31c: {  	[tilespmem:$0x53D0] =	vst v2;
	v2 =	vld [tilespmem:$0x5220]  }
0x31d: {  	[tilespmem:$0x53E0] =	vst v3;
	v3 =	vld [tilespmem:$0x5230]  }
0x31e: {  	[tilespmem:$0x53F0] =	vst v4  }
0x31f: {  	[tilespmem:$0x5400] =	vst v63  }
0x320: {  	[tilespmem:$0x5410] =	vst v1  }
0x321: {  	s18 =	rddreg [dreg:$0x1c];
	[tilespmem:$0x5420] =	vst v2  }
0x322: {  	s24 =	simm.s32 $0xEC40;
	s21 =	simm.s32 $0x53C0;
	s13 =	sadd.s32 s26, s18;
	[tilespmem:$0x5430] =	vst v3  }
0x323: {  	[spmem:s2] =	stream.indirect.scatter.add.f32 [tilespmem:s24], [sflag:$0x8], $0x10, s21, s19, $0xb8;
	[tilespmem:$0xF440] =	vst v63  }
0x324: {  	s30 =	simm.s32 $0xCC40;
	s13 =	sshrl.u32 s13, $0x3  }
0x325: {  	[spmem:s3] =	stream.indirect.scatter.add.f32 [tilespmem:s30], [sflag:$0x8], $0x10, s21, s19, $0xb8;
	[tilespmem:$0xF440] =	vst v63  }
0x326: {  	s21 =	sadd.s32 s8, s13  }
0x327: {  	[tilespmem:s10], [sflag:$0x9] =	stream.linear.gather [hbm4b:s21+s5], $0x80, $0x38;
	[tilespmem:$0xF440] =	vst v63  }
0x328: {  	_ =	swait.ge [sflag:s16], $0x80  }
0x329: {  	[sflag:s16] =	ssyncset.done $0x0  }
0x32a: {  	s13 =	sadd.s32 s9, s13;
	[sflag:s16] =	ssyncadd.s32 $0xFFFFFF80  }
0x32b: {  	[tilespmem:s12], [sflag:$0x9] =	stream.linear.gather [hbm4b:s13+s5], $0x80, $0x38;
	[tilespmem:$0xF440] =	vst v63  }
0x32c: {  	_ =	swait.ge [sflag:s16], $0x80  }
0x32d: {  	s11 =	sadd.s32 $0x1, s11;
	[sflag:s16] =	ssyncset.done $0x0  }
0x32e: {  	p0 =	sne.s32 s11, $0x14;
	s24 =	simm.s32 $0x6C40;
	[sflag:s16] =	ssyncadd.s32 $0xFFFFFF80  }
0x32f: {  	[tilespmem:s24], [sflag:$0x4] =	stream.indirect.gather [hbm4b:s1+s19], $0x10, s10, s19, $0xb8;
	[tilespmem:$0xF440] =	vst v63  }
.Ltmp8:
0x330: {  	_ = 	snop;
	(pc) =	sbr.rel @p0 .LBB2_10-.Ltmp8, $4  }
0x331: {  	s26 =	simm.s32 $0x8C40  }
0x332: {  	[tilespmem:s26], [sflag:$0x4] =	stream.indirect.gather [hbm4b:s6+s19], $0x10, s10, s19, $0xb8;
	[tilespmem:$0xF440] =	vst v63  }
0x333: {  	s30 =	simm.s32 $0xAC40  }
0x334: {  	[tilespmem:s30], [sflag:$0x4] =	stream.indirect.gather [hbm4b:s7+s19], $0x10, s12, s19, $0xb8;
	[tilespmem:$0xF440] =	vst v63  }
0x335: {  	_ =	swait.ge [sflag:s22], $0x800  }
0x336: {  	[sflag:s22] =	ssyncset.done $0x0  }
0x337: {  	[sflag:s22] =	ssyncadd.s32 $0xFFFFF800  }
0x338: {  	_ =	swait.ge [sflag:s22], $0x800  }
0x339: {  	[sflag:s22] =	ssyncset.done $0x0  }
0x33a: {  	[sflag:s22] =	ssyncadd.s32 $0xFFFFF800  }
0x33b: {  	_ =	swait.ge [sflag:s25], $0x800  }
0x33c: {  	[sflag:s25] =	ssyncset.done $0x0  }
0x33d: {  	[sflag:s25] =	ssyncadd.s32 $0xFFFFF800  }
0x33e: {  	_ =	swait.ge [sflag:s25], $0x800  }
0x33f: {  	[sflag:s25] =	ssyncset.done $0x0  }
0x340: {  	[sflag:s25] =	ssyncadd.s32 $0xFFFFF800  }
0x341: {  	_ =	swait.ge [sflag:s25], $0x800  }
0x342: {  	[sflag:s25] =	ssyncset.done $0x0  }
0x343: {  	[sflag:s25] =	ssyncadd.s32 $0xFFFFF800  }
0x344: {  	_ =	swait.ge [sflag:s31], $0x800  }
0x345: {  	[sflag:s31] =	ssyncset.done $0x0  }
0x346: {  	[sflag:s31] =	ssyncadd.s32 $0xFFFFF800  }
0x347: {  	_ =	swait.ge [sflag:s31], $0x800  }
0x348: {  	[sflag:s31] =	ssyncset.done $0x0  }
0x349: {  	[sflag:s31] =	ssyncadd.s32 $0xFFFFF800  }
0x34a: {  	_ =	swait.ge [sflag:s28], $0x800  }
0x34b: {  	[sflag:s28] =	ssyncset.done $0x0  }
0x34c: {  	[sflag:s28] =	ssyncadd.s32 $0xFFFFF800  }
0x34d: {  	_ =	swait.ge [sflag:s28], $0x800  }
0x34e: {  	[sflag:s28] =	ssyncset.done $0x0  }
0x34f: {  	[sflag:s28] =	ssyncadd.s32 $0xFFFFF800  }
0x350: {  	_ =	swait.ge [sflag:s28], $0x800  }
0x351: {  	[sflag:s28] =	ssyncset.done $0x0  }
0x352: {  	[sflag:s28] =	ssyncadd.s32 $0xFFFFF800  }
0x353: {  	_ =	swait.ge [sflag:s0], $0x800  }
0x354: {  	[sflag:s0] =	ssyncset.done $0x0  }
0x355: {  	[sflag:s0] =	ssyncadd.s32 $0xFFFFF800  }
0x356: {  	_ =	swait.ge [sflag:s0], $0x800  }
0x357: {  	[sflag:s0] =	ssyncset.done $0x0  }
0x358: {  	[sflag:s0] =	ssyncadd.s32 $0xFFFFF800  }
0x359: {  	_ =	swait.ge [sflag:s14], $0x800  }
0x35a: {  	[sflag:s14] =	ssyncset.done $0x0  }
0x35b: {  	[sflag:s14] =	ssyncadd.s32 $0xFFFFF800  }
0x35c: {  	_ =	swait.ge [sflag:s14], $0x800  }
0x35d: {  	[sflag:s14] =	ssyncset.done $0x0  }
0x35e: {  	[sflag:s14] =	ssyncadd.s32 $0xFFFFF800  }
0x35f: {  	_ =	swait.ge [sflag:s14], $0x800  }
0x360: {  	[sflag:s14] =	ssyncset.done $0x0  }
0x361: {  	[sflag:s14] =	ssyncadd.s32 $0xFFFFF800  }
0x362: {  	_ =	swait.ge [sflag:s4], $0x800  }
0x363: {  	[sflag:s4] =	ssyncset.done $0x0  }
0x364: {  	[sflag:s4] =	ssyncadd.s32 $0xFFFFF800  }
0x365: {  	_ =	swait.ge [sflag:s4], $0x800  }
0x366: {  	[sflag:s4] =	ssyncset.done $0x0  }
0x367: {  	[sflag:s4] =	ssyncadd.s32 $0xFFFFF800  }
0x368: {  	_ =	swait.ge [sflag:s20], $0x800  }
0x369: {  	[sflag:s20] =	ssyncset.done $0x0  }
0x36a: {  	[sflag:s20] =	ssyncadd.s32 $0xFFFFF800  }
0x36b: {  	_ =	swait.ge [sflag:s20], $0x800  }
0x36c: {  	[sflag:s20] =	ssyncset.done $0x0  }
0x36d: {  	[sflag:s20] =	ssyncadd.s32 $0xFFFFF800  }
0x36e: {  	_ =	swait.ge [sflag:s20], $0x800  }
0x36f: {  	[sflag:s20] =	ssyncset.done $0x0  }
0x370: {  	[sflag:s20] =	ssyncadd.s32 $0xFFFFF800  }
0x371: {  	[bflag:$0x0] =	sbarrier.arrive $0xFFFF  }
0x372: {  	s13 =	sld [smem:$0x7FC]  }
0x373: {  	s15 =	rddreg [dreg:$0x7]  }
0x374: {  	s11 =	rddreg [dreg:$0x1d]  }
0x375: {  	[hbm:s11], [sflag:s15] =	dma.local [spmem:s13], $0x272  }
0x376: {  	_ =	swait.ge [sflag:s16], $0x272  }
0x377: {  	s24 =	sld [smem:$0x7FD]  }
0x378: {  	[sflag:s16] =	ssyncset.done $0x0  }
0x379: {  	s21 =	rddreg [dreg:$0x1e];
	[sflag:s16] =	ssyncadd.s32 $0xFFFFFD8E  }
0x37a: {  	[hbm:s21], [sflag:s15] =	dma.local [spmem:s24], $0x272  }
0x37b: {  	_ =	swait.ge [sflag:s16], $0x272  }
0x37c: {  	s26 =	sld [smem:$0x7FB];
	_ =	sdelay $0x2  }
0x37d: {  	s30 =	rddreg [dreg:$0x1f];
	s13 =	sadd.s32 $0x1, s26  }
0x37e: {  	p0 =	sne.s32 s13, s30  }
.Ltmp9:
0x37f: {  	_ = 	snop;
	(pc) =	sbr.rel @p0 .LBB2_1-.Ltmp9, $3  }
0x380: {  	_ =	sdelay $0x1  }
0x381: {  	[sflag:s16] =	ssyncset.done $0x0  }
0x382: {  	[sflag:s16] =	ssyncadd.s32 $0xFFFFFD8E  }
0x383: {  	_ =	sfence.sel $0x180000  }
0x384: {  	[bflag:$0x0] =	sbarrier.arrive $0xFFFF  }
0x385: {  	_ =	strace $0x9000004A  }
0x386: {  	s0 =	stileid.u32;
	[bflag:$0x2] =	sbarrier.arrive $0xFFFF  }
0x387: {  	p0 =	sne.s32 s0, $0x0;
	s0 =	rddreg [dreg:$0x4]  }
0x388: {  	s0 =	sadd.s32 @!p0 $0x100000, s0  }
0x389: {  	[sflag:s0] =	ssyncadd.tile.s32 @!p0 $0x1;
	_ =	shalt  }
.Lfunc_end2:
_tile_overlayer_lowered:
.L_overlay_start_2:
0x38a: {  	(tag) =	ssettag $0x2  }
0x38b: {  	s0 =	rddreg [dreg:$0x0];
	s2 =	stileid.u32  }
0x38c: {  	s1 =	rddreg [dreg:$0x1];
	p0 =	sne.s32 s2, $0x0  }
0x38d: {  	s3 =	rddreg [dreg:$0x2];
	[bflag:$0x3] =	sbarrier.arrive $0xFFFF;
	s2 =	simm.s32 @!p0 $0x1C09  }
0x38e: {  	[timem:s3], [sflag:s2] =	dma.local @!p0 [hbm:s0], s1  }
0x38f: {  	s0 =	simm.s32 @!p0 $0x9  }
0x390: {  	_ =	swait.ge @!p0 [sflag:s0], s1  }
0x391: {  	s1 =	ssub.s32 @!p0 $0x0, s1;
	[sflag:s0] =	ssyncset.done @!p0 $0x0  }
0x392: {  	[sflag:s0] =	ssyncadd.s32 @!p0 s1  }
0x393: {  	[bflag:$0x3] =	sbarrier.arrive $0xFFFF  }
0x394: {  	_ =	shalt  }

// kernel: kernel.7.cloned.1.call-start
scs
__scs_entry_jumppad:
0x0: {  	(pc) =	sbr.rel $0x88, $3  }
0x1: {  	(tag) =	ssettag $0x0;
	lr =	simm.s32 $0x1  }
0x2: {  	[smem:$0x3F97] =	sst lr;
	_ =	strace $0xD0000000  }
0x3: {  	_ = 	snop  }
0x4: {  	_ = 	snop  }
0x5: {  	_ = 	snop  }
0x6: {  	_ = 	snop  }
0x7: {  	_ = 	snop  }
__scs_overlays_trampoline_lowered:
0x8: {  	[smem:$0x3FA6] =	sst s0  }
0x9: {  	[smem:$0x3FA7] =	sst s1  }
0xa: {  	[smem:$0x3FA8] =	sst s2  }
0xb: {  	[smem:$0x3FA9] =	sst s3  }
0xc: {  	[smem:$0x3FAA] =	sst s4  }
0xd: {  	[smem:$0x3FAB] =	sst s5  }
0xe: {  	[smem:$0x3FAC] =	sst s6  }
0xf: {  	[smem:$0x3FAD] =	sst s7  }
0x10: {  	[smem:$0x3FAE] =	sst s8  }
0x11: {  	[smem:$0x3FAF] =	sst s9;
	s0 =	simm.s32 @!p0 $0x0  }
0x12: {  	s1 =	sld [smem:$0x3F95];
	s0 =	simm.s32 @p0 $0x1  }
0x13: {  	[smem:$0x3FB0] =	sst s0;
	s0 =	simm.s32 @!p1 $0x0  }
0x14: {  	s2 =	sld [smem:$0x3F94];
	s0 =	simm.s32 @p1 $0x1  }
0x15: {  	[smem:$0x3FB1] =	sst s0;
	s0 =	simm.s32 @!p2 $0x0  }
0x16: {  	s3 =	sld [smem:$0x3FDB];
	s0 =	simm.s32 @p2 $0x1  }
0x17: {  	s4 =	simm.s32 $0x1BF5;
	[smem:$0x3FB3] =	sst s0  }
0x18: {  	s0 =	sld [smem:$0x3F96];
	_ =	swait.ge [sflag:s4], $0x0  }
0x19: {  	s7 =	sld [smem:$0x3F97]  }
0x1a: {  	s8 =	sadd.s32 $0xFFFFE003, lr  }
0x1b: {  	s9 =	sadd.s32 $0xFFFFFEF7, lr;
	s5 =	simm.s32 $0xFFFFFFFF;
	p2 =	slt.u32 s8, $0xFFFFF086  }
0x1c: {  	p1 =	slt.u32 s9, $0xF7A;
	s5 =	simm.s32 @!p2 $0x0  }
0x1d: {  	s5 =	simm.s32 @p1 $0x1;
	p0 =	seq.s32 s7, s2  }
0x1e: {  	s7 =	smul.u32 @!p0 $0xF7A, s2;
	p2 =	seq.s32 @!p0 s5, $0x0  }
0x1f: {  	s9 =	smul.u32 $0xF7A, s1;
	s8 =	simm.s32 @!p0 $0x1BF5;
	p2 =	por !p2, p0  }
0x20: {  	[sflag:s8] =	ssyncset.s32 @!p0 $0xFFFFF086;
	s6 =	sadd.s32 @!p0 s3, s7;
	s7 =	simm.s32 @!p0 $0x108  }
0x21: {  	s3 =	sadd.s32 s3, s9;
	s6 =	sadd.s32 @!p0 $0x88, s6;
	s7 =	simm.s32 @p2 $0x1082  }
0x22: {  	[simem:s7], [sflag:s8] =	dma.local @!p0 [hbm:s6], $0xF7A  }
0x23: {  	s9 =	sor.u32 $0xD0000000, s2;
	s6 =	simm.s32 $0x108;
	_ =	swait.ge @!p0 [sflag:s8], $0x0  }
0x24: {  	s3 =	sadd.s32 $0x88, s3;
	s6 =	simm.s32 @!p1 $0x1082;
	[sflag:s4] =	ssyncset.s32 $0xFFFFF086  }
0x25: {  	[simem:s6], [sflag:s4] =	dma.local [hbm:s3], $0xF7A  }
0x26: {  	[smem:$0x3F97] =	sst s1;
	(tag) =	ssettag s2;
	_ =	strace s9  }
0x27: {  	s1 =	sld [smem:$0x3FA7]  }
0x28: {  	s2 =	sld [smem:$0x3FA8]  }
0x29: {  	s4 =	sld [smem:$0x3FAA]  }
0x2a: {  	p0 =	seq.s32 s5, $0x0;
	s5 =	sld [smem:$0x3FAB]  }
0x2b: {  	s6 =	sld [smem:$0x3FAC]  }
0x2c: {  	s7 =	sld [smem:$0x3FAD]  }
0x2d: {  	s3 =	simm.s32 $0x108;
	s8 =	sld [smem:$0x3FAE]  }
0x2e: {  	s3 =	simm.s32 @!p0 $0x1082;
	s9 =	sld [smem:$0x3FAF]  }
0x2f: {  	lr =	sadd.s32 s0, s3;
	s0 =	sld [smem:$0x3FA6]  }
0x30: {  	s3 =	sld [smem:$0x3FA9]  }
0x31: {  	[smem:$0x3FB2] =	sst s10  }
0x32: {  	s10 =	sld [smem:$0x3FB0];
	_ =	sdelay $0x3  }
0x33: {  	p0 =	seq.s32 s10, $0x1;
	s10 =	sld [smem:$0x3FB2];
	_ =	sdelay $0x3  }
0x34: {  	[smem:$0x3FB2] =	sst s10  }
0x35: {  	s10 =	sld [smem:$0x3FB1];
	_ =	sdelay $0x3  }
0x36: {  	p1 =	seq.s32 s10, $0x1;
	s10 =	sld [smem:$0x3FB2];
	_ =	sdelay $0x3  }
0x37: {  	[smem:$0x3FB2] =	sst s10  }
0x38: {  	s10 =	sld [smem:$0x3FB3]  }
0x39: {  	_ = 	snop;
	(pc) =	sbr.ind lr, $3  }
0x3a: {  	_ = 	snop  }
0x3b: {  	_ = 	snop  }
0x3c: {  	p2 =	seq.s32 s10, $0x1;
	s10 =	sld [smem:$0x3FB2]  }
0x3d: {  	_ =	shalt  }
0x3e: {  	_ =	shalt  }
0x3f: {  	_ =	shalt  }
0x40: {  	_ =	shalt  }
0x41: {  	_ =	shalt  }
0x42: {  	_ =	shalt  }
0x43: {  	_ =	shalt  }
0x44: {  	_ =	shalt  }
0x45: {  	_ =	shalt  }
0x46: {  	_ =	shalt  }
0x47: {  	_ =	shalt  }
0x48: {  	_ =	shalt  }
0x49: {  	_ =	shalt  }
0x4a: {  	_ =	shalt  }
0x4b: {  	_ =	shalt  }
0x4c: {  	_ =	shalt  }
0x4d: {  	_ =	shalt  }
0x4e: {  	_ =	shalt  }
0x4f: {  	_ =	shalt  }
0x50: {  	_ =	shalt  }
0x51: {  	_ =	shalt  }
0x52: {  	_ =	shalt  }
0x53: {  	_ =	shalt  }
0x54: {  	_ =	shalt  }
0x55: {  	_ =	shalt  }
0x56: {  	_ =	shalt  }
0x57: {  	_ =	shalt  }
0x58: {  	_ =	shalt  }
0x59: {  	_ =	shalt  }
0x5a: {  	_ =	shalt  }
0x5b: {  	_ =	shalt  }
0x5c: {  	_ =	shalt  }
0x5d: {  	_ =	shalt  }
0x5e: {  	_ =	shalt  }
0x5f: {  	_ =	shalt  }
0x60: {  	_ =	shalt  }
0x61: {  	_ =	shalt  }
0x62: {  	_ =	shalt  }
0x63: {  	_ =	shalt  }
0x64: {  	_ =	shalt  }
0x65: {  	_ =	shalt  }
0x66: {  	_ =	shalt  }
0x67: {  	_ =	shalt  }
0x68: {  	_ =	shalt  }
0x69: {  	_ =	shalt  }
0x6a: {  	_ =	shalt  }
0x6b: {  	_ =	shalt  }
0x6c: {  	_ =	shalt  }
0x6d: {  	_ =	shalt  }
0x6e: {  	_ =	shalt  }
0x6f: {  	_ =	shalt  }
0x70: {  	_ =	shalt  }
0x71: {  	_ =	shalt  }
0x72: {  	_ =	shalt  }
0x73: {  	_ =	shalt  }
0x74: {  	_ =	shalt  }
0x75: {  	_ =	shalt  }
0x76: {  	_ =	shalt  }
0x77: {  	_ =	shalt  }
0x78: {  	_ =	shalt  }
0x79: {  	_ =	shalt  }
0x7a: {  	_ =	shalt  }
0x7b: {  	_ =	shalt  }
0x7c: {  	_ =	shalt  }
0x7d: {  	_ =	shalt  }
0x7e: {  	_ =	shalt  }
0x7f: {  	_ =	shalt  }
0x80: {  	_ =	shalt  }
0x81: {  	_ =	shalt  }
0x82: {  	_ =	shalt  }
0x83: {  	_ =	shalt  }
0x84: {  	_ =	shalt  }
0x85: {  	_ =	shalt  }
0x86: {  	_ =	shalt  }
0x87: {  	_ =	shalt  }
.Lfunc_end0:
.L_simem_size_0:
called_computation_lowered:
.L_overlay_start_0:
0x88: {  	s2 =	sld [smem:$0x3FD9]  }
0x89: {  	s3 =	sld [smem:$0x3FFE];
	_ =	sdelay $0x1  }
0x8a: {  	s1 =	srdreg.scid  }
0x8b: {  	s0 =	sand.u32 $0x1, s1  }
0x8c: {  	s17 =	sshll.u32 s0, $0xA;
	s2 =	sadd.s32 s3, s2  }
0x8d: {  	s2 =	sadd.s32 s2, s17  }
0x8e: {  	[smem:$0x3FBE] =	sst s2  }
0x8f: {  	_ = 	snop  }
0x90: {  	s2 =	sld [smem:$0x3FD0];
	(tm) =	ssettm $0x1  }
0x91: {  	s18 =	sld [smem:$0x3FFB];
	_ =	sdelay $0x3  }
0x92: {  	_ =	strace s18  }
0x93: {  	s3 =	sld [smem:$0x3FFC];
	_ =	sdelay $0x3  }
0x94: {  	_ =	strace s3  }
0x95: {  	s3 =	sld [smem:$0x3FFD];
	_ =	sdelay $0x3  }
0x96: {  	_ =	strace s3  }
0x97: {  	_ =	strace $0x8FFFFFFF  }
0x98: {  	s19 =	sld [smem:$0x3FDB];
	_ =	sdelay $0x1  }
0x99: {  	s4 =	simm.s32 $_scs_section_size  }
0x9a: {  	s5 =	simm.s32 $_size__tile_overlayer_lowered;
	s6 =	simm.s32 $_tile_overlayer_lowered  }
0x9b: {  	s22 =	simm.s32 $0x1BFF;
	s21 =	sshll.u32 s6, $0x1;
	s3 =	sadd.s32 s4, s19  }
0x9c: {  	s7 =	simm.s32 $0x0;
	s20 =	sshll.u32 s5, $0x1;
	s5 =	sadd.s32 s21, s3  }
0x9d: {  	[timem:s7], [sflag:s22] =	dma.local [hbm:s5], s20  }
0x9e: {  	_ =	swait.ge [sflag:s22], s20  }
0x9f: {  	s4 =	ssub.s32 $0x0, s20;
	[sflag:s22] =	ssyncset.done $0x0  }
0xa0: {  	[sflag:s22] =	ssyncadd.s32 s4;
	_ =	sdelay $0x1  }
0xa1: {  	s23 =	simm.s32 $0x1B8B  }
0xa2: {  	_ =	swait.ge [sflag:s23], $0x1  }
0xa3: {  	[sflag:s23] =	ssyncset.done $0x0  }
0xa4: {  	s25 =	simm.s32 $0x1B8E;
	s24 =	sld [smem:$0x3FFE];
	[sflag:s23] =	ssyncadd.s32 $0xFFFFFFFF  }
0xa5: {  	s26 =	simm.s32 $execute0_lowered;
	[smem:$0x3FD2] =	sst s25  }
0xa6: {  	s5 =	sshll.u32 s26, $0x1;
	_ =	strace $0x80000046;
	[dreg:$0x1] =	wrdreg $0xFFFFFFFF  }
0xa7: {  	s28 =	simm.s32 $_size_execute0_lowered;
	s3 =	sadd.s32 s3, s5;
	[dreg:$0x0] =	wrdreg $0x0  }
0xa8: {  	s5 =	sshll.u32 s28, $0x1;
	[dreg:$0x2] =	wrdreg s3  }
0xa9: {  	[dreg:$0x3] =	wrdreg s5  }
0xaa: {  	[dreg:$0x4] =	wrdreg $0xC0  }
0xab: {  	_ =	task [dreg:s7], $0x5FFFF  }
0xac: {  	[dreg:$0x1] =	wrdreg $0xFFFFFFFF  }
0xad: {  	[dreg:$0x0] =	wrdreg $0x60  }
0xae: {  	[dreg:$0x2] =	wrdreg s24  }
0xaf: {  	[dreg:$0x3] =	wrdreg s2  }
0xb0: {  	[dreg:$0x4] =	wrdreg $0x0  }
0xb1: {  	[dreg:$0x5] =	wrdreg $0x139000  }
0xb2: {  	[dreg:$0x6] =	wrdreg $0x9  }
0xb3: {  	_ =	task.clear_ibuf [dreg:s7], $0x7FFFF;
	_ =	strace $0x90000046  }
0xb4: {  	s29 =	simm.s32 $0x9;
	_ =	strace $0x80000048  }
0xb5: {  	_ =	swait.ge [sflag:s29], $0x1  }
0xb6: {  	[sflag:s29] =	ssyncadd.s32 $0xFFFFFFFF  }
0xb7: {  	_ =	strace $0x90000048  }
0xb8: {  	_ =	sfence  }
0xb9: {  	s30 =	sld [smem:$0x0];
	_ =	sdelay $0x2  }
0xba: {  	s31 =	sshll.u32 s1, $0xD;
	s1 =	sshrl.u32 s1, $0x2  }
0xbb: {  	s3 =	sand.u32 $0x4000, s31;
	s1 =	sadd.s32 s1, s30  }
0xbc: {  	s0 =	sor.u32 s3, s0;
	s1 =	sshll.u32 s1, $0x11  }
0xbd: {  	s0 =	sor.u32 s1, s0  }
0xbe: {  	s0 =	sadd.s32 $0x8F2B, s0  }
0xbf: {  	[sflag:s0] =	ssyncadd.remote.s32 $0x1  }
0xc0: {  	_ =	sfence.sel $0xFFFF  }
0xc1: {  	[dreg:$0x0] =	wrdreg $0xFFFFFFFF;
	(pc) =	sbr.abs _section_cstart, $3  }
0xc2: {  	[dreg:$0x1] =	wrdreg $0xFFFFFFFF  }
0xc3: {  	_ =	task.clear_ibuf [dreg:s7], $0x2FFFF;
	_ =	strace $0x9FFFFFFF  }
0xc4: {  	(tm) =	ssettm $0x7FFFFFFF  }
0xc5: {  	_ =	shalt  }
tec
execute0_lowered:
.L_overlay_start_1:
0x0: {  	(tag) =	ssettag $0x1  }
0x1: {  	s0 =	rddreg [dreg:$0x0]  }
0x2: {  	s1 =	rddreg [dreg:$0x1]  }
0x3: {  	s2 =	rddreg [dreg:$0x2]  }
0x4: {  	s4 =	rddreg [dreg:$0x3];
	s5 =	simm.s32 $0x0;
	s3 =	srdreg.scid  }
0x5: {  	s15 =	stileid.u32;
	s29 =	simm.s32 $0x5;
	s30 =	simm.s32 $0x16020  }
0x6: {  	s31 =	simm.s32 $0x160A0;
	[smem:$0x7FF] =	sst s5;
	s3 =	sand.u32 $0x1, s3  }
0x7: {  	s10 =	smul.u32 $0x9C80, s15;
	s6 =	sadd.s32 $0x2A00, s0;
	s7 =	sadd.s32 $0x78000, s0  }
0x8: {  	s8 =	sadd.s32 $0x87000, s0;
	s12 =	smul.u32 $0x1390, s15;
	s9 =	sadd.s32 $0x7D000, s0  }
0x9: {  	s14 =	sadd.s32 $0x91400, s0;
	s25 =	sadd.s32 $0x91000, s0;
	s11 =	smul.u32 $0x139000, s3  }
0xa: {  	_ =	strace $0x80000047;
	s13 =	smul.u32 $0x27200, s3;
	[dreg:$0x5] =	wrdreg s14  }
0xb: {  	[dreg:$0x6] =	wrdreg s25;
	s26 =	sshll.u32 s3, $0x4;
	s3 =	ssub.s32 $0x2, s3  }
0xc: {  	s14 =	sor.u32 s15, s26;
	s28 =	sshrl.u32 s3, $0x1;
	s15 =	sshll.u32 s15, $0x6  }
0xd: {  	s16 =	sadd.s32 s12, s4;
	s11 =	sadd.s32 s10, s11;
	s13 =	sadd.s32 s12, s13  }
0xe: {  	s14 =	smul.u32 $0x2780, s14;
	s3 =	ssub.s32 s3, s28;
	s10 =	sadd.s32 s10, s2  }
0xf: {  	s15 =	sor.u32 $0x1C05, s15;
	[dreg:$0x9] =	wrdreg s16;
	s12 =	simm.s32 $0x16060  }
0x10: {  	s16 =	simm.s32 $0x1A5A0;
	s11 =	sshrl.u32 s11, $0x3;
	[dreg:$0x7] =	wrdreg s10  }
0x11: {  	s13 =	sshrl.u32 s13, $0x3;
	s28 =	smax.u32 s3, $0x1;
	[dreg:$0x8] =	wrdreg s15  }
0x12: {  	s11 =	sadd.s32 s11, s0;
	s0 =	sadd.s32 s13, s0;
	s17 =	sshrl.u32 s14, $0x3  }
0x13: {  	[dreg:$0x14] =	wrdreg s28;
	s13 =	simm.s32 $0x3;
	s18 =	sadd.s32 s8, s17  }
0x14: {  	s19 =	sadd.s32 s9, s17;
	s10 =	sor.u32 $0x8, s17;
	[dreg:$0xa] =	wrdreg s18  }
0x15: {  	s26 =	sadd.s32 $0x9C600, s11;
	s0 =	sadd.s32 $0x92800, s0;
	[dreg:$0xb] =	wrdreg s19  }
0x16: {  	s17 =	simm.s32 $0x1ADA0;
	s20 =	sadd.s32 s8, s10;
	[dreg:$0x12] =	wrdreg s26  }
0x17: {  	s18 =	sadd.s32 $0x80, s14;
	s19 =	sadd.s32 $0xC0, s14;
	[dreg:$0x13] =	wrdreg s0  }
0x18: {  	s10 =	sadd.s32 s9, s10;
	[dreg:$0xc] =	wrdreg s20;
	s21 =	sshrl.u32 s18, $0x3  }
0x19: {  	s0 =	simm.s32 $0x40;
	[dreg:$0xd] =	wrdreg s10;
	s23 =	sadd.s32 s8, s21  }
0x1a: {  	s22 =	sshrl.u32 s19, $0x3;
	s10 =	sadd.s32 s9, s21;
	[dreg:$0xe] =	wrdreg s23  }
0x1b: {  	s14 =	simm.s32 $0x160E0;
	s24 =	sadd.s32 s8, s22;
	[dreg:$0xf] =	wrdreg s10  }
0x1c: {  	vm0 =	vmmov $0xff;
	v0 =	vimm.s32 $0x0;
	v1 =	vimm.s32 $0x1;
	s20 =	simm.s32 $0x1;
	s25 =	sadd.s32 s9, s22;
	[dreg:$0x10] =	wrdreg s24  }
0x1d: {  	v2 =	vimm.s32 $0x2;
	v3 =	vimm.s32 $0x3;
	v4 =	vimm.s32 $0x4;
	s21 =	simm.s32 $0x16120;
	s22 =	simm.s32 $0x4;
	[dreg:$0x11] =	wrdreg s25  }
0x1e: {  	v5 =	vimm.s32 $0x5;
	v6 =	vimm.s32 $0x6;
	v7 =	vimm.s32 $0x7;
	s24 =	simm.s32 $0x2;
	s25 =	simm.s32 $0x16160;
	s10 =	simm.s32 $0x0  }
.LBB2_1:
0x1f: {  	[dreg:$0x15] =	wrdreg s10  }
0x20: {  	s3 =	rddreg [dreg:$0x7]  }
0x21: {  	s26 =	rddreg [dreg:$0x5];
	s23 =	sshrl.u32 s3, $0x3  }
0x22: {  	[dreg:$0x16] =	wrdreg s23  }
0x23: {  	[spmem:s23], [sflag:s15] =	dma.local [hbm:s26], $0x1390  }
0x24: {  	_ =	swait.ge [sflag:s29], $0x1390  }
0x25: {  	s28 =	rddreg [dreg:$0x9]  }
0x26: {  	[sflag:s29] =	ssyncset.done $0x0;
	s11 =	rddreg [dreg:$0x6];
	s3 =	sshrl.u32 s28, $0x3  }
0x27: {  	[sflag:s29] =	ssyncadd.s32 $0xFFFFEC70;
	[dreg:$0x17] =	wrdreg s3  }
0x28: {  	[spmem:s3], [sflag:s15] =	dma.local [hbm:s11], $0x272  }
0x29: {  	_ =	swait.ge [sflag:s29], $0x272  }
0x2a: {  	[sflag:s29] =	ssyncset.done $0x0  }
0x2b: {  	[sflag:s29] =	ssyncadd.s32 $0xFFFFFD8E  }
0x2c: {  	[bflag:$0x0] =	sbarrier.arrive $0xFFFF  }
0x2d: {  	s23 =	rddreg [dreg:$0xa]  }
0x2e: {  	[tilespmem:s30], [sflag:$0x5] =	stream.linear.gather [hbm4b:s23+s5], $0x40, $0x38;
	[tilespmem:$0x1F9A0] =	vst v63  }
0x2f: {  	_ =	swait.ge [sflag:s29], $0x40  }
0x30: {  	[sflag:s29] =	ssyncset.done $0x0  }
0x31: {  	s26 =	rddreg [dreg:$0xb];
	[sflag:s29] =	ssyncadd.s32 $0xFFFFFFC0  }
0x32: {  	[tilespmem:s31], [sflag:$0x5] =	stream.linear.gather [hbm4b:s26+s5], $0x40, $0x38;
	[tilespmem:$0x1F9A0] =	vst v63  }
0x33: {  	_ =	swait.ge [sflag:s29], $0x40  }
0x34: {  	[sflag:s29] =	ssyncset.done $0x0  }
0x35: {  	s28 =	simm.s32 $0x161A0;
	[sflag:s29] =	ssyncadd.s32 $0xFFFFFFC0  }
0x36: {  	[tilespmem:s28], [sflag:$0x1] =	stream.indirect.gather [hbm4b:s6+s0], $0x80, s30, s0, $0xb8;
	[tilespmem:$0x1F9A0] =	vst v63  }
0x37: {  	s10 =	simm.s32 $0x1A1A0  }
0x38: {  	[tilespmem:s10], [sflag:$0x1] =	stream.indirect.gather [hbm4b:s1+s0], $0x10, s30, s0, $0xb8;
	[tilespmem:$0x1F9A0] =	vst v63  }
0x39: {  	s11 =	simm.s32 $0x1A9A0  }
0x3a: {  	[tilespmem:s11], [sflag:$0x1] =	stream.indirect.gather [hbm4b:s7+s0], $0x10, s31, s0, $0xb8;
	[tilespmem:$0x1F9A0] =	vst v63  }
0x3b: {  	s15 =	rddreg [dreg:$0xc]  }
0x3c: {  	[tilespmem:s12], [sflag:$0x5] =	stream.linear.gather [hbm4b:s15+s5], $0x40, $0x38;
	[tilespmem:$0x1F9A0] =	vst v63  }
0x3d: {  	_ =	swait.ge [sflag:s29], $0x40  }
0x3e: {  	[sflag:s29] =	ssyncset.done $0x0  }
0x3f: {  	s23 =	rddreg [dreg:$0xd];
	[sflag:s29] =	ssyncadd.s32 $0xFFFFFFC0  }
0x40: {  	[tilespmem:s14], [sflag:$0x5] =	stream.linear.gather [hbm4b:s23+s5], $0x40, $0x38;
	[tilespmem:$0x1F9A0] =	vst v63  }
0x41: {  	_ =	swait.ge [sflag:s29], $0x40  }
0x42: {  	[sflag:s29] =	ssyncset.done $0x0  }
0x43: {  	s26 =	simm.s32 $0x181A0;
	[sflag:s29] =	ssyncadd.s32 $0xFFFFFFC0  }
0x44: {  	[tilespmem:s26], [sflag:$0x2] =	stream.indirect.gather [hbm4b:s6+s0], $0x80, s12, s0, $0xb8;
	[tilespmem:$0x1F9A0] =	vst v63  }
0x45: {  	_ = 	snop  }
0x46: {  	[tilespmem:s16], [sflag:$0x2] =	stream.indirect.gather [hbm4b:s1+s0], $0x10, s12, s0, $0xb8;
	[tilespmem:$0x1F9A0] =	vst v63  }
0x47: {  	_ = 	snop  }
0x48: {  	[tilespmem:s17], [sflag:$0x2] =	stream.indirect.gather [hbm4b:s7+s0], $0x10, s14, s0, $0xb8;
	[tilespmem:$0x1F9A0] =	vst v63  }
0x49: {  	_ =	swait.ge [sflag:s20], $0x2000  }
0x4a: {  	[sflag:s20] =	ssyncset.done $0x0  }
0x4b: {  	[sflag:s20] =	ssyncadd.s32 $0xFFFFE000  }
0x4c: {  	_ =	swait.ge [sflag:s20], $0x400  }
0x4d: {  	[sflag:s20] =	ssyncset.done $0x0  }
0x4e: {  	[sflag:s20] =	ssyncadd.s32 $0xFFFFFC00  }
0x4f: {  	_ =	swait.ge [sflag:s20], $0x400  }
0x50: {  	[sflag:s20] =	ssyncset.done $0x0  }
0x51: {  	s28 =	simm.s32 $0x0;
	[sflag:s20] =	ssyncadd.s32 $0xFFFFFC00  }
0x52: {  	v8 =	vld [tilespmem:s28+$0x1A1A0]  }
0x53: {  	v9 =	vld [tilespmem:s28+$0x1A9A0];
	_ =	sdelay $0x4  }
0x54: {  	v8 =	vadd.f32 v9, v8;
	_ =	sdelay $0x1  }
0x55: {  	v9 =	vmul.f32 $2.000000030e-01, v8  }
0x56: {  	vm1 =	vgt.f32 v8, $0.0e+00  }
0x57: {  	v8 =	vsel vm1, v8, v9  }
0x58: {  	v8 =	vmul.f32 $1.442695020e+00, v8;
	_ =	sdelay $0x1  }
0x59: {  	(erf) = vpow2.f32 v8;
	_ =	sdelay $0x8  }
0x5a: {  	v8 =	vpop (erf)  }
0x5b: {  	v8 =	vnsel vm0, $0x0, v8  }
0x5c: {  	s23 =	simm.s32 $0x161E0;
	[tilespmem:s28+$0x1B1A0] =	vst v8  }
0x5d: {  	v9 =	vld [tilespmem:s23+$0xFFFFFFC0];
	_ =	sdelay $0x2  }
0x5e: {  	v10 =	vperm.xlane v8, v0;
	_ =	sdelay $0x1  }
0x5f: {  	v9 =	vmul.f32 v9, v10  }
0x60: {  	s26 =	simm.s32 $0x1B9E0  }
0x61: {  	[tilespmem:s26+$0xFFFFFFC0] =	vst v9  }
0x62: {  	v9 =	vld [tilespmem:s23+$0xFFFFFFD0];
	_ =	sdelay $0x2  }
0x63: {  	v10 =	vperm.xlane v8, v1;
	_ =	sdelay $0x1  }
0x64: {  	v9 =	vmul.f32 v9, v10;
	_ =	sdelay $0x1  }
0x65: {  	[tilespmem:s26+$0xFFFFFFD0] =	vst v9  }
0x66: {  	v9 =	vld [tilespmem:s23+$0xFFFFFFE0];
	_ =	sdelay $0x2  }
0x67: {  	v10 =	vperm.xlane v8, v2;
	_ =	sdelay $0x1  }
0x68: {  	v9 =	vmul.f32 v9, v10;
	_ =	sdelay $0x1  }
0x69: {  	[tilespmem:s26+$0xFFFFFFE0] =	vst v9  }
0x6a: {  	v9 =	vld [tilespmem:s23+$0xFFFFFFF0];
	_ =	sdelay $0x2  }
0x6b: {  	v10 =	vperm.xlane v8, v3;
	_ =	sdelay $0x1  }
0x6c: {  	v9 =	vmul.f32 v9, v10;
	_ =	sdelay $0x1  }
0x6d: {  	[tilespmem:s26+$0xFFFFFFF0] =	vst v9  }
0x6e: {  	v9 =	vld [tilespmem:s23+$0x0];
	_ =	sdelay $0x2  }
0x6f: {  	v10 =	vperm.xlane v8, v4;
	_ =	sdelay $0x1  }
0x70: {  	v9 =	vmul.f32 v9, v10;
	_ =	sdelay $0x1  }
0x71: {  	[tilespmem:s26+$0x0] =	vst v9  }
0x72: {  	v9 =	vld [tilespmem:s23+$0x10];
	_ =	sdelay $0x2  }
0x73: {  	v10 =	vperm.xlane v8, v5;
	_ =	sdelay $0x1  }
0x74: {  	v9 =	vmul.f32 v9, v10;
	_ =	sdelay $0x1  }
0x75: {  	[tilespmem:s26+$0x10] =	vst v9  }
0x76: {  	v9 =	vld [tilespmem:s23+$0x20];
	_ =	sdelay $0x2  }
0x77: {  	v10 =	vperm.xlane v8, v6;
	_ =	sdelay $0x1  }
0x78: {  	v9 =	vmul.f32 v9, v10;
	_ =	sdelay $0x1  }
0x79: {  	[tilespmem:s26+$0x20] =	vst v9  }
0x7a: {  	v9 =	vld [tilespmem:s23+$0x30];
	_ =	sdelay $0x2  }
0x7b: {  	v8 =	vperm.xlane v8, v7;
	_ =	sdelay $0x1  }
0x7c: {  	s3 =	simm.s32 $0x40;
	s10 =	simm.s32 $0x1B9E0;
	v8 =	vmul.f32 v9, v8  }
.LBB2_2:
0x7d: {  	p0 =	sne.s32 s3, $0xFC0;
	s26 =	sadd.s32 $0x80, s26;
	s23 =	sadd.s32 $0x80, s23  }
0x7e: {  	s11 =	sshra.s32 s3, $0x2;
	s3 =	sadd.s32 $0x40, s3;
	[tilespmem:s10+$0x30] =	vst v8;
	s10 =	smov.u32 s26  }
0x7f: {  	v8 =	vld [tilespmem:s11+$0x1A1A0]  }
0x80: {  	v9 =	vld [tilespmem:s11+$0x1A9A0];
	_ =	sdelay $0x4  }
0x81: {  	v8 =	vadd.f32 v9, v8;
	_ =	sdelay $0x1  }
0x82: {  	vm1 =	vgt.f32 v8, $0.0e+00;
	v9 =	vmul.f32 $2.000000030e-01, v8;
	_ =	sdelay $0x1  }
0x83: {  	v8 =	vsel vm1, v8, v9  }
0x84: {  	v8 =	vmul.f32 $1.442695020e+00, v8;
	_ =	sdelay $0x1  }
0x85: {  	(erf) = vpow2.f32 v8;
	_ =	sdelay $0x8  }
0x86: {  	v8 =	vpop (erf)  }
0x87: {  	v8 =	vnsel vm0, $0x0, v8  }
0x88: {  	[tilespmem:s11+$0x1B1A0] =	vst v8  }
0x89: {  	v9 =	vld [tilespmem:s23+$0xFFFFFFC0];
	_ =	sdelay $0x1  }
0x8a: {  	v10 =	vperm.xlane v8, v0;
	_ =	sdelay $0x2  }
0x8b: {  	v9 =	vmul.f32 v9, v10;
	_ =	sdelay $0x1  }
0x8c: {  	[tilespmem:s26+$0xFFFFFFC0] =	vst v9  }
0x8d: {  	v9 =	vld [tilespmem:s23+$0xFFFFFFD0];
	_ =	sdelay $0x1  }
0x8e: {  	v10 =	vperm.xlane v8, v1;
	_ =	sdelay $0x2  }
0x8f: {  	v9 =	vmul.f32 v9, v10;
	_ =	sdelay $0x1  }
0x90: {  	[tilespmem:s26+$0xFFFFFFD0] =	vst v9  }
0x91: {  	v9 =	vld [tilespmem:s23+$0xFFFFFFE0];
	_ =	sdelay $0x1  }
0x92: {  	v10 =	vperm.xlane v8, v2;
	_ =	sdelay $0x2  }
0x93: {  	v9 =	vmul.f32 v9, v10;
	_ =	sdelay $0x1  }
0x94: {  	[tilespmem:s26+$0xFFFFFFE0] =	vst v9  }
0x95: {  	v9 =	vld [tilespmem:s23+$0xFFFFFFF0];
	_ =	sdelay $0x1  }
0x96: {  	v10 =	vperm.xlane v8, v3;
	_ =	sdelay $0x2  }
0x97: {  	v9 =	vmul.f32 v9, v10;
	_ =	sdelay $0x1  }
0x98: {  	[tilespmem:s26+$0xFFFFFFF0] =	vst v9  }
0x99: {  	v9 =	vld [tilespmem:s23+$0x0];
	_ =	sdelay $0x1  }
0x9a: {  	v10 =	vperm.xlane v8, v4;
	_ =	sdelay $0x2  }
0x9b: {  	v9 =	vmul.f32 v9, v10;
	_ =	sdelay $0x1  }
0x9c: {  	[tilespmem:s26+$0x0] =	vst v9  }
0x9d: {  	v9 =	vld [tilespmem:s23+$0x10];
	_ =	sdelay $0x1  }
0x9e: {  	v10 =	vperm.xlane v8, v5;
	_ =	sdelay $0x2  }
0x9f: {  	v9 =	vmul.f32 v9, v10;
	_ =	sdelay $0x1  }
0xa0: {  	[tilespmem:s26+$0x10] =	vst v9  }
0xa1: {  	v9 =	vld [tilespmem:s23+$0x20];
	_ =	sdelay $0x1  }
0xa2: {  	v10 =	vperm.xlane v8, v6;
	_ =	sdelay $0x2  }
0xa3: {  	v9 =	vmul.f32 v9, v10;
	_ =	sdelay $0x1  }
0xa4: {  	[tilespmem:s26+$0x20] =	vst v9  }
0xa5: {  	v9 =	vld [tilespmem:s23+$0x30]  }
.Ltmp0:
0xa6: {  	(pc) =	sbr.rel @p0 .LBB2_2-.Ltmp0, $2  }
0xa7: {  	v8 =	vperm.xlane v8, v7;
	_ =	sdelay $0x2  }
0xa8: {  	v8 =	vmul.f32 v9, v8  }
0xa9: {  	_ = 	snop  }
0xaa: {  	[tilespmem:s10+$0x30] =	vst v8  }
0xab: {  	v8 =	vld [tilespmem:$0x160A0]  }
0xac: {  	v9 =	vld [tilespmem:$0x160B0]  }
0xad: {  	v10 =	vld [tilespmem:$0x160C0]  }
0xae: {  	v11 =	vld [tilespmem:$0x160D0];
	_ =	sdelay $0x1  }
0xaf: {  	[tilespmem:$0x16120] =	vst v8  }
0xb0: {  	[tilespmem:$0x16130] =	vst v9  }
0xb1: {  	[tilespmem:$0x16140] =	vst v10  }
0xb2: {  	s3 =	simm.s32 $0x1B9A0;
	[tilespmem:$0x16150] =	vst v11  }
0xb3: {  	[spmem:s2] =	stream.indirect.scatter.add.f32 [tilespmem:s3], [sflag:$0x3], $0x80, s21, s0, $0xb8;
	[tilespmem:$0x1F9A0] =	vst v63  }
0xb4: {  	s23 =	simm.s32 $0x1B1A0  }
0xb5: {  	[spmem:s4] =	stream.indirect.scatter.add.f32 [tilespmem:s23], [sflag:$0x3], $0x10, s21, s0, $0xb8;
	[tilespmem:$0x1F9A0] =	vst v63  }
0xb6: {  	s26 =	simm.s32 $0x0;
	s28 =	rddreg [dreg:$0xe]  }
0xb7: {  	[tilespmem:s30], [sflag:$0x5] =	stream.linear.gather [hbm4b:s28+s26], $0x40, $0x38;
	[tilespmem:$0x1F9A0] =	vst v63  }
0xb8: {  	_ =	swait.ge [sflag:s29], $0x40  }
0xb9: {  	[sflag:s29] =	ssyncset.done $0x0  }
0xba: {  	s11 =	rddreg [dreg:$0xf];
	[sflag:s29] =	ssyncadd.s32 $0xFFFFFFC0  }
0xbb: {  	[tilespmem:s31], [sflag:$0x5] =	stream.linear.gather [hbm4b:s11+s26], $0x40, $0x38;
	[tilespmem:$0x1F9A0] =	vst v63  }
0xbc: {  	_ =	swait.ge [sflag:s29], $0x40  }
0xbd: {  	[sflag:s29] =	ssyncset.done $0x0  }
0xbe: {  	s15 =	simm.s32 $0x161A0;
	[sflag:s29] =	ssyncadd.s32 $0xFFFFFFC0  }
0xbf: {  	[tilespmem:s15], [sflag:$0x1] =	stream.indirect.gather [hbm4b:s6+s0], $0x80, s30, s0, $0xb8;
	[tilespmem:$0x1F9A0] =	vst v63  }
0xc0: {  	s23 =	simm.s32 $0x1A1A0  }
0xc1: {  	[tilespmem:s23], [sflag:$0x1] =	stream.indirect.gather [hbm4b:s1+s0], $0x10, s30, s0, $0xb8;
	[tilespmem:$0x1F9A0] =	vst v63  }
0xc2: {  	s26 =	simm.s32 $0x1A9A0  }
0xc3: {  	[tilespmem:s26], [sflag:$0x1] =	stream.indirect.gather [hbm4b:s7+s0], $0x10, s31, s0, $0xb8;
	[tilespmem:$0x1F9A0] =	vst v63  }
0xc4: {  	_ =	swait.ge [sflag:s24], $0x2000  }
0xc5: {  	[sflag:s24] =	ssyncset.done $0x0  }
0xc6: {  	[sflag:s24] =	ssyncadd.s32 $0xFFFFE000  }
0xc7: {  	_ =	swait.ge [sflag:s24], $0x400  }
0xc8: {  	[sflag:s24] =	ssyncset.done $0x0  }
0xc9: {  	[sflag:s24] =	ssyncadd.s32 $0xFFFFFC00  }
0xca: {  	_ =	swait.ge [sflag:s24], $0x400  }
0xcb: {  	[sflag:s24] =	ssyncset.done $0x0  }
0xcc: {  	s28 =	simm.s32 $0x0;
	[sflag:s24] =	ssyncadd.s32 $0xFFFFFC00  }
0xcd: {  	v8 =	vld [tilespmem:s28+$0x1A5A0]  }
0xce: {  	v9 =	vld [tilespmem:s28+$0x1ADA0];
	_ =	sdelay $0x4  }
0xcf: {  	v8 =	vadd.f32 v9, v8;
	_ =	sdelay $0x1  }
0xd0: {  	v9 =	vmul.f32 $2.000000030e-01, v8  }
0xd1: {  	vm1 =	vgt.f32 v8, $0.0e+00  }
0xd2: {  	v8 =	vsel vm1, v8, v9  }
0xd3: {  	v8 =	vmul.f32 $1.442695020e+00, v8;
	_ =	sdelay $0x1  }
0xd4: {  	(erf) = vpow2.f32 v8;
	_ =	sdelay $0x8  }
0xd5: {  	v8 =	vpop (erf)  }
0xd6: {  	v8 =	vnsel vm0, $0x0, v8  }
0xd7: {  	s23 =	simm.s32 $0x181E0;
	[tilespmem:s28+$0x1B5A0] =	vst v8  }
0xd8: {  	v9 =	vld [tilespmem:s23+$0xFFFFFFC0];
	_ =	sdelay $0x2  }
0xd9: {  	v10 =	vperm.xlane v8, v0;
	_ =	sdelay $0x1  }
0xda: {  	v9 =	vmul.f32 v9, v10  }
0xdb: {  	s26 =	simm.s32 $0x1D9E0  }
0xdc: {  	[tilespmem:s26+$0xFFFFFFC0] =	vst v9  }
0xdd: {  	v9 =	vld [tilespmem:s23+$0xFFFFFFD0];
	_ =	sdelay $0x2  }
0xde: {  	v10 =	vperm.xlane v8, v1;
	_ =	sdelay $0x1  }
0xdf: {  	v9 =	vmul.f32 v9, v10;
	_ =	sdelay $0x1  }
0xe0: {  	[tilespmem:s26+$0xFFFFFFD0] =	vst v9  }
0xe1: {  	v9 =	vld [tilespmem:s23+$0xFFFFFFE0];
	_ =	sdelay $0x2  }
0xe2: {  	v10 =	vperm.xlane v8, v2;
	_ =	sdelay $0x1  }
0xe3: {  	v9 =	vmul.f32 v9, v10;
	_ =	sdelay $0x1  }
0xe4: {  	[tilespmem:s26+$0xFFFFFFE0] =	vst v9  }
0xe5: {  	v9 =	vld [tilespmem:s23+$0xFFFFFFF0];
	_ =	sdelay $0x2  }
0xe6: {  	v10 =	vperm.xlane v8, v3;
	_ =	sdelay $0x1  }
0xe7: {  	v9 =	vmul.f32 v9, v10;
	_ =	sdelay $0x1  }
0xe8: {  	[tilespmem:s26+$0xFFFFFFF0] =	vst v9  }
0xe9: {  	v9 =	vld [tilespmem:s23+$0x0];
	_ =	sdelay $0x2  }
0xea: {  	v10 =	vperm.xlane v8, v4;
	_ =	sdelay $0x1  }
0xeb: {  	v9 =	vmul.f32 v9, v10;
	_ =	sdelay $0x1  }
0xec: {  	[tilespmem:s26+$0x0] =	vst v9  }
0xed: {  	v9 =	vld [tilespmem:s23+$0x10];
	_ =	sdelay $0x2  }
0xee: {  	v10 =	vperm.xlane v8, v5;
	_ =	sdelay $0x1  }
0xef: {  	v9 =	vmul.f32 v9, v10;
	_ =	sdelay $0x1  }
0xf0: {  	[tilespmem:s26+$0x10] =	vst v9  }
0xf1: {  	v9 =	vld [tilespmem:s23+$0x20];
	_ =	sdelay $0x2  }
0xf2: {  	v10 =	vperm.xlane v8, v6;
	_ =	sdelay $0x1  }
0xf3: {  	v9 =	vmul.f32 v9, v10;
	_ =	sdelay $0x1  }
0xf4: {  	[tilespmem:s26+$0x20] =	vst v9  }
0xf5: {  	v9 =	vld [tilespmem:s23+$0x30];
	_ =	sdelay $0x2  }
0xf6: {  	v8 =	vperm.xlane v8, v7;
	_ =	sdelay $0x1  }
0xf7: {  	s10 =	simm.s32 $0x1D9E0;
	s3 =	simm.s32 $0x40;
	v8 =	vmul.f32 v9, v8  }
.LBB2_4:
0xf8: {  	p0 =	sne.s32 s3, $0xFC0;
	s26 =	sadd.s32 $0x80, s26;
	s23 =	sadd.s32 $0x80, s23  }
0xf9: {  	s11 =	sshra.s32 s3, $0x2;
	s3 =	sadd.s32 $0x40, s3;
	[tilespmem:s10+$0x30] =	vst v8;
	s10 =	smov.u32 s26  }
0xfa: {  	v8 =	vld [tilespmem:s11+$0x1A5A0]  }
0xfb: {  	v9 =	vld [tilespmem:s11+$0x1ADA0];
	_ =	sdelay $0x4  }
0xfc: {  	v8 =	vadd.f32 v9, v8;
	_ =	sdelay $0x1  }
0xfd: {  	vm1 =	vgt.f32 v8, $0.0e+00;
	v9 =	vmul.f32 $2.000000030e-01, v8;
	_ =	sdelay $0x1  }
0xfe: {  	v8 =	vsel vm1, v8, v9  }
0xff: {  	v8 =	vmul.f32 $1.442695020e+00, v8;
	_ =	sdelay $0x1  }
0x100: {  	(erf) = vpow2.f32 v8;
	_ =	sdelay $0x8  }
0x101: {  	v8 =	vpop (erf)  }
0x102: {  	v8 =	vnsel vm0, $0x0, v8  }
0x103: {  	[tilespmem:s11+$0x1B5A0] =	vst v8  }
0x104: {  	v9 =	vld [tilespmem:s23+$0xFFFFFFC0];
	_ =	sdelay $0x1  }
0x105: {  	v10 =	vperm.xlane v8, v0;
	_ =	sdelay $0x2  }
0x106: {  	v9 =	vmul.f32 v9, v10;
	_ =	sdelay $0x1  }
0x107: {  	[tilespmem:s26+$0xFFFFFFC0] =	vst v9  }
0x108: {  	v9 =	vld [tilespmem:s23+$0xFFFFFFD0];
	_ =	sdelay $0x1  }
0x109: {  	v10 =	vperm.xlane v8, v1;
	_ =	sdelay $0x2  }
0x10a: {  	v9 =	vmul.f32 v9, v10;
	_ =	sdelay $0x1  }
0x10b: {  	[tilespmem:s26+$0xFFFFFFD0] =	vst v9  }
0x10c: {  	v9 =	vld [tilespmem:s23+$0xFFFFFFE0];
	_ =	sdelay $0x1  }
0x10d: {  	v10 =	vperm.xlane v8, v2;
	_ =	sdelay $0x2  }
0x10e: {  	v9 =	vmul.f32 v9, v10;
	_ =	sdelay $0x1  }
0x10f: {  	[tilespmem:s26+$0xFFFFFFE0] =	vst v9  }
0x110: {  	v9 =	vld [tilespmem:s23+$0xFFFFFFF0];
	_ =	sdelay $0x1  }
0x111: {  	v10 =	vperm.xlane v8, v3;
	_ =	sdelay $0x2  }
0x112: {  	v9 =	vmul.f32 v9, v10;
	_ =	sdelay $0x1  }
0x113: {  	[tilespmem:s26+$0xFFFFFFF0] =	vst v9  }
0x114: {  	v9 =	vld [tilespmem:s23+$0x0];
	_ =	sdelay $0x1  }
0x115: {  	v10 =	vperm.xlane v8, v4;
	_ =	sdelay $0x2  }
0x116: {  	v9 =	vmul.f32 v9, v10;
	_ =	sdelay $0x1  }
0x117: {  	[tilespmem:s26+$0x0] =	vst v9  }
0x118: {  	v9 =	vld [tilespmem:s23+$0x10];
	_ =	sdelay $0x1  }
0x119: {  	v10 =	vperm.xlane v8, v5;
	_ =	sdelay $0x2  }
0x11a: {  	v9 =	vmul.f32 v9, v10;
	_ =	sdelay $0x1  }
0x11b: {  	[tilespmem:s26+$0x10] =	vst v9  }
0x11c: {  	v9 =	vld [tilespmem:s23+$0x20];
	_ =	sdelay $0x1  }
0x11d: {  	v10 =	vperm.xlane v8, v6;
	_ =	sdelay $0x2  }
0x11e: {  	v9 =	vmul.f32 v9, v10;
	_ =	sdelay $0x1  }
0x11f: {  	[tilespmem:s26+$0x20] =	vst v9  }
0x120: {  	v9 =	vld [tilespmem:s23+$0x30]  }
.Ltmp1:
0x121: {  	(pc) =	sbr.rel @p0 .LBB2_4-.Ltmp1, $2  }
0x122: {  	v8 =	vperm.xlane v8, v7;
	_ =	sdelay $0x2  }
0x123: {  	v8 =	vmul.f32 v9, v8  }
0x124: {  	_ = 	snop  }
0x125: {  	[tilespmem:s10+$0x30] =	vst v8  }
0x126: {  	v8 =	vld [tilespmem:$0x160E0]  }
0x127: {  	v9 =	vld [tilespmem:$0x160F0]  }
0x128: {  	v10 =	vld [tilespmem:$0x16100]  }
0x129: {  	v11 =	vld [tilespmem:$0x16110];
	_ =	sdelay $0x1  }
0x12a: {  	[tilespmem:$0x16160] =	vst v8  }
0x12b: {  	[tilespmem:$0x16170] =	vst v9  }
0x12c: {  	[tilespmem:$0x16180] =	vst v10  }
0x12d: {  	s3 =	simm.s32 $0x1D9A0;
	[tilespmem:$0x16190] =	vst v11  }
0x12e: {  	[spmem:s2] =	stream.indirect.scatter.add.f32 [tilespmem:s3], [sflag:$0x4], $0x80, s25, s0, $0xb8;
	[tilespmem:$0x1F9A0] =	vst v63  }
0x12f: {  	s15 =	simm.s32 $0x1B5A0  }
0x130: {  	[spmem:s4] =	stream.indirect.scatter.add.f32 [tilespmem:s15], [sflag:$0x4], $0x10, s25, s0, $0xb8;
	[tilespmem:$0x1F9A0] =	vst v63  }
0x131: {  	s23 =	rddreg [dreg:$0x10]  }
0x132: {  	[tilespmem:s12], [sflag:$0x5] =	stream.linear.gather [hbm4b:s23+s5], $0x40, $0x38;
	[tilespmem:$0x1F9A0] =	vst v63  }
0x133: {  	_ =	swait.ge [sflag:s29], $0x40  }
0x134: {  	[sflag:s29] =	ssyncset.done $0x0  }
0x135: {  	s26 =	rddreg [dreg:$0x11];
	[sflag:s29] =	ssyncadd.s32 $0xFFFFFFC0  }
0x136: {  	[tilespmem:s14], [sflag:$0x5] =	stream.linear.gather [hbm4b:s26+s5], $0x40, $0x38;
	[tilespmem:$0x1F9A0] =	vst v63  }
0x137: {  	_ =	swait.ge [sflag:s29], $0x40  }
0x138: {  	[sflag:s29] =	ssyncset.done $0x0  }
0x139: {  	s28 =	simm.s32 $0x181A0;
	[sflag:s29] =	ssyncadd.s32 $0xFFFFFFC0  }
0x13a: {  	[tilespmem:s28], [sflag:$0x2] =	stream.indirect.gather [hbm4b:s6+s0], $0x80, s12, s0, $0xb8;
	[tilespmem:$0x1F9A0] =	vst v63  }
0x13b: {  	_ = 	snop  }
0x13c: {  	[tilespmem:s16], [sflag:$0x2] =	stream.indirect.gather [hbm4b:s1+s0], $0x10, s12, s0, $0xb8;
	[tilespmem:$0x1F9A0] =	vst v63  }
0x13d: {  	s23 =	simm.s32 $0x1  }
0x13e: {  	[tilespmem:s17], [sflag:$0x2] =	stream.indirect.gather [hbm4b:s7+s0], $0x10, s14, s0, $0xb8;
	[tilespmem:$0x1F9A0] =	vst v63  }
.LBB2_6:
0x13f: {  	_ =	swait.ge [sflag:s20], $0x2000  }
0x140: {  	[sflag:s20] =	ssyncset.done $0x0  }
0x141: {  	[sflag:s20] =	ssyncadd.s32 $0xFFFFE000  }
0x142: {  	_ =	swait.ge [sflag:s20], $0x400  }
0x143: {  	[sflag:s20] =	ssyncset.done $0x0  }
0x144: {  	[sflag:s20] =	ssyncadd.s32 $0xFFFFFC00  }
0x145: {  	_ =	swait.ge [sflag:s20], $0x400  }
0x146: {  	[sflag:s20] =	ssyncset.done $0x0  }
0x147: {  	[sflag:s20] =	ssyncadd.s32 $0xFFFFFC00  }
0x148: {  	_ =	swait.ge [sflag:s13], $0x2000  }
0x149: {  	[sflag:s13] =	ssyncset.done $0x0  }
0x14a: {  	[sflag:s13] =	ssyncadd.s32 $0xFFFFE000  }
0x14b: {  	_ =	swait.ge [sflag:s13], $0x400  }
0x14c: {  	[sflag:s13] =	ssyncset.done $0x0  }
0x14d: {  	s3 =	simm.s32 $0x0;
	[sflag:s13] =	ssyncadd.s32 $0xFFFFFC00  }
0x14e: {  	v8 =	vld [tilespmem:s3+$0x1A1A0]  }
0x14f: {  	v9 =	vld [tilespmem:s3+$0x1A9A0];
	_ =	sdelay $0x4  }
0x150: {  	v8 =	vadd.f32 v9, v8;
	_ =	sdelay $0x1  }
0x151: {  	v9 =	vmul.f32 $2.000000030e-01, v8  }
0x152: {  	vm1 =	vgt.f32 v8, $0.0e+00  }
0x153: {  	v8 =	vsel vm1, v8, v9  }
0x154: {  	v8 =	vmul.f32 $1.442695020e+00, v8;
	_ =	sdelay $0x1  }
0x155: {  	(erf) = vpow2.f32 v8;
	_ =	sdelay $0x8  }
0x156: {  	v8 =	vpop (erf)  }
0x157: {  	v8 =	vnsel vm0, $0x0, v8  }
0x158: {  	s26 =	simm.s32 $0x161E0;
	[tilespmem:s3+$0x1B1A0] =	vst v8  }
0x159: {  	v9 =	vld [tilespmem:s26+$0xFFFFFFC0];
	_ =	sdelay $0x2  }
0x15a: {  	v10 =	vperm.xlane v8, v0;
	_ =	sdelay $0x1  }
0x15b: {  	v9 =	vmul.f32 v9, v10  }
0x15c: {  	s28 =	simm.s32 $0x1B9E0  }
0x15d: {  	[tilespmem:s28+$0xFFFFFFC0] =	vst v9  }
0x15e: {  	v9 =	vld [tilespmem:s26+$0xFFFFFFD0];
	_ =	sdelay $0x2  }
0x15f: {  	v10 =	vperm.xlane v8, v1;
	_ =	sdelay $0x1  }
0x160: {  	v9 =	vmul.f32 v9, v10;
	_ =	sdelay $0x1  }
0x161: {  	[tilespmem:s28+$0xFFFFFFD0] =	vst v9  }
0x162: {  	v9 =	vld [tilespmem:s26+$0xFFFFFFE0];
	_ =	sdelay $0x2  }
0x163: {  	v10 =	vperm.xlane v8, v2;
	_ =	sdelay $0x1  }
0x164: {  	v9 =	vmul.f32 v9, v10;
	_ =	sdelay $0x1  }
0x165: {  	[tilespmem:s28+$0xFFFFFFE0] =	vst v9  }
0x166: {  	v9 =	vld [tilespmem:s26+$0xFFFFFFF0];
	_ =	sdelay $0x2  }
0x167: {  	v10 =	vperm.xlane v8, v3;
	_ =	sdelay $0x1  }
0x168: {  	v9 =	vmul.f32 v9, v10;
	_ =	sdelay $0x1  }
0x169: {  	[tilespmem:s28+$0xFFFFFFF0] =	vst v9  }
0x16a: {  	v9 =	vld [tilespmem:s26+$0x0];
	_ =	sdelay $0x2  }
0x16b: {  	v10 =	vperm.xlane v8, v4;
	_ =	sdelay $0x1  }
0x16c: {  	v9 =	vmul.f32 v9, v10;
	_ =	sdelay $0x1  }
0x16d: {  	[tilespmem:s28+$0x0] =	vst v9  }
0x16e: {  	v9 =	vld [tilespmem:s26+$0x10];
	_ =	sdelay $0x2  }
0x16f: {  	v10 =	vperm.xlane v8, v5;
	_ =	sdelay $0x1  }
0x170: {  	v9 =	vmul.f32 v9, v10;
	_ =	sdelay $0x1  }
0x171: {  	[tilespmem:s28+$0x10] =	vst v9  }
0x172: {  	v9 =	vld [tilespmem:s26+$0x20];
	_ =	sdelay $0x2  }
0x173: {  	v10 =	vperm.xlane v8, v6;
	_ =	sdelay $0x1  }
0x174: {  	v9 =	vmul.f32 v9, v10;
	_ =	sdelay $0x1  }
0x175: {  	[tilespmem:s28+$0x20] =	vst v9  }
0x176: {  	v9 =	vld [tilespmem:s26+$0x30];
	_ =	sdelay $0x2  }
0x177: {  	v8 =	vperm.xlane v8, v7;
	_ =	sdelay $0x1  }
0x178: {  	s10 =	simm.s32 $0x1B9E0;
	s3 =	simm.s32 $0x40;
	v8 =	vmul.f32 v9, v8  }
.LBB2_7:
0x179: {  	p0 =	sne.s32 s3, $0xFC0;
	s28 =	sadd.s32 $0x80, s28;
	s26 =	sadd.s32 $0x80, s26  }
0x17a: {  	s11 =	sshra.s32 s3, $0x2;
	s3 =	sadd.s32 $0x40, s3;
	[tilespmem:s10+$0x30] =	vst v8;
	s10 =	smov.u32 s28  }
0x17b: {  	v8 =	vld [tilespmem:s11+$0x1A1A0]  }
0x17c: {  	v9 =	vld [tilespmem:s11+$0x1A9A0];
	_ =	sdelay $0x4  }
0x17d: {  	v8 =	vadd.f32 v9, v8;
	_ =	sdelay $0x1  }
0x17e: {  	vm1 =	vgt.f32 v8, $0.0e+00;
	v9 =	vmul.f32 $2.000000030e-01, v8;
	_ =	sdelay $0x1  }
0x17f: {  	v8 =	vsel vm1, v8, v9  }
0x180: {  	v8 =	vmul.f32 $1.442695020e+00, v8;
	_ =	sdelay $0x1  }
0x181: {  	(erf) = vpow2.f32 v8;
	_ =	sdelay $0x8  }
0x182: {  	v8 =	vpop (erf)  }
0x183: {  	v8 =	vnsel vm0, $0x0, v8  }
0x184: {  	[tilespmem:s11+$0x1B1A0] =	vst v8  }
0x185: {  	v9 =	vld [tilespmem:s26+$0xFFFFFFC0];
	_ =	sdelay $0x1  }
0x186: {  	v10 =	vperm.xlane v8, v0;
	_ =	sdelay $0x2  }
0x187: {  	v9 =	vmul.f32 v9, v10;
	_ =	sdelay $0x1  }
0x188: {  	[tilespmem:s28+$0xFFFFFFC0] =	vst v9  }
0x189: {  	v9 =	vld [tilespmem:s26+$0xFFFFFFD0];
	_ =	sdelay $0x1  }
0x18a: {  	v10 =	vperm.xlane v8, v1;
	_ =	sdelay $0x2  }
0x18b: {  	v9 =	vmul.f32 v9, v10;
	_ =	sdelay $0x1  }
0x18c: {  	[tilespmem:s28+$0xFFFFFFD0] =	vst v9  }
0x18d: {  	v9 =	vld [tilespmem:s26+$0xFFFFFFE0];
	_ =	sdelay $0x1  }
0x18e: {  	v10 =	vperm.xlane v8, v2;
	_ =	sdelay $0x2  }
0x18f: {  	v9 =	vmul.f32 v9, v10;
	_ =	sdelay $0x1  }
0x190: {  	[tilespmem:s28+$0xFFFFFFE0] =	vst v9  }
0x191: {  	v9 =	vld [tilespmem:s26+$0xFFFFFFF0];
	_ =	sdelay $0x1  }
0x192: {  	v10 =	vperm.xlane v8, v3;
	_ =	sdelay $0x2  }
0x193: {  	v9 =	vmul.f32 v9, v10;
	_ =	sdelay $0x1  }
0x194: {  	[tilespmem:s28+$0xFFFFFFF0] =	vst v9  }
0x195: {  	v9 =	vld [tilespmem:s26+$0x0];
	_ =	sdelay $0x1  }
0x196: {  	v10 =	vperm.xlane v8, v4;
	_ =	sdelay $0x2  }
0x197: {  	v9 =	vmul.f32 v9, v10;
	_ =	sdelay $0x1  }
0x198: {  	[tilespmem:s28+$0x0] =	vst v9  }
0x199: {  	v9 =	vld [tilespmem:s26+$0x10];
	_ =	sdelay $0x1  }
0x19a: {  	v10 =	vperm.xlane v8, v5;
	_ =	sdelay $0x2  }
0x19b: {  	v9 =	vmul.f32 v9, v10;
	_ =	sdelay $0x1  }
0x19c: {  	[tilespmem:s28+$0x10] =	vst v9  }
0x19d: {  	v9 =	vld [tilespmem:s26+$0x20];
	_ =	sdelay $0x1  }
0x19e: {  	v10 =	vperm.xlane v8, v6;
	_ =	sdelay $0x2  }
0x19f: {  	v9 =	vmul.f32 v9, v10;
	_ =	sdelay $0x1  }
0x1a0: {  	[tilespmem:s28+$0x20] =	vst v9  }
0x1a1: {  	v9 =	vld [tilespmem:s26+$0x30]  }
.Ltmp2:
0x1a2: {  	(pc) =	sbr.rel @p0 .LBB2_7-.Ltmp2, $2  }
0x1a3: {  	v8 =	vperm.xlane v8, v7;
	_ =	sdelay $0x2  }
0x1a4: {  	v8 =	vmul.f32 v9, v8  }
0x1a5: {  	_ = 	snop  }
0x1a6: {  	[tilespmem:s10+$0x30] =	vst v8  }
0x1a7: {  	v8 =	vld [tilespmem:$0x160A0]  }
0x1a8: {  	v9 =	vld [tilespmem:$0x160B0]  }
0x1a9: {  	v10 =	vld [tilespmem:$0x160C0]  }
0x1aa: {  	v11 =	vld [tilespmem:$0x160D0];
	_ =	sdelay $0x1  }
0x1ab: {  	[tilespmem:$0x16120] =	vst v8  }
0x1ac: {  	[tilespmem:$0x16130] =	vst v9  }
0x1ad: {  	s26 =	sshll.u32 s23, $0x7;
	[tilespmem:$0x16140] =	vst v10  }
0x1ae: {  	s3 =	simm.s32 $0x1B9A0;
	s11 =	sadd.s32 s26, s18;
	[tilespmem:$0x16150] =	vst v11  }
0x1af: {  	[spmem:s2] =	stream.indirect.scatter.add.f32 [tilespmem:s3], [sflag:$0x3], $0x80, s21, s0, $0xb8;
	[tilespmem:$0x1F9A0] =	vst v63  }
0x1b0: {  	s10 =	simm.s32 $0x1B1A0;
	s3 =	sshrl.u32 s11, $0x3  }
0x1b1: {  	[spmem:s4] =	stream.indirect.scatter.add.f32 [tilespmem:s10], [sflag:$0x3], $0x10, s21, s0, $0xb8;
	[tilespmem:$0x1F9A0] =	vst v63  }
0x1b2: {  	s11 =	simm.s32 $0x0;
	s15 =	sadd.s32 s8, s3  }
0x1b3: {  	[tilespmem:s30], [sflag:$0x5] =	stream.linear.gather [hbm4b:s15+s11], $0x40, $0x38;
	[tilespmem:$0x1F9A0] =	vst v63  }
0x1b4: {  	_ =	swait.ge [sflag:s29], $0x40  }
0x1b5: {  	[sflag:s29] =	ssyncset.done $0x0  }
0x1b6: {  	s3 =	sadd.s32 s9, s3;
	[sflag:s29] =	ssyncadd.s32 $0xFFFFFFC0  }
0x1b7: {  	[tilespmem:s31], [sflag:$0x5] =	stream.linear.gather [hbm4b:s3+s11], $0x40, $0x38;
	[tilespmem:$0x1F9A0] =	vst v63  }
0x1b8: {  	_ =	swait.ge [sflag:s29], $0x40  }
0x1b9: {  	[sflag:s29] =	ssyncset.done $0x0  }
0x1ba: {  	s15 =	simm.s32 $0x161A0;
	[sflag:s29] =	ssyncadd.s32 $0xFFFFFFC0  }
0x1bb: {  	[tilespmem:s15], [sflag:$0x1] =	stream.indirect.gather [hbm4b:s6+s0], $0x80, s30, s0, $0xb8;
	[tilespmem:$0x1F9A0] =	vst v63  }
0x1bc: {  	s10 =	simm.s32 $0x1A1A0  }
0x1bd: {  	[tilespmem:s10], [sflag:$0x1] =	stream.indirect.gather [hbm4b:s1+s0], $0x10, s30, s0, $0xb8;
	[tilespmem:$0x1F9A0] =	vst v63  }
0x1be: {  	s11 =	simm.s32 $0x1A9A0  }
0x1bf: {  	[tilespmem:s11], [sflag:$0x1] =	stream.indirect.gather [hbm4b:s7+s0], $0x10, s31, s0, $0xb8;
	[tilespmem:$0x1F9A0] =	vst v63  }
0x1c0: {  	_ =	swait.ge [sflag:s24], $0x2000  }
0x1c1: {  	[sflag:s24] =	ssyncset.done $0x0  }
0x1c2: {  	[sflag:s24] =	ssyncadd.s32 $0xFFFFE000  }
0x1c3: {  	_ =	swait.ge [sflag:s24], $0x400  }
0x1c4: {  	[sflag:s24] =	ssyncset.done $0x0  }
0x1c5: {  	[sflag:s24] =	ssyncadd.s32 $0xFFFFFC00  }
0x1c6: {  	_ =	swait.ge [sflag:s24], $0x400  }
0x1c7: {  	[sflag:s24] =	ssyncset.done $0x0  }
0x1c8: {  	[sflag:s24] =	ssyncadd.s32 $0xFFFFFC00  }
0x1c9: {  	_ =	swait.ge [sflag:s22], $0x2000  }
0x1ca: {  	[sflag:s22] =	ssyncset.done $0x0  }
0x1cb: {  	[sflag:s22] =	ssyncadd.s32 $0xFFFFE000  }
0x1cc: {  	_ =	swait.ge [sflag:s22], $0x400  }
0x1cd: {  	[sflag:s22] =	ssyncset.done $0x0  }
0x1ce: {  	s15 =	simm.s32 $0x0;
	[sflag:s22] =	ssyncadd.s32 $0xFFFFFC00  }
0x1cf: {  	v8 =	vld [tilespmem:s15+$0x1A5A0]  }
0x1d0: {  	v9 =	vld [tilespmem:s15+$0x1ADA0];
	_ =	sdelay $0x4  }
0x1d1: {  	v8 =	vadd.f32 v9, v8;
	_ =	sdelay $0x1  }
0x1d2: {  	v9 =	vmul.f32 $2.000000030e-01, v8  }
0x1d3: {  	vm1 =	vgt.f32 v8, $0.0e+00  }
0x1d4: {  	v8 =	vsel vm1, v8, v9  }
0x1d5: {  	v8 =	vmul.f32 $1.442695020e+00, v8;
	_ =	sdelay $0x1  }
0x1d6: {  	(erf) = vpow2.f32 v8;
	_ =	sdelay $0x8  }
0x1d7: {  	v8 =	vpop (erf)  }
0x1d8: {  	v8 =	vnsel vm0, $0x0, v8  }
0x1d9: {  	s28 =	simm.s32 $0x181E0;
	[tilespmem:s15+$0x1B5A0] =	vst v8  }
0x1da: {  	v9 =	vld [tilespmem:s28+$0xFFFFFFC0];
	_ =	sdelay $0x2  }
0x1db: {  	v10 =	vperm.xlane v8, v0;
	_ =	sdelay $0x1  }
0x1dc: {  	v9 =	vmul.f32 v9, v10  }
0x1dd: {  	s3 =	simm.s32 $0x1D9E0  }
0x1de: {  	[tilespmem:s3+$0xFFFFFFC0] =	vst v9  }
0x1df: {  	v9 =	vld [tilespmem:s28+$0xFFFFFFD0];
	_ =	sdelay $0x2  }
0x1e0: {  	v10 =	vperm.xlane v8, v1;
	_ =	sdelay $0x1  }
0x1e1: {  	v9 =	vmul.f32 v9, v10;
	_ =	sdelay $0x1  }
0x1e2: {  	[tilespmem:s3+$0xFFFFFFD0] =	vst v9  }
0x1e3: {  	v9 =	vld [tilespmem:s28+$0xFFFFFFE0];
	_ =	sdelay $0x2  }
0x1e4: {  	v10 =	vperm.xlane v8, v2;
	_ =	sdelay $0x1  }
0x1e5: {  	v9 =	vmul.f32 v9, v10;
	_ =	sdelay $0x1  }
0x1e6: {  	[tilespmem:s3+$0xFFFFFFE0] =	vst v9  }
0x1e7: {  	v9 =	vld [tilespmem:s28+$0xFFFFFFF0];
	_ =	sdelay $0x2  }
0x1e8: {  	v10 =	vperm.xlane v8, v3;
	_ =	sdelay $0x1  }
0x1e9: {  	v9 =	vmul.f32 v9, v10;
	_ =	sdelay $0x1  }
0x1ea: {  	[tilespmem:s3+$0xFFFFFFF0] =	vst v9  }
0x1eb: {  	v9 =	vld [tilespmem:s28+$0x0];
	_ =	sdelay $0x2  }
0x1ec: {  	v10 =	vperm.xlane v8, v4;
	_ =	sdelay $0x1  }
0x1ed: {  	v9 =	vmul.f32 v9, v10;
	_ =	sdelay $0x1  }
0x1ee: {  	[tilespmem:s3+$0x0] =	vst v9  }
0x1ef: {  	v9 =	vld [tilespmem:s28+$0x10];
	_ =	sdelay $0x2  }
0x1f0: {  	v10 =	vperm.xlane v8, v5;
	_ =	sdelay $0x1  }
0x1f1: {  	v9 =	vmul.f32 v9, v10;
	_ =	sdelay $0x1  }
0x1f2: {  	[tilespmem:s3+$0x10] =	vst v9  }
0x1f3: {  	v9 =	vld [tilespmem:s28+$0x20];
	_ =	sdelay $0x2  }
0x1f4: {  	v10 =	vperm.xlane v8, v6;
	_ =	sdelay $0x1  }
0x1f5: {  	v9 =	vmul.f32 v9, v10;
	_ =	sdelay $0x1  }
0x1f6: {  	[tilespmem:s3+$0x20] =	vst v9  }
0x1f7: {  	v9 =	vld [tilespmem:s28+$0x30];
	_ =	sdelay $0x2  }
0x1f8: {  	v8 =	vperm.xlane v8, v7;
	_ =	sdelay $0x1  }
0x1f9: {  	s10 =	simm.s32 $0x40;
	s11 =	simm.s32 $0x1D9E0;
	v8 =	vmul.f32 v9, v8  }
.LBB2_9:
0x1fa: {  	p0 =	sne.s32 s10, $0xFC0;
	s3 =	sadd.s32 $0x80, s3;
	s28 =	sadd.s32 $0x80, s28  }
0x1fb: {  	s15 =	sshra.s32 s10, $0x2;
	s10 =	sadd.s32 $0x40, s10;
	[tilespmem:s11+$0x30] =	vst v8;
	s11 =	smov.u32 s3  }
0x1fc: {  	v8 =	vld [tilespmem:s15+$0x1A5A0]  }
0x1fd: {  	v9 =	vld [tilespmem:s15+$0x1ADA0];
	_ =	sdelay $0x4  }
0x1fe: {  	v8 =	vadd.f32 v9, v8;
	_ =	sdelay $0x1  }
0x1ff: {  	vm1 =	vgt.f32 v8, $0.0e+00;
	v9 =	vmul.f32 $2.000000030e-01, v8;
	_ =	sdelay $0x1  }
0x200: {  	v8 =	vsel vm1, v8, v9  }
0x201: {  	v8 =	vmul.f32 $1.442695020e+00, v8;
	_ =	sdelay $0x1  }
0x202: {  	(erf) = vpow2.f32 v8;
	_ =	sdelay $0x8  }
0x203: {  	v8 =	vpop (erf)  }
0x204: {  	v8 =	vnsel vm0, $0x0, v8  }
0x205: {  	[tilespmem:s15+$0x1B5A0] =	vst v8  }
0x206: {  	v9 =	vld [tilespmem:s28+$0xFFFFFFC0];
	_ =	sdelay $0x1  }
0x207: {  	v10 =	vperm.xlane v8, v0;
	_ =	sdelay $0x2  }
0x208: {  	v9 =	vmul.f32 v9, v10;
	_ =	sdelay $0x1  }
0x209: {  	[tilespmem:s3+$0xFFFFFFC0] =	vst v9  }
0x20a: {  	v9 =	vld [tilespmem:s28+$0xFFFFFFD0];
	_ =	sdelay $0x1  }
0x20b: {  	v10 =	vperm.xlane v8, v1;
	_ =	sdelay $0x2  }
0x20c: {  	v9 =	vmul.f32 v9, v10;
	_ =	sdelay $0x1  }
0x20d: {  	[tilespmem:s3+$0xFFFFFFD0] =	vst v9  }
0x20e: {  	v9 =	vld [tilespmem:s28+$0xFFFFFFE0];
	_ =	sdelay $0x1  }
0x20f: {  	v10 =	vperm.xlane v8, v2;
	_ =	sdelay $0x2  }
0x210: {  	v9 =	vmul.f32 v9, v10;
	_ =	sdelay $0x1  }
0x211: {  	[tilespmem:s3+$0xFFFFFFE0] =	vst v9  }
0x212: {  	v9 =	vld [tilespmem:s28+$0xFFFFFFF0];
	_ =	sdelay $0x1  }
0x213: {  	v10 =	vperm.xlane v8, v3;
	_ =	sdelay $0x2  }
0x214: {  	v9 =	vmul.f32 v9, v10;
	_ =	sdelay $0x1  }
0x215: {  	[tilespmem:s3+$0xFFFFFFF0] =	vst v9  }
0x216: {  	v9 =	vld [tilespmem:s28+$0x0];
	_ =	sdelay $0x1  }
0x217: {  	v10 =	vperm.xlane v8, v4;
	_ =	sdelay $0x2  }
0x218: {  	v9 =	vmul.f32 v9, v10;
	_ =	sdelay $0x1  }
0x219: {  	[tilespmem:s3+$0x0] =	vst v9  }
0x21a: {  	v9 =	vld [tilespmem:s28+$0x10];
	_ =	sdelay $0x1  }
0x21b: {  	v10 =	vperm.xlane v8, v5;
	_ =	sdelay $0x2  }
0x21c: {  	v9 =	vmul.f32 v9, v10;
	_ =	sdelay $0x1  }
0x21d: {  	[tilespmem:s3+$0x10] =	vst v9  }
0x21e: {  	v9 =	vld [tilespmem:s28+$0x20];
	_ =	sdelay $0x1  }
0x21f: {  	v10 =	vperm.xlane v8, v6;
	_ =	sdelay $0x2  }
0x220: {  	v9 =	vmul.f32 v9, v10;
	_ =	sdelay $0x1  }
0x221: {  	[tilespmem:s3+$0x20] =	vst v9  }
0x222: {  	v9 =	vld [tilespmem:s28+$0x30]  }
.Ltmp3:
0x223: {  	(pc) =	sbr.rel @p0 .LBB2_9-.Ltmp3, $2  }
0x224: {  	v8 =	vperm.xlane v8, v7;
	_ =	sdelay $0x2  }
0x225: {  	v8 =	vmul.f32 v9, v8  }
0x226: {  	_ = 	snop  }
0x227: {  	[tilespmem:s11+$0x30] =	vst v8  }
0x228: {  	v8 =	vld [tilespmem:$0x160E0]  }
0x229: {  	v9 =	vld [tilespmem:$0x160F0]  }
0x22a: {  	v10 =	vld [tilespmem:$0x16100]  }
0x22b: {  	v11 =	vld [tilespmem:$0x16110];
	_ =	sdelay $0x1  }
0x22c: {  	[tilespmem:$0x16160] =	vst v8  }
0x22d: {  	[tilespmem:$0x16170] =	vst v9  }
0x22e: {  	[tilespmem:$0x16180] =	vst v10  }
0x22f: {  	s3 =	simm.s32 $0x1D9A0;
	s26 =	sadd.s32 s26, s19;
	[tilespmem:$0x16190] =	vst v11  }
0x230: {  	[spmem:s2] =	stream.indirect.scatter.add.f32 [tilespmem:s3], [sflag:$0x4], $0x80, s25, s0, $0xb8;
	[tilespmem:$0x1F9A0] =	vst v63  }
0x231: {  	s15 =	simm.s32 $0x1B5A0;
	s3 =	sshrl.u32 s26, $0x3  }
0x232: {  	[spmem:s4] =	stream.indirect.scatter.add.f32 [tilespmem:s15], [sflag:$0x4], $0x10, s25, s0, $0xb8;
	[tilespmem:$0x1F9A0] =	vst v63  }
0x233: {  	s10 =	sadd.s32 s8, s3  }
0x234: {  	[tilespmem:s12], [sflag:$0x5] =	stream.linear.gather [hbm4b:s10+s5], $0x40, $0x38;
	[tilespmem:$0x1F9A0] =	vst v63  }
0x235: {  	_ =	swait.ge [sflag:s29], $0x40  }
0x236: {  	[sflag:s29] =	ssyncset.done $0x0  }
0x237: {  	s3 =	sadd.s32 s9, s3;
	[sflag:s29] =	ssyncadd.s32 $0xFFFFFFC0  }
0x238: {  	[tilespmem:s14], [sflag:$0x5] =	stream.linear.gather [hbm4b:s3+s5], $0x40, $0x38;
	[tilespmem:$0x1F9A0] =	vst v63  }
0x239: {  	_ =	swait.ge [sflag:s29], $0x40  }
0x23a: {  	s23 =	sadd.s32 $0x1, s23;
	[sflag:s29] =	ssyncset.done $0x0  }
0x23b: {  	s28 =	simm.s32 $0x181A0;
	p0 =	sne.s32 s23, $0x4F;
	[sflag:s29] =	ssyncadd.s32 $0xFFFFFFC0  }
0x23c: {  	[tilespmem:s28], [sflag:$0x2] =	stream.indirect.gather [hbm4b:s6+s0], $0x80, s12, s0, $0xb8;
	[tilespmem:$0x1F9A0] =	vst v63  }
.Ltmp4:
0x23d: {  	_ = 	snop;
	(pc) =	sbr.rel @p0 .LBB2_6-.Ltmp4, $4  }
0x23e: {  	_ = 	snop  }
0x23f: {  	[tilespmem:s16], [sflag:$0x2] =	stream.indirect.gather [hbm4b:s1+s0], $0x10, s12, s0, $0xb8;
	[tilespmem:$0x1F9A0] =	vst v63  }
0x240: {  	_ = 	snop  }
0x241: {  	[tilespmem:s17], [sflag:$0x2] =	stream.indirect.gather [hbm4b:s7+s0], $0x10, s14, s0, $0xb8;
	[tilespmem:$0x1F9A0] =	vst v63  }
0x242: {  	_ =	swait.ge [sflag:s13], $0x2000  }
0x243: {  	[sflag:s13] =	ssyncset.done $0x0  }
0x244: {  	[sflag:s13] =	ssyncadd.s32 $0xFFFFE000  }
0x245: {  	_ =	swait.ge [sflag:s13], $0x400  }
0x246: {  	[sflag:s13] =	ssyncset.done $0x0  }
0x247: {  	[sflag:s13] =	ssyncadd.s32 $0xFFFFFC00  }
0x248: {  	_ =	swait.ge [sflag:s20], $0x2000  }
0x249: {  	[sflag:s20] =	ssyncset.done $0x0  }
0x24a: {  	[sflag:s20] =	ssyncadd.s32 $0xFFFFE000  }
0x24b: {  	_ =	swait.ge [sflag:s20], $0x400  }
0x24c: {  	[sflag:s20] =	ssyncset.done $0x0  }
0x24d: {  	[sflag:s20] =	ssyncadd.s32 $0xFFFFFC00  }
0x24e: {  	_ =	swait.ge [sflag:s20], $0x400  }
0x24f: {  	[sflag:s20] =	ssyncset.done $0x0  }
0x250: {  	[sflag:s20] =	ssyncadd.s32 $0xFFFFFC00  }
0x251: {  	_ =	swait.ge [sflag:s22], $0x2000  }
0x252: {  	[sflag:s22] =	ssyncset.done $0x0  }
0x253: {  	[sflag:s22] =	ssyncadd.s32 $0xFFFFE000  }
0x254: {  	_ =	swait.ge [sflag:s22], $0x400  }
0x255: {  	[sflag:s22] =	ssyncset.done $0x0  }
0x256: {  	[sflag:s22] =	ssyncadd.s32 $0xFFFFFC00  }
0x257: {  	_ =	swait.ge [sflag:s24], $0x2000  }
0x258: {  	[sflag:s24] =	ssyncset.done $0x0  }
0x259: {  	[sflag:s24] =	ssyncadd.s32 $0xFFFFE000  }
0x25a: {  	_ =	swait.ge [sflag:s24], $0x400  }
0x25b: {  	[sflag:s24] =	ssyncset.done $0x0  }
0x25c: {  	[sflag:s24] =	ssyncadd.s32 $0xFFFFFC00  }
0x25d: {  	_ =	swait.ge [sflag:s24], $0x400  }
0x25e: {  	[sflag:s24] =	ssyncset.done $0x0  }
0x25f: {  	[sflag:s24] =	ssyncadd.s32 $0xFFFFFC00  }
0x260: {  	[bflag:$0x0] =	sbarrier.arrive $0xFFFF  }
0x261: {  	s15 =	rddreg [dreg:$0x8]  }
0x262: {  	s3 =	rddreg [dreg:$0x12]  }
0x263: {  	s10 =	rddreg [dreg:$0x16]  }
0x264: {  	[hbm:s3], [sflag:s15] =	dma.local [spmem:s10], $0x1390  }
0x265: {  	_ =	swait.ge [sflag:s29], $0x1390  }
0x266: {  	[sflag:s29] =	ssyncset.done $0x0;
	s11 =	rddreg [dreg:$0x13]  }
0x267: {  	s23 =	rddreg [dreg:$0x17];
	[sflag:s29] =	ssyncadd.s32 $0xFFFFEC70  }
0x268: {  	[hbm:s11], [sflag:s15] =	dma.local [spmem:s23], $0x272  }
0x269: {  	_ =	swait.ge [sflag:s29], $0x272  }
0x26a: {  	s26 =	rddreg [dreg:$0x15]  }
0x26b: {  	s28 =	rddreg [dreg:$0x14];
	s10 =	sadd.s32 $0x1, s26  }
0x26c: {  	p0 =	sne.s32 s10, s28  }
.Ltmp5:
0x26d: {  	_ = 	snop;
	(pc) =	sbr.rel @p0 .LBB2_1-.Ltmp5, $3  }
0x26e: {  	_ =	sdelay $0x1  }
0x26f: {  	[sflag:s29] =	ssyncset.done $0x0  }
0x270: {  	[sflag:s29] =	ssyncadd.s32 $0xFFFFFD8E  }
0x271: {  	_ =	sfence.sel $0x180000  }
0x272: {  	[bflag:$0x0] =	sbarrier.arrive $0xFFFF  }
0x273: {  	_ =	strace $0x90000047  }
0x274: {  	s0 =	stileid.u32;
	[bflag:$0x2] =	sbarrier.arrive $0xFFFF  }
0x275: {  	p0 =	sne.s32 s0, $0x0;
	s0 =	rddreg [dreg:$0x4]  }
0x276: {  	s0 =	sadd.s32 @!p0 $0x100000, s0  }
0x277: {  	[sflag:s0] =	ssyncadd.tile.s32 @!p0 $0x1;
	_ =	shalt  }
.Lfunc_end2:
_tile_overlayer_lowered:
.L_overlay_start_2:
0x278: {  	(tag) =	ssettag $0x2  }
0x279: {  	s0 =	rddreg [dreg:$0x0];
	s2 =	stileid.u32  }
0x27a: {  	s1 =	rddreg [dreg:$0x1];
	p0 =	sne.s32 s2, $0x0  }
0x27b: {  	s3 =	rddreg [dreg:$0x2];
	[bflag:$0x3] =	sbarrier.arrive $0xFFFF;
	s2 =	simm.s32 @!p0 $0x1C05  }
0x27c: {  	[timem:s3], [sflag:s2] =	dma.local @!p0 [hbm:s0], s1  }
0x27d: {  	s0 =	simm.s32 @!p0 $0x5  }
0x27e: {  	_ =	swait.ge @!p0 [sflag:s0], s1  }
0x27f: {  	s1 =	ssub.s32 @!p0 $0x0, s1;
	[sflag:s0] =	ssyncset.done @!p0 $0x0  }
0x280: {  	[sflag:s0] =	ssyncadd.s32 @!p0 s1  }
0x281: {  	[bflag:$0x3] =	sbarrier.arrive $0xFFFF  }
0x282: {  	_ =	shalt  }

</sc_bundles>
